<compile_context>
chip_gen: v7x
topology: tpu7x:2x2x1
jax: 0.10.2.dev20260603
libtpu: 0.0.44.dev20260713+nightly
codegen_flags: <defaults>
</compile_context>

<pallas_src>
import functools

import jax
import jax.numpy as jnp
from jax import lax
from jax.experimental import pallas as pl
from jax.experimental.pallas import tpu as pltpu
from jax.experimental.pallas import tpu_sc as plsc

N = 10000
E = 320000
D = 128

NC = 2
NS = 16
NW = NC * NS

C = 64
BLK = 32
NBLK = 5
CPW = BLK * NBLK
EPW = C * CPW
E_PAD = EPW * NW

N_ACC = 10112
RPS = N_ACC // NS
HOPS = (64,) * 9 + (56,)


def _sc_round_body(h_hbm, col_hbm, row_hbm, w_hbm, out_hbm,
                   colv0, colv1, rowv0, rowv1, wv0, wv1, rb0, rb1,
                   acc, gsem, wsem, isem):
    c = lax.axis_index("c")
    s = lax.axis_index("s")
    wid = c * NS + s

    pltpu.sync_copy(col_hbm.at[wid, 0], colv0)
    pltpu.sync_copy(row_hbm.at[wid, 0], rowv0)

    zeros16 = jnp.zeros((16,), jnp.float32)

    def zrow(i, carry):
        for j in range(8):
            rb1[i, pl.ds(j * 16, 16)] = zeros16
        return carry

    lax.fori_loop(0, C, zrow, 0)

    pltpu.make_async_copy(h_hbm.at[colv0.at[0]], rb0, gsem).start()
    pltpu.make_async_copy(w_hbm.at[wid, 0, 0], wv0, wsem).start()

    off = 0
    for hop in HOPS:
        pltpu.sync_copy(rb1.at[pl.ds(0, hop)], acc.at[pl.ds(s * RPS + off, hop)])
        off += hop
    plsc.subcore_barrier()

    for bi in range(NBLK):
        cv = (colv0, colv1)[bi % 2]
        rv = (rowv0, rowv1)[bi % 2]
        ncv = (colv1, colv0)[bi % 2]
        nrv = (rowv1, rowv0)[bi % 2]
        if bi + 1 < NBLK:
            icd = pltpu.async_copy(col_hbm.at[wid, bi + 1], ncv, isem)
            ird = pltpu.async_copy(row_hbm.at[wid, bi + 1], nrv, isem)

        def inner(kk, carry, bi=bi, cv=cv, rv=rv):
            j0 = kk * 2
            for b in range(2):
                j = j0 + b
                rb = (rb0, rb1)[b]
                wv = (wv0, wv1)[b]
                nrb = (rb1, rb0)[b]
                nwv = (wv1, wv0)[b]
                pltpu.make_async_copy(h_hbm.at[cv.at[j]], rb, gsem).wait()
                pltpu.make_async_copy(w_hbm.at[wid, bi, j], wv, wsem).wait()

                @pl.when(j + 1 < BLK)
                def _():
                    pltpu.make_async_copy(
                        h_hbm.at[cv.at[j + 1]], nrb, gsem).start()
                    pltpu.make_async_copy(
                        w_hbm.at[wid, bi, j + 1], nwv, wsem).start()

                def mul(i, mcarry):
                    wrow = wv[i]
                    for jj in range(8):
                        sl = pl.ds(jj * 16, 16)
                        rb[i, sl] = rb[i, sl] * wrow
                    return mcarry

                lax.fori_loop(0, C, mul, 0)
                pltpu.sync_copy(rb, acc.at[rv.at[j]], add=True)
            return carry

        lax.fori_loop(0, BLK // 2, inner, 0)

        if bi + 1 < NBLK:
            icd.wait()
            ird.wait()
            pltpu.make_async_copy(h_hbm.at[ncv.at[0]], rb0, gsem).start()
            pltpu.make_async_copy(w_hbm.at[wid, bi + 1, 0], wv0, wsem).start()

    plsc.subcore_barrier()

    off = 0
    for hop in HOPS:
        start = s * RPS + off
        pltpu.sync_copy(acc.at[pl.ds(start, hop)], rb0.at[pl.ds(0, hop)])
        pltpu.sync_copy(rb0.at[pl.ds(0, hop)], out_hbm.at[c, pl.ds(start, hop)])
        off += hop


@functools.partial(jax.jit, static_argnums=())
def _sc_round(h, col, row, w):
    mesh = plsc.VectorSubcoreMesh(
        core_axis_name="c", subcore_axis_name="s",
        num_cores=NC, num_subcores=NS)
    return pl.kernel(
        _sc_round_body,
        out_type=jax.ShapeDtypeStruct((NC, N_ACC, D), jnp.float32),
        mesh=mesh,
        scratch_types=[
            pltpu.VMEM((BLK, C), jnp.int32),
            pltpu.VMEM((BLK, C), jnp.int32),
            pltpu.VMEM((BLK, C), jnp.int32),
            pltpu.VMEM((BLK, C), jnp.int32),
            pltpu.VMEM((C, 16), jnp.float32),
            pltpu.VMEM((C, 16), jnp.float32),
            pltpu.VMEM((C, D), jnp.float32),
            pltpu.VMEM((C, D), jnp.float32),
            pltpu.VMEM_SHARED((N_ACC, D), jnp.float32),
            pltpu.SemaphoreType.DMA,
            pltpu.SemaphoreType.DMA,
            pltpu.SemaphoreType.DMA,
        ],
    )(h, col, row, w)


def _add_body(a_ref, b_ref, o_ref):
    o_ref[...] = a_ref[0] + b_ref[0]


def _combine(p):
    grid = 10
    blk = N // grid
    return pl.pallas_call(
        _add_body,
        out_shape=jax.ShapeDtypeStruct((N, D), jnp.float32),
        grid=(grid,),
        in_specs=[
            pl.BlockSpec((1, blk, D), lambda i: (0, i, 0)),
            pl.BlockSpec((1, blk, D), lambda i: (1, i, 0)),
        ],
        out_specs=pl.BlockSpec((blk, D), lambda i: (i, 0)),
    )(p, p)


def _linear_body(a_ref, b_ref, wt_ref, bias_ref, o_ref):
    h = a_ref[0] + b_ref[0]
    o_ref[...] = (
        jnp.dot(h, wt_ref[...], preferred_element_type=jnp.float32)
        + bias_ref[...]
    )


def _combine_linear(p, wt, b2):
    grid = 10
    blk = N // grid
    return pl.pallas_call(
        _linear_body,
        out_shape=jax.ShapeDtypeStruct((N, D), jnp.float32),
        grid=(grid,),
        in_specs=[
            pl.BlockSpec((1, blk, D), lambda i: (0, i, 0)),
            pl.BlockSpec((1, blk, D), lambda i: (1, i, 0)),
            pl.BlockSpec((D, D), lambda i: (0, 0)),
            pl.BlockSpec((1, D), lambda i: (0, 0)),
        ],
        out_specs=pl.BlockSpec((blk, D), lambda i: (i, 0)),
    )(p, p, wt, b2)


def kernel(x, edge_index, edge_weight, W, b):
    row = edge_index[0].astype(jnp.int32)
    col = edge_index[1].astype(jnp.int32)
    pad = E_PAD - E
    padidx = (jnp.arange(pad, dtype=jnp.int32) * 97) % N
    col_p = jnp.concatenate([col, padidx]).reshape(NW, NBLK, BLK, C)
    row_p = jnp.concatenate([row, padidx]).reshape(NW, NBLK, BLK, C)
    w_p = jnp.concatenate([edge_weight, jnp.zeros((pad,), jnp.float32)])
    wexp = jnp.broadcast_to(w_p[:, None], (E_PAD, 16)).reshape(
        NW, NBLK, BLK, C, 16)

    h = x
    for r in range(3):
        h = _combine(_sc_round(h, col_p, row_p, wexp))
    p = _sc_round(h, col_p, row_p, wexp)
    return _combine_linear(p, W.T, b.reshape(1, D))

# --- scband reference (transcript-rebuilt; emitter-appended) ---
"""Pipeline reference for scband-sgconv-5514738008877 (READ-ONLY COPY).

The authoritative reference and input builder live on the scoring server;
editing this copy changes nothing except your own understanding.
"""

import jax, jax.numpy as jnp
import numpy as np

N = 10000
E = 320000
D_IN = 128
D_OUT = 128
K = 4


def setup_inputs(seed: int = 0) -> dict:
    key = jax.random.key(seed)
    k1, k2, k3, k4, k5 = jax.random.split(key, 5)
    x = jax.random.normal(k1, (N, D_IN), dtype=jnp.float32)
    edge_index = jax.random.randint(k2, (2, E), 0, N)
    edge_weight = jax.random.uniform(k3, (E,), dtype=jnp.float32)
    # Linear layer parameters (nn.Linear(in_features, out_features))
    W = jax.random.normal(k4, (D_OUT, D_IN), dtype=jnp.float32) * (1.0 / np.sqrt(D_IN))
    b = jax.random.normal(k5, (D_OUT,), dtype=jnp.float32) * 0.01
    return {"x": x, "edge_index": edge_index, "edge_weight": edge_weight, "W": W, "b": b}


def reference(x, edge_index, edge_weight, W, b):
    # adj is a sparse [N, N] matrix in COO form: (row, col, edge_weight).
    # torch.spmm(adj, x): out[r] = sum_{(r,c) in E} adj[r,c] * x[c]
    row = edge_index[0]
    col = edge_index[1]
    h = x
    for _ in range(K):
        gathered = edge_weight[:, None] * jnp.take(h, col, axis=0)  # gather
        h = jax.ops.segment_sum(gathered, row, num_segments=N)       # scatter-add
    # linear: x @ W^T + b
    out = h @ W.T + b
    return out

if __name__ == "__main__":
    import jax
    _d = setup_inputs()
    print(jax.jit(kernel)(*tuple(_d.values())))

</pallas_src>

<mosaic_0001>
#map = affine_map<(d0, d1) -> (0, 0)>
#map1 = affine_map<(d0, d1) -> (0, 0, 0, 0)>
#map2 = affine_map<(d0, d1) -> (0, 0, 0, 0, 0)>
#map3 = affine_map<(d0, d1) -> (0, 0, 0)>
module attributes {stable_mosaic.version = 14 : i64} {
  func.func @_sc_round_body(%arg0: i32, %arg1: i32, %arg2: memref<10000x128xf32, #tpu.memory_space<hbm>>, %arg3: memref<32x5x32x64xi32, #tpu.memory_space<hbm>>, %arg4: memref<32x5x32x64xi32, #tpu.memory_space<hbm>>, %arg5: memref<32x5x32x64x16xf32, #tpu.memory_space<hbm>>, %arg6: memref<2x10112x128xf32, #tpu.memory_space<hbm>>, %arg7: memref<32x64xi32, #tpu.memory_space<vmem>>, %arg8: memref<32x64xi32, #tpu.memory_space<vmem>>, %arg9: memref<32x64xi32, #tpu.memory_space<vmem>>, %arg10: memref<32x64xi32, #tpu.memory_space<vmem>>, %arg11: memref<64x16xf32, #tpu.memory_space<vmem>>, %arg12: memref<64x16xf32, #tpu.memory_space<vmem>>, %arg13: memref<64x128xf32, #tpu.memory_space<vmem>>, %arg14: memref<64x128xf32, #tpu.memory_space<vmem>>, %arg15: memref<10112x128xf32, #tpu.memory_space<vmem_shared>>, %arg16: memref<!tpu.dma_semaphore, #tpu.memory_space<semaphore_mem>>, %arg17: memref<!tpu.dma_semaphore, #tpu.memory_space<semaphore_mem>>, %arg18: memref<!tpu.dma_semaphore, #tpu.memory_space<semaphore_mem>>) attributes {dimension_semantics = [#tpu.dimension_semantics<core_parallel>, #tpu.dimension_semantics<subcore_parallel>], iteration_bounds = array<i64: 2, 16>, scalar_prefetch = 0 : i64, scratch_operands = 12 : i64, tpu.core_type = #tpu.core_type<sc_vector_subcore>, window_params = [{transform_indices = #map}, {transform_indices = #map1}, {transform_indices = #map1}, {transform_indices = #map2}, {transform_indices = #map3}]} {
    %mul3A = arith.constant 16 : i32
    %mul3A_0 = arith.muli %arg0, %mul3A : i32
    %add3A = arith.addi %mul3A_0, %arg1 : i32
    %run_scoped3A = arith.constant 0 : i32
    "tpu.region"() ({
      %run_scoped3A_346 = tpu.sem_alloc : memref<!tpu.dma_semaphore, #tpu.memory_space<semaphore_mem>>
      %dma_start3A_347 = arith.constant 0 : i32
      %dma_start3A_348 = arith.constant 0 : i32
      %dma_start3A_349 = tpu.memref_slice %arg3[%add3A, %run_scoped3A, %dma_start3A_347, %dma_start3A_348] : memref<32x5x32x64xi32, #tpu.memory_space<hbm>> -> memref<1x1x32x64xi32, #tpu.memory_space<hbm>>
      %dma_start3A_350 = tpu.memref_squeeze %dma_start3A_349 : memref<1x1x32x64xi32, #tpu.memory_space<hbm>> -> memref<32x64xi32, #tpu.memory_space<hbm>>
      %dma_start3A_351 = arith.constant 0 : i32
      %dma_start3A_352 = arith.constant 0 : i32
      %dma_start3A_353 = tpu.memref_slice %arg3[%add3A, %run_scoped3A, %dma_start3A_351, %dma_start3A_352] : memref<32x5x32x64xi32, #tpu.memory_space<hbm>> -> memref<1x1x32x64xi32, #tpu.memory_space<hbm>>
      %dma_start3A_354 = tpu.memref_squeeze %dma_start3A_353 : memref<1x1x32x64xi32, #tpu.memory_space<hbm>> -> memref<32x64xi32, #tpu.memory_space<hbm>>
      tpu.enqueue_dma source(%dma_start3A_354 : memref<32x64xi32, #tpu.memory_space<hbm>>) target(%arg7 : memref<32x64xi32, #tpu.memory_space<vmem>>) target_semaphore(%run_scoped3A_346 : memref<!tpu.dma_semaphore, #tpu.memory_space<semaphore_mem>>)
      %dma_wait3A_355 = arith.constant 0 : i32
      %dma_wait3A_356 = arith.constant 0 : i32
      %dma_wait3A_357 = tpu.memref_slice %arg3[%add3A, %run_scoped3A, %dma_wait3A_355, %dma_wait3A_356] : memref<32x5x32x64xi32, #tpu.memory_space<hbm>> -> memref<1x1x32x64xi32, #tpu.memory_space<hbm>>
      %dma_wait3A_358 = tpu.memref_squeeze %dma_wait3A_357 : memref<1x1x32x64xi32, #tpu.memory_space<hbm>> -> memref<32x64xi32, #tpu.memory_space<hbm>>
      %dma_wait3A_359 = arith.constant 0 : i32
      %dma_wait3A_360 = arith.constant 0 : i32
      %dma_wait3A_361 = tpu.memref_slice %arg3[%add3A, %run_scoped3A, %dma_wait3A_359, %dma_wait3A_360] : memref<32x5x32x64xi32, #tpu.memory_space<hbm>> -> memref<1x1x32x64xi32, #tpu.memory_space<hbm>>
      %dma_wait3A_362 = tpu.memref_squeeze %dma_wait3A_361 : memref<1x1x32x64xi32, #tpu.memory_space<hbm>> -> memref<32x64xi32, #tpu.memory_space<hbm>>
      tpu.wait_dma2 semaphore(%run_scoped3A_346 : memref<!tpu.dma_semaphore, #tpu.memory_space<semaphore_mem>>) src(%dma_wait3A_362 : memref<32x64xi32, #tpu.memory_space<hbm>>) dst(%arg7 : memref<32x64xi32, #tpu.memory_space<vmem>>)
      tpu.yield
    }) : () -> ()
    %run_scoped3A_1 = arith.constant 0 : i32
    "tpu.region"() ({
      %run_scoped3A_346 = tpu.sem_alloc : memref<!tpu.dma_semaphore, #tpu.memory_space<semaphore_mem>>
      %dma_start3A_347 = arith.constant 0 : i32
      %dma_start3A_348 = arith.constant 0 : i32
      %dma_start3A_349 = tpu.memref_slice %arg4[%add3A, %run_scoped3A_1, %dma_start3A_347, %dma_start3A_348] : memref<32x5x32x64xi32, #tpu.memory_space<hbm>> -> memref<1x1x32x64xi32, #tpu.memory_space<hbm>>
      %dma_start3A_350 = tpu.memref_squeeze %dma_start3A_349 : memref<1x1x32x64xi32, #tpu.memory_space<hbm>> -> memref<32x64xi32, #tpu.memory_space<hbm>>
      %dma_start3A_351 = arith.constant 0 : i32
      %dma_start3A_352 = arith.constant 0 : i32
      %dma_start3A_353 = tpu.memref_slice %arg4[%add3A, %run_scoped3A_1, %dma_start3A_351, %dma_start3A_352] : memref<32x5x32x64xi32, #tpu.memory_space<hbm>> -> memref<1x1x32x64xi32, #tpu.memory_space<hbm>>
      %dma_start3A_354 = tpu.memref_squeeze %dma_start3A_353 : memref<1x1x32x64xi32, #tpu.memory_space<hbm>> -> memref<32x64xi32, #tpu.memory_space<hbm>>
      tpu.enqueue_dma source(%dma_start3A_354 : memref<32x64xi32, #tpu.memory_space<hbm>>) target(%arg9 : memref<32x64xi32, #tpu.memory_space<vmem>>) target_semaphore(%run_scoped3A_346 : memref<!tpu.dma_semaphore, #tpu.memory_space<semaphore_mem>>)
      %dma_wait3A_355 = arith.constant 0 : i32
      %dma_wait3A_356 = arith.constant 0 : i32
      %dma_wait3A_357 = tpu.memref_slice %arg4[%add3A, %run_scoped3A_1, %dma_wait3A_355, %dma_wait3A_356] : memref<32x5x32x64xi32, #tpu.memory_space<hbm>> -> memref<1x1x32x64xi32, #tpu.memory_space<hbm>>
      %dma_wait3A_358 = tpu.memref_squeeze %dma_wait3A_357 : memref<1x1x32x64xi32, #tpu.memory_space<hbm>> -> memref<32x64xi32, #tpu.memory_space<hbm>>
      %dma_wait3A_359 = arith.constant 0 : i32
      %dma_wait3A_360 = arith.constant 0 : i32
      %dma_wait3A_361 = tpu.memref_slice %arg4[%add3A, %run_scoped3A_1, %dma_wait3A_359, %dma_wait3A_360] : memref<32x5x32x64xi32, #tpu.memory_space<hbm>> -> memref<1x1x32x64xi32, #tpu.memory_space<hbm>>
      %dma_wait3A_362 = tpu.memref_squeeze %dma_wait3A_361 : memref<1x1x32x64xi32, #tpu.memory_space<hbm>> -> memref<32x64xi32, #tpu.memory_space<hbm>>
      tpu.wait_dma2 semaphore(%run_scoped3A_346 : memref<!tpu.dma_semaphore, #tpu.memory_space<semaphore_mem>>) src(%dma_wait3A_362 : memref<32x64xi32, #tpu.memory_space<hbm>>) dst(%arg9 : memref<32x64xi32, #tpu.memory_space<vmem>>)
      tpu.yield
    }) : () -> ()
    %broadcast_in_dim3A = arith.constant 0.000000e+00 : f32
    %broadcast_in_dim3A_2 = vector.broadcast %broadcast_in_dim3A : f32 to vector<16xf32>
    %scan3A = arith.constant 0 : i32
    %scan3A_3 = arith.constant 0 : i32
    %scan3A_4 = arith.constant 64 : i32
    %scan3A_5 = arith.addi %scan3A_3, %scan3A_4 : i32
    %scan3A_6 = arith.constant 1 : i32
    scf.for %scan3A_346 = %scan3A_3 to %scan3A_5 step %scan3A_6  : i32 {
      %swap3A = arith.index_cast %scan3A_346 : i32 to index
      %swap3A_347 = arith.constant 0 : index
      %swap3A_348 = tpu.vector_load %arg14[%swap3A, %swap3A_347] {strides = array<i32>} : memref<64x128xf32, #tpu.memory_space<vmem>>, vector<1x16xf32>,
      %swap3A_349 = vector.shape_cast %swap3A_348 : vector<1x16xf32> to vector<16xf32>
      %swap3A_350 = vector.shape_cast %broadcast_in_dim3A_2 : vector<16xf32> to vector<1x16xf32>
      tpu.vector_store %arg14[%swap3A, %swap3A_347], %swap3A_350 {strides = array<i32>} : memref<64x128xf32, #tpu.memory_space<vmem>>, vector<1x16xf32>,
      %swap3A_351 = arith.index_cast %scan3A_346 : i32 to index
      %swap3A_352 = arith.constant 16 : index
      %swap3A_353 = tpu.vector_load %arg14[%swap3A_351, %swap3A_352] {strides = array<i32>} : memref<64x128xf32, #tpu.memory_space<vmem>>, vector<1x16xf32>,
      %swap3A_354 = vector.shape_cast %swap3A_353 : vector<1x16xf32> to vector<16xf32>
      %swap3A_355 = vector.shape_cast %broadcast_in_dim3A_2 : vector<16xf32> to vector<1x16xf32>
      tpu.vector_store %arg14[%swap3A_351, %swap3A_352], %swap3A_355 {strides = array<i32>} : memref<64x128xf32, #tpu.memory_space<vmem>>, vector<1x16xf32>,
      %swap3A_356 = arith.index_cast %scan3A_346 : i32 to index
      %swap3A_357 = arith.constant 32 : index
      %swap3A_358 = tpu.vector_load %arg14[%swap3A_356, %swap3A_357] {strides = array<i32>} : memref<64x128xf32, #tpu.memory_space<vmem>>, vector<1x16xf32>,
      %swap3A_359 = vector.shape_cast %swap3A_358 : vector<1x16xf32> to vector<16xf32>
      %swap3A_360 = vector.shape_cast %broadcast_in_dim3A_2 : vector<16xf32> to vector<1x16xf32>
      tpu.vector_store %arg14[%swap3A_356, %swap3A_357], %swap3A_360 {strides = array<i32>} : memref<64x128xf32, #tpu.memory_space<vmem>>, vector<1x16xf32>,
      %swap3A_361 = arith.index_cast %scan3A_346 : i32 to index
      %swap3A_362 = arith.constant 48 : index
      %swap3A_363 = tpu.vector_load %arg14[%swap3A_361, %swap3A_362] {strides = array<i32>} : memref<64x128xf32, #tpu.memory_space<vmem>>, vector<1x16xf32>,
      %swap3A_364 = vector.shape_cast %swap3A_363 : vector<1x16xf32> to vector<16xf32>
      %swap3A_365 = vector.shape_cast %broadcast_in_dim3A_2 : vector<16xf32> to vector<1x16xf32>
      tpu.vector_store %arg14[%swap3A_361, %swap3A_362], %swap3A_365 {strides = array<i32>} : memref<64x128xf32, #tpu.memory_space<vmem>>, vector<1x16xf32>,
      %swap3A_366 = arith.index_cast %scan3A_346 : i32 to index
      %swap3A_367 = arith.constant 64 : index
      %swap3A_368 = tpu.vector_load %arg14[%swap3A_366, %swap3A_367] {strides = array<i32>} : memref<64x128xf32, #tpu.memory_space<vmem>>, vector<1x16xf32>,
      %swap3A_369 = vector.shape_cast %swap3A_368 : vector<1x16xf32> to vector<16xf32>
      %swap3A_370 = vector.shape_cast %broadcast_in_dim3A_2 : vector<16xf32> to vector<1x16xf32>
      tpu.vector_store %arg14[%swap3A_366, %swap3A_367], %swap3A_370 {strides = array<i32>} : memref<64x128xf32, #tpu.memory_space<vmem>>, vector<1x16xf32>,
      %swap3A_371 = arith.index_cast %scan3A_346 : i32 to index
      %swap3A_372 = arith.constant 80 : index
      %swap3A_373 = tpu.vector_load %arg14[%swap3A_371, %swap3A_372] {strides = array<i32>} : memref<64x128xf32, #tpu.memory_space<vmem>>, vector<1x16xf32>,
      %swap3A_374 = vector.shape_cast %swap3A_373 : vector<1x16xf32> to vector<16xf32>
      %swap3A_375 = vector.shape_cast %broadcast_in_dim3A_2 : vector<16xf32> to vector<1x16xf32>
      tpu.vector_store %arg14[%swap3A_371, %swap3A_372], %swap3A_375 {strides = array<i32>} : memref<64x128xf32, #tpu.memory_space<vmem>>, vector<1x16xf32>,
      %swap3A_376 = arith.index_cast %scan3A_346 : i32 to index
      %swap3A_377 = arith.constant 96 : index
      %swap3A_378 = tpu.vector_load %arg14[%swap3A_376, %swap3A_377] {strides = array<i32>} : memref<64x128xf32, #tpu.memory_space<vmem>>, vector<1x16xf32>,
      %swap3A_379 = vector.shape_cast %swap3A_378 : vector<1x16xf32> to vector<16xf32>
      %swap3A_380 = vector.shape_cast %broadcast_in_dim3A_2 : vector<16xf32> to vector<1x16xf32>
      tpu.vector_store %arg14[%swap3A_376, %swap3A_377], %swap3A_380 {strides = array<i32>} : memref<64x128xf32, #tpu.memory_space<vmem>>, vector<1x16xf32>,
      %swap3A_381 = arith.index_cast %scan3A_346 : i32 to index
      %swap3A_382 = arith.constant 112 : index
      %swap3A_383 = tpu.vector_load %arg14[%swap3A_381, %swap3A_382] {strides = array<i32>} : memref<64x128xf32, #tpu.memory_space<vmem>>, vector<1x16xf32>,
      %swap3A_384 = vector.shape_cast %swap3A_383 : vector<1x16xf32> to vector<16xf32>
      %swap3A_385 = vector.shape_cast %broadcast_in_dim3A_2 : vector<16xf32> to vector<1x16xf32>
      tpu.vector_store %arg14[%swap3A_381, %swap3A_382], %swap3A_385 {strides = array<i32>} : memref<64x128xf32, #tpu.memory_space<vmem>>, vector<1x16xf32>,
    }
    %scan3A_7 = arith.constant 64 : i32
    %dma_start3A = arith.constant 0 : i32
    %dma_start3A_8 = arith.constant 0 : i32
    %dma_start3A_9 = tpu.memref_slice %arg7[%dma_start3A, %dma_start3A_8] : memref<32x64xi32, #tpu.memory_space<vmem>> -> memref<1x64xi32, #tpu.memory_space<vmem>>
    %dma_start3A_10 = tpu.memref_squeeze %dma_start3A_9 : memref<1x64xi32, #tpu.memory_space<vmem>> -> memref<64xi32, #tpu.memory_space<vmem>>
    %dma_start3A_11 = arith.constant 0 : i32
    %dma_start3A_12 = arith.constant 0 : i32
    %dma_start3A_13 = tpu.memref_slice %arg2[%dma_start3A_11, %dma_start3A_12] : memref<10000x128xf32, #tpu.memory_space<hbm>> -> memref<10000x128xf32, #tpu.memory_space<hbm>>
    tpu.enqueue_indirect_dma source(%dma_start3A_13 : memref<10000x128xf32, #tpu.memory_space<hbm>>) target(%arg13 : memref<64x128xf32, #tpu.memory_space<vmem>>) offsets(%dma_start3A_10 : memref<64xi32, #tpu.memory_space<vmem>>) semaphore(%arg16 : memref<!tpu.dma_semaphore, #tpu.memory_space<semaphore_mem>>)
    %dma_start3A_14 = arith.constant 0 : i32
    %dma_start3A_15 = arith.constant 0 : i32
    %dma_start3A_16 = arith.constant 0 : i32
    %dma_start3A_17 = arith.constant 0 : i32
    %dma_start3A_18 = tpu.memref_slice %arg5[%add3A, %dma_start3A_14, %dma_start3A_15, %dma_start3A_16, %dma_start3A_17] : memref<32x5x32x64x16xf32, #tpu.memory_space<hbm>> -> memref<1x1x1x64x16xf32, #tpu.memory_space<hbm>>
    %dma_start3A_19 = tpu.memref_squeeze %dma_start3A_18 : memref<1x1x1x64x16xf32, #tpu.memory_space<hbm>> -> memref<64x16xf32, #tpu.memory_space<hbm>>
    %dma_start3A_20 = arith.constant 0 : i32
    %dma_start3A_21 = arith.constant 0 : i32
    %dma_start3A_22 = tpu.memref_slice %arg5[%add3A, %dma_start3A_14, %dma_start3A_15, %dma_start3A_20, %dma_start3A_21] : memref<32x5x32x64x16xf32, #tpu.memory_space<hbm>> -> memref<1x1x1x64x16xf32, #tpu.memory_space<hbm>>
    %dma_start3A_23 = tpu.memref_squeeze %dma_start3A_22 : memref<1x1x1x64x16xf32, #tpu.memory_space<hbm>> -> memref<64x16xf32, #tpu.memory_space<hbm>>
    tpu.enqueue_dma source(%dma_start3A_23 : memref<64x16xf32, #tpu.memory_space<hbm>>) target(%arg11 : memref<64x16xf32, #tpu.memory_space<vmem>>) target_semaphore(%arg17 : memref<!tpu.dma_semaphore, #tpu.memory_space<semaphore_mem>>)
    %mul3A_24 = arith.constant 632 : i32
    %mul3A_25 = arith.muli %arg1, %mul3A_24 : i32
    %add3A_26 = arith.constant 0 : i32
    %add3A_27 = arith.addi %mul3A_25, %add3A_26 : i32
    "tpu.region"() ({
      %run_scoped3A_346 = tpu.sem_alloc : memref<!tpu.dma_semaphore, #tpu.memory_space<semaphore_mem>>
      %dma_start3A_347 = arith.constant 0 : i32
      %dma_start3A_348 = arith.constant 0 : i32
      %dma_start3A_349 = tpu.memref_slice %arg14[%dma_start3A_347, %dma_start3A_348] : memref<64x128xf32, #tpu.memory_space<vmem>> -> memref<64x128xf32, #tpu.memory_space<vmem>>
      %dma_start3A_350 = arith.constant 0 : i32
      %dma_start3A_351 = tpu.memref_slice %arg15[%add3A_27, %dma_start3A_350] : memref<10112x128xf32, #tpu.memory_space<vmem_shared>> -> memref<64x128xf32, #tpu.memory_space<vmem_shared>>
      %dma_start3A_352 = arith.constant 0 : i32
      %dma_start3A_353 = tpu.memref_slice %arg15[%add3A_27, %dma_start3A_352] : memref<10112x128xf32, #tpu.memory_space<vmem_shared>> -> memref<64x128xf32, #tpu.memory_space<vmem_shared>>
      %dma_start3A_354 = arith.constant 0 : i32
      %dma_start3A_355 = arith.constant 0 : i32
      %dma_start3A_356 = tpu.memref_slice %arg14[%dma_start3A_354, %dma_start3A_355] : memref<64x128xf32, #tpu.memory_space<vmem>> -> memref<64x128xf32, #tpu.memory_space<vmem>>
      tpu.enqueue_dma source(%dma_start3A_356 : memref<64x128xf32, #tpu.memory_space<vmem>>) target(%dma_start3A_353 : memref<64x128xf32, #tpu.memory_space<vmem_shared>>) target_semaphore(%run_scoped3A_346 : memref<!tpu.dma_semaphore, #tpu.memory_space<semaphore_mem>>)
      %dma_wait3A_357 = arith.constant 0 : i32
      %dma_wait3A_358 = arith.constant 0 : i32
      %dma_wait3A_359 = tpu.memref_slice %arg14[%dma_wait3A_357, %dma_wait3A_358] : memref<64x128xf32, #tpu.memory_space<vmem>> -> memref<64x128xf32, #tpu.memory_space<vmem>>
      %dma_wait3A_360 = arith.constant 0 : i32
      %dma_wait3A_361 = tpu.memref_slice %arg15[%add3A_27, %dma_wait3A_360] : memref<10112x128xf32, #tpu.memory_space<vmem_shared>> -> memref<64x128xf32, #tpu.memory_space<vmem_shared>>
      %dma_wait3A_362 = arith.constant 0 : i32
      %dma_wait3A_363 = tpu.memref_slice %arg15[%add3A_27, %dma_wait3A_362] : memref<10112x128xf32, #tpu.memory_space<vmem_shared>> -> memref<64x128xf32, #tpu.memory_space<vmem_shared>>
      %dma_wait3A_364 = arith.constant 0 : i32
      %dma_wait3A_365 = arith.constant 0 : i32
      %dma_wait3A_366 = tpu.memref_slice %arg14[%dma_wait3A_364, %dma_wait3A_365] : memref<64x128xf32, #tpu.memory_space<vmem>> -> memref<64x128xf32, #tpu.memory_space<vmem>>
      tpu.wait_dma2 semaphore(%run_scoped3A_346 : memref<!tpu.dma_semaphore, #tpu.memory_space<semaphore_mem>>) src(%dma_wait3A_366 : memref<64x128xf32, #tpu.memory_space<vmem>>) dst(%dma_wait3A_363 : memref<64x128xf32, #tpu.memory_space<vmem_shared>>)
      tpu.yield
    }) : () -> ()
    %mul3A_28 = arith.constant 632 : i32
    %mul3A_29 = arith.muli %arg1, %mul3A_28 : i32
    %add3A_30 = arith.constant 64 : i32
    %add3A_31 = arith.addi %mul3A_29, %add3A_30 : i32
    "tpu.region"() ({
      %run_scoped3A_346 = tpu.sem_alloc : memref<!tpu.dma_semaphore, #tpu.memory_space<semaphore_mem>>
      %dma_start3A_347 = arith.constant 0 : i32
      %dma_start3A_348 = arith.constant 0 : i32
      %dma_start3A_349 = tpu.memref_slice %arg14[%dma_start3A_347, %dma_start3A_348] : memref<64x128xf32, #tpu.memory_space<vmem>> -> memref<64x128xf32, #tpu.memory_space<vmem>>
      %dma_start3A_350 = arith.constant 0 : i32
      %dma_start3A_351 = tpu.memref_slice %arg15[%add3A_31, %dma_start3A_350] : memref<10112x128xf32, #tpu.memory_space<vmem_shared>> -> memref<64x128xf32, #tpu.memory_space<vmem_shared>>
      %dma_start3A_352 = arith.constant 0 : i32
      %dma_start3A_353 = tpu.memref_slice %arg15[%add3A_31, %dma_start3A_352] : memref<10112x128xf32, #tpu.memory_space<vmem_shared>> -> memref<64x128xf32, #tpu.memory_space<vmem_shared>>
      %dma_start3A_354 = arith.constant 0 : i32
      %dma_start3A_355 = arith.constant 0 : i32
      %dma_start3A_356 = tpu.memref_slice %arg14[%dma_start3A_354, %dma_start3A_355] : memref<64x128xf32, #tpu.memory_space<vmem>> -> memref<64x128xf32, #tpu.memory_space<vmem>>
      tpu.enqueue_dma source(%dma_start3A_356 : memref<64x128xf32, #tpu.memory_space<vmem>>) target(%dma_start3A_353 : memref<64x128xf32, #tpu.memory_space<vmem_shared>>) target_semaphore(%run_scoped3A_346 : memref<!tpu.dma_semaphore, #tpu.memory_space<semaphore_mem>>)
      %dma_wait3A_357 = arith.constant 0 : i32
      %dma_wait3A_358 = arith.constant 0 : i32
      %dma_wait3A_359 = tpu.memref_slice %arg14[%dma_wait3A_357, %dma_wait3A_358] : memref<64x128xf32, #tpu.memory_space<vmem>> -> memref<64x128xf32, #tpu.memory_space<vmem>>
      %dma_wait3A_360 = arith.constant 0 : i32
      %dma_wait3A_361 = tpu.memref_slice %arg15[%add3A_31, %dma_wait3A_360] : memref<10112x128xf32, #tpu.memory_space<vmem_shared>> -> memref<64x128xf32, #tpu.memory_space<vmem_shared>>
      %dma_wait3A_362 = arith.constant 0 : i32
      %dma_wait3A_363 = tpu.memref_slice %arg15[%add3A_31, %dma_wait3A_362] : memref<10112x128xf32, #tpu.memory_space<vmem_shared>> -> memref<64x128xf32, #tpu.memory_space<vmem_shared>>
      %dma_wait3A_364 = arith.constant 0 : i32
      %dma_wait3A_365 = arith.constant 0 : i32
      %dma_wait3A_366 = tpu.memref_slice %arg14[%dma_wait3A_364, %dma_wait3A_365] : memref<64x128xf32, #tpu.memory_space<vmem>> -> memref<64x128xf32, #tpu.memory_space<vmem>>
      tpu.wait_dma2 semaphore(%run_scoped3A_346 : memref<!tpu.dma_semaphore, #tpu.memory_space<semaphore_mem>>) src(%dma_wait3A_366 : memref<64x128xf32, #tpu.memory_space<vmem>>) dst(%dma_wait3A_363 : memref<64x128xf32, #tpu.memory_space<vmem_shared>>)
      tpu.yield
    }) : () -> ()
    %mul3A_32 = arith.constant 632 : i32
    %mul3A_33 = arith.muli %arg1, %mul3A_32 : i32
    %add3A_34 = arith.constant 128 : i32
    %add3A_35 = arith.addi %mul3A_33, %add3A_34 : i32
    "tpu.region"() ({
      %run_scoped3A_346 = tpu.sem_alloc : memref<!tpu.dma_semaphore, #tpu.memory_space<semaphore_mem>>
      %dma_start3A_347 = arith.constant 0 : i32
      %dma_start3A_348 = arith.constant 0 : i32
      %dma_start3A_349 = tpu.memref_slice %arg14[%dma_start3A_347, %dma_start3A_348] : memref<64x128xf32, #tpu.memory_space<vmem>> -> memref<64x128xf32, #tpu.memory_space<vmem>>
      %dma_start3A_350 = arith.constant 0 : i32
      %dma_start3A_351 = tpu.memref_slice %arg15[%add3A_35, %dma_start3A_350] : memref<10112x128xf32, #tpu.memory_space<vmem_shared>> -> memref<64x128xf32, #tpu.memory_space<vmem_shared>>
      %dma_start3A_352 = arith.constant 0 : i32
      %dma_start3A_353 = tpu.memref_slice %arg15[%add3A_35, %dma_start3A_352] : memref<10112x128xf32, #tpu.memory_space<vmem_shared>> -> memref<64x128xf32, #tpu.memory_space<vmem_shared>>
      %dma_start3A_354 = arith.constant 0 : i32
      %dma_start3A_355 = arith.constant 0 : i32
      %dma_start3A_356 = tpu.memref_slice %arg14[%dma_start3A_354, %dma_start3A_355] : memref<64x128xf32, #tpu.memory_space<vmem>> -> memref<64x128xf32, #tpu.memory_space<vmem>>
      tpu.enqueue_dma source(%dma_start3A_356 : memref<64x128xf32, #tpu.memory_space<vmem>>) target(%dma_start3A_353 : memref<64x128xf32, #tpu.memory_space<vmem_shared>>) target_semaphore(%run_scoped3A_346 : memref<!tpu.dma_semaphore, #tpu.memory_space<semaphore_mem>>)
      %dma_wait3A_357 = arith.constant 0 : i32
      %dma_wait3A_358 = arith.constant 0 : i32
      %dma_wait3A_359 = tpu.memref_slice %arg14[%dma_wait3A_357, %dma_wait3A_358] : memref<64x128xf32, #tpu.memory_space<vmem>> -> memref<64x128xf32, #tpu.memory_space<vmem>>
      %dma_wait3A_360 = arith.constant 0 : i32
      %dma_wait3A_361 = tpu.memref_slice %arg15[%add3A_35, %dma_wait3A_360] : memref<10112x128xf32, #tpu.memory_space<vmem_shared>> -> memref<64x128xf32, #tpu.memory_space<vmem_shared>>
      %dma_wait3A_362 = arith.constant 0 : i32
      %dma_wait3A_363 = tpu.memref_slice %arg15[%add3A_35, %dma_wait3A_362] : memref<10112x128xf32, #tpu.memory_space<vmem_shared>> -> memref<64x128xf32, #tpu.memory_space<vmem_shared>>
      %dma_wait3A_364 = arith.constant 0 : i32
      %dma_wait3A_365 = arith.constant 0 : i32
      %dma_wait3A_366 = tpu.memref_slice %arg14[%dma_wait3A_364, %dma_wait3A_365] : memref<64x128xf32, #tpu.memory_space<vmem>> -> memref<64x128xf32, #tpu.memory_space<vmem>>
      tpu.wait_dma2 semaphore(%run_scoped3A_346 : memref<!tpu.dma_semaphore, #tpu.memory_space<semaphore_mem>>) src(%dma_wait3A_366 : memref<64x128xf32, #tpu.memory_space<vmem>>) dst(%dma_wait3A_363 : memref<64x128xf32, #tpu.memory_space<vmem_shared>>)
      tpu.yield
    }) : () -> ()
    %mul3A_36 = arith.constant 632 : i32
    %mul3A_37 = arith.muli %arg1, %mul3A_36 : i32
    %add3A_38 = arith.constant 192 : i32
    %add3A_39 = arith.addi %mul3A_37, %add3A_38 : i32
    "tpu.region"() ({
      %run_scoped3A_346 = tpu.sem_alloc : memref<!tpu.dma_semaphore, #tpu.memory_space<semaphore_mem>>
      %dma_start3A_347 = arith.constant 0 : i32
      %dma_start3A_348 = arith.constant 0 : i32
      %dma_start3A_349 = tpu.memref_slice %arg14[%dma_start3A_347, %dma_start3A_348] : memref<64x128xf32, #tpu.memory_space<vmem>> -> memref<64x128xf32, #tpu.memory_space<vmem>>
      %dma_start3A_350 = arith.constant 0 : i32
      %dma_start3A_351 = tpu.memref_slice %arg15[%add3A_39, %dma_start3A_350] : memref<10112x128xf32, #tpu.memory_space<vmem_shared>> -> memref<64x128xf32, #tpu.memory_space<vmem_shared>>
      %dma_start3A_352 = arith.constant 0 : i32
      %dma_start3A_353 = tpu.memref_slice %arg15[%add3A_39, %dma_start3A_352] : memref<10112x128xf32, #tpu.memory_space<vmem_shared>> -> memref<64x128xf32, #tpu.memory_space<vmem_shared>>
      %dma_start3A_354 = arith.constant 0 : i32
      %dma_start3A_355 = arith.constant 0 : i32
      %dma_start3A_356 = tpu.memref_slice %arg14[%dma_start3A_354, %dma_start3A_355] : memref<64x128xf32, #tpu.memory_space<vmem>> -> memref<64x128xf32, #tpu.memory_space<vmem>>
      tpu.enqueue_dma source(%dma_start3A_356 : memref<64x128xf32, #tpu.memory_space<vmem>>) target(%dma_start3A_353 : memref<64x128xf32, #tpu.memory_space<vmem_shared>>) target_semaphore(%run_scoped3A_346 : memref<!tpu.dma_semaphore, #tpu.memory_space<semaphore_mem>>)
      %dma_wait3A_357 = arith.constant 0 : i32
      %dma_wait3A_358 = arith.constant 0 : i32
      %dma_wait3A_359 = tpu.memref_slice %arg14[%dma_wait3A_357, %dma_wait3A_358] : memref<64x128xf32, #tpu.memory_space<vmem>> -> memref<64x128xf32, #tpu.memory_space<vmem>>
      %dma_wait3A_360 = arith.constant 0 : i32
      %dma_wait3A_361 = tpu.memref_slice %arg15[%add3A_39, %dma_wait3A_360] : memref<10112x128xf32, #tpu.memory_space<vmem_shared>> -> memref<64x128xf32, #tpu.memory_space<vmem_shared>>
      %dma_wait3A_362 = arith.constant 0 : i32
      %dma_wait3A_363 = tpu.memref_slice %arg15[%add3A_39, %dma_wait3A_362] : memref<10112x128xf32, #tpu.memory_space<vmem_shared>> -> memref<64x128xf32, #tpu.memory_space<vmem_shared>>
      %dma_wait3A_364 = arith.constant 0 : i32
      %dma_wait3A_365 = arith.constant 0 : i32
      %dma_wait3A_366 = tpu.memref_slice %arg14[%dma_wait3A_364, %dma_wait3A_365] : memref<64x128xf32, #tpu.memory_space<vmem>> -> memref<64x128xf32, #tpu.memory_space<vmem>>
      tpu.wait_dma2 semaphore(%run_scoped3A_346 : memref<!tpu.dma_semaphore, #tpu.memory_space<semaphore_mem>>) src(%dma_wait3A_366 : memref<64x128xf32, #tpu.memory_space<vmem>>) dst(%dma_wait3A_363 : memref<64x128xf32, #tpu.memory_space<vmem_shared>>)
      tpu.yield
    }) : () -> ()
    %mul3A_40 = arith.constant 632 : i32
    %mul3A_41 = arith.muli %arg1, %mul3A_40 : i32
    %add3A_42 = arith.constant 256 : i32
    %add3A_43 = arith.addi %mul3A_41, %add3A_42 : i32
    "tpu.region"() ({
      %run_scoped3A_346 = tpu.sem_alloc : memref<!tpu.dma_semaphore, #tpu.memory_space<semaphore_mem>>
      %dma_start3A_347 = arith.constant 0 : i32
      %dma_start3A_348 = arith.constant 0 : i32
      %dma_start3A_349 = tpu.memref_slice %arg14[%dma_start3A_347, %dma_start3A_348] : memref<64x128xf32, #tpu.memory_space<vmem>> -> memref<64x128xf32, #tpu.memory_space<vmem>>
      %dma_start3A_350 = arith.constant 0 : i32
      %dma_start3A_351 = tpu.memref_slice %arg15[%add3A_43, %dma_start3A_350] : memref<10112x128xf32, #tpu.memory_space<vmem_shared>> -> memref<64x128xf32, #tpu.memory_space<vmem_shared>>
      %dma_start3A_352 = arith.constant 0 : i32
      %dma_start3A_353 = tpu.memref_slice %arg15[%add3A_43, %dma_start3A_352] : memref<10112x128xf32, #tpu.memory_space<vmem_shared>> -> memref<64x128xf32, #tpu.memory_space<vmem_shared>>
      %dma_start3A_354 = arith.constant 0 : i32
      %dma_start3A_355 = arith.constant 0 : i32
      %dma_start3A_356 = tpu.memref_slice %arg14[%dma_start3A_354, %dma_start3A_355] : memref<64x128xf32, #tpu.memory_space<vmem>> -> memref<64x128xf32, #tpu.memory_space<vmem>>
      tpu.enqueue_dma source(%dma_start3A_356 : memref<64x128xf32, #tpu.memory_space<vmem>>) target(%dma_start3A_353 : memref<64x128xf32, #tpu.memory_space<vmem_shared>>) target_semaphore(%run_scoped3A_346 : memref<!tpu.dma_semaphore, #tpu.memory_space<semaphore_mem>>)
      %dma_wait3A_357 = arith.constant 0 : i32
      %dma_wait3A_358 = arith.constant 0 : i32
      %dma_wait3A_359 = tpu.memref_slice %arg14[%dma_wait3A_357, %dma_wait3A_358] : memref<64x128xf32, #tpu.memory_space<vmem>> -> memref<64x128xf32, #tpu.memory_space<vmem>>
      %dma_wait3A_360 = arith.constant 0 : i32
      %dma_wait3A_361 = tpu.memref_slice %arg15[%add3A_43, %dma_wait3A_360] : memref<10112x128xf32, #tpu.memory_space<vmem_shared>> -> memref<64x128xf32, #tpu.memory_space<vmem_shared>>
      %dma_wait3A_362 = arith.constant 0 : i32
      %dma_wait3A_363 = tpu.memref_slice %arg15[%add3A_43, %dma_wait3A_362] : memref<10112x128xf32, #tpu.memory_space<vmem_shared>> -> memref<64x128xf32, #tpu.memory_space<vmem_shared>>
      %dma_wait3A_364 = arith.constant 0 : i32
      %dma_wait3A_365 = arith.constant 0 : i32
      %dma_wait3A_366 = tpu.memref_slice %arg14[%dma_wait3A_364, %dma_wait3A_365] : memref<64x128xf32, #tpu.memory_space<vmem>> -> memref<64x128xf32, #tpu.memory_space<vmem>>
      tpu.wait_dma2 semaphore(%run_scoped3A_346 : memref<!tpu.dma_semaphore, #tpu.memory_space<semaphore_mem>>) src(%dma_wait3A_366 : memref<64x128xf32, #tpu.memory_space<vmem>>) dst(%dma_wait3A_363 : memref<64x128xf32, #tpu.memory_space<vmem_shared>>)
      tpu.yield
    }) : () -> ()
    %mul3A_44 = arith.constant 632 : i32
    %mul3A_45 = arith.muli %arg1, %mul3A_44 : i32
    %add3A_46 = arith.constant 320 : i32
    %add3A_47 = arith.addi %mul3A_45, %add3A_46 : i32
    "tpu.region"() ({
      %run_scoped3A_346 = tpu.sem_alloc : memref<!tpu.dma_semaphore, #tpu.memory_space<semaphore_mem>>
      %dma_start3A_347 = arith.constant 0 : i32
      %dma_start3A_348 = arith.constant 0 : i32
      %dma_start3A_349 = tpu.memref_slice %arg14[%dma_start3A_347, %dma_start3A_348] : memref<64x128xf32, #tpu.memory_space<vmem>> -> memref<64x128xf32, #tpu.memory_space<vmem>>
      %dma_start3A_350 = arith.constant 0 : i32
      %dma_start3A_351 = tpu.memref_slice %arg15[%add3A_47, %dma_start3A_350] : memref<10112x128xf32, #tpu.memory_space<vmem_shared>> -> memref<64x128xf32, #tpu.memory_space<vmem_shared>>
      %dma_start3A_352 = arith.constant 0 : i32
      %dma_start3A_353 = tpu.memref_slice %arg15[%add3A_47, %dma_start3A_352] : memref<10112x128xf32, #tpu.memory_space<vmem_shared>> -> memref<64x128xf32, #tpu.memory_space<vmem_shared>>
      %dma_start3A_354 = arith.constant 0 : i32
      %dma_start3A_355 = arith.constant 0 : i32
      %dma_start3A_356 = tpu.memref_slice %arg14[%dma_start3A_354, %dma_start3A_355] : memref<64x128xf32, #tpu.memory_space<vmem>> -> memref<64x128xf32, #tpu.memory_space<vmem>>
      tpu.enqueue_dma source(%dma_start3A_356 : memref<64x128xf32, #tpu.memory_space<vmem>>) target(%dma_start3A_353 : memref<64x128xf32, #tpu.memory_space<vmem_shared>>) target_semaphore(%run_scoped3A_346 : memref<!tpu.dma_semaphore, #tpu.memory_space<semaphore_mem>>)
      %dma_wait3A_357 = arith.constant 0 : i32
      %dma_wait3A_358 = arith.constant 0 : i32
      %dma_wait3A_359 = tpu.memref_slice %arg14[%dma_wait3A_357, %dma_wait3A_358] : memref<64x128xf32, #tpu.memory_space<vmem>> -> memref<64x128xf32, #tpu.memory_space<vmem>>
      %dma_wait3A_360 = arith.constant 0 : i32
      %dma_wait3A_361 = tpu.memref_slice %arg15[%add3A_47, %dma_wait3A_360] : memref<10112x128xf32, #tpu.memory_space<vmem_shared>> -> memref<64x128xf32, #tpu.memory_space<vmem_shared>>
      %dma_wait3A_362 = arith.constant 0 : i32
      %dma_wait3A_363 = tpu.memref_slice %arg15[%add3A_47, %dma_wait3A_362] : memref<10112x128xf32, #tpu.memory_space<vmem_shared>> -> memref<64x128xf32, #tpu.memory_space<vmem_shared>>
      %dma_wait3A_364 = arith.constant 0 : i32
      %dma_wait3A_365 = arith.constant 0 : i32
      %dma_wait3A_366 = tpu.memref_slice %arg14[%dma_wait3A_364, %dma_wait3A_365] : memref<64x128xf32, #tpu.memory_space<vmem>> -> memref<64x128xf32, #tpu.memory_space<vmem>>
      tpu.wait_dma2 semaphore(%run_scoped3A_346 : memref<!tpu.dma_semaphore, #tpu.memory_space<semaphore_mem>>) src(%dma_wait3A_366 : memref<64x128xf32, #tpu.memory_space<vmem>>) dst(%dma_wait3A_363 : memref<64x128xf32, #tpu.memory_space<vmem_shared>>)
      tpu.yield
    }) : () -> ()
    %mul3A_48 = arith.constant 632 : i32
    %mul3A_49 = arith.muli %arg1, %mul3A_48 : i32
    %add3A_50 = arith.constant 384 : i32
    %add3A_51 = arith.addi %mul3A_49, %add3A_50 : i32
    "tpu.region"() ({
      %run_scoped3A_346 = tpu.sem_alloc : memref<!tpu.dma_semaphore, #tpu.memory_space<semaphore_mem>>
      %dma_start3A_347 = arith.constant 0 : i32
      %dma_start3A_348 = arith.constant 0 : i32
      %dma_start3A_349 = tpu.memref_slice %arg14[%dma_start3A_347, %dma_start3A_348] : memref<64x128xf32, #tpu.memory_space<vmem>> -> memref<64x128xf32, #tpu.memory_space<vmem>>
      %dma_start3A_350 = arith.constant 0 : i32
      %dma_start3A_351 = tpu.memref_slice %arg15[%add3A_51, %dma_start3A_350] : memref<10112x128xf32, #tpu.memory_space<vmem_shared>> -> memref<64x128xf32, #tpu.memory_space<vmem_shared>>
      %dma_start3A_352 = arith.constant 0 : i32
      %dma_start3A_353 = tpu.memref_slice %arg15[%add3A_51, %dma_start3A_352] : memref<10112x128xf32, #tpu.memory_space<vmem_shared>> -> memref<64x128xf32, #tpu.memory_space<vmem_shared>>
      %dma_start3A_354 = arith.constant 0 : i32
      %dma_start3A_355 = arith.constant 0 : i32
      %dma_start3A_356 = tpu.memref_slice %arg14[%dma_start3A_354, %dma_start3A_355] : memref<64x128xf32, #tpu.memory_space<vmem>> -> memref<64x128xf32, #tpu.memory_space<vmem>>
      tpu.enqueue_dma source(%dma_start3A_356 : memref<64x128xf32, #tpu.memory_space<vmem>>) target(%dma_start3A_353 : memref<64x128xf32, #tpu.memory_space<vmem_shared>>) target_semaphore(%run_scoped3A_346 : memref<!tpu.dma_semaphore, #tpu.memory_space<semaphore_mem>>)
      %dma_wait3A_357 = arith.constant 0 : i32
      %dma_wait3A_358 = arith.constant 0 : i32
      %dma_wait3A_359 = tpu.memref_slice %arg14[%dma_wait3A_357, %dma_wait3A_358] : memref<64x128xf32, #tpu.memory_space<vmem>> -> memref<64x128xf32, #tpu.memory_space<vmem>>
      %dma_wait3A_360 = arith.constant 0 : i32
      %dma_wait3A_361 = tpu.memref_slice %arg15[%add3A_51, %dma_wait3A_360] : memref<10112x128xf32, #tpu.memory_space<vmem_shared>> -> memref<64x128xf32, #tpu.memory_space<vmem_shared>>
      %dma_wait3A_362 = arith.constant 0 : i32
      %dma_wait3A_363 = tpu.memref_slice %arg15[%add3A_51, %dma_wait3A_362] : memref<10112x128xf32, #tpu.memory_space<vmem_shared>> -> memref<64x128xf32, #tpu.memory_space<vmem_shared>>
      %dma_wait3A_364 = arith.constant 0 : i32
      %dma_wait3A_365 = arith.constant 0 : i32
      %dma_wait3A_366 = tpu.memref_slice %arg14[%dma_wait3A_364, %dma_wait3A_365] : memref<64x128xf32, #tpu.memory_space<vmem>> -> memref<64x128xf32, #tpu.memory_space<vmem>>
      tpu.wait_dma2 semaphore(%run_scoped3A_346 : memref<!tpu.dma_semaphore, #tpu.memory_space<semaphore_mem>>) src(%dma_wait3A_366 : memref<64x128xf32, #tpu.memory_space<vmem>>) dst(%dma_wait3A_363 : memref<64x128xf32, #tpu.memory_space<vmem_shared>>)
      tpu.yield
    }) : () -> ()
    %mul3A_52 = arith.constant 632 : i32
    %mul3A_53 = arith.muli %arg1, %mul3A_52 : i32
    %add3A_54 = arith.constant 448 : i32
    %add3A_55 = arith.addi %mul3A_53, %add3A_54 : i32
    "tpu.region"() ({
      %run_scoped3A_346 = tpu.sem_alloc : memref<!tpu.dma_semaphore, #tpu.memory_space<semaphore_mem>>
      %dma_start3A_347 = arith.constant 0 : i32
      %dma_start3A_348 = arith.constant 0 : i32
      %dma_start3A_349 = tpu.memref_slice %arg14[%dma_start3A_347, %dma_start3A_348] : memref<64x128xf32, #tpu.memory_space<vmem>> -> memref<64x128xf32, #tpu.memory_space<vmem>>
      %dma_start3A_350 = arith.constant 0 : i32
      %dma_start3A_351 = tpu.memref_slice %arg15[%add3A_55, %dma_start3A_350] : memref<10112x128xf32, #tpu.memory_space<vmem_shared>> -> memref<64x128xf32, #tpu.memory_space<vmem_shared>>
      %dma_start3A_352 = arith.constant 0 : i32
      %dma_start3A_353 = tpu.memref_slice %arg15[%add3A_55, %dma_start3A_352] : memref<10112x128xf32, #tpu.memory_space<vmem_shared>> -> memref<64x128xf32, #tpu.memory_space<vmem_shared>>
      %dma_start3A_354 = arith.constant 0 : i32
      %dma_start3A_355 = arith.constant 0 : i32
      %dma_start3A_356 = tpu.memref_slice %arg14[%dma_start3A_354, %dma_start3A_355] : memref<64x128xf32, #tpu.memory_space<vmem>> -> memref<64x128xf32, #tpu.memory_space<vmem>>
      tpu.enqueue_dma source(%dma_start3A_356 : memref<64x128xf32, #tpu.memory_space<vmem>>) target(%dma_start3A_353 : memref<64x128xf32, #tpu.memory_space<vmem_shared>>) target_semaphore(%run_scoped3A_346 : memref<!tpu.dma_semaphore, #tpu.memory_space<semaphore_mem>>)
      %dma_wait3A_357 = arith.constant 0 : i32
      %dma_wait3A_358 = arith.constant 0 : i32
      %dma_wait3A_359 = tpu.memref_slice %arg14[%dma_wait3A_357, %dma_wait3A_358] : memref<64x128xf32, #tpu.memory_space<vmem>> -> memref<64x128xf32, #tpu.memory_space<vmem>>
      %dma_wait3A_360 = arith.constant 0 : i32
      %dma_wait3A_361 = tpu.memref_slice %arg15[%add3A_55, %dma_wait3A_360] : memref<10112x128xf32, #tpu.memory_space<vmem_shared>> -> memref<64x128xf32, #tpu.memory_space<vmem_shared>>
      %dma_wait3A_362 = arith.constant 0 : i32
      %dma_wait3A_363 = tpu.memref_slice %arg15[%add3A_55, %dma_wait3A_362] : memref<10112x128xf32, #tpu.memory_space<vmem_shared>> -> memref<64x128xf32, #tpu.memory_space<vmem_shared>>
      %dma_wait3A_364 = arith.constant 0 : i32
      %dma_wait3A_365 = arith.constant 0 : i32
      %dma_wait3A_366 = tpu.memref_slice %arg14[%dma_wait3A_364, %dma_wait3A_365] : memref<64x128xf32, #tpu.memory_space<vmem>> -> memref<64x128xf32, #tpu.memory_space<vmem>>
      tpu.wait_dma2 semaphore(%run_scoped3A_346 : memref<!tpu.dma_semaphore, #tpu.memory_space<semaphore_mem>>) src(%dma_wait3A_366 : memref<64x128xf32, #tpu.memory_space<vmem>>) dst(%dma_wait3A_363 : memref<64x128xf32, #tpu.memory_space<vmem_shared>>)
      tpu.yield
    }) : () -> ()
    %mul3A_56 = arith.constant 632 : i32
    %mul3A_57 = arith.muli %arg1, %mul3A_56 : i32
    %add3A_58 = arith.constant 512 : i32
    %add3A_59 = arith.addi %mul3A_57, %add3A_58 : i32
    "tpu.region"() ({
      %run_scoped3A_346 = tpu.sem_alloc : memref<!tpu.dma_semaphore, #tpu.memory_space<semaphore_mem>>
      %dma_start3A_347 = arith.constant 0 : i32
      %dma_start3A_348 = arith.constant 0 : i32
      %dma_start3A_349 = tpu.memref_slice %arg14[%dma_start3A_347, %dma_start3A_348] : memref<64x128xf32, #tpu.memory_space<vmem>> -> memref<64x128xf32, #tpu.memory_space<vmem>>
      %dma_start3A_350 = arith.constant 0 : i32
      %dma_start3A_351 = tpu.memref_slice %arg15[%add3A_59, %dma_start3A_350] : memref<10112x128xf32, #tpu.memory_space<vmem_shared>> -> memref<64x128xf32, #tpu.memory_space<vmem_shared>>
      %dma_start3A_352 = arith.constant 0 : i32
      %dma_start3A_353 = tpu.memref_slice %arg15[%add3A_59, %dma_start3A_352] : memref<10112x128xf32, #tpu.memory_space<vmem_shared>> -> memref<64x128xf32, #tpu.memory_space<vmem_shared>>
      %dma_start3A_354 = arith.constant 0 : i32
      %dma_start3A_355 = arith.constant 0 : i32
      %dma_start3A_356 = tpu.memref_slice %arg14[%dma_start3A_354, %dma_start3A_355] : memref<64x128xf32, #tpu.memory_space<vmem>> -> memref<64x128xf32, #tpu.memory_space<vmem>>
      tpu.enqueue_dma source(%dma_start3A_356 : memref<64x128xf32, #tpu.memory_space<vmem>>) target(%dma_start3A_353 : memref<64x128xf32, #tpu.memory_space<vmem_shared>>) target_semaphore(%run_scoped3A_346 : memref<!tpu.dma_semaphore, #tpu.memory_space<semaphore_mem>>)
      %dma_wait3A_357 = arith.constant 0 : i32
      %dma_wait3A_358 = arith.constant 0 : i32
      %dma_wait3A_359 = tpu.memref_slice %arg14[%dma_wait3A_357, %dma_wait3A_358] : memref<64x128xf32, #tpu.memory_space<vmem>> -> memref<64x128xf32, #tpu.memory_space<vmem>>
      %dma_wait3A_360 = arith.constant 0 : i32
      %dma_wait3A_361 = tpu.memref_slice %arg15[%add3A_59, %dma_wait3A_360] : memref<10112x128xf32, #tpu.memory_space<vmem_shared>> -> memref<64x128xf32, #tpu.memory_space<vmem_shared>>
      %dma_wait3A_362 = arith.constant 0 : i32
      %dma_wait3A_363 = tpu.memref_slice %arg15[%add3A_59, %dma_wait3A_362] : memref<10112x128xf32, #tpu.memory_space<vmem_shared>> -> memref<64x128xf32, #tpu.memory_space<vmem_shared>>
      %dma_wait3A_364 = arith.constant 0 : i32
      %dma_wait3A_365 = arith.constant 0 : i32
      %dma_wait3A_366 = tpu.memref_slice %arg14[%dma_wait3A_364, %dma_wait3A_365] : memref<64x128xf32, #tpu.memory_space<vmem>> -> memref<64x128xf32, #tpu.memory_space<vmem>>
      tpu.wait_dma2 semaphore(%run_scoped3A_346 : memref<!tpu.dma_semaphore, #tpu.memory_space<semaphore_mem>>) src(%dma_wait3A_366 : memref<64x128xf32, #tpu.memory_space<vmem>>) dst(%dma_wait3A_363 : memref<64x128xf32, #tpu.memory_space<vmem_shared>>)
      tpu.yield
    }) : () -> ()
    %mul3A_60 = arith.constant 632 : i32
    %mul3A_61 = arith.muli %arg1, %mul3A_60 : i32
    %add3A_62 = arith.constant 576 : i32
    %add3A_63 = arith.addi %mul3A_61, %add3A_62 : i32
    "tpu.region"() ({
      %run_scoped3A_346 = tpu.sem_alloc : memref<!tpu.dma_semaphore, #tpu.memory_space<semaphore_mem>>
      %dma_start3A_347 = arith.constant 0 : i32
      %dma_start3A_348 = arith.constant 0 : i32
      %dma_start3A_349 = tpu.memref_slice %arg14[%dma_start3A_347, %dma_start3A_348] : memref<64x128xf32, #tpu.memory_space<vmem>> -> memref<56x128xf32, #tpu.memory_space<vmem>>
      %dma_start3A_350 = arith.constant 0 : i32
      %dma_start3A_351 = tpu.memref_slice %arg15[%add3A_63, %dma_start3A_350] : memref<10112x128xf32, #tpu.memory_space<vmem_shared>> -> memref<56x128xf32, #tpu.memory_space<vmem_shared>>
      %dma_start3A_352 = arith.constant 0 : i32
      %dma_start3A_353 = tpu.memref_slice %arg15[%add3A_63, %dma_start3A_352] : memref<10112x128xf32, #tpu.memory_space<vmem_shared>> -> memref<56x128xf32, #tpu.memory_space<vmem_shared>>
      %dma_start3A_354 = arith.constant 0 : i32
      %dma_start3A_355 = arith.constant 0 : i32
      %dma_start3A_356 = tpu.memref_slice %arg14[%dma_start3A_354, %dma_start3A_355] : memref<64x128xf32, #tpu.memory_space<vmem>> -> memref<56x128xf32, #tpu.memory_space<vmem>>
      tpu.enqueue_dma source(%dma_start3A_356 : memref<56x128xf32, #tpu.memory_space<vmem>>) target(%dma_start3A_353 : memref<56x128xf32, #tpu.memory_space<vmem_shared>>) target_semaphore(%run_scoped3A_346 : memref<!tpu.dma_semaphore, #tpu.memory_space<semaphore_mem>>)
      %dma_wait3A_357 = arith.constant 0 : i32
      %dma_wait3A_358 = arith.constant 0 : i32
      %dma_wait3A_359 = tpu.memref_slice %arg14[%dma_wait3A_357, %dma_wait3A_358] : memref<64x128xf32, #tpu.memory_space<vmem>> -> memref<56x128xf32, #tpu.memory_space<vmem>>
      %dma_wait3A_360 = arith.constant 0 : i32
      %dma_wait3A_361 = tpu.memref_slice %arg15[%add3A_63, %dma_wait3A_360] : memref<10112x128xf32, #tpu.memory_space<vmem_shared>> -> memref<56x128xf32, #tpu.memory_space<vmem_shared>>
      %dma_wait3A_362 = arith.constant 0 : i32
      %dma_wait3A_363 = tpu.memref_slice %arg15[%add3A_63, %dma_wait3A_362] : memref<10112x128xf32, #tpu.memory_space<vmem_shared>> -> memref<56x128xf32, #tpu.memory_space<vmem_shared>>
      %dma_wait3A_364 = arith.constant 0 : i32
      %dma_wait3A_365 = arith.constant 0 : i32
      %dma_wait3A_366 = tpu.memref_slice %arg14[%dma_wait3A_364, %dma_wait3A_365] : memref<64x128xf32, #tpu.memory_space<vmem>> -> memref<56x128xf32, #tpu.memory_space<vmem>>
      tpu.wait_dma2 semaphore(%run_scoped3A_346 : memref<!tpu.dma_semaphore, #tpu.memory_space<semaphore_mem>>) src(%dma_wait3A_366 : memref<56x128xf32, #tpu.memory_space<vmem>>) dst(%dma_wait3A_363 : memref<56x128xf32, #tpu.memory_space<vmem_shared>>)
      tpu.yield
    }) : () -> ()
    %barrier3A = arith.constant 0 : index
    tpu.barrier barrier_id(%barrier3A)
    %dma_start3A_64 = arith.constant 1 : i32
    %dma_start3A_65 = arith.constant 0 : i32
    %dma_start3A_66 = arith.constant 0 : i32
    %dma_start3A_67 = tpu.memref_slice %arg3[%add3A, %dma_start3A_64, %dma_start3A_65, %dma_start3A_66] : memref<32x5x32x64xi32, #tpu.memory_space<hbm>> -> memref<1x1x32x64xi32, #tpu.memory_space<hbm>>
    %dma_start3A_68 = tpu.memref_squeeze %dma_start3A_67 : memref<1x1x32x64xi32, #tpu.memory_space<hbm>> -> memref<32x64xi32, #tpu.memory_space<hbm>>
    %dma_start3A_69 = arith.constant 0 : i32
    %dma_start3A_70 = arith.constant 0 : i32
    %dma_start3A_71 = tpu.memref_slice %arg3[%add3A, %dma_start3A_64, %dma_start3A_69, %dma_start3A_70] : memref<32x5x32x64xi32, #tpu.memory_space<hbm>> -> memref<1x1x32x64xi32, #tpu.memory_space<hbm>>
    %dma_start3A_72 = tpu.memref_squeeze %dma_start3A_71 : memref<1x1x32x64xi32, #tpu.memory_space<hbm>> -> memref<32x64xi32, #tpu.memory_space<hbm>>
    tpu.enqueue_dma source(%dma_start3A_72 : memref<32x64xi32, #tpu.memory_space<hbm>>) target(%arg8 : memref<32x64xi32, #tpu.memory_space<vmem>>) target_semaphore(%arg18 : memref<!tpu.dma_semaphore, #tpu.memory_space<semaphore_mem>>)
    %dma_start3A_73 = arith.constant 1 : i32
    %dma_start3A_74 = arith.constant 0 : i32
    %dma_start3A_75 = arith.constant 0 : i32
    %dma_start3A_76 = tpu.memref_slice %arg4[%add3A, %dma_start3A_73, %dma_start3A_74, %dma_start3A_75] : memref<32x5x32x64xi32, #tpu.memory_space<hbm>> -> memref<1x1x32x64xi32, #tpu.memory_space<hbm>>
    %dma_start3A_77 = tpu.memref_squeeze %dma_start3A_76 : memref<1x1x32x64xi32, #tpu.memory_space<hbm>> -> memref<32x64xi32, #tpu.memory_space<hbm>>
    %dma_start3A_78 = arith.constant 0 : i32
    %dma_start3A_79 = arith.constant 0 : i32
    %dma_start3A_80 = tpu.memref_slice %arg4[%add3A, %dma_start3A_73, %dma_start3A_78, %dma_start3A_79] : memref<32x5x32x64xi32, #tpu.memory_space<hbm>> -> memref<1x1x32x64xi32, #tpu.memory_space<hbm>>
    %dma_start3A_81 = tpu.memref_squeeze %dma_start3A_80 : memref<1x1x32x64xi32, #tpu.memory_space<hbm>> -> memref<32x64xi32, #tpu.memory_space<hbm>>
    tpu.enqueue_dma source(%dma_start3A_81 : memref<32x64xi32, #tpu.memory_space<hbm>>) target(%arg10 : memref<32x64xi32, #tpu.memory_space<vmem>>) target_semaphore(%arg18 : memref<!tpu.dma_semaphore, #tpu.memory_space<semaphore_mem>>)
    %scan3A_82 = arith.constant 0 : i32
    %scan3A_83 = arith.constant 0 : i32
    %scan3A_84 = arith.constant 16 : i32
    %scan3A_85 = arith.addi %scan3A_83, %scan3A_84 : i32
    %scan3A_86 = arith.constant 1 : i32
    scf.for %scan3A_346 = %scan3A_83 to %scan3A_85 step %scan3A_86  : i32 {
      %mul3A_347 = arith.constant 2 : i32
      %mul3A_348 = arith.muli %scan3A_346, %mul3A_347 : i32
      %add3A_349 = arith.constant 0 : i32
      %add3A_350 = arith.addi %mul3A_348, %add3A_349 : i32
      %dma_wait3A_351 = arith.constant 0 : i32
      %dma_wait3A_352 = tpu.memref_slice %arg7[%add3A_350, %dma_wait3A_351] : memref<32x64xi32, #tpu.memory_space<vmem>> -> memref<1x64xi32, #tpu.memory_space<vmem>>
      %dma_wait3A_353 = tpu.memref_squeeze %dma_wait3A_352 : memref<1x64xi32, #tpu.memory_space<vmem>> -> memref<64xi32, #tpu.memory_space<vmem>>
      %dma_wait3A_354 = arith.constant 0 : i32
      %dma_wait3A_355 = arith.constant 0 : i32
      %dma_wait3A_356 = tpu.memref_slice %arg2[%dma_wait3A_354, %dma_wait3A_355] : memref<10000x128xf32, #tpu.memory_space<hbm>> -> memref<10000x128xf32, #tpu.memory_space<hbm>>
      tpu.wait_indirect_dma semaphore(%arg16 : memref<!tpu.dma_semaphore, #tpu.memory_space<semaphore_mem>>) src(%dma_wait3A_356 : memref<10000x128xf32, #tpu.memory_space<hbm>>) dst(%arg13 : memref<64x128xf32, #tpu.memory_space<vmem>>)
      %dma_wait3A_357 = arith.constant 0 : i32
      %dma_wait3A_358 = arith.constant 0 : i32
      %dma_wait3A_359 = arith.constant 0 : i32
      %dma_wait3A_360 = tpu.memref_slice %arg5[%add3A, %dma_wait3A_357, %add3A_350, %dma_wait3A_358, %dma_wait3A_359] : memref<32x5x32x64x16xf32, #tpu.memory_space<hbm>> -> memref<1x1x1x64x16xf32, #tpu.memory_space<hbm>>
      %dma_wait3A_361 = tpu.memref_squeeze %dma_wait3A_360 : memref<1x1x1x64x16xf32, #tpu.memory_space<hbm>> -> memref<64x16xf32, #tpu.memory_space<hbm>>
      %dma_wait3A_362 = arith.constant 0 : i32
      %dma_wait3A_363 = arith.constant 0 : i32
      %dma_wait3A_364 = tpu.memref_slice %arg5[%add3A, %dma_wait3A_357, %add3A_350, %dma_wait3A_362, %dma_wait3A_363] : memref<32x5x32x64x16xf32, #tpu.memory_space<hbm>> -> memref<1x1x1x64x16xf32, #tpu.memory_space<hbm>>
      %dma_wait3A_365 = tpu.memref_squeeze %dma_wait3A_364 : memref<1x1x1x64x16xf32, #tpu.memory_space<hbm>> -> memref<64x16xf32, #tpu.memory_space<hbm>>
      tpu.wait_dma2 semaphore(%arg17 : memref<!tpu.dma_semaphore, #tpu.memory_space<semaphore_mem>>) src(%dma_wait3A_365 : memref<64x16xf32, #tpu.memory_space<hbm>>) dst(%arg11 : memref<64x16xf32, #tpu.memory_space<vmem>>)
      %add3A_366 = arith.constant 1 : i32
      %add3A_367 = arith.addi %add3A_350, %add3A_366 : i32
      %lt3A = arith.constant 32 : i32
      %lt3A_368 = arith.cmpi slt, %add3A_367, %lt3A : i32
      %convert_element_type3A = arith.extui %lt3A_368 : i1 to i32
      %cond3A = arith.constant 0 : i32
      %cond3A_369 = arith.cmpi ne, %convert_element_type3A, %cond3A : i32
      scf.if %cond3A_369 {
        %add3A_406 = arith.constant 1 : i32
        %add3A_407 = arith.addi %add3A_350, %add3A_406 : i32
        %dma_start3A_408 = arith.constant 0 : i32
        %dma_start3A_409 = tpu.memref_slice %arg7[%add3A_407, %dma_start3A_408] : memref<32x64xi32, #tpu.memory_space<vmem>> -> memref<1x64xi32, #tpu.memory_space<vmem>>
        %dma_start3A_410 = tpu.memref_squeeze %dma_start3A_409 : memref<1x64xi32, #tpu.memory_space<vmem>> -> memref<64xi32, #tpu.memory_space<vmem>>
        %dma_start3A_411 = arith.constant 0 : i32
        %dma_start3A_412 = arith.constant 0 : i32
        %dma_start3A_413 = tpu.memref_slice %arg2[%dma_start3A_411, %dma_start3A_412] : memref<10000x128xf32, #tpu.memory_space<hbm>> -> memref<10000x128xf32, #tpu.memory_space<hbm>>
        tpu.enqueue_indirect_dma source(%dma_start3A_413 : memref<10000x128xf32, #tpu.memory_space<hbm>>) target(%arg14 : memref<64x128xf32, #tpu.memory_space<vmem>>) offsets(%dma_start3A_410 : memref<64xi32, #tpu.memory_space<vmem>>) semaphore(%arg16 : memref<!tpu.dma_semaphore, #tpu.memory_space<semaphore_mem>>)
        %add3A_414 = arith.constant 1 : i32
        %add3A_415 = arith.addi %add3A_350, %add3A_414 : i32
        %dma_start3A_416 = arith.constant 0 : i32
        %dma_start3A_417 = arith.constant 0 : i32
        %dma_start3A_418 = arith.constant 0 : i32
        %dma_start3A_419 = tpu.memref_slice %arg5[%add3A, %dma_start3A_416, %add3A_415, %dma_start3A_417, %dma_start3A_418] : memref<32x5x32x64x16xf32, #tpu.memory_space<hbm>> -> memref<1x1x1x64x16xf32, #tpu.memory_space<hbm>>
        %dma_start3A_420 = tpu.memref_squeeze %dma_start3A_419 : memref<1x1x1x64x16xf32, #tpu.memory_space<hbm>> -> memref<64x16xf32, #tpu.memory_space<hbm>>
        %dma_start3A_421 = arith.constant 0 : i32
        %dma_start3A_422 = arith.constant 0 : i32
        %dma_start3A_423 = tpu.memref_slice %arg5[%add3A, %dma_start3A_416, %add3A_415, %dma_start3A_421, %dma_start3A_422] : memref<32x5x32x64x16xf32, #tpu.memory_space<hbm>> -> memref<1x1x1x64x16xf32, #tpu.memory_space<hbm>>
        %dma_start3A_424 = tpu.memref_squeeze %dma_start3A_423 : memref<1x1x1x64x16xf32, #tpu.memory_space<hbm>> -> memref<64x16xf32, #tpu.memory_space<hbm>>
        tpu.enqueue_dma source(%dma_start3A_424 : memref<64x16xf32, #tpu.memory_space<hbm>>) target(%arg12 : memref<64x16xf32, #tpu.memory_space<vmem>>) target_semaphore(%arg17 : memref<!tpu.dma_semaphore, #tpu.memory_space<semaphore_mem>>)
      } else {
      }
      %scan3A_370 = arith.constant 0 : i32
      %scan3A_371 = arith.constant 0 : i32
      %scan3A_372 = arith.constant 64 : i32
      %scan3A_373 = arith.addi %scan3A_371, %scan3A_372 : i32
      %scan3A_374 = arith.constant 1 : i32
      scf.for %scan3A_406 = %scan3A_371 to %scan3A_373 step %scan3A_374  : i32 {
        %get3A = arith.index_cast %scan3A_406 : i32 to index
        %get3A_407 = arith.constant 0 : index
        %get3A_408 = tpu.vector_load %arg11[%get3A, %get3A_407] {strides = array<i32>} : memref<64x16xf32, #tpu.memory_space<vmem>>, vector<1x16xf32>,
        %get3A_409 = vector.shape_cast %get3A_408 : vector<1x16xf32> to vector<16xf32>
        %get3A_410 = arith.index_cast %scan3A_406 : i32 to index
        %get3A_411 = arith.constant 0 : index
        %get3A_412 = tpu.vector_load %arg13[%get3A_410, %get3A_411] {strides = array<i32>} : memref<64x128xf32, #tpu.memory_space<vmem>>, vector<1x16xf32>,
        %get3A_413 = vector.shape_cast %get3A_412 : vector<1x16xf32> to vector<16xf32>
        %mul3A_414 = arith.mulf %get3A_413, %get3A_409 : vector<16xf32>
        %swap3A = arith.index_cast %scan3A_406 : i32 to index
        %swap3A_415 = arith.constant 0 : index
        %swap3A_416 = tpu.vector_load %arg13[%swap3A, %swap3A_415] {strides = array<i32>} : memref<64x128xf32, #tpu.memory_space<vmem>>, vector<1x16xf32>,
        %swap3A_417 = vector.shape_cast %swap3A_416 : vector<1x16xf32> to vector<16xf32>
        %swap3A_418 = vector.shape_cast %mul3A_414 : vector<16xf32> to vector<1x16xf32>
        tpu.vector_store %arg13[%swap3A, %swap3A_415], %swap3A_418 {strides = array<i32>} : memref<64x128xf32, #tpu.memory_space<vmem>>, vector<1x16xf32>,
        %get3A_419 = arith.index_cast %scan3A_406 : i32 to index
        %get3A_420 = arith.constant 16 : index
        %get3A_421 = tpu.vector_load %arg13[%get3A_419, %get3A_420] {strides = array<i32>} : memref<64x128xf32, #tpu.memory_space<vmem>>, vector<1x16xf32>,
        %get3A_422 = vector.shape_cast %get3A_421 : vector<1x16xf32> to vector<16xf32>
        %mul3A_423 = arith.mulf %get3A_422, %get3A_409 : vector<16xf32>
        %swap3A_424 = arith.index_cast %scan3A_406 : i32 to index
        %swap3A_425 = arith.constant 16 : index
        %swap3A_426 = tpu.vector_load %arg13[%swap3A_424, %swap3A_425] {strides = array<i32>} : memref<64x128xf32, #tpu.memory_space<vmem>>, vector<1x16xf32>,
        %swap3A_427 = vector.shape_cast %swap3A_426 : vector<1x16xf32> to vector<16xf32>
        %swap3A_428 = vector.shape_cast %mul3A_423 : vector<16xf32> to vector<1x16xf32>
        tpu.vector_store %arg13[%swap3A_424, %swap3A_425], %swap3A_428 {strides = array<i32>} : memref<64x128xf32, #tpu.memory_space<vmem>>, vector<1x16xf32>,
        %get3A_429 = arith.index_cast %scan3A_406 : i32 to index
        %get3A_430 = arith.constant 32 : index
        %get3A_431 = tpu.vector_load %arg13[%get3A_429, %get3A_430] {strides = array<i32>} : memref<64x128xf32, #tpu.memory_space<vmem>>, vector<1x16xf32>,
        %get3A_432 = vector.shape_cast %get3A_431 : vector<1x16xf32> to vector<16xf32>
        %mul3A_433 = arith.mulf %get3A_432, %get3A_409 : vector<16xf32>
        %swap3A_434 = arith.index_cast %scan3A_406 : i32 to index
        %swap3A_435 = arith.constant 32 : index
        %swap3A_436 = tpu.vector_load %arg13[%swap3A_434, %swap3A_435] {strides = array<i32>} : memref<64x128xf32, #tpu.memory_space<vmem>>, vector<1x16xf32>,
        %swap3A_437 = vector.shape_cast %swap3A_436 : vector<1x16xf32> to vector<16xf32>
        %swap3A_438 = vector.shape_cast %mul3A_433 : vector<16xf32> to vector<1x16xf32>
        tpu.vector_store %arg13[%swap3A_434, %swap3A_435], %swap3A_438 {strides = array<i32>} : memref<64x128xf32, #tpu.memory_space<vmem>>, vector<1x16xf32>,
        %get3A_439 = arith.index_cast %scan3A_406 : i32 to index
        %get3A_440 = arith.constant 48 : index
        %get3A_441 = tpu.vector_load %arg13[%get3A_439, %get3A_440] {strides = array<i32>} : memref<64x128xf32, #tpu.memory_space<vmem>>, vector<1x16xf32>,
        %get3A_442 = vector.shape_cast %get3A_441 : vector<1x16xf32> to vector<16xf32>
        %mul3A_443 = arith.mulf %get3A_442, %get3A_409 : vector<16xf32>
        %swap3A_444 = arith.index_cast %scan3A_406 : i32 to index
        %swap3A_445 = arith.constant 48 : index
        %swap3A_446 = tpu.vector_load %arg13[%swap3A_444, %swap3A_445] {strides = array<i32>} : memref<64x128xf32, #tpu.memory_space<vmem>>, vector<1x16xf32>,
        %swap3A_447 = vector.shape_cast %swap3A_446 : vector<1x16xf32> to vector<16xf32>
        %swap3A_448 = vector.shape_cast %mul3A_443 : vector<16xf32> to vector<1x16xf32>
        tpu.vector_store %arg13[%swap3A_444, %swap3A_445], %swap3A_448 {strides = array<i32>} : memref<64x128xf32, #tpu.memory_space<vmem>>, vector<1x16xf32>,
        %get3A_449 = arith.index_cast %scan3A_406 : i32 to index
        %get3A_450 = arith.constant 64 : index
        %get3A_451 = tpu.vector_load %arg13[%get3A_449, %get3A_450] {strides = array<i32>} : memref<64x128xf32, #tpu.memory_space<vmem>>, vector<1x16xf32>,
        %get3A_452 = vector.shape_cast %get3A_451 : vector<1x16xf32> to vector<16xf32>
        %mul3A_453 = arith.mulf %get3A_452, %get3A_409 : vector<16xf32>
        %swap3A_454 = arith.index_cast %scan3A_406 : i32 to index
        %swap3A_455 = arith.constant 64 : index
        %swap3A_456 = tpu.vector_load %arg13[%swap3A_454, %swap3A_455] {strides = array<i32>} : memref<64x128xf32, #tpu.memory_space<vmem>>, vector<1x16xf32>,
        %swap3A_457 = vector.shape_cast %swap3A_456 : vector<1x16xf32> to vector<16xf32>
        %swap3A_458 = vector.shape_cast %mul3A_453 : vector<16xf32> to vector<1x16xf32>
        tpu.vector_store %arg13[%swap3A_454, %swap3A_455], %swap3A_458 {strides = array<i32>} : memref<64x128xf32, #tpu.memory_space<vmem>>, vector<1x16xf32>,
        %get3A_459 = arith.index_cast %scan3A_406 : i32 to index
        %get3A_460 = arith.constant 80 : index
        %get3A_461 = tpu.vector_load %arg13[%get3A_459, %get3A_460] {strides = array<i32>} : memref<64x128xf32, #tpu.memory_space<vmem>>, vector<1x16xf32>,
        %get3A_462 = vector.shape_cast %get3A_461 : vector<1x16xf32> to vector<16xf32>
        %mul3A_463 = arith.mulf %get3A_462, %get3A_409 : vector<16xf32>
        %swap3A_464 = arith.index_cast %scan3A_406 : i32 to index
        %swap3A_465 = arith.constant 80 : index
        %swap3A_466 = tpu.vector_load %arg13[%swap3A_464, %swap3A_465] {strides = array<i32>} : memref<64x128xf32, #tpu.memory_space<vmem>>, vector<1x16xf32>,
        %swap3A_467 = vector.shape_cast %swap3A_466 : vector<1x16xf32> to vector<16xf32>
        %swap3A_468 = vector.shape_cast %mul3A_463 : vector<16xf32> to vector<1x16xf32>
        tpu.vector_store %arg13[%swap3A_464, %swap3A_465], %swap3A_468 {strides = array<i32>} : memref<64x128xf32, #tpu.memory_space<vmem>>, vector<1x16xf32>,
        %get3A_469 = arith.index_cast %scan3A_406 : i32 to index
        %get3A_470 = arith.constant 96 : index
        %get3A_471 = tpu.vector_load %arg13[%get3A_469, %get3A_470] {strides = array<i32>} : memref<64x128xf32, #tpu.memory_space<vmem>>, vector<1x16xf32>,
        %get3A_472 = vector.shape_cast %get3A_471 : vector<1x16xf32> to vector<16xf32>
        %mul3A_473 = arith.mulf %get3A_472, %get3A_409 : vector<16xf32>
        %swap3A_474 = arith.index_cast %scan3A_406 : i32 to index
        %swap3A_475 = arith.constant 96 : index
        %swap3A_476 = tpu.vector_load %arg13[%swap3A_474, %swap3A_475] {strides = array<i32>} : memref<64x128xf32, #tpu.memory_space<vmem>>, vector<1x16xf32>,
        %swap3A_477 = vector.shape_cast %swap3A_476 : vector<1x16xf32> to vector<16xf32>
        %swap3A_478 = vector.shape_cast %mul3A_473 : vector<16xf32> to vector<1x16xf32>
        tpu.vector_store %arg13[%swap3A_474, %swap3A_475], %swap3A_478 {strides = array<i32>} : memref<64x128xf32, #tpu.memory_space<vmem>>, vector<1x16xf32>,
        %get3A_479 = arith.index_cast %scan3A_406 : i32 to index
        %get3A_480 = arith.constant 112 : index
        %get3A_481 = tpu.vector_load %arg13[%get3A_479, %get3A_480] {strides = array<i32>} : memref<64x128xf32, #tpu.memory_space<vmem>>, vector<1x16xf32>,
        %get3A_482 = vector.shape_cast %get3A_481 : vector<1x16xf32> to vector<16xf32>
        %mul3A_483 = arith.mulf %get3A_482, %get3A_409 : vector<16xf32>
        %swap3A_484 = arith.index_cast %scan3A_406 : i32 to index
        %swap3A_485 = arith.constant 112 : index
        %swap3A_486 = tpu.vector_load %arg13[%swap3A_484, %swap3A_485] {strides = array<i32>} : memref<64x128xf32, #tpu.memory_space<vmem>>, vector<1x16xf32>,
        %swap3A_487 = vector.shape_cast %swap3A_486 : vector<1x16xf32> to vector<16xf32>
        %swap3A_488 = vector.shape_cast %mul3A_483 : vector<16xf32> to vector<1x16xf32>
        tpu.vector_store %arg13[%swap3A_484, %swap3A_485], %swap3A_488 {strides = array<i32>} : memref<64x128xf32, #tpu.memory_space<vmem>>, vector<1x16xf32>,
      }
      %scan3A_375 = arith.constant 64 : i32
      "tpu.region"() ({
        %run_scoped3A_406 = tpu.sem_alloc : memref<!tpu.dma_semaphore, #tpu.memory_space<semaphore_mem>>
        %dma_start3A_407 = arith.constant 0 : i32
        %dma_start3A_408 = tpu.memref_slice %arg9[%add3A_350, %dma_start3A_407] : memref<32x64xi32, #tpu.memory_space<vmem>> -> memref<1x64xi32, #tpu.memory_space<vmem>>
        %dma_start3A_409 = tpu.memref_squeeze %dma_start3A_408 : memref<1x64xi32, #tpu.memory_space<vmem>> -> memref<64xi32, #tpu.memory_space<vmem>>
        %dma_start3A_410 = arith.constant 0 : i32
        %dma_start3A_411 = arith.constant 0 : i32
        %dma_start3A_412 = tpu.memref_slice %arg15[%dma_start3A_410, %dma_start3A_411] : memref<10112x128xf32, #tpu.memory_space<vmem_shared>> -> memref<10112x128xf32, #tpu.memory_space<vmem_shared>>
        tpu.enqueue_indirect_dma source(%arg13 : memref<64x128xf32, #tpu.memory_space<vmem>>) target(%dma_start3A_412 : memref<10112x128xf32, #tpu.memory_space<vmem_shared>>) offsets(%dma_start3A_409 : memref<64xi32, #tpu.memory_space<vmem>>) semaphore(%run_scoped3A_406 : memref<!tpu.dma_semaphore, #tpu.memory_space<semaphore_mem>>) {add = true}
        %dma_wait3A_413 = arith.constant 0 : i32
        %dma_wait3A_414 = tpu.memref_slice %arg9[%add3A_350, %dma_wait3A_413] : memref<32x64xi32, #tpu.memory_space<vmem>> -> memref<1x64xi32, #tpu.memory_space<vmem>>
        %dma_wait3A_415 = tpu.memref_squeeze %dma_wait3A_414 : memref<1x64xi32, #tpu.memory_space<vmem>> -> memref<64xi32, #tpu.memory_space<vmem>>
        %dma_wait3A_416 = arith.constant 0 : i32
        %dma_wait3A_417 = arith.constant 0 : i32
        %dma_wait3A_418 = tpu.memref_slice %arg15[%dma_wait3A_416, %dma_wait3A_417] : memref<10112x128xf32, #tpu.memory_space<vmem_shared>> -> memref<10112x128xf32, #tpu.memory_space<vmem_shared>>
        tpu.wait_indirect_dma semaphore(%run_scoped3A_406 : memref<!tpu.dma_semaphore, #tpu.memory_space<semaphore_mem>>) src(%arg13 : memref<64x128xf32, #tpu.memory_space<vmem>>) dst(%dma_wait3A_418 : memref<10112x128xf32, #tpu.memory_space<vmem_shared>>)
        tpu.yield
      }) : () -> ()
      %add3A_376 = arith.constant 1 : i32
      %add3A_377 = arith.addi %mul3A_348, %add3A_376 : i32
      %dma_wait3A_378 = arith.constant 0 : i32
      %dma_wait3A_379 = tpu.memref_slice %arg7[%add3A_377, %dma_wait3A_378] : memref<32x64xi32, #tpu.memory_space<vmem>> -> memref<1x64xi32, #tpu.memory_space<vmem>>
      %dma_wait3A_380 = tpu.memref_squeeze %dma_wait3A_379 : memref<1x64xi32, #tpu.memory_space<vmem>> -> memref<64xi32, #tpu.memory_space<vmem>>
      %dma_wait3A_381 = arith.constant 0 : i32
      %dma_wait3A_382 = arith.constant 0 : i32
      %dma_wait3A_383 = tpu.memref_slice %arg2[%dma_wait3A_381, %dma_wait3A_382] : memref<10000x128xf32, #tpu.memory_space<hbm>> -> memref<10000x128xf32, #tpu.memory_space<hbm>>
      tpu.wait_indirect_dma semaphore(%arg16 : memref<!tpu.dma_semaphore, #tpu.memory_space<semaphore_mem>>) src(%dma_wait3A_383 : memref<10000x128xf32, #tpu.memory_space<hbm>>) dst(%arg14 : memref<64x128xf32, #tpu.memory_space<vmem>>)
      %dma_wait3A_384 = arith.constant 0 : i32
      %dma_wait3A_385 = arith.constant 0 : i32
      %dma_wait3A_386 = arith.constant 0 : i32
      %dma_wait3A_387 = tpu.memref_slice %arg5[%add3A, %dma_wait3A_384, %add3A_377, %dma_wait3A_385, %dma_wait3A_386] : memref<32x5x32x64x16xf32, #tpu.memory_space<hbm>> -> memref<1x1x1x64x16xf32, #tpu.memory_space<hbm>>
      %dma_wait3A_388 = tpu.memref_squeeze %dma_wait3A_387 : memref<1x1x1x64x16xf32, #tpu.memory_space<hbm>> -> memref<64x16xf32, #tpu.memory_space<hbm>>
      %dma_wait3A_389 = arith.constant 0 : i32
      %dma_wait3A_390 = arith.constant 0 : i32
      %dma_wait3A_391 = tpu.memref_slice %arg5[%add3A, %dma_wait3A_384, %add3A_377, %dma_wait3A_389, %dma_wait3A_390] : memref<32x5x32x64x16xf32, #tpu.memory_space<hbm>> -> memref<1x1x1x64x16xf32, #tpu.memory_space<hbm>>
      %dma_wait3A_392 = tpu.memref_squeeze %dma_wait3A_391 : memref<1x1x1x64x16xf32, #tpu.memory_space<hbm>> -> memref<64x16xf32, #tpu.memory_space<hbm>>
      tpu.wait_dma2 semaphore(%arg17 : memref<!tpu.dma_semaphore, #tpu.memory_space<semaphore_mem>>) src(%dma_wait3A_392 : memref<64x16xf32, #tpu.memory_space<hbm>>) dst(%arg12 : memref<64x16xf32, #tpu.memory_space<vmem>>)
      %add3A_393 = arith.constant 1 : i32
      %add3A_394 = arith.addi %add3A_377, %add3A_393 : i32
      %lt3A_395 = arith.constant 32 : i32
      %lt3A_396 = arith.cmpi slt, %add3A_394, %lt3A_395 : i32
      %convert_element_type3A_397 = arith.extui %lt3A_396 : i1 to i32
      %cond3A_398 = arith.constant 0 : i32
      %cond3A_399 = arith.cmpi ne, %convert_element_type3A_397, %cond3A_398 : i32
      scf.if %cond3A_399 {
        %add3A_406 = arith.constant 1 : i32
        %add3A_407 = arith.addi %add3A_377, %add3A_406 : i32
        %dma_start3A_408 = arith.constant 0 : i32
        %dma_start3A_409 = tpu.memref_slice %arg7[%add3A_407, %dma_start3A_408] : memref<32x64xi32, #tpu.memory_space<vmem>> -> memref<1x64xi32, #tpu.memory_space<vmem>>
        %dma_start3A_410 = tpu.memref_squeeze %dma_start3A_409 : memref<1x64xi32, #tpu.memory_space<vmem>> -> memref<64xi32, #tpu.memory_space<vmem>>
        %dma_start3A_411 = arith.constant 0 : i32
        %dma_start3A_412 = arith.constant 0 : i32
        %dma_start3A_413 = tpu.memref_slice %arg2[%dma_start3A_411, %dma_start3A_412] : memref<10000x128xf32, #tpu.memory_space<hbm>> -> memref<10000x128xf32, #tpu.memory_space<hbm>>
        tpu.enqueue_indirect_dma source(%dma_start3A_413 : memref<10000x128xf32, #tpu.memory_space<hbm>>) target(%arg13 : memref<64x128xf32, #tpu.memory_space<vmem>>) offsets(%dma_start3A_410 : memref<64xi32, #tpu.memory_space<vmem>>) semaphore(%arg16 : memref<!tpu.dma_semaphore, #tpu.memory_space<semaphore_mem>>)
        %add3A_414 = arith.constant 1 : i32
        %add3A_415 = arith.addi %add3A_377, %add3A_414 : i32
        %dma_start3A_416 = arith.constant 0 : i32
        %dma_start3A_417 = arith.constant 0 : i32
        %dma_start3A_418 = arith.constant 0 : i32
        %dma_start3A_419 = tpu.memref_slice %arg5[%add3A, %dma_start3A_416, %add3A_415, %dma_start3A_417, %dma_start3A_418] : memref<32x5x32x64x16xf32, #tpu.memory_space<hbm>> -> memref<1x1x1x64x16xf32, #tpu.memory_space<hbm>>
        %dma_start3A_420 = tpu.memref_squeeze %dma_start3A_419 : memref<1x1x1x64x16xf32, #tpu.memory_space<hbm>> -> memref<64x16xf32, #tpu.memory_space<hbm>>
        %dma_start3A_421 = arith.constant 0 : i32
        %dma_start3A_422 = arith.constant 0 : i32
        %dma_start3A_423 = tpu.memref_slice %arg5[%add3A, %dma_start3A_416, %add3A_415, %dma_start3A_421, %dma_start3A_422] : memref<32x5x32x64x16xf32, #tpu.memory_space<hbm>> -> memref<1x1x1x64x16xf32, #tpu.memory_space<hbm>>
        %dma_start3A_424 = tpu.memref_squeeze %dma_start3A_423 : memref<1x1x1x64x16xf32, #tpu.memory_space<hbm>> -> memref<64x16xf32, #tpu.memory_space<hbm>>
        tpu.enqueue_dma source(%dma_start3A_424 : memref<64x16xf32, #tpu.memory_space<hbm>>) target(%arg11 : memref<64x16xf32, #tpu.memory_space<vmem>>) target_semaphore(%arg17 : memref<!tpu.dma_semaphore, #tpu.memory_space<semaphore_mem>>)
      } else {
      }
      %scan3A_400 = arith.constant 0 : i32
      %scan3A_401 = arith.constant 0 : i32
      %scan3A_402 = arith.constant 64 : i32
      %scan3A_403 = arith.addi %scan3A_401, %scan3A_402 : i32
      %scan3A_404 = arith.constant 1 : i32
      scf.for %scan3A_406 = %scan3A_401 to %scan3A_403 step %scan3A_404  : i32 {
        %get3A = arith.index_cast %scan3A_406 : i32 to index
        %get3A_407 = arith.constant 0 : index
        %get3A_408 = tpu.vector_load %arg12[%get3A, %get3A_407] {strides = array<i32>} : memref<64x16xf32, #tpu.memory_space<vmem>>, vector<1x16xf32>,
        %get3A_409 = vector.shape_cast %get3A_408 : vector<1x16xf32> to vector<16xf32>
        %get3A_410 = arith.index_cast %scan3A_406 : i32 to index
        %get3A_411 = arith.constant 0 : index
        %get3A_412 = tpu.vector_load %arg14[%get3A_410, %get3A_411] {strides = array<i32>} : memref<64x128xf32, #tpu.memory_space<vmem>>, vector<1x16xf32>,
        %get3A_413 = vector.shape_cast %get3A_412 : vector<1x16xf32> to vector<16xf32>
        %mul3A_414 = arith.mulf %get3A_413, %get3A_409 : vector<16xf32>
        %swap3A = arith.index_cast %scan3A_406 : i32 to index
        %swap3A_415 = arith.constant 0 : index
        %swap3A_416 = tpu.vector_load %arg14[%swap3A, %swap3A_415] {strides = array<i32>} : memref<64x128xf32, #tpu.memory_space<vmem>>, vector<1x16xf32>,
        %swap3A_417 = vector.shape_cast %swap3A_416 : vector<1x16xf32> to vector<16xf32>
        %swap3A_418 = vector.shape_cast %mul3A_414 : vector<16xf32> to vector<1x16xf32>
        tpu.vector_store %arg14[%swap3A, %swap3A_415], %swap3A_418 {strides = array<i32>} : memref<64x128xf32, #tpu.memory_space<vmem>>, vector<1x16xf32>,
        %get3A_419 = arith.index_cast %scan3A_406 : i32 to index
        %get3A_420 = arith.constant 16 : index
        %get3A_421 = tpu.vector_load %arg14[%get3A_419, %get3A_420] {strides = array<i32>} : memref<64x128xf32, #tpu.memory_space<vmem>>, vector<1x16xf32>,
        %get3A_422 = vector.shape_cast %get3A_421 : vector<1x16xf32> to vector<16xf32>
        %mul3A_423 = arith.mulf %get3A_422, %get3A_409 : vector<16xf32>
        %swap3A_424 = arith.index_cast %scan3A_406 : i32 to index
        %swap3A_425 = arith.constant 16 : index
        %swap3A_426 = tpu.vector_load %arg14[%swap3A_424, %swap3A_425] {strides = array<i32>} : memref<64x128xf32, #tpu.memory_space<vmem>>, vector<1x16xf32>,
        %swap3A_427 = vector.shape_cast %swap3A_426 : vector<1x16xf32> to vector<16xf32>
        %swap3A_428 = vector.shape_cast %mul3A_423 : vector<16xf32> to vector<1x16xf32>
        tpu.vector_store %arg14[%swap3A_424, %swap3A_425], %swap3A_428 {strides = array<i32>} : memref<64x128xf32, #tpu.memory_space<vmem>>, vector<1x16xf32>,
        %get3A_429 = arith.index_cast %scan3A_406 : i32 to index
        %get3A_430 = arith.constant 32 : index
        %get3A_431 = tpu.vector_load %arg14[%get3A_429, %get3A_430] {strides = array<i32>} : memref<64x128xf32, #tpu.memory_space<vmem>>, vector<1x16xf32>,
        %get3A_432 = vector.shape_cast %get3A_431 : vector<1x16xf32> to vector<16xf32>
        %mul3A_433 = arith.mulf %get3A_432, %get3A_409 : vector<16xf32>
        %swap3A_434 = arith.index_cast %scan3A_406 : i32 to index
        %swap3A_435 = arith.constant 32 : index
        %swap3A_436 = tpu.vector_load %arg14[%swap3A_434, %swap3A_435] {strides = array<i32>} : memref<64x128xf32, #tpu.memory_space<vmem>>, vector<1x16xf32>,
        %swap3A_437 = vector.shape_cast %swap3A_436 : vector<1x16xf32> to vector<16xf32>
        %swap3A_438 = vector.shape_cast %mul3A_433 : vector<16xf32> to vector<1x16xf32>
        tpu.vector_store %arg14[%swap3A_434, %swap3A_435], %swap3A_438 {strides = array<i32>} : memref<64x128xf32, #tpu.memory_space<vmem>>, vector<1x16xf32>,
        %get3A_439 = arith.index_cast %scan3A_406 : i32 to index
        %get3A_440 = arith.constant 48 : index
        %get3A_441 = tpu.vector_load %arg14[%get3A_439, %get3A_440] {strides = array<i32>} : memref<64x128xf32, #tpu.memory_space<vmem>>, vector<1x16xf32>,
        %get3A_442 = vector.shape_cast %get3A_441 : vector<1x16xf32> to vector<16xf32>
        %mul3A_443 = arith.mulf %get3A_442, %get3A_409 : vector<16xf32>
        %swap3A_444 = arith.index_cast %scan3A_406 : i32 to index
        %swap3A_445 = arith.constant 48 : index
        %swap3A_446 = tpu.vector_load %arg14[%swap3A_444, %swap3A_445] {strides = array<i32>} : memref<64x128xf32, #tpu.memory_space<vmem>>, vector<1x16xf32>,
        %swap3A_447 = vector.shape_cast %swap3A_446 : vector<1x16xf32> to vector<16xf32>
        %swap3A_448 = vector.shape_cast %mul3A_443 : vector<16xf32> to vector<1x16xf32>
        tpu.vector_store %arg14[%swap3A_444, %swap3A_445], %swap3A_448 {strides = array<i32>} : memref<64x128xf32, #tpu.memory_space<vmem>>, vector<1x16xf32>,
        %get3A_449 = arith.index_cast %scan3A_406 : i32 to index
        %get3A_450 = arith.constant 64 : index
        %get3A_451 = tpu.vector_load %arg14[%get3A_449, %get3A_450] {strides = array<i32>} : memref<64x128xf32, #tpu.memory_space<vmem>>, vector<1x16xf32>,
        %get3A_452 = vector.shape_cast %get3A_451 : vector<1x16xf32> to vector<16xf32>
        %mul3A_453 = arith.mulf %get3A_452, %get3A_409 : vector<16xf32>
        %swap3A_454 = arith.index_cast %scan3A_406 : i32 to index
        %swap3A_455 = arith.constant 64 : index
        %swap3A_456 = tpu.vector_load %arg14[%swap3A_454, %swap3A_455] {strides = array<i32>} : memref<64x128xf32, #tpu.memory_space<vmem>>, vector<1x16xf32>,
        %swap3A_457 = vector.shape_cast %swap3A_456 : vector<1x16xf32> to vector<16xf32>
        %swap3A_458 = vector.shape_cast %mul3A_453 : vector<16xf32> to vector<1x16xf32>
        tpu.vector_store %arg14[%swap3A_454, %swap3A_455], %swap3A_458 {strides = array<i32>} : memref<64x128xf32, #tpu.memory_space<vmem>>, vector<1x16xf32>,
        %get3A_459 = arith.index_cast %scan3A_406 : i32 to index
        %get3A_460 = arith.constant 80 : index
        %get3A_461 = tpu.vector_load %arg14[%get3A_459, %get3A_460] {strides = array<i32>} : memref<64x128xf32, #tpu.memory_space<vmem>>, vector<1x16xf32>,
        %get3A_462 = vector.shape_cast %get3A_461 : vector<1x16xf32> to vector<16xf32>
        %mul3A_463 = arith.mulf %get3A_462, %get3A_409 : vector<16xf32>
        %swap3A_464 = arith.index_cast %scan3A_406 : i32 to index
        %swap3A_465 = arith.constant 80 : index
        %swap3A_466 = tpu.vector_load %arg14[%swap3A_464, %swap3A_465] {strides = array<i32>} : memref<64x128xf32, #tpu.memory_space<vmem>>, vector<1x16xf32>,
        %swap3A_467 = vector.shape_cast %swap3A_466 : vector<1x16xf32> to vector<16xf32>
        %swap3A_468 = vector.shape_cast %mul3A_463 : vector<16xf32> to vector<1x16xf32>
        tpu.vector_store %arg14[%swap3A_464, %swap3A_465], %swap3A_468 {strides = array<i32>} : memref<64x128xf32, #tpu.memory_space<vmem>>, vector<1x16xf32>,
        %get3A_469 = arith.index_cast %scan3A_406 : i32 to index
        %get3A_470 = arith.constant 96 : index
        %get3A_471 = tpu.vector_load %arg14[%get3A_469, %get3A_470] {strides = array<i32>} : memref<64x128xf32, #tpu.memory_space<vmem>>, vector<1x16xf32>,
        %get3A_472 = vector.shape_cast %get3A_471 : vector<1x16xf32> to vector<16xf32>
        %mul3A_473 = arith.mulf %get3A_472, %get3A_409 : vector<16xf32>
        %swap3A_474 = arith.index_cast %scan3A_406 : i32 to index
        %swap3A_475 = arith.constant 96 : index
        %swap3A_476 = tpu.vector_load %arg14[%swap3A_474, %swap3A_475] {strides = array<i32>} : memref<64x128xf32, #tpu.memory_space<vmem>>, vector<1x16xf32>,
        %swap3A_477 = vector.shape_cast %swap3A_476 : vector<1x16xf32> to vector<16xf32>
        %swap3A_478 = vector.shape_cast %mul3A_473 : vector<16xf32> to vector<1x16xf32>
        tpu.vector_store %arg14[%swap3A_474, %swap3A_475], %swap3A_478 {strides = array<i32>} : memref<64x128xf32, #tpu.memory_space<vmem>>, vector<1x16xf32>,
        %get3A_479 = arith.index_cast %scan3A_406 : i32 to index
        %get3A_480 = arith.constant 112 : index
        %get3A_481 = tpu.vector_load %arg14[%get3A_479, %get3A_480] {strides = array<i32>} : memref<64x128xf32, #tpu.memory_space<vmem>>, vector<1x16xf32>,
        %get3A_482 = vector.shape_cast %get3A_481 : vector<1x16xf32> to vector<16xf32>
        %mul3A_483 = arith.mulf %get3A_482, %get3A_409 : vector<16xf32>
        %swap3A_484 = arith.index_cast %scan3A_406 : i32 to index
        %swap3A_485 = arith.constant 112 : index
        %swap3A_486 = tpu.vector_load %arg14[%swap3A_484, %swap3A_485] {strides = array<i32>} : memref<64x128xf32, #tpu.memory_space<vmem>>, vector<1x16xf32>,
        %swap3A_487 = vector.shape_cast %swap3A_486 : vector<1x16xf32> to vector<16xf32>
        %swap3A_488 = vector.shape_cast %mul3A_483 : vector<16xf32> to vector<1x16xf32>
        tpu.vector_store %arg14[%swap3A_484, %swap3A_485], %swap3A_488 {strides = array<i32>} : memref<64x128xf32, #tpu.memory_space<vmem>>, vector<1x16xf32>,
      }
      %scan3A_405 = arith.constant 64 : i32
      "tpu.region"() ({
        %run_scoped3A_406 = tpu.sem_alloc : memref<!tpu.dma_semaphore, #tpu.memory_space<semaphore_mem>>
        %dma_start3A_407 = arith.constant 0 : i32
        %dma_start3A_408 = tpu.memref_slice %arg9[%add3A_377, %dma_start3A_407] : memref<32x64xi32, #tpu.memory_space<vmem>> -> memref<1x64xi32, #tpu.memory_space<vmem>>
        %dma_start3A_409 = tpu.memref_squeeze %dma_start3A_408 : memref<1x64xi32, #tpu.memory_space<vmem>> -> memref<64xi32, #tpu.memory_space<vmem>>
        %dma_start3A_410 = arith.constant 0 : i32
        %dma_start3A_411 = arith.constant 0 : i32
        %dma_start3A_412 = tpu.memref_slice %arg15[%dma_start3A_410, %dma_start3A_411] : memref<10112x128xf32, #tpu.memory_space<vmem_shared>> -> memref<10112x128xf32, #tpu.memory_space<vmem_shared>>
        tpu.enqueue_indirect_dma source(%arg14 : memref<64x128xf32, #tpu.memory_space<vmem>>) target(%dma_start3A_412 : memref<10112x128xf32, #tpu.memory_space<vmem_shared>>) offsets(%dma_start3A_409 : memref<64xi32, #tpu.memory_space<vmem>>) semaphore(%run_scoped3A_406 : memref<!tpu.dma_semaphore, #tpu.memory_space<semaphore_mem>>) {add = true}
        %dma_wait3A_413 = arith.constant 0 : i32
        %dma_wait3A_414 = tpu.memref_slice %arg9[%add3A_377, %dma_wait3A_413] : memref<32x64xi32, #tpu.memory_space<vmem>> -> memref<1x64xi32, #tpu.memory_space<vmem>>
        %dma_wait3A_415 = tpu.memref_squeeze %dma_wait3A_414 : memref<1x64xi32, #tpu.memory_space<vmem>> -> memref<64xi32, #tpu.memory_space<vmem>>
        %dma_wait3A_416 = arith.constant 0 : i32
        %dma_wait3A_417 = arith.constant 0 : i32
        %dma_wait3A_418 = tpu.memref_slice %arg15[%dma_wait3A_416, %dma_wait3A_417] : memref<10112x128xf32, #tpu.memory_space<vmem_shared>> -> memref<10112x128xf32, #tpu.memory_space<vmem_shared>>
        tpu.wait_indirect_dma semaphore(%run_scoped3A_406 : memref<!tpu.dma_semaphore, #tpu.memory_space<semaphore_mem>>) src(%arg14 : memref<64x128xf32, #tpu.memory_space<vmem>>) dst(%dma_wait3A_418 : memref<10112x128xf32, #tpu.memory_space<vmem_shared>>)
        tpu.yield
      }) : () -> ()
    }
    %scan3A_87 = arith.constant 16 : i32
    %dma_wait3A = arith.constant 1 : i32
    %dma_wait3A_88 = arith.constant 0 : i32
    %dma_wait3A_89 = arith.constant 0 : i32
    %dma_wait3A_90 = tpu.memref_slice %arg3[%add3A, %dma_wait3A, %dma_wait3A_88, %dma_wait3A_89] : memref<32x5x32x64xi32, #tpu.memory_space<hbm>> -> memref<1x1x32x64xi32, #tpu.memory_space<hbm>>
    %dma_wait3A_91 = tpu.memref_squeeze %dma_wait3A_90 : memref<1x1x32x64xi32, #tpu.memory_space<hbm>> -> memref<32x64xi32, #tpu.memory_space<hbm>>
    %dma_wait3A_92 = arith.constant 0 : i32
    %dma_wait3A_93 = arith.constant 0 : i32
    %dma_wait3A_94 = tpu.memref_slice %arg3[%add3A, %dma_wait3A, %dma_wait3A_92, %dma_wait3A_93] : memref<32x5x32x64xi32, #tpu.memory_space<hbm>> -> memref<1x1x32x64xi32, #tpu.memory_space<hbm>>
    %dma_wait3A_95 = tpu.memref_squeeze %dma_wait3A_94 : memref<1x1x32x64xi32, #tpu.memory_space<hbm>> -> memref<32x64xi32, #tpu.memory_space<hbm>>
    tpu.wait_dma2 semaphore(%arg18 : memref<!tpu.dma_semaphore, #tpu.memory_space<semaphore_mem>>) src(%dma_wait3A_95 : memref<32x64xi32, #tpu.memory_space<hbm>>) dst(%arg8 : memref<32x64xi32, #tpu.memory_space<vmem>>)
    %dma_wait3A_96 = arith.constant 1 : i32
    %dma_wait3A_97 = arith.constant 0 : i32
    %dma_wait3A_98 = arith.constant 0 : i32
    %dma_wait3A_99 = tpu.memref_slice %arg4[%add3A, %dma_wait3A_96, %dma_wait3A_97, %dma_wait3A_98] : memref<32x5x32x64xi32, #tpu.memory_space<hbm>> -> memref<1x1x32x64xi32, #tpu.memory_space<hbm>>
    %dma_wait3A_100 = tpu.memref_squeeze %dma_wait3A_99 : memref<1x1x32x64xi32, #tpu.memory_space<hbm>> -> memref<32x64xi32, #tpu.memory_space<hbm>>
    %dma_wait3A_101 = arith.constant 0 : i32
    %dma_wait3A_102 = arith.constant 0 : i32
    %dma_wait3A_103 = tpu.memref_slice %arg4[%add3A, %dma_wait3A_96, %dma_wait3A_101, %dma_wait3A_102] : memref<32x5x32x64xi32, #tpu.memory_space<hbm>> -> memref<1x1x32x64xi32, #tpu.memory_space<hbm>>
    %dma_wait3A_104 = tpu.memref_squeeze %dma_wait3A_103 : memref<1x1x32x64xi32, #tpu.memory_space<hbm>> -> memref<32x64xi32, #tpu.memory_space<hbm>>
    tpu.wait_dma2 semaphore(%arg18 : memref<!tpu.dma_semaphore, #tpu.memory_space<semaphore_mem>>) src(%dma_wait3A_104 : memref<32x64xi32, #tpu.memory_space<hbm>>) dst(%arg10 : memref<32x64xi32, #tpu.memory_space<vmem>>)
    %dma_start3A_105 = arith.constant 0 : i32
    %dma_start3A_106 = arith.constant 0 : i32
    %dma_start3A_107 = tpu.memref_slice %arg8[%dma_start3A_105, %dma_start3A_106] : memref<32x64xi32, #tpu.memory_space<vmem>> -> memref<1x64xi32, #tpu.memory_space<vmem>>
    %dma_start3A_108 = tpu.memref_squeeze %dma_start3A_107 : memref<1x64xi32, #tpu.memory_space<vmem>> -> memref<64xi32, #tpu.memory_space<vmem>>
    %dma_start3A_109 = arith.constant 0 : i32
    %dma_start3A_110 = arith.constant 0 : i32
    %dma_start3A_111 = tpu.memref_slice %arg2[%dma_start3A_109, %dma_start3A_110] : memref<10000x128xf32, #tpu.memory_space<hbm>> -> memref<10000x128xf32, #tpu.memory_space<hbm>>
    tpu.enqueue_indirect_dma source(%dma_start3A_111 : memref<10000x128xf32, #tpu.memory_space<hbm>>) target(%arg13 : memref<64x128xf32, #tpu.memory_space<vmem>>) offsets(%dma_start3A_108 : memref<64xi32, #tpu.memory_space<vmem>>) semaphore(%arg16 : memref<!tpu.dma_semaphore, #tpu.memory_space<semaphore_mem>>)
    %dma_start3A_112 = arith.constant 1 : i32
    %dma_start3A_113 = arith.constant 0 : i32
    %dma_start3A_114 = arith.constant 0 : i32
    %dma_start3A_115 = arith.constant 0 : i32
    %dma_start3A_116 = tpu.memref_slice %arg5[%add3A, %dma_start3A_112, %dma_start3A_113, %dma_start3A_114, %dma_start3A_115] : memref<32x5x32x64x16xf32, #tpu.memory_space<hbm>> -> memref<1x1x1x64x16xf32, #tpu.memory_space<hbm>>
    %dma_start3A_117 = tpu.memref_squeeze %dma_start3A_116 : memref<1x1x1x64x16xf32, #tpu.memory_space<hbm>> -> memref<64x16xf32, #tpu.memory_space<hbm>>
    %dma_start3A_118 = arith.constant 0 : i32
    %dma_start3A_119 = arith.constant 0 : i32
    %dma_start3A_120 = tpu.memref_slice %arg5[%add3A, %dma_start3A_112, %dma_start3A_113, %dma_start3A_118, %dma_start3A_119] : memref<32x5x32x64x16xf32, #tpu.memory_space<hbm>> -> memref<1x1x1x64x16xf32, #tpu.memory_space<hbm>>
    %dma_start3A_121 = tpu.memref_squeeze %dma_start3A_120 : memref<1x1x1x64x16xf32, #tpu.memory_space<hbm>> -> memref<64x16xf32, #tpu.memory_space<hbm>>
    tpu.enqueue_dma source(%dma_start3A_121 : memref<64x16xf32, #tpu.memory_space<hbm>>) target(%arg11 : memref<64x16xf32, #tpu.memory_space<vmem>>) target_semaphore(%arg17 : memref<!tpu.dma_semaphore, #tpu.memory_space<semaphore_mem>>)
    %dma_start3A_122 = arith.constant 2 : i32
    %dma_start3A_123 = arith.constant 0 : i32
    %dma_start3A_124 = arith.constant 0 : i32
    %dma_start3A_125 = tpu.memref_slice %arg3[%add3A, %dma_start3A_122, %dma_start3A_123, %dma_start3A_124] : memref<32x5x32x64xi32, #tpu.memory_space<hbm>> -> memref<1x1x32x64xi32, #tpu.memory_space<hbm>>
    %dma_start3A_126 = tpu.memref_squeeze %dma_start3A_125 : memref<1x1x32x64xi32, #tpu.memory_space<hbm>> -> memref<32x64xi32, #tpu.memory_space<hbm>>
    %dma_start3A_127 = arith.constant 0 : i32
    %dma_start3A_128 = arith.constant 0 : i32
    %dma_start3A_129 = tpu.memref_slice %arg3[%add3A, %dma_start3A_122, %dma_start3A_127, %dma_start3A_128] : memref<32x5x32x64xi32, #tpu.memory_space<hbm>> -> memref<1x1x32x64xi32, #tpu.memory_space<hbm>>
    %dma_start3A_130 = tpu.memref_squeeze %dma_start3A_129 : memref<1x1x32x64xi32, #tpu.memory_space<hbm>> -> memref<32x64xi32, #tpu.memory_space<hbm>>
    tpu.enqueue_dma source(%dma_start3A_130 : memref<32x64xi32, #tpu.memory_space<hbm>>) target(%arg7 : memref<32x64xi32, #tpu.memory_space<vmem>>) target_semaphore(%arg18 : memref<!tpu.dma_semaphore, #tpu.memory_space<semaphore_mem>>)
    %dma_start3A_131 = arith.constant 2 : i32
    %dma_start3A_132 = arith.constant 0 : i32
    %dma_start3A_133 = arith.constant 0 : i32
    %dma_start3A_134 = tpu.memref_slice %arg4[%add3A, %dma_start3A_131, %dma_start3A_132, %dma_start3A_133] : memref<32x5x32x64xi32, #tpu.memory_space<hbm>> -> memref<1x1x32x64xi32, #tpu.memory_space<hbm>>
    %dma_start3A_135 = tpu.memref_squeeze %dma_start3A_134 : memref<1x1x32x64xi32, #tpu.memory_space<hbm>> -> memref<32x64xi32, #tpu.memory_space<hbm>>
    %dma_start3A_136 = arith.constant 0 : i32
    %dma_start3A_137 = arith.constant 0 : i32
    %dma_start3A_138 = tpu.memref_slice %arg4[%add3A, %dma_start3A_131, %dma_start3A_136, %dma_start3A_137] : memref<32x5x32x64xi32, #tpu.memory_space<hbm>> -> memref<1x1x32x64xi32, #tpu.memory_space<hbm>>
    %dma_start3A_139 = tpu.memref_squeeze %dma_start3A_138 : memref<1x1x32x64xi32, #tpu.memory_space<hbm>> -> memref<32x64xi32, #tpu.memory_space<hbm>>
    tpu.enqueue_dma source(%dma_start3A_139 : memref<32x64xi32, #tpu.memory_space<hbm>>) target(%arg9 : memref<32x64xi32, #tpu.memory_space<vmem>>) target_semaphore(%arg18 : memref<!tpu.dma_semaphore, #tpu.memory_space<semaphore_mem>>)
    %scan3A_140 = arith.constant 0 : i32
    %scan3A_141 = arith.constant 0 : i32
    %scan3A_142 = arith.constant 16 : i32
    %scan3A_143 = arith.addi %scan3A_141, %scan3A_142 : i32
    %scan3A_144 = arith.constant 1 : i32
    scf.for %scan3A_346 = %scan3A_141 to %scan3A_143 step %scan3A_144  : i32 {
      %mul3A_347 = arith.constant 2 : i32
      %mul3A_348 = arith.muli %scan3A_346, %mul3A_347 : i32
      %add3A_349 = arith.constant 0 : i32
      %add3A_350 = arith.addi %mul3A_348, %add3A_349 : i32
      %dma_wait3A_351 = arith.constant 0 : i32
      %dma_wait3A_352 = tpu.memref_slice %arg8[%add3A_350, %dma_wait3A_351] : memref<32x64xi32, #tpu.memory_space<vmem>> -> memref<1x64xi32, #tpu.memory_space<vmem>>
      %dma_wait3A_353 = tpu.memref_squeeze %dma_wait3A_352 : memref<1x64xi32, #tpu.memory_space<vmem>> -> memref<64xi32, #tpu.memory_space<vmem>>
      %dma_wait3A_354 = arith.constant 0 : i32
      %dma_wait3A_355 = arith.constant 0 : i32
      %dma_wait3A_356 = tpu.memref_slice %arg2[%dma_wait3A_354, %dma_wait3A_355] : memref<10000x128xf32, #tpu.memory_space<hbm>> -> memref<10000x128xf32, #tpu.memory_space<hbm>>
      tpu.wait_indirect_dma semaphore(%arg16 : memref<!tpu.dma_semaphore, #tpu.memory_space<semaphore_mem>>) src(%dma_wait3A_356 : memref<10000x128xf32, #tpu.memory_space<hbm>>) dst(%arg13 : memref<64x128xf32, #tpu.memory_space<vmem>>)
      %dma_wait3A_357 = arith.constant 1 : i32
      %dma_wait3A_358 = arith.constant 0 : i32
      %dma_wait3A_359 = arith.constant 0 : i32
      %dma_wait3A_360 = tpu.memref_slice %arg5[%add3A, %dma_wait3A_357, %add3A_350, %dma_wait3A_358, %dma_wait3A_359] : memref<32x5x32x64x16xf32, #tpu.memory_space<hbm>> -> memref<1x1x1x64x16xf32, #tpu.memory_space<hbm>>
      %dma_wait3A_361 = tpu.memref_squeeze %dma_wait3A_360 : memref<1x1x1x64x16xf32, #tpu.memory_space<hbm>> -> memref<64x16xf32, #tpu.memory_space<hbm>>
      %dma_wait3A_362 = arith.constant 0 : i32
      %dma_wait3A_363 = arith.constant 0 : i32
      %dma_wait3A_364 = tpu.memref_slice %arg5[%add3A, %dma_wait3A_357, %add3A_350, %dma_wait3A_362, %dma_wait3A_363] : memref<32x5x32x64x16xf32, #tpu.memory_space<hbm>> -> memref<1x1x1x64x16xf32, #tpu.memory_space<hbm>>
      %dma_wait3A_365 = tpu.memref_squeeze %dma_wait3A_364 : memref<1x1x1x64x16xf32, #tpu.memory_space<hbm>> -> memref<64x16xf32, #tpu.memory_space<hbm>>
      tpu.wait_dma2 semaphore(%arg17 : memref<!tpu.dma_semaphore, #tpu.memory_space<semaphore_mem>>) src(%dma_wait3A_365 : memref<64x16xf32, #tpu.memory_space<hbm>>) dst(%arg11 : memref<64x16xf32, #tpu.memory_space<vmem>>)
      %add3A_366 = arith.constant 1 : i32
      %add3A_367 = arith.addi %add3A_350, %add3A_366 : i32
      %lt3A = arith.constant 32 : i32
      %lt3A_368 = arith.cmpi slt, %add3A_367, %lt3A : i32
      %convert_element_type3A = arith.extui %lt3A_368 : i1 to i32
      %cond3A = arith.constant 0 : i32
      %cond3A_369 = arith.cmpi ne, %convert_element_type3A, %cond3A : i32
      scf.if %cond3A_369 {
        %add3A_406 = arith.constant 1 : i32
        %add3A_407 = arith.addi %add3A_350, %add3A_406 : i32
        %dma_start3A_408 = arith.constant 0 : i32
        %dma_start3A_409 = tpu.memref_slice %arg8[%add3A_407, %dma_start3A_408] : memref<32x64xi32, #tpu.memory_space<vmem>> -> memref<1x64xi32, #tpu.memory_space<vmem>>
        %dma_start3A_410 = tpu.memref_squeeze %dma_start3A_409 : memref<1x64xi32, #tpu.memory_space<vmem>> -> memref<64xi32, #tpu.memory_space<vmem>>
        %dma_start3A_411 = arith.constant 0 : i32
        %dma_start3A_412 = arith.constant 0 : i32
        %dma_start3A_413 = tpu.memref_slice %arg2[%dma_start3A_411, %dma_start3A_412] : memref<10000x128xf32, #tpu.memory_space<hbm>> -> memref<10000x128xf32, #tpu.memory_space<hbm>>
        tpu.enqueue_indirect_dma source(%dma_start3A_413 : memref<10000x128xf32, #tpu.memory_space<hbm>>) target(%arg14 : memref<64x128xf32, #tpu.memory_space<vmem>>) offsets(%dma_start3A_410 : memref<64xi32, #tpu.memory_space<vmem>>) semaphore(%arg16 : memref<!tpu.dma_semaphore, #tpu.memory_space<semaphore_mem>>)
        %add3A_414 = arith.constant 1 : i32
        %add3A_415 = arith.addi %add3A_350, %add3A_414 : i32
        %dma_start3A_416 = arith.constant 1 : i32
        %dma_start3A_417 = arith.constant 0 : i32
        %dma_start3A_418 = arith.constant 0 : i32
        %dma_start3A_419 = tpu.memref_slice %arg5[%add3A, %dma_start3A_416, %add3A_415, %dma_start3A_417, %dma_start3A_418] : memref<32x5x32x64x16xf32, #tpu.memory_space<hbm>> -> memref<1x1x1x64x16xf32, #tpu.memory_space<hbm>>
        %dma_start3A_420 = tpu.memref_squeeze %dma_start3A_419 : memref<1x1x1x64x16xf32, #tpu.memory_space<hbm>> -> memref<64x16xf32, #tpu.memory_space<hbm>>
        %dma_start3A_421 = arith.constant 0 : i32
        %dma_start3A_422 = arith.constant 0 : i32
        %dma_start3A_423 = tpu.memref_slice %arg5[%add3A, %dma_start3A_416, %add3A_415, %dma_start3A_421, %dma_start3A_422] : memref<32x5x32x64x16xf32, #tpu.memory_space<hbm>> -> memref<1x1x1x64x16xf32, #tpu.memory_space<hbm>>
        %dma_start3A_424 = tpu.memref_squeeze %dma_start3A_423 : memref<1x1x1x64x16xf32, #tpu.memory_space<hbm>> -> memref<64x16xf32, #tpu.memory_space<hbm>>
        tpu.enqueue_dma source(%dma_start3A_424 : memref<64x16xf32, #tpu.memory_space<hbm>>) target(%arg12 : memref<64x16xf32, #tpu.memory_space<vmem>>) target_semaphore(%arg17 : memref<!tpu.dma_semaphore, #tpu.memory_space<semaphore_mem>>)
      } else {
      }
      %scan3A_370 = arith.constant 0 : i32
      %scan3A_371 = arith.constant 0 : i32
      %scan3A_372 = arith.constant 64 : i32
      %scan3A_373 = arith.addi %scan3A_371, %scan3A_372 : i32
      %scan3A_374 = arith.constant 1 : i32
      scf.for %scan3A_406 = %scan3A_371 to %scan3A_373 step %scan3A_374  : i32 {
        %get3A = arith.index_cast %scan3A_406 : i32 to index
        %get3A_407 = arith.constant 0 : index
        %get3A_408 = tpu.vector_load %arg11[%get3A, %get3A_407] {strides = array<i32>} : memref<64x16xf32, #tpu.memory_space<vmem>>, vector<1x16xf32>,
        %get3A_409 = vector.shape_cast %get3A_408 : vector<1x16xf32> to vector<16xf32>
        %get3A_410 = arith.index_cast %scan3A_406 : i32 to index
        %get3A_411 = arith.constant 0 : index
        %get3A_412 = tpu.vector_load %arg13[%get3A_410, %get3A_411] {strides = array<i32>} : memref<64x128xf32, #tpu.memory_space<vmem>>, vector<1x16xf32>,
        %get3A_413 = vector.shape_cast %get3A_412 : vector<1x16xf32> to vector<16xf32>
        %mul3A_414 = arith.mulf %get3A_413, %get3A_409 : vector<16xf32>
        %swap3A = arith.index_cast %scan3A_406 : i32 to index
        %swap3A_415 = arith.constant 0 : index
        %swap3A_416 = tpu.vector_load %arg13[%swap3A, %swap3A_415] {strides = array<i32>} : memref<64x128xf32, #tpu.memory_space<vmem>>, vector<1x16xf32>,
        %swap3A_417 = vector.shape_cast %swap3A_416 : vector<1x16xf32> to vector<16xf32>
        %swap3A_418 = vector.shape_cast %mul3A_414 : vector<16xf32> to vector<1x16xf32>
        tpu.vector_store %arg13[%swap3A, %swap3A_415], %swap3A_418 {strides = array<i32>} : memref<64x128xf32, #tpu.memory_space<vmem>>, vector<1x16xf32>,
        %get3A_419 = arith.index_cast %scan3A_406 : i32 to index
        %get3A_420 = arith.constant 16 : index
        %get3A_421 = tpu.vector_load %arg13[%get3A_419, %get3A_420] {strides = array<i32>} : memref<64x128xf32, #tpu.memory_space<vmem>>, vector<1x16xf32>,
        %get3A_422 = vector.shape_cast %get3A_421 : vector<1x16xf32> to vector<16xf32>
        %mul3A_423 = arith.mulf %get3A_422, %get3A_409 : vector<16xf32>
        %swap3A_424 = arith.index_cast %scan3A_406 : i32 to index
        %swap3A_425 = arith.constant 16 : index
        %swap3A_426 = tpu.vector_load %arg13[%swap3A_424, %swap3A_425] {strides = array<i32>} : memref<64x128xf32, #tpu.memory_space<vmem>>, vector<1x16xf32>,
        %swap3A_427 = vector.shape_cast %swap3A_426 : vector<1x16xf32> to vector<16xf32>
        %swap3A_428 = vector.shape_cast %mul3A_423 : vector<16xf32> to vector<1x16xf32>
        tpu.vector_store %arg13[%swap3A_424, %swap3A_425], %swap3A_428 {strides = array<i32>} : memref<64x128xf32, #tpu.memory_space<vmem>>, vector<1x16xf32>,
        %get3A_429 = arith.index_cast %scan3A_406 : i32 to index
        %get3A_430 = arith.constant 32 : index
        %get3A_431 = tpu.vector_load %arg13[%get3A_429, %get3A_430] {strides = array<i32>} : memref<64x128xf32, #tpu.memory_space<vmem>>, vector<1x16xf32>,
        %get3A_432 = vector.shape_cast %get3A_431 : vector<1x16xf32> to vector<16xf32>
        %mul3A_433 = arith.mulf %get3A_432, %get3A_409 : vector<16xf32>
        %swap3A_434 = arith.index_cast %scan3A_406 : i32 to index
        %swap3A_435 = arith.constant 32 : index
        %swap3A_436 = tpu.vector_load %arg13[%swap3A_434, %swap3A_435] {strides = array<i32>} : memref<64x128xf32, #tpu.memory_space<vmem>>, vector<1x16xf32>,
        %swap3A_437 = vector.shape_cast %swap3A_436 : vector<1x16xf32> to vector<16xf32>
        %swap3A_438 = vector.shape_cast %mul3A_433 : vector<16xf32> to vector<1x16xf32>
        tpu.vector_store %arg13[%swap3A_434, %swap3A_435], %swap3A_438 {strides = array<i32>} : memref<64x128xf32, #tpu.memory_space<vmem>>, vector<1x16xf32>,
        %get3A_439 = arith.index_cast %scan3A_406 : i32 to index
        %get3A_440 = arith.constant 48 : index
        %get3A_441 = tpu.vector_load %arg13[%get3A_439, %get3A_440] {strides = array<i32>} : memref<64x128xf32, #tpu.memory_space<vmem>>, vector<1x16xf32>,
        %get3A_442 = vector.shape_cast %get3A_441 : vector<1x16xf32> to vector<16xf32>
        %mul3A_443 = arith.mulf %get3A_442, %get3A_409 : vector<16xf32>
        %swap3A_444 = arith.index_cast %scan3A_406 : i32 to index
        %swap3A_445 = arith.constant 48 : index
        %swap3A_446 = tpu.vector_load %arg13[%swap3A_444, %swap3A_445] {strides = array<i32>} : memref<64x128xf32, #tpu.memory_space<vmem>>, vector<1x16xf32>,
        %swap3A_447 = vector.shape_cast %swap3A_446 : vector<1x16xf32> to vector<16xf32>
        %swap3A_448 = vector.shape_cast %mul3A_443 : vector<16xf32> to vector<1x16xf32>
        tpu.vector_store %arg13[%swap3A_444, %swap3A_445], %swap3A_448 {strides = array<i32>} : memref<64x128xf32, #tpu.memory_space<vmem>>, vector<1x16xf32>,
        %get3A_449 = arith.index_cast %scan3A_406 : i32 to index
        %get3A_450 = arith.constant 64 : index
        %get3A_451 = tpu.vector_load %arg13[%get3A_449, %get3A_450] {strides = array<i32>} : memref<64x128xf32, #tpu.memory_space<vmem>>, vector<1x16xf32>,
        %get3A_452 = vector.shape_cast %get3A_451 : vector<1x16xf32> to vector<16xf32>
        %mul3A_453 = arith.mulf %get3A_452, %get3A_409 : vector<16xf32>
        %swap3A_454 = arith.index_cast %scan3A_406 : i32 to index
        %swap3A_455 = arith.constant 64 : index
        %swap3A_456 = tpu.vector_load %arg13[%swap3A_454, %swap3A_455] {strides = array<i32>} : memref<64x128xf32, #tpu.memory_space<vmem>>, vector<1x16xf32>,
        %swap3A_457 = vector.shape_cast %swap3A_456 : vector<1x16xf32> to vector<16xf32>
        %swap3A_458 = vector.shape_cast %mul3A_453 : vector<16xf32> to vector<1x16xf32>
        tpu.vector_store %arg13[%swap3A_454, %swap3A_455], %swap3A_458 {strides = array<i32>} : memref<64x128xf32, #tpu.memory_space<vmem>>, vector<1x16xf32>,
        %get3A_459 = arith.index_cast %scan3A_406 : i32 to index
        %get3A_460 = arith.constant 80 : index
        %get3A_461 = tpu.vector_load %arg13[%get3A_459, %get3A_460] {strides = array<i32>} : memref<64x128xf32, #tpu.memory_space<vmem>>, vector<1x16xf32>,
        %get3A_462 = vector.shape_cast %get3A_461 : vector<1x16xf32> to vector<16xf32>
        %mul3A_463 = arith.mulf %get3A_462, %get3A_409 : vector<16xf32>
        %swap3A_464 = arith.index_cast %scan3A_406 : i32 to index
        %swap3A_465 = arith.constant 80 : index
        %swap3A_466 = tpu.vector_load %arg13[%swap3A_464, %swap3A_465] {strides = array<i32>} : memref<64x128xf32, #tpu.memory_space<vmem>>, vector<1x16xf32>,
        %swap3A_467 = vector.shape_cast %swap3A_466 : vector<1x16xf32> to vector<16xf32>
        %swap3A_468 = vector.shape_cast %mul3A_463 : vector<16xf32> to vector<1x16xf32>
        tpu.vector_store %arg13[%swap3A_464, %swap3A_465], %swap3A_468 {strides = array<i32>} : memref<64x128xf32, #tpu.memory_space<vmem>>, vector<1x16xf32>,
        %get3A_469 = arith.index_cast %scan3A_406 : i32 to index
        %get3A_470 = arith.constant 96 : index
        %get3A_471 = tpu.vector_load %arg13[%get3A_469, %get3A_470] {strides = array<i32>} : memref<64x128xf32, #tpu.memory_space<vmem>>, vector<1x16xf32>,
        %get3A_472 = vector.shape_cast %get3A_471 : vector<1x16xf32> to vector<16xf32>
        %mul3A_473 = arith.mulf %get3A_472, %get3A_409 : vector<16xf32>
        %swap3A_474 = arith.index_cast %scan3A_406 : i32 to index
        %swap3A_475 = arith.constant 96 : index
        %swap3A_476 = tpu.vector_load %arg13[%swap3A_474, %swap3A_475] {strides = array<i32>} : memref<64x128xf32, #tpu.memory_space<vmem>>, vector<1x16xf32>,
        %swap3A_477 = vector.shape_cast %swap3A_476 : vector<1x16xf32> to vector<16xf32>
        %swap3A_478 = vector.shape_cast %mul3A_473 : vector<16xf32> to vector<1x16xf32>
        tpu.vector_store %arg13[%swap3A_474, %swap3A_475], %swap3A_478 {strides = array<i32>} : memref<64x128xf32, #tpu.memory_space<vmem>>, vector<1x16xf32>,
        %get3A_479 = arith.index_cast %scan3A_406 : i32 to index
        %get3A_480 = arith.constant 112 : index
        %get3A_481 = tpu.vector_load %arg13[%get3A_479, %get3A_480] {strides = array<i32>} : memref<64x128xf32, #tpu.memory_space<vmem>>, vector<1x16xf32>,
        %get3A_482 = vector.shape_cast %get3A_481 : vector<1x16xf32> to vector<16xf32>
        %mul3A_483 = arith.mulf %get3A_482, %get3A_409 : vector<16xf32>
        %swap3A_484 = arith.index_cast %scan3A_406 : i32 to index
        %swap3A_485 = arith.constant 112 : index
        %swap3A_486 = tpu.vector_load %arg13[%swap3A_484, %swap3A_485] {strides = array<i32>} : memref<64x128xf32, #tpu.memory_space<vmem>>, vector<1x16xf32>,
        %swap3A_487 = vector.shape_cast %swap3A_486 : vector<1x16xf32> to vector<16xf32>
        %swap3A_488 = vector.shape_cast %mul3A_483 : vector<16xf32> to vector<1x16xf32>
        tpu.vector_store %arg13[%swap3A_484, %swap3A_485], %swap3A_488 {strides = array<i32>} : memref<64x128xf32, #tpu.memory_space<vmem>>, vector<1x16xf32>,
      }
      %scan3A_375 = arith.constant 64 : i32
      "tpu.region"() ({
        %run_scoped3A_406 = tpu.sem_alloc : memref<!tpu.dma_semaphore, #tpu.memory_space<semaphore_mem>>
        %dma_start3A_407 = arith.constant 0 : i32
        %dma_start3A_408 = tpu.memref_slice %arg10[%add3A_350, %dma_start3A_407] : memref<32x64xi32, #tpu.memory_space<vmem>> -> memref<1x64xi32, #tpu.memory_space<vmem>>
        %dma_start3A_409 = tpu.memref_squeeze %dma_start3A_408 : memref<1x64xi32, #tpu.memory_space<vmem>> -> memref<64xi32, #tpu.memory_space<vmem>>
        %dma_start3A_410 = arith.constant 0 : i32
        %dma_start3A_411 = arith.constant 0 : i32
        %dma_start3A_412 = tpu.memref_slice %arg15[%dma_start3A_410, %dma_start3A_411] : memref<10112x128xf32, #tpu.memory_space<vmem_shared>> -> memref<10112x128xf32, #tpu.memory_space<vmem_shared>>
        tpu.enqueue_indirect_dma source(%arg13 : memref<64x128xf32, #tpu.memory_space<vmem>>) target(%dma_start3A_412 : memref<10112x128xf32, #tpu.memory_space<vmem_shared>>) offsets(%dma_start3A_409 : memref<64xi32, #tpu.memory_space<vmem>>) semaphore(%run_scoped3A_406 : memref<!tpu.dma_semaphore, #tpu.memory_space<semaphore_mem>>) {add = true}
        %dma_wait3A_413 = arith.constant 0 : i32
        %dma_wait3A_414 = tpu.memref_slice %arg10[%add3A_350, %dma_wait3A_413] : memref<32x64xi32, #tpu.memory_space<vmem>> -> memref<1x64xi32, #tpu.memory_space<vmem>>
        %dma_wait3A_415 = tpu.memref_squeeze %dma_wait3A_414 : memref<1x64xi32, #tpu.memory_space<vmem>> -> memref<64xi32, #tpu.memory_space<vmem>>
        %dma_wait3A_416 = arith.constant 0 : i32
        %dma_wait3A_417 = arith.constant 0 : i32
        %dma_wait3A_418 = tpu.memref_slice %arg15[%dma_wait3A_416, %dma_wait3A_417] : memref<10112x128xf32, #tpu.memory_space<vmem_shared>> -> memref<10112x128xf32, #tpu.memory_space<vmem_shared>>
        tpu.wait_indirect_dma semaphore(%run_scoped3A_406 : memref<!tpu.dma_semaphore, #tpu.memory_space<semaphore_mem>>) src(%arg13 : memref<64x128xf32, #tpu.memory_space<vmem>>) dst(%dma_wait3A_418 : memref<10112x128xf32, #tpu.memory_space<vmem_shared>>)
        tpu.yield
      }) : () -> ()
      %add3A_376 = arith.constant 1 : i32
      %add3A_377 = arith.addi %mul3A_348, %add3A_376 : i32
      %dma_wait3A_378 = arith.constant 0 : i32
      %dma_wait3A_379 = tpu.memref_slice %arg8[%add3A_377, %dma_wait3A_378] : memref<32x64xi32, #tpu.memory_space<vmem>> -> memref<1x64xi32, #tpu.memory_space<vmem>>
      %dma_wait3A_380 = tpu.memref_squeeze %dma_wait3A_379 : memref<1x64xi32, #tpu.memory_space<vmem>> -> memref<64xi32, #tpu.memory_space<vmem>>
      %dma_wait3A_381 = arith.constant 0 : i32
      %dma_wait3A_382 = arith.constant 0 : i32
      %dma_wait3A_383 = tpu.memref_slice %arg2[%dma_wait3A_381, %dma_wait3A_382] : memref<10000x128xf32, #tpu.memory_space<hbm>> -> memref<10000x128xf32, #tpu.memory_space<hbm>>
      tpu.wait_indirect_dma semaphore(%arg16 : memref<!tpu.dma_semaphore, #tpu.memory_space<semaphore_mem>>) src(%dma_wait3A_383 : memref<10000x128xf32, #tpu.memory_space<hbm>>) dst(%arg14 : memref<64x128xf32, #tpu.memory_space<vmem>>)
      %dma_wait3A_384 = arith.constant 1 : i32
      %dma_wait3A_385 = arith.constant 0 : i32
      %dma_wait3A_386 = arith.constant 0 : i32
      %dma_wait3A_387 = tpu.memref_slice %arg5[%add3A, %dma_wait3A_384, %add3A_377, %dma_wait3A_385, %dma_wait3A_386] : memref<32x5x32x64x16xf32, #tpu.memory_space<hbm>> -> memref<1x1x1x64x16xf32, #tpu.memory_space<hbm>>
      %dma_wait3A_388 = tpu.memref_squeeze %dma_wait3A_387 : memref<1x1x1x64x16xf32, #tpu.memory_space<hbm>> -> memref<64x16xf32, #tpu.memory_space<hbm>>
      %dma_wait3A_389 = arith.constant 0 : i32
      %dma_wait3A_390 = arith.constant 0 : i32
      %dma_wait3A_391 = tpu.memref_slice %arg5[%add3A, %dma_wait3A_384, %add3A_377, %dma_wait3A_389, %dma_wait3A_390] : memref<32x5x32x64x16xf32, #tpu.memory_space<hbm>> -> memref<1x1x1x64x16xf32, #tpu.memory_space<hbm>>
      %dma_wait3A_392 = tpu.memref_squeeze %dma_wait3A_391 : memref<1x1x1x64x16xf32, #tpu.memory_space<hbm>> -> memref<64x16xf32, #tpu.memory_space<hbm>>
      tpu.wait_dma2 semaphore(%arg17 : memref<!tpu.dma_semaphore, #tpu.memory_space<semaphore_mem>>) src(%dma_wait3A_392 : memref<64x16xf32, #tpu.memory_space<hbm>>) dst(%arg12 : memref<64x16xf32, #tpu.memory_space<vmem>>)
      %add3A_393 = arith.constant 1 : i32
      %add3A_394 = arith.addi %add3A_377, %add3A_393 : i32
      %lt3A_395 = arith.constant 32 : i32
      %lt3A_396 = arith.cmpi slt, %add3A_394, %lt3A_395 : i32
      %convert_element_type3A_397 = arith.extui %lt3A_396 : i1 to i32
      %cond3A_398 = arith.constant 0 : i32
      %cond3A_399 = arith.cmpi ne, %convert_element_type3A_397, %cond3A_398 : i32
      scf.if %cond3A_399 {
        %add3A_406 = arith.constant 1 : i32
        %add3A_407 = arith.addi %add3A_377, %add3A_406 : i32
        %dma_start3A_408 = arith.constant 0 : i32
        %dma_start3A_409 = tpu.memref_slice %arg8[%add3A_407, %dma_start3A_408] : memref<32x64xi32, #tpu.memory_space<vmem>> -> memref<1x64xi32, #tpu.memory_space<vmem>>
        %dma_start3A_410 = tpu.memref_squeeze %dma_start3A_409 : memref<1x64xi32, #tpu.memory_space<vmem>> -> memref<64xi32, #tpu.memory_space<vmem>>
        %dma_start3A_411 = arith.constant 0 : i32
        %dma_start3A_412 = arith.constant 0 : i32
        %dma_start3A_413 = tpu.memref_slice %arg2[%dma_start3A_411, %dma_start3A_412] : memref<10000x128xf32, #tpu.memory_space<hbm>> -> memref<10000x128xf32, #tpu.memory_space<hbm>>
        tpu.enqueue_indirect_dma source(%dma_start3A_413 : memref<10000x128xf32, #tpu.memory_space<hbm>>) target(%arg13 : memref<64x128xf32, #tpu.memory_space<vmem>>) offsets(%dma_start3A_410 : memref<64xi32, #tpu.memory_space<vmem>>) semaphore(%arg16 : memref<!tpu.dma_semaphore, #tpu.memory_space<semaphore_mem>>)
        %add3A_414 = arith.constant 1 : i32
        %add3A_415 = arith.addi %add3A_377, %add3A_414 : i32
        %dma_start3A_416 = arith.constant 1 : i32
        %dma_start3A_417 = arith.constant 0 : i32
        %dma_start3A_418 = arith.constant 0 : i32
        %dma_start3A_419 = tpu.memref_slice %arg5[%add3A, %dma_start3A_416, %add3A_415, %dma_start3A_417, %dma_start3A_418] : memref<32x5x32x64x16xf32, #tpu.memory_space<hbm>> -> memref<1x1x1x64x16xf32, #tpu.memory_space<hbm>>
        %dma_start3A_420 = tpu.memref_squeeze %dma_start3A_419 : memref<1x1x1x64x16xf32, #tpu.memory_space<hbm>> -> memref<64x16xf32, #tpu.memory_space<hbm>>
        %dma_start3A_421 = arith.constant 0 : i32
        %dma_start3A_422 = arith.constant 0 : i32
        %dma_start3A_423 = tpu.memref_slice %arg5[%add3A, %dma_start3A_416, %add3A_415, %dma_start3A_421, %dma_start3A_422] : memref<32x5x32x64x16xf32, #tpu.memory_space<hbm>> -> memref<1x1x1x64x16xf32, #tpu.memory_space<hbm>>
        %dma_start3A_424 = tpu.memref_squeeze %dma_start3A_423 : memref<1x1x1x64x16xf32, #tpu.memory_space<hbm>> -> memref<64x16xf32, #tpu.memory_space<hbm>>
        tpu.enqueue_dma source(%dma_start3A_424 : memref<64x16xf32, #tpu.memory_space<hbm>>) target(%arg11 : memref<64x16xf32, #tpu.memory_space<vmem>>) target_semaphore(%arg17 : memref<!tpu.dma_semaphore, #tpu.memory_space<semaphore_mem>>)
      } else {
      }
      %scan3A_400 = arith.constant 0 : i32
      %scan3A_401 = arith.constant 0 : i32
      %scan3A_402 = arith.constant 64 : i32
      %scan3A_403 = arith.addi %scan3A_401, %scan3A_402 : i32
      %scan3A_404 = arith.constant 1 : i32
      scf.for %scan3A_406 = %scan3A_401 to %scan3A_403 step %scan3A_404  : i32 {
        %get3A = arith.index_cast %scan3A_406 : i32 to index
        %get3A_407 = arith.constant 0 : index
        %get3A_408 = tpu.vector_load %arg12[%get3A, %get3A_407] {strides = array<i32>} : memref<64x16xf32, #tpu.memory_space<vmem>>, vector<1x16xf32>,
        %get3A_409 = vector.shape_cast %get3A_408 : vector<1x16xf32> to vector<16xf32>
        %get3A_410 = arith.index_cast %scan3A_406 : i32 to index
        %get3A_411 = arith.constant 0 : index
        %get3A_412 = tpu.vector_load %arg14[%get3A_410, %get3A_411] {strides = array<i32>} : memref<64x128xf32, #tpu.memory_space<vmem>>, vector<1x16xf32>,
        %get3A_413 = vector.shape_cast %get3A_412 : vector<1x16xf32> to vector<16xf32>
        %mul3A_414 = arith.mulf %get3A_413, %get3A_409 : vector<16xf32>
        %swap3A = arith.index_cast %scan3A_406 : i32 to index
        %swap3A_415 = arith.constant 0 : index
        %swap3A_416 = tpu.vector_load %arg14[%swap3A, %swap3A_415] {strides = array<i32>} : memref<64x128xf32, #tpu.memory_space<vmem>>, vector<1x16xf32>,
        %swap3A_417 = vector.shape_cast %swap3A_416 : vector<1x16xf32> to vector<16xf32>
        %swap3A_418 = vector.shape_cast %mul3A_414 : vector<16xf32> to vector<1x16xf32>
        tpu.vector_store %arg14[%swap3A, %swap3A_415], %swap3A_418 {strides = array<i32>} : memref<64x128xf32, #tpu.memory_space<vmem>>, vector<1x16xf32>,
        %get3A_419 = arith.index_cast %scan3A_406 : i32 to index
        %get3A_420 = arith.constant 16 : index
        %get3A_421 = tpu.vector_load %arg14[%get3A_419, %get3A_420] {strides = array<i32>} : memref<64x128xf32, #tpu.memory_space<vmem>>, vector<1x16xf32>,
        %get3A_422 = vector.shape_cast %get3A_421 : vector<1x16xf32> to vector<16xf32>
        %mul3A_423 = arith.mulf %get3A_422, %get3A_409 : vector<16xf32>
        %swap3A_424 = arith.index_cast %scan3A_406 : i32 to index
        %swap3A_425 = arith.constant 16 : index
        %swap3A_426 = tpu.vector_load %arg14[%swap3A_424, %swap3A_425] {strides = array<i32>} : memref<64x128xf32, #tpu.memory_space<vmem>>, vector<1x16xf32>,
        %swap3A_427 = vector.shape_cast %swap3A_426 : vector<1x16xf32> to vector<16xf32>
        %swap3A_428 = vector.shape_cast %mul3A_423 : vector<16xf32> to vector<1x16xf32>
        tpu.vector_store %arg14[%swap3A_424, %swap3A_425], %swap3A_428 {strides = array<i32>} : memref<64x128xf32, #tpu.memory_space<vmem>>, vector<1x16xf32>,
        %get3A_429 = arith.index_cast %scan3A_406 : i32 to index
        %get3A_430 = arith.constant 32 : index
        %get3A_431 = tpu.vector_load %arg14[%get3A_429, %get3A_430] {strides = array<i32>} : memref<64x128xf32, #tpu.memory_space<vmem>>, vector<1x16xf32>,
        %get3A_432 = vector.shape_cast %get3A_431 : vector<1x16xf32> to vector<16xf32>
        %mul3A_433 = arith.mulf %get3A_432, %get3A_409 : vector<16xf32>
        %swap3A_434 = arith.index_cast %scan3A_406 : i32 to index
        %swap3A_435 = arith.constant 32 : index
        %swap3A_436 = tpu.vector_load %arg14[%swap3A_434, %swap3A_435] {strides = array<i32>} : memref<64x128xf32, #tpu.memory_space<vmem>>, vector<1x16xf32>,
        %swap3A_437 = vector.shape_cast %swap3A_436 : vector<1x16xf32> to vector<16xf32>
        %swap3A_438 = vector.shape_cast %mul3A_433 : vector<16xf32> to vector<1x16xf32>
        tpu.vector_store %arg14[%swap3A_434, %swap3A_435], %swap3A_438 {strides = array<i32>} : memref<64x128xf32, #tpu.memory_space<vmem>>, vector<1x16xf32>,
        %get3A_439 = arith.index_cast %scan3A_406 : i32 to index
        %get3A_440 = arith.constant 48 : index
        %get3A_441 = tpu.vector_load %arg14[%get3A_439, %get3A_440] {strides = array<i32>} : memref<64x128xf32, #tpu.memory_space<vmem>>, vector<1x16xf32>,
        %get3A_442 = vector.shape_cast %get3A_441 : vector<1x16xf32> to vector<16xf32>
        %mul3A_443 = arith.mulf %get3A_442, %get3A_409 : vector<16xf32>
        %swap3A_444 = arith.index_cast %scan3A_406 : i32 to index
        %swap3A_445 = arith.constant 48 : index
        %swap3A_446 = tpu.vector_load %arg14[%swap3A_444, %swap3A_445] {strides = array<i32>} : memref<64x128xf32, #tpu.memory_space<vmem>>, vector<1x16xf32>,
        %swap3A_447 = vector.shape_cast %swap3A_446 : vector<1x16xf32> to vector<16xf32>
        %swap3A_448 = vector.shape_cast %mul3A_443 : vector<16xf32> to vector<1x16xf32>
        tpu.vector_store %arg14[%swap3A_444, %swap3A_445], %swap3A_448 {strides = array<i32>} : memref<64x128xf32, #tpu.memory_space<vmem>>, vector<1x16xf32>,
        %get3A_449 = arith.index_cast %scan3A_406 : i32 to index
        %get3A_450 = arith.constant 64 : index
        %get3A_451 = tpu.vector_load %arg14[%get3A_449, %get3A_450] {strides = array<i32>} : memref<64x128xf32, #tpu.memory_space<vmem>>, vector<1x16xf32>,
        %get3A_452 = vector.shape_cast %get3A_451 : vector<1x16xf32> to vector<16xf32>
        %mul3A_453 = arith.mulf %get3A_452, %get3A_409 : vector<16xf32>
        %swap3A_454 = arith.index_cast %scan3A_406 : i32 to index
        %swap3A_455 = arith.constant 64 : index
        %swap3A_456 = tpu.vector_load %arg14[%swap3A_454, %swap3A_455] {strides = array<i32>} : memref<64x128xf32, #tpu.memory_space<vmem>>, vector<1x16xf32>,
        %swap3A_457 = vector.shape_cast %swap3A_456 : vector<1x16xf32> to vector<16xf32>
        %swap3A_458 = vector.shape_cast %mul3A_453 : vector<16xf32> to vector<1x16xf32>
        tpu.vector_store %arg14[%swap3A_454, %swap3A_455], %swap3A_458 {strides = array<i32>} : memref<64x128xf32, #tpu.memory_space<vmem>>, vector<1x16xf32>,
        %get3A_459 = arith.index_cast %scan3A_406 : i32 to index
        %get3A_460 = arith.constant 80 : index
        %get3A_461 = tpu.vector_load %arg14[%get3A_459, %get3A_460] {strides = array<i32>} : memref<64x128xf32, #tpu.memory_space<vmem>>, vector<1x16xf32>,
        %get3A_462 = vector.shape_cast %get3A_461 : vector<1x16xf32> to vector<16xf32>
        %mul3A_463 = arith.mulf %get3A_462, %get3A_409 : vector<16xf32>
        %swap3A_464 = arith.index_cast %scan3A_406 : i32 to index
        %swap3A_465 = arith.constant 80 : index
        %swap3A_466 = tpu.vector_load %arg14[%swap3A_464, %swap3A_465] {strides = array<i32>} : memref<64x128xf32, #tpu.memory_space<vmem>>, vector<1x16xf32>,
        %swap3A_467 = vector.shape_cast %swap3A_466 : vector<1x16xf32> to vector<16xf32>
        %swap3A_468 = vector.shape_cast %mul3A_463 : vector<16xf32> to vector<1x16xf32>
        tpu.vector_store %arg14[%swap3A_464, %swap3A_465], %swap3A_468 {strides = array<i32>} : memref<64x128xf32, #tpu.memory_space<vmem>>, vector<1x16xf32>,
        %get3A_469 = arith.index_cast %scan3A_406 : i32 to index
        %get3A_470 = arith.constant 96 : index
        %get3A_471 = tpu.vector_load %arg14[%get3A_469, %get3A_470] {strides = array<i32>} : memref<64x128xf32, #tpu.memory_space<vmem>>, vector<1x16xf32>,
        %get3A_472 = vector.shape_cast %get3A_471 : vector<1x16xf32> to vector<16xf32>
        %mul3A_473 = arith.mulf %get3A_472, %get3A_409 : vector<16xf32>
        %swap3A_474 = arith.index_cast %scan3A_406 : i32 to index
        %swap3A_475 = arith.constant 96 : index
        %swap3A_476 = tpu.vector_load %arg14[%swap3A_474, %swap3A_475] {strides = array<i32>} : memref<64x128xf32, #tpu.memory_space<vmem>>, vector<1x16xf32>,
        %swap3A_477 = vector.shape_cast %swap3A_476 : vector<1x16xf32> to vector<16xf32>
        %swap3A_478 = vector.shape_cast %mul3A_473 : vector<16xf32> to vector<1x16xf32>
        tpu.vector_store %arg14[%swap3A_474, %swap3A_475], %swap3A_478 {strides = array<i32>} : memref<64x128xf32, #tpu.memory_space<vmem>>, vector<1x16xf32>,
        %get3A_479 = arith.index_cast %scan3A_406 : i32 to index
        %get3A_480 = arith.constant 112 : index
        %get3A_481 = tpu.vector_load %arg14[%get3A_479, %get3A_480] {strides = array<i32>} : memref<64x128xf32, #tpu.memory_space<vmem>>, vector<1x16xf32>,
        %get3A_482 = vector.shape_cast %get3A_481 : vector<1x16xf32> to vector<16xf32>
        %mul3A_483 = arith.mulf %get3A_482, %get3A_409 : vector<16xf32>
        %swap3A_484 = arith.index_cast %scan3A_406 : i32 to index
        %swap3A_485 = arith.constant 112 : index
        %swap3A_486 = tpu.vector_load %arg14[%swap3A_484, %swap3A_485] {strides = array<i32>} : memref<64x128xf32, #tpu.memory_space<vmem>>, vector<1x16xf32>,
        %swap3A_487 = vector.shape_cast %swap3A_486 : vector<1x16xf32> to vector<16xf32>
        %swap3A_488 = vector.shape_cast %mul3A_483 : vector<16xf32> to vector<1x16xf32>
        tpu.vector_store %arg14[%swap3A_484, %swap3A_485], %swap3A_488 {strides = array<i32>} : memref<64x128xf32, #tpu.memory_space<vmem>>, vector<1x16xf32>,
      }
      %scan3A_405 = arith.constant 64 : i32
      "tpu.region"() ({
        %run_scoped3A_406 = tpu.sem_alloc : memref<!tpu.dma_semaphore, #tpu.memory_space<semaphore_mem>>
        %dma_start3A_407 = arith.constant 0 : i32
        %dma_start3A_408 = tpu.memref_slice %arg10[%add3A_377, %dma_start3A_407] : memref<32x64xi32, #tpu.memory_space<vmem>> -> memref<1x64xi32, #tpu.memory_space<vmem>>
        %dma_start3A_409 = tpu.memref_squeeze %dma_start3A_408 : memref<1x64xi32, #tpu.memory_space<vmem>> -> memref<64xi32, #tpu.memory_space<vmem>>
        %dma_start3A_410 = arith.constant 0 : i32
        %dma_start3A_411 = arith.constant 0 : i32
        %dma_start3A_412 = tpu.memref_slice %arg15[%dma_start3A_410, %dma_start3A_411] : memref<10112x128xf32, #tpu.memory_space<vmem_shared>> -> memref<10112x128xf32, #tpu.memory_space<vmem_shared>>
        tpu.enqueue_indirect_dma source(%arg14 : memref<64x128xf32, #tpu.memory_space<vmem>>) target(%dma_start3A_412 : memref<10112x128xf32, #tpu.memory_space<vmem_shared>>) offsets(%dma_start3A_409 : memref<64xi32, #tpu.memory_space<vmem>>) semaphore(%run_scoped3A_406 : memref<!tpu.dma_semaphore, #tpu.memory_space<semaphore_mem>>) {add = true}
        %dma_wait3A_413 = arith.constant 0 : i32
        %dma_wait3A_414 = tpu.memref_slice %arg10[%add3A_377, %dma_wait3A_413] : memref<32x64xi32, #tpu.memory_space<vmem>> -> memref<1x64xi32, #tpu.memory_space<vmem>>
        %dma_wait3A_415 = tpu.memref_squeeze %dma_wait3A_414 : memref<1x64xi32, #tpu.memory_space<vmem>> -> memref<64xi32, #tpu.memory_space<vmem>>
        %dma_wait3A_416 = arith.constant 0 : i32
        %dma_wait3A_417 = arith.constant 0 : i32
        %dma_wait3A_418 = tpu.memref_slice %arg15[%dma_wait3A_416, %dma_wait3A_417] : memref<10112x128xf32, #tpu.memory_space<vmem_shared>> -> memref<10112x128xf32, #tpu.memory_space<vmem_shared>>
        tpu.wait_indirect_dma semaphore(%run_scoped3A_406 : memref<!tpu.dma_semaphore, #tpu.memory_space<semaphore_mem>>) src(%arg14 : memref<64x128xf32, #tpu.memory_space<vmem>>) dst(%dma_wait3A_418 : memref<10112x128xf32, #tpu.memory_space<vmem_shared>>)
        tpu.yield
      }) : () -> ()
    }
    %scan3A_145 = arith.constant 16 : i32
    %dma_wait3A_146 = arith.constant 2 : i32
    %dma_wait3A_147 = arith.constant 0 : i32
    %dma_wait3A_148 = arith.constant 0 : i32
    %dma_wait3A_149 = tpu.memref_slice %arg3[%add3A, %dma_wait3A_146, %dma_wait3A_147, %dma_wait3A_148] : memref<32x5x32x64xi32, #tpu.memory_space<hbm>> -> memref<1x1x32x64xi32, #tpu.memory_space<hbm>>
    %dma_wait3A_150 = tpu.memref_squeeze %dma_wait3A_149 : memref<1x1x32x64xi32, #tpu.memory_space<hbm>> -> memref<32x64xi32, #tpu.memory_space<hbm>>
    %dma_wait3A_151 = arith.constant 0 : i32
    %dma_wait3A_152 = arith.constant 0 : i32
    %dma_wait3A_153 = tpu.memref_slice %arg3[%add3A, %dma_wait3A_146, %dma_wait3A_151, %dma_wait3A_152] : memref<32x5x32x64xi32, #tpu.memory_space<hbm>> -> memref<1x1x32x64xi32, #tpu.memory_space<hbm>>
    %dma_wait3A_154 = tpu.memref_squeeze %dma_wait3A_153 : memref<1x1x32x64xi32, #tpu.memory_space<hbm>> -> memref<32x64xi32, #tpu.memory_space<hbm>>
    tpu.wait_dma2 semaphore(%arg18 : memref<!tpu.dma_semaphore, #tpu.memory_space<semaphore_mem>>) src(%dma_wait3A_154 : memref<32x64xi32, #tpu.memory_space<hbm>>) dst(%arg7 : memref<32x64xi32, #tpu.memory_space<vmem>>)
    %dma_wait3A_155 = arith.constant 2 : i32
    %dma_wait3A_156 = arith.constant 0 : i32
    %dma_wait3A_157 = arith.constant 0 : i32
    %dma_wait3A_158 = tpu.memref_slice %arg4[%add3A, %dma_wait3A_155, %dma_wait3A_156, %dma_wait3A_157] : memref<32x5x32x64xi32, #tpu.memory_space<hbm>> -> memref<1x1x32x64xi32, #tpu.memory_space<hbm>>
    %dma_wait3A_159 = tpu.memref_squeeze %dma_wait3A_158 : memref<1x1x32x64xi32, #tpu.memory_space<hbm>> -> memref<32x64xi32, #tpu.memory_space<hbm>>
    %dma_wait3A_160 = arith.constant 0 : i32
    %dma_wait3A_161 = arith.constant 0 : i32
    %dma_wait3A_162 = tpu.memref_slice %arg4[%add3A, %dma_wait3A_155, %dma_wait3A_160, %dma_wait3A_161] : memref<32x5x32x64xi32, #tpu.memory_space<hbm>> -> memref<1x1x32x64xi32, #tpu.memory_space<hbm>>
    %dma_wait3A_163 = tpu.memref_squeeze %dma_wait3A_162 : memref<1x1x32x64xi32, #tpu.memory_space<hbm>> -> memref<32x64xi32, #tpu.memory_space<hbm>>
    tpu.wait_dma2 semaphore(%arg18 : memref<!tpu.dma_semaphore, #tpu.memory_space<semaphore_mem>>) src(%dma_wait3A_163 : memref<32x64xi32, #tpu.memory_space<hbm>>) dst(%arg9 : memref<32x64xi32, #tpu.memory_space<vmem>>)
    %dma_start3A_164 = arith.constant 0 : i32
    %dma_start3A_165 = arith.constant 0 : i32
    %dma_start3A_166 = tpu.memref_slice %arg7[%dma_start3A_164, %dma_start3A_165] : memref<32x64xi32, #tpu.memory_space<vmem>> -> memref<1x64xi32, #tpu.memory_space<vmem>>
    %dma_start3A_167 = tpu.memref_squeeze %dma_start3A_166 : memref<1x64xi32, #tpu.memory_space<vmem>> -> memref<64xi32, #tpu.memory_space<vmem>>
    %dma_start3A_168 = arith.constant 0 : i32
    %dma_start3A_169 = arith.constant 0 : i32
    %dma_start3A_170 = tpu.memref_slice %arg2[%dma_start3A_168, %dma_start3A_169] : memref<10000x128xf32, #tpu.memory_space<hbm>> -> memref<10000x128xf32, #tpu.memory_space<hbm>>
    tpu.enqueue_indirect_dma source(%dma_start3A_170 : memref<10000x128xf32, #tpu.memory_space<hbm>>) target(%arg13 : memref<64x128xf32, #tpu.memory_space<vmem>>) offsets(%dma_start3A_167 : memref<64xi32, #tpu.memory_space<vmem>>) semaphore(%arg16 : memref<!tpu.dma_semaphore, #tpu.memory_space<semaphore_mem>>)
    %dma_start3A_171 = arith.constant 2 : i32
    %dma_start3A_172 = arith.constant 0 : i32
    %dma_start3A_173 = arith.constant 0 : i32
    %dma_start3A_174 = arith.constant 0 : i32
    %dma_start3A_175 = tpu.memref_slice %arg5[%add3A, %dma_start3A_171, %dma_start3A_172, %dma_start3A_173, %dma_start3A_174] : memref<32x5x32x64x16xf32, #tpu.memory_space<hbm>> -> memref<1x1x1x64x16xf32, #tpu.memory_space<hbm>>
    %dma_start3A_176 = tpu.memref_squeeze %dma_start3A_175 : memref<1x1x1x64x16xf32, #tpu.memory_space<hbm>> -> memref<64x16xf32, #tpu.memory_space<hbm>>
    %dma_start3A_177 = arith.constant 0 : i32
    %dma_start3A_178 = arith.constant 0 : i32
    %dma_start3A_179 = tpu.memref_slice %arg5[%add3A, %dma_start3A_171, %dma_start3A_172, %dma_start3A_177, %dma_start3A_178] : memref<32x5x32x64x16xf32, #tpu.memory_space<hbm>> -> memref<1x1x1x64x16xf32, #tpu.memory_space<hbm>>
    %dma_start3A_180 = tpu.memref_squeeze %dma_start3A_179 : memref<1x1x1x64x16xf32, #tpu.memory_space<hbm>> -> memref<64x16xf32, #tpu.memory_space<hbm>>
    tpu.enqueue_dma source(%dma_start3A_180 : memref<64x16xf32, #tpu.memory_space<hbm>>) target(%arg11 : memref<64x16xf32, #tpu.memory_space<vmem>>) target_semaphore(%arg17 : memref<!tpu.dma_semaphore, #tpu.memory_space<semaphore_mem>>)
    %dma_start3A_181 = arith.constant 3 : i32
    %dma_start3A_182 = arith.constant 0 : i32
    %dma_start3A_183 = arith.constant 0 : i32
    %dma_start3A_184 = tpu.memref_slice %arg3[%add3A, %dma_start3A_181, %dma_start3A_182, %dma_start3A_183] : memref<32x5x32x64xi32, #tpu.memory_space<hbm>> -> memref<1x1x32x64xi32, #tpu.memory_space<hbm>>
    %dma_start3A_185 = tpu.memref_squeeze %dma_start3A_184 : memref<1x1x32x64xi32, #tpu.memory_space<hbm>> -> memref<32x64xi32, #tpu.memory_space<hbm>>
    %dma_start3A_186 = arith.constant 0 : i32
    %dma_start3A_187 = arith.constant 0 : i32
    %dma_start3A_188 = tpu.memref_slice %arg3[%add3A, %dma_start3A_181, %dma_start3A_186, %dma_start3A_187] : memref<32x5x32x64xi32, #tpu.memory_space<hbm>> -> memref<1x1x32x64xi32, #tpu.memory_space<hbm>>
    %dma_start3A_189 = tpu.memref_squeeze %dma_start3A_188 : memref<1x1x32x64xi32, #tpu.memory_space<hbm>> -> memref<32x64xi32, #tpu.memory_space<hbm>>
    tpu.enqueue_dma source(%dma_start3A_189 : memref<32x64xi32, #tpu.memory_space<hbm>>) target(%arg8 : memref<32x64xi32, #tpu.memory_space<vmem>>) target_semaphore(%arg18 : memref<!tpu.dma_semaphore, #tpu.memory_space<semaphore_mem>>)
    %dma_start3A_190 = arith.constant 3 : i32
    %dma_start3A_191 = arith.constant 0 : i32
    %dma_start3A_192 = arith.constant 0 : i32
    %dma_start3A_193 = tpu.memref_slice %arg4[%add3A, %dma_start3A_190, %dma_start3A_191, %dma_start3A_192] : memref<32x5x32x64xi32, #tpu.memory_space<hbm>> -> memref<1x1x32x64xi32, #tpu.memory_space<hbm>>
    %dma_start3A_194 = tpu.memref_squeeze %dma_start3A_193 : memref<1x1x32x64xi32, #tpu.memory_space<hbm>> -> memref<32x64xi32, #tpu.memory_space<hbm>>
    %dma_start3A_195 = arith.constant 0 : i32
    %dma_start3A_196 = arith.constant 0 : i32
    %dma_start3A_197 = tpu.memref_slice %arg4[%add3A, %dma_start3A_190, %dma_start3A_195, %dma_start3A_196] : memref<32x5x32x64xi32, #tpu.memory_space<hbm>> -> memref<1x1x32x64xi32, #tpu.memory_space<hbm>>
    %dma_start3A_198 = tpu.memref_squeeze %dma_start3A_197 : memref<1x1x32x64xi32, #tpu.memory_space<hbm>> -> memref<32x64xi32, #tpu.memory_space<hbm>>
    tpu.enqueue_dma source(%dma_start3A_198 : memref<32x64xi32, #tpu.memory_space<hbm>>) target(%arg10 : memref<32x64xi32, #tpu.memory_space<vmem>>) target_semaphore(%arg18 : memref<!tpu.dma_semaphore, #tpu.memory_space<semaphore_mem>>)
    %scan3A_199 = arith.constant 0 : i32
    %scan3A_200 = arith.constant 0 : i32
    %scan3A_201 = arith.constant 16 : i32
    %scan3A_202 = arith.addi %scan3A_200, %scan3A_201 : i32
    %scan3A_203 = arith.constant 1 : i32
    scf.for %scan3A_346 = %scan3A_200 to %scan3A_202 step %scan3A_203  : i32 {
      %mul3A_347 = arith.constant 2 : i32
      %mul3A_348 = arith.muli %scan3A_346, %mul3A_347 : i32
      %add3A_349 = arith.constant 0 : i32
      %add3A_350 = arith.addi %mul3A_348, %add3A_349 : i32
      %dma_wait3A_351 = arith.constant 0 : i32
      %dma_wait3A_352 = tpu.memref_slice %arg7[%add3A_350, %dma_wait3A_351] : memref<32x64xi32, #tpu.memory_space<vmem>> -> memref<1x64xi32, #tpu.memory_space<vmem>>
      %dma_wait3A_353 = tpu.memref_squeeze %dma_wait3A_352 : memref<1x64xi32, #tpu.memory_space<vmem>> -> memref<64xi32, #tpu.memory_space<vmem>>
      %dma_wait3A_354 = arith.constant 0 : i32
      %dma_wait3A_355 = arith.constant 0 : i32
      %dma_wait3A_356 = tpu.memref_slice %arg2[%dma_wait3A_354, %dma_wait3A_355] : memref<10000x128xf32, #tpu.memory_space<hbm>> -> memref<10000x128xf32, #tpu.memory_space<hbm>>
      tpu.wait_indirect_dma semaphore(%arg16 : memref<!tpu.dma_semaphore, #tpu.memory_space<semaphore_mem>>) src(%dma_wait3A_356 : memref<10000x128xf32, #tpu.memory_space<hbm>>) dst(%arg13 : memref<64x128xf32, #tpu.memory_space<vmem>>)
      %dma_wait3A_357 = arith.constant 2 : i32
      %dma_wait3A_358 = arith.constant 0 : i32
      %dma_wait3A_359 = arith.constant 0 : i32
      %dma_wait3A_360 = tpu.memref_slice %arg5[%add3A, %dma_wait3A_357, %add3A_350, %dma_wait3A_358, %dma_wait3A_359] : memref<32x5x32x64x16xf32, #tpu.memory_space<hbm>> -> memref<1x1x1x64x16xf32, #tpu.memory_space<hbm>>
      %dma_wait3A_361 = tpu.memref_squeeze %dma_wait3A_360 : memref<1x1x1x64x16xf32, #tpu.memory_space<hbm>> -> memref<64x16xf32, #tpu.memory_space<hbm>>
      %dma_wait3A_362 = arith.constant 0 : i32
      %dma_wait3A_363 = arith.constant 0 : i32
      %dma_wait3A_364 = tpu.memref_slice %arg5[%add3A, %dma_wait3A_357, %add3A_350, %dma_wait3A_362, %dma_wait3A_363] : memref<32x5x32x64x16xf32, #tpu.memory_space<hbm>> -> memref<1x1x1x64x16xf32, #tpu.memory_space<hbm>>
      %dma_wait3A_365 = tpu.memref_squeeze %dma_wait3A_364 : memref<1x1x1x64x16xf32, #tpu.memory_space<hbm>> -> memref<64x16xf32, #tpu.memory_space<hbm>>
      tpu.wait_dma2 semaphore(%arg17 : memref<!tpu.dma_semaphore, #tpu.memory_space<semaphore_mem>>) src(%dma_wait3A_365 : memref<64x16xf32, #tpu.memory_space<hbm>>) dst(%arg11 : memref<64x16xf32, #tpu.memory_space<vmem>>)
      %add3A_366 = arith.constant 1 : i32
      %add3A_367 = arith.addi %add3A_350, %add3A_366 : i32
      %lt3A = arith.constant 32 : i32
      %lt3A_368 = arith.cmpi slt, %add3A_367, %lt3A : i32
      %convert_element_type3A = arith.extui %lt3A_368 : i1 to i32
      %cond3A = arith.constant 0 : i32
      %cond3A_369 = arith.cmpi ne, %convert_element_type3A, %cond3A : i32
      scf.if %cond3A_369 {
        %add3A_406 = arith.constant 1 : i32
        %add3A_407 = arith.addi %add3A_350, %add3A_406 : i32
        %dma_start3A_408 = arith.constant 0 : i32
        %dma_start3A_409 = tpu.memref_slice %arg7[%add3A_407, %dma_start3A_408] : memref<32x64xi32, #tpu.memory_space<vmem>> -> memref<1x64xi32, #tpu.memory_space<vmem>>
        %dma_start3A_410 = tpu.memref_squeeze %dma_start3A_409 : memref<1x64xi32, #tpu.memory_space<vmem>> -> memref<64xi32, #tpu.memory_space<vmem>>
        %dma_start3A_411 = arith.constant 0 : i32
        %dma_start3A_412 = arith.constant 0 : i32
        %dma_start3A_413 = tpu.memref_slice %arg2[%dma_start3A_411, %dma_start3A_412] : memref<10000x128xf32, #tpu.memory_space<hbm>> -> memref<10000x128xf32, #tpu.memory_space<hbm>>
        tpu.enqueue_indirect_dma source(%dma_start3A_413 : memref<10000x128xf32, #tpu.memory_space<hbm>>) target(%arg14 : memref<64x128xf32, #tpu.memory_space<vmem>>) offsets(%dma_start3A_410 : memref<64xi32, #tpu.memory_space<vmem>>) semaphore(%arg16 : memref<!tpu.dma_semaphore, #tpu.memory_space<semaphore_mem>>)
        %add3A_414 = arith.constant 1 : i32
        %add3A_415 = arith.addi %add3A_350, %add3A_414 : i32
        %dma_start3A_416 = arith.constant 2 : i32
        %dma_start3A_417 = arith.constant 0 : i32
        %dma_start3A_418 = arith.constant 0 : i32
        %dma_start3A_419 = tpu.memref_slice %arg5[%add3A, %dma_start3A_416, %add3A_415, %dma_start3A_417, %dma_start3A_418] : memref<32x5x32x64x16xf32, #tpu.memory_space<hbm>> -> memref<1x1x1x64x16xf32, #tpu.memory_space<hbm>>
        %dma_start3A_420 = tpu.memref_squeeze %dma_start3A_419 : memref<1x1x1x64x16xf32, #tpu.memory_space<hbm>> -> memref<64x16xf32, #tpu.memory_space<hbm>>
        %dma_start3A_421 = arith.constant 0 : i32
        %dma_start3A_422 = arith.constant 0 : i32
        %dma_start3A_423 = tpu.memref_slice %arg5[%add3A, %dma_start3A_416, %add3A_415, %dma_start3A_421, %dma_start3A_422] : memref<32x5x32x64x16xf32, #tpu.memory_space<hbm>> -> memref<1x1x1x64x16xf32, #tpu.memory_space<hbm>>
        %dma_start3A_424 = tpu.memref_squeeze %dma_start3A_423 : memref<1x1x1x64x16xf32, #tpu.memory_space<hbm>> -> memref<64x16xf32, #tpu.memory_space<hbm>>
        tpu.enqueue_dma source(%dma_start3A_424 : memref<64x16xf32, #tpu.memory_space<hbm>>) target(%arg12 : memref<64x16xf32, #tpu.memory_space<vmem>>) target_semaphore(%arg17 : memref<!tpu.dma_semaphore, #tpu.memory_space<semaphore_mem>>)
      } else {
      }
      %scan3A_370 = arith.constant 0 : i32
      %scan3A_371 = arith.constant 0 : i32
      %scan3A_372 = arith.constant 64 : i32
      %scan3A_373 = arith.addi %scan3A_371, %scan3A_372 : i32
      %scan3A_374 = arith.constant 1 : i32
      scf.for %scan3A_406 = %scan3A_371 to %scan3A_373 step %scan3A_374  : i32 {
        %get3A = arith.index_cast %scan3A_406 : i32 to index
        %get3A_407 = arith.constant 0 : index
        %get3A_408 = tpu.vector_load %arg11[%get3A, %get3A_407] {strides = array<i32>} : memref<64x16xf32, #tpu.memory_space<vmem>>, vector<1x16xf32>,
        %get3A_409 = vector.shape_cast %get3A_408 : vector<1x16xf32> to vector<16xf32>
        %get3A_410 = arith.index_cast %scan3A_406 : i32 to index
        %get3A_411 = arith.constant 0 : index
        %get3A_412 = tpu.vector_load %arg13[%get3A_410, %get3A_411] {strides = array<i32>} : memref<64x128xf32, #tpu.memory_space<vmem>>, vector<1x16xf32>,
        %get3A_413 = vector.shape_cast %get3A_412 : vector<1x16xf32> to vector<16xf32>
        %mul3A_414 = arith.mulf %get3A_413, %get3A_409 : vector<16xf32>
        %swap3A = arith.index_cast %scan3A_406 : i32 to index
        %swap3A_415 = arith.constant 0 : index
        %swap3A_416 = tpu.vector_load %arg13[%swap3A, %swap3A_415] {strides = array<i32>} : memref<64x128xf32, #tpu.memory_space<vmem>>, vector<1x16xf32>,
        %swap3A_417 = vector.shape_cast %swap3A_416 : vector<1x16xf32> to vector<16xf32>
        %swap3A_418 = vector.shape_cast %mul3A_414 : vector<16xf32> to vector<1x16xf32>
        tpu.vector_store %arg13[%swap3A, %swap3A_415], %swap3A_418 {strides = array<i32>} : memref<64x128xf32, #tpu.memory_space<vmem>>, vector<1x16xf32>,
        %get3A_419 = arith.index_cast %scan3A_406 : i32 to index
        %get3A_420 = arith.constant 16 : index
        %get3A_421 = tpu.vector_load %arg13[%get3A_419, %get3A_420] {strides = array<i32>} : memref<64x128xf32, #tpu.memory_space<vmem>>, vector<1x16xf32>,
        %get3A_422 = vector.shape_cast %get3A_421 : vector<1x16xf32> to vector<16xf32>
        %mul3A_423 = arith.mulf %get3A_422, %get3A_409 : vector<16xf32>
        %swap3A_424 = arith.index_cast %scan3A_406 : i32 to index
        %swap3A_425 = arith.constant 16 : index
        %swap3A_426 = tpu.vector_load %arg13[%swap3A_424, %swap3A_425] {strides = array<i32>} : memref<64x128xf32, #tpu.memory_space<vmem>>, vector<1x16xf32>,
        %swap3A_427 = vector.shape_cast %swap3A_426 : vector<1x16xf32> to vector<16xf32>
        %swap3A_428 = vector.shape_cast %mul3A_423 : vector<16xf32> to vector<1x16xf32>
        tpu.vector_store %arg13[%swap3A_424, %swap3A_425], %swap3A_428 {strides = array<i32>} : memref<64x128xf32, #tpu.memory_space<vmem>>, vector<1x16xf32>,
        %get3A_429 = arith.index_cast %scan3A_406 : i32 to index
        %get3A_430 = arith.constant 32 : index
        %get3A_431 = tpu.vector_load %arg13[%get3A_429, %get3A_430] {strides = array<i32>} : memref<64x128xf32, #tpu.memory_space<vmem>>, vector<1x16xf32>,
        %get3A_432 = vector.shape_cast %get3A_431 : vector<1x16xf32> to vector<16xf32>
        %mul3A_433 = arith.mulf %get3A_432, %get3A_409 : vector<16xf32>
        %swap3A_434 = arith.index_cast %scan3A_406 : i32 to index
        %swap3A_435 = arith.constant 32 : index
        %swap3A_436 = tpu.vector_load %arg13[%swap3A_434, %swap3A_435] {strides = array<i32>} : memref<64x128xf32, #tpu.memory_space<vmem>>, vector<1x16xf32>,
        %swap3A_437 = vector.shape_cast %swap3A_436 : vector<1x16xf32> to vector<16xf32>
        %swap3A_438 = vector.shape_cast %mul3A_433 : vector<16xf32> to vector<1x16xf32>
        tpu.vector_store %arg13[%swap3A_434, %swap3A_435], %swap3A_438 {strides = array<i32>} : memref<64x128xf32, #tpu.memory_space<vmem>>, vector<1x16xf32>,
        %get3A_439 = arith.index_cast %scan3A_406 : i32 to index
        %get3A_440 = arith.constant 48 : index
        %get3A_441 = tpu.vector_load %arg13[%get3A_439, %get3A_440] {strides = array<i32>} : memref<64x128xf32, #tpu.memory_space<vmem>>, vector<1x16xf32>,
        %get3A_442 = vector.shape_cast %get3A_441 : vector<1x16xf32> to vector<16xf32>
        %mul3A_443 = arith.mulf %get3A_442, %get3A_409 : vector<16xf32>
        %swap3A_444 = arith.index_cast %scan3A_406 : i32 to index
        %swap3A_445 = arith.constant 48 : index
        %swap3A_446 = tpu.vector_load %arg13[%swap3A_444, %swap3A_445] {strides = array<i32>} : memref<64x128xf32, #tpu.memory_space<vmem>>, vector<1x16xf32>,
        %swap3A_447 = vector.shape_cast %swap3A_446 : vector<1x16xf32> to vector<16xf32>
        %swap3A_448 = vector.shape_cast %mul3A_443 : vector<16xf32> to vector<1x16xf32>
        tpu.vector_store %arg13[%swap3A_444, %swap3A_445], %swap3A_448 {strides = array<i32>} : memref<64x128xf32, #tpu.memory_space<vmem>>, vector<1x16xf32>,
        %get3A_449 = arith.index_cast %scan3A_406 : i32 to index
        %get3A_450 = arith.constant 64 : index
        %get3A_451 = tpu.vector_load %arg13[%get3A_449, %get3A_450] {strides = array<i32>} : memref<64x128xf32, #tpu.memory_space<vmem>>, vector<1x16xf32>,
        %get3A_452 = vector.shape_cast %get3A_451 : vector<1x16xf32> to vector<16xf32>
        %mul3A_453 = arith.mulf %get3A_452, %get3A_409 : vector<16xf32>
        %swap3A_454 = arith.index_cast %scan3A_406 : i32 to index
        %swap3A_455 = arith.constant 64 : index
        %swap3A_456 = tpu.vector_load %arg13[%swap3A_454, %swap3A_455] {strides = array<i32>} : memref<64x128xf32, #tpu.memory_space<vmem>>, vector<1x16xf32>,
        %swap3A_457 = vector.shape_cast %swap3A_456 : vector<1x16xf32> to vector<16xf32>
        %swap3A_458 = vector.shape_cast %mul3A_453 : vector<16xf32> to vector<1x16xf32>
        tpu.vector_store %arg13[%swap3A_454, %swap3A_455], %swap3A_458 {strides = array<i32>} : memref<64x128xf32, #tpu.memory_space<vmem>>, vector<1x16xf32>,
        %get3A_459 = arith.index_cast %scan3A_406 : i32 to index
        %get3A_460 = arith.constant 80 : index
        %get3A_461 = tpu.vector_load %arg13[%get3A_459, %get3A_460] {strides = array<i32>} : memref<64x128xf32, #tpu.memory_space<vmem>>, vector<1x16xf32>,
        %get3A_462 = vector.shape_cast %get3A_461 : vector<1x16xf32> to vector<16xf32>
        %mul3A_463 = arith.mulf %get3A_462, %get3A_409 : vector<16xf32>
        %swap3A_464 = arith.index_cast %scan3A_406 : i32 to index
        %swap3A_465 = arith.constant 80 : index
        %swap3A_466 = tpu.vector_load %arg13[%swap3A_464, %swap3A_465] {strides = array<i32>} : memref<64x128xf32, #tpu.memory_space<vmem>>, vector<1x16xf32>,
        %swap3A_467 = vector.shape_cast %swap3A_466 : vector<1x16xf32> to vector<16xf32>
        %swap3A_468 = vector.shape_cast %mul3A_463 : vector<16xf32> to vector<1x16xf32>
        tpu.vector_store %arg13[%swap3A_464, %swap3A_465], %swap3A_468 {strides = array<i32>} : memref<64x128xf32, #tpu.memory_space<vmem>>, vector<1x16xf32>,
        %get3A_469 = arith.index_cast %scan3A_406 : i32 to index
        %get3A_470 = arith.constant 96 : index
        %get3A_471 = tpu.vector_load %arg13[%get3A_469, %get3A_470] {strides = array<i32>} : memref<64x128xf32, #tpu.memory_space<vmem>>, vector<1x16xf32>,
        %get3A_472 = vector.shape_cast %get3A_471 : vector<1x16xf32> to vector<16xf32>
        %mul3A_473 = arith.mulf %get3A_472, %get3A_409 : vector<16xf32>
        %swap3A_474 = arith.index_cast %scan3A_406 : i32 to index
        %swap3A_475 = arith.constant 96 : index
        %swap3A_476 = tpu.vector_load %arg13[%swap3A_474, %swap3A_475] {strides = array<i32>} : memref<64x128xf32, #tpu.memory_space<vmem>>, vector<1x16xf32>,
        %swap3A_477 = vector.shape_cast %swap3A_476 : vector<1x16xf32> to vector<16xf32>
        %swap3A_478 = vector.shape_cast %mul3A_473 : vector<16xf32> to vector<1x16xf32>
        tpu.vector_store %arg13[%swap3A_474, %swap3A_475], %swap3A_478 {strides = array<i32>} : memref<64x128xf32, #tpu.memory_space<vmem>>, vector<1x16xf32>,
        %get3A_479 = arith.index_cast %scan3A_406 : i32 to index
        %get3A_480 = arith.constant 112 : index
        %get3A_481 = tpu.vector_load %arg13[%get3A_479, %get3A_480] {strides = array<i32>} : memref<64x128xf32, #tpu.memory_space<vmem>>, vector<1x16xf32>,
        %get3A_482 = vector.shape_cast %get3A_481 : vector<1x16xf32> to vector<16xf32>
        %mul3A_483 = arith.mulf %get3A_482, %get3A_409 : vector<16xf32>
        %swap3A_484 = arith.index_cast %scan3A_406 : i32 to index
        %swap3A_485 = arith.constant 112 : index
        %swap3A_486 = tpu.vector_load %arg13[%swap3A_484, %swap3A_485] {strides = array<i32>} : memref<64x128xf32, #tpu.memory_space<vmem>>, vector<1x16xf32>,
        %swap3A_487 = vector.shape_cast %swap3A_486 : vector<1x16xf32> to vector<16xf32>
        %swap3A_488 = vector.shape_cast %mul3A_483 : vector<16xf32> to vector<1x16xf32>
        tpu.vector_store %arg13[%swap3A_484, %swap3A_485], %swap3A_488 {strides = array<i32>} : memref<64x128xf32, #tpu.memory_space<vmem>>, vector<1x16xf32>,
      }
      %scan3A_375 = arith.constant 64 : i32
      "tpu.region"() ({
        %run_scoped3A_406 = tpu.sem_alloc : memref<!tpu.dma_semaphore, #tpu.memory_space<semaphore_mem>>
        %dma_start3A_407 = arith.constant 0 : i32
        %dma_start3A_408 = tpu.memref_slice %arg9[%add3A_350, %dma_start3A_407] : memref<32x64xi32, #tpu.memory_space<vmem>> -> memref<1x64xi32, #tpu.memory_space<vmem>>
        %dma_start3A_409 = tpu.memref_squeeze %dma_start3A_408 : memref<1x64xi32, #tpu.memory_space<vmem>> -> memref<64xi32, #tpu.memory_space<vmem>>
        %dma_start3A_410 = arith.constant 0 : i32
        %dma_start3A_411 = arith.constant 0 : i32
        %dma_start3A_412 = tpu.memref_slice %arg15[%dma_start3A_410, %dma_start3A_411] : memref<10112x128xf32, #tpu.memory_space<vmem_shared>> -> memref<10112x128xf32, #tpu.memory_space<vmem_shared>>
        tpu.enqueue_indirect_dma source(%arg13 : memref<64x128xf32, #tpu.memory_space<vmem>>) target(%dma_start3A_412 : memref<10112x128xf32, #tpu.memory_space<vmem_shared>>) offsets(%dma_start3A_409 : memref<64xi32, #tpu.memory_space<vmem>>) semaphore(%run_scoped3A_406 : memref<!tpu.dma_semaphore, #tpu.memory_space<semaphore_mem>>) {add = true}
        %dma_wait3A_413 = arith.constant 0 : i32
        %dma_wait3A_414 = tpu.memref_slice %arg9[%add3A_350, %dma_wait3A_413] : memref<32x64xi32, #tpu.memory_space<vmem>> -> memref<1x64xi32, #tpu.memory_space<vmem>>
        %dma_wait3A_415 = tpu.memref_squeeze %dma_wait3A_414 : memref<1x64xi32, #tpu.memory_space<vmem>> -> memref<64xi32, #tpu.memory_space<vmem>>
        %dma_wait3A_416 = arith.constant 0 : i32
        %dma_wait3A_417 = arith.constant 0 : i32
        %dma_wait3A_418 = tpu.memref_slice %arg15[%dma_wait3A_416, %dma_wait3A_417] : memref<10112x128xf32, #tpu.memory_space<vmem_shared>> -> memref<10112x128xf32, #tpu.memory_space<vmem_shared>>
        tpu.wait_indirect_dma semaphore(%run_scoped3A_406 : memref<!tpu.dma_semaphore, #tpu.memory_space<semaphore_mem>>) src(%arg13 : memref<64x128xf32, #tpu.memory_space<vmem>>) dst(%dma_wait3A_418 : memref<10112x128xf32, #tpu.memory_space<vmem_shared>>)
        tpu.yield
      }) : () -> ()
      %add3A_376 = arith.constant 1 : i32
      %add3A_377 = arith.addi %mul3A_348, %add3A_376 : i32
      %dma_wait3A_378 = arith.constant 0 : i32
      %dma_wait3A_379 = tpu.memref_slice %arg7[%add3A_377, %dma_wait3A_378] : memref<32x64xi32, #tpu.memory_space<vmem>> -> memref<1x64xi32, #tpu.memory_space<vmem>>
      %dma_wait3A_380 = tpu.memref_squeeze %dma_wait3A_379 : memref<1x64xi32, #tpu.memory_space<vmem>> -> memref<64xi32, #tpu.memory_space<vmem>>
      %dma_wait3A_381 = arith.constant 0 : i32
      %dma_wait3A_382 = arith.constant 0 : i32
      %dma_wait3A_383 = tpu.memref_slice %arg2[%dma_wait3A_381, %dma_wait3A_382] : memref<10000x128xf32, #tpu.memory_space<hbm>> -> memref<10000x128xf32, #tpu.memory_space<hbm>>
      tpu.wait_indirect_dma semaphore(%arg16 : memref<!tpu.dma_semaphore, #tpu.memory_space<semaphore_mem>>) src(%dma_wait3A_383 : memref<10000x128xf32, #tpu.memory_space<hbm>>) dst(%arg14 : memref<64x128xf32, #tpu.memory_space<vmem>>)
      %dma_wait3A_384 = arith.constant 2 : i32
      %dma_wait3A_385 = arith.constant 0 : i32
      %dma_wait3A_386 = arith.constant 0 : i32
      %dma_wait3A_387 = tpu.memref_slice %arg5[%add3A, %dma_wait3A_384, %add3A_377, %dma_wait3A_385, %dma_wait3A_386] : memref<32x5x32x64x16xf32, #tpu.memory_space<hbm>> -> memref<1x1x1x64x16xf32, #tpu.memory_space<hbm>>
      %dma_wait3A_388 = tpu.memref_squeeze %dma_wait3A_387 : memref<1x1x1x64x16xf32, #tpu.memory_space<hbm>> -> memref<64x16xf32, #tpu.memory_space<hbm>>
      %dma_wait3A_389 = arith.constant 0 : i32
      %dma_wait3A_390 = arith.constant 0 : i32
      %dma_wait3A_391 = tpu.memref_slice %arg5[%add3A, %dma_wait3A_384, %add3A_377, %dma_wait3A_389, %dma_wait3A_390] : memref<32x5x32x64x16xf32, #tpu.memory_space<hbm>> -> memref<1x1x1x64x16xf32, #tpu.memory_space<hbm>>
      %dma_wait3A_392 = tpu.memref_squeeze %dma_wait3A_391 : memref<1x1x1x64x16xf32, #tpu.memory_space<hbm>> -> memref<64x16xf32, #tpu.memory_space<hbm>>
      tpu.wait_dma2 semaphore(%arg17 : memref<!tpu.dma_semaphore, #tpu.memory_space<semaphore_mem>>) src(%dma_wait3A_392 : memref<64x16xf32, #tpu.memory_space<hbm>>) dst(%arg12 : memref<64x16xf32, #tpu.memory_space<vmem>>)
      %add3A_393 = arith.constant 1 : i32
      %add3A_394 = arith.addi %add3A_377, %add3A_393 : i32
      %lt3A_395 = arith.constant 32 : i32
      %lt3A_396 = arith.cmpi slt, %add3A_394, %lt3A_395 : i32
      %convert_element_type3A_397 = arith.extui %lt3A_396 : i1 to i32
      %cond3A_398 = arith.constant 0 : i32
      %cond3A_399 = arith.cmpi ne, %convert_element_type3A_397, %cond3A_398 : i32
      scf.if %cond3A_399 {
        %add3A_406 = arith.constant 1 : i32
        %add3A_407 = arith.addi %add3A_377, %add3A_406 : i32
        %dma_start3A_408 = arith.constant 0 : i32
        %dma_start3A_409 = tpu.memref_slice %arg7[%add3A_407, %dma_start3A_408] : memref<32x64xi32, #tpu.memory_space<vmem>> -> memref<1x64xi32, #tpu.memory_space<vmem>>
        %dma_start3A_410 = tpu.memref_squeeze %dma_start3A_409 : memref<1x64xi32, #tpu.memory_space<vmem>> -> memref<64xi32, #tpu.memory_space<vmem>>
        %dma_start3A_411 = arith.constant 0 : i32
        %dma_start3A_412 = arith.constant 0 : i32
        %dma_start3A_413 = tpu.memref_slice %arg2[%dma_start3A_411, %dma_start3A_412] : memref<10000x128xf32, #tpu.memory_space<hbm>> -> memref<10000x128xf32, #tpu.memory_space<hbm>>
        tpu.enqueue_indirect_dma source(%dma_start3A_413 : memref<10000x128xf32, #tpu.memory_space<hbm>>) target(%arg13 : memref<64x128xf32, #tpu.memory_space<vmem>>) offsets(%dma_start3A_410 : memref<64xi32, #tpu.memory_space<vmem>>) semaphore(%arg16 : memref<!tpu.dma_semaphore, #tpu.memory_space<semaphore_mem>>)
        %add3A_414 = arith.constant 1 : i32
        %add3A_415 = arith.addi %add3A_377, %add3A_414 : i32
        %dma_start3A_416 = arith.constant 2 : i32
        %dma_start3A_417 = arith.constant 0 : i32
        %dma_start3A_418 = arith.constant 0 : i32
        %dma_start3A_419 = tpu.memref_slice %arg5[%add3A, %dma_start3A_416, %add3A_415, %dma_start3A_417, %dma_start3A_418] : memref<32x5x32x64x16xf32, #tpu.memory_space<hbm>> -> memref<1x1x1x64x16xf32, #tpu.memory_space<hbm>>
        %dma_start3A_420 = tpu.memref_squeeze %dma_start3A_419 : memref<1x1x1x64x16xf32, #tpu.memory_space<hbm>> -> memref<64x16xf32, #tpu.memory_space<hbm>>
        %dma_start3A_421 = arith.constant 0 : i32
        %dma_start3A_422 = arith.constant 0 : i32
        %dma_start3A_423 = tpu.memref_slice %arg5[%add3A, %dma_start3A_416, %add3A_415, %dma_start3A_421, %dma_start3A_422] : memref<32x5x32x64x16xf32, #tpu.memory_space<hbm>> -> memref<1x1x1x64x16xf32, #tpu.memory_space<hbm>>
        %dma_start3A_424 = tpu.memref_squeeze %dma_start3A_423 : memref<1x1x1x64x16xf32, #tpu.memory_space<hbm>> -> memref<64x16xf32, #tpu.memory_space<hbm>>
        tpu.enqueue_dma source(%dma_start3A_424 : memref<64x16xf32, #tpu.memory_space<hbm>>) target(%arg11 : memref<64x16xf32, #tpu.memory_space<vmem>>) target_semaphore(%arg17 : memref<!tpu.dma_semaphore, #tpu.memory_space<semaphore_mem>>)
      } else {
      }
      %scan3A_400 = arith.constant 0 : i32
      %scan3A_401 = arith.constant 0 : i32
      %scan3A_402 = arith.constant 64 : i32
      %scan3A_403 = arith.addi %scan3A_401, %scan3A_402 : i32
      %scan3A_404 = arith.constant 1 : i32
      scf.for %scan3A_406 = %scan3A_401 to %scan3A_403 step %scan3A_404  : i32 {
        %get3A = arith.index_cast %scan3A_406 : i32 to index
        %get3A_407 = arith.constant 0 : index
        %get3A_408 = tpu.vector_load %arg12[%get3A, %get3A_407] {strides = array<i32>} : memref<64x16xf32, #tpu.memory_space<vmem>>, vector<1x16xf32>,
        %get3A_409 = vector.shape_cast %get3A_408 : vector<1x16xf32> to vector<16xf32>
        %get3A_410 = arith.index_cast %scan3A_406 : i32 to index
        %get3A_411 = arith.constant 0 : index
        %get3A_412 = tpu.vector_load %arg14[%get3A_410, %get3A_411] {strides = array<i32>} : memref<64x128xf32, #tpu.memory_space<vmem>>, vector<1x16xf32>,
        %get3A_413 = vector.shape_cast %get3A_412 : vector<1x16xf32> to vector<16xf32>
        %mul3A_414 = arith.mulf %get3A_413, %get3A_409 : vector<16xf32>
        %swap3A = arith.index_cast %scan3A_406 : i32 to index
        %swap3A_415 = arith.constant 0 : index
        %swap3A_416 = tpu.vector_load %arg14[%swap3A, %swap3A_415] {strides = array<i32>} : memref<64x128xf32, #tpu.memory_space<vmem>>, vector<1x16xf32>,
        %swap3A_417 = vector.shape_cast %swap3A_416 : vector<1x16xf32> to vector<16xf32>
        %swap3A_418 = vector.shape_cast %mul3A_414 : vector<16xf32> to vector<1x16xf32>
        tpu.vector_store %arg14[%swap3A, %swap3A_415], %swap3A_418 {strides = array<i32>} : memref<64x128xf32, #tpu.memory_space<vmem>>, vector<1x16xf32>,
        %get3A_419 = arith.index_cast %scan3A_406 : i32 to index
        %get3A_420 = arith.constant 16 : index
        %get3A_421 = tpu.vector_load %arg14[%get3A_419, %get3A_420] {strides = array<i32>} : memref<64x128xf32, #tpu.memory_space<vmem>>, vector<1x16xf32>,
        %get3A_422 = vector.shape_cast %get3A_421 : vector<1x16xf32> to vector<16xf32>
        %mul3A_423 = arith.mulf %get3A_422, %get3A_409 : vector<16xf32>
        %swap3A_424 = arith.index_cast %scan3A_406 : i32 to index
        %swap3A_425 = arith.constant 16 : index
        %swap3A_426 = tpu.vector_load %arg14[%swap3A_424, %swap3A_425] {strides = array<i32>} : memref<64x128xf32, #tpu.memory_space<vmem>>, vector<1x16xf32>,
        %swap3A_427 = vector.shape_cast %swap3A_426 : vector<1x16xf32> to vector<16xf32>
        %swap3A_428 = vector.shape_cast %mul3A_423 : vector<16xf32> to vector<1x16xf32>
        tpu.vector_store %arg14[%swap3A_424, %swap3A_425], %swap3A_428 {strides = array<i32>} : memref<64x128xf32, #tpu.memory_space<vmem>>, vector<1x16xf32>,
        %get3A_429 = arith.index_cast %scan3A_406 : i32 to index
        %get3A_430 = arith.constant 32 : index
        %get3A_431 = tpu.vector_load %arg14[%get3A_429, %get3A_430] {strides = array<i32>} : memref<64x128xf32, #tpu.memory_space<vmem>>, vector<1x16xf32>,
        %get3A_432 = vector.shape_cast %get3A_431 : vector<1x16xf32> to vector<16xf32>
        %mul3A_433 = arith.mulf %get3A_432, %get3A_409 : vector<16xf32>
        %swap3A_434 = arith.index_cast %scan3A_406 : i32 to index
        %swap3A_435 = arith.constant 32 : index
        %swap3A_436 = tpu.vector_load %arg14[%swap3A_434, %swap3A_435] {strides = array<i32>} : memref<64x128xf32, #tpu.memory_space<vmem>>, vector<1x16xf32>,
        %swap3A_437 = vector.shape_cast %swap3A_436 : vector<1x16xf32> to vector<16xf32>
        %swap3A_438 = vector.shape_cast %mul3A_433 : vector<16xf32> to vector<1x16xf32>
        tpu.vector_store %arg14[%swap3A_434, %swap3A_435], %swap3A_438 {strides = array<i32>} : memref<64x128xf32, #tpu.memory_space<vmem>>, vector<1x16xf32>,
        %get3A_439 = arith.index_cast %scan3A_406 : i32 to index
        %get3A_440 = arith.constant 48 : index
        %get3A_441 = tpu.vector_load %arg14[%get3A_439, %get3A_440] {strides = array<i32>} : memref<64x128xf32, #tpu.memory_space<vmem>>, vector<1x16xf32>,
        %get3A_442 = vector.shape_cast %get3A_441 : vector<1x16xf32> to vector<16xf32>
        %mul3A_443 = arith.mulf %get3A_442, %get3A_409 : vector<16xf32>
        %swap3A_444 = arith.index_cast %scan3A_406 : i32 to index
        %swap3A_445 = arith.constant 48 : index
        %swap3A_446 = tpu.vector_load %arg14[%swap3A_444, %swap3A_445] {strides = array<i32>} : memref<64x128xf32, #tpu.memory_space<vmem>>, vector<1x16xf32>,
        %swap3A_447 = vector.shape_cast %swap3A_446 : vector<1x16xf32> to vector<16xf32>
        %swap3A_448 = vector.shape_cast %mul3A_443 : vector<16xf32> to vector<1x16xf32>
        tpu.vector_store %arg14[%swap3A_444, %swap3A_445], %swap3A_448 {strides = array<i32>} : memref<64x128xf32, #tpu.memory_space<vmem>>, vector<1x16xf32>,
        %get3A_449 = arith.index_cast %scan3A_406 : i32 to index
        %get3A_450 = arith.constant 64 : index
        %get3A_451 = tpu.vector_load %arg14[%get3A_449, %get3A_450] {strides = array<i32>} : memref<64x128xf32, #tpu.memory_space<vmem>>, vector<1x16xf32>,
        %get3A_452 = vector.shape_cast %get3A_451 : vector<1x16xf32> to vector<16xf32>
        %mul3A_453 = arith.mulf %get3A_452, %get3A_409 : vector<16xf32>
        %swap3A_454 = arith.index_cast %scan3A_406 : i32 to index
        %swap3A_455 = arith.constant 64 : index
        %swap3A_456 = tpu.vector_load %arg14[%swap3A_454, %swap3A_455] {strides = array<i32>} : memref<64x128xf32, #tpu.memory_space<vmem>>, vector<1x16xf32>,
        %swap3A_457 = vector.shape_cast %swap3A_456 : vector<1x16xf32> to vector<16xf32>
        %swap3A_458 = vector.shape_cast %mul3A_453 : vector<16xf32> to vector<1x16xf32>
        tpu.vector_store %arg14[%swap3A_454, %swap3A_455], %swap3A_458 {strides = array<i32>} : memref<64x128xf32, #tpu.memory_space<vmem>>, vector<1x16xf32>,
        %get3A_459 = arith.index_cast %scan3A_406 : i32 to index
        %get3A_460 = arith.constant 80 : index
        %get3A_461 = tpu.vector_load %arg14[%get3A_459, %get3A_460] {strides = array<i32>} : memref<64x128xf32, #tpu.memory_space<vmem>>, vector<1x16xf32>,
        %get3A_462 = vector.shape_cast %get3A_461 : vector<1x16xf32> to vector<16xf32>
        %mul3A_463 = arith.mulf %get3A_462, %get3A_409 : vector<16xf32>
        %swap3A_464 = arith.index_cast %scan3A_406 : i32 to index
        %swap3A_465 = arith.constant 80 : index
        %swap3A_466 = tpu.vector_load %arg14[%swap3A_464, %swap3A_465] {strides = array<i32>} : memref<64x128xf32, #tpu.memory_space<vmem>>, vector<1x16xf32>,
        %swap3A_467 = vector.shape_cast %swap3A_466 : vector<1x16xf32> to vector<16xf32>
        %swap3A_468 = vector.shape_cast %mul3A_463 : vector<16xf32> to vector<1x16xf32>
        tpu.vector_store %arg14[%swap3A_464, %swap3A_465], %swap3A_468 {strides = array<i32>} : memref<64x128xf32, #tpu.memory_space<vmem>>, vector<1x16xf32>,
        %get3A_469 = arith.index_cast %scan3A_406 : i32 to index
        %get3A_470 = arith.constant 96 : index
        %get3A_471 = tpu.vector_load %arg14[%get3A_469, %get3A_470] {strides = array<i32>} : memref<64x128xf32, #tpu.memory_space<vmem>>, vector<1x16xf32>,
        %get3A_472 = vector.shape_cast %get3A_471 : vector<1x16xf32> to vector<16xf32>
        %mul3A_473 = arith.mulf %get3A_472, %get3A_409 : vector<16xf32>
        %swap3A_474 = arith.index_cast %scan3A_406 : i32 to index
        %swap3A_475 = arith.constant 96 : index
        %swap3A_476 = tpu.vector_load %arg14[%swap3A_474, %swap3A_475] {strides = array<i32>} : memref<64x128xf32, #tpu.memory_space<vmem>>, vector<1x16xf32>,
        %swap3A_477 = vector.shape_cast %swap3A_476 : vector<1x16xf32> to vector<16xf32>
        %swap3A_478 = vector.shape_cast %mul3A_473 : vector<16xf32> to vector<1x16xf32>
        tpu.vector_store %arg14[%swap3A_474, %swap3A_475], %swap3A_478 {strides = array<i32>} : memref<64x128xf32, #tpu.memory_space<vmem>>, vector<1x16xf32>,
        %get3A_479 = arith.index_cast %scan3A_406 : i32 to index
        %get3A_480 = arith.constant 112 : index
        %get3A_481 = tpu.vector_load %arg14[%get3A_479, %get3A_480] {strides = array<i32>} : memref<64x128xf32, #tpu.memory_space<vmem>>, vector<1x16xf32>,
        %get3A_482 = vector.shape_cast %get3A_481 : vector<1x16xf32> to vector<16xf32>
        %mul3A_483 = arith.mulf %get3A_482, %get3A_409 : vector<16xf32>
        %swap3A_484 = arith.index_cast %scan3A_406 : i32 to index
        %swap3A_485 = arith.constant 112 : index
        %swap3A_486 = tpu.vector_load %arg14[%swap3A_484, %swap3A_485] {strides = array<i32>} : memref<64x128xf32, #tpu.memory_space<vmem>>, vector<1x16xf32>,
        %swap3A_487 = vector.shape_cast %swap3A_486 : vector<1x16xf32> to vector<16xf32>
        %swap3A_488 = vector.shape_cast %mul3A_483 : vector<16xf32> to vector<1x16xf32>
        tpu.vector_store %arg14[%swap3A_484, %swap3A_485], %swap3A_488 {strides = array<i32>} : memref<64x128xf32, #tpu.memory_space<vmem>>, vector<1x16xf32>,
      }
      %scan3A_405 = arith.constant 64 : i32
      "tpu.region"() ({
        %run_scoped3A_406 = tpu.sem_alloc : memref<!tpu.dma_semaphore, #tpu.memory_space<semaphore_mem>>
        %dma_start3A_407 = arith.constant 0 : i32
        %dma_start3A_408 = tpu.memref_slice %arg9[%add3A_377, %dma_start3A_407] : memref<32x64xi32, #tpu.memory_space<vmem>> -> memref<1x64xi32, #tpu.memory_space<vmem>>
        %dma_start3A_409 = tpu.memref_squeeze %dma_start3A_408 : memref<1x64xi32, #tpu.memory_space<vmem>> -> memref<64xi32, #tpu.memory_space<vmem>>
        %dma_start3A_410 = arith.constant 0 : i32
        %dma_start3A_411 = arith.constant 0 : i32
        %dma_start3A_412 = tpu.memref_slice %arg15[%dma_start3A_410, %dma_start3A_411] : memref<10112x128xf32, #tpu.memory_space<vmem_shared>> -> memref<10112x128xf32, #tpu.memory_space<vmem_shared>>
        tpu.enqueue_indirect_dma source(%arg14 : memref<64x128xf32, #tpu.memory_space<vmem>>) target(%dma_start3A_412 : memref<10112x128xf32, #tpu.memory_space<vmem_shared>>) offsets(%dma_start3A_409 : memref<64xi32, #tpu.memory_space<vmem>>) semaphore(%run_scoped3A_406 : memref<!tpu.dma_semaphore, #tpu.memory_space<semaphore_mem>>) {add = true}
        %dma_wait3A_413 = arith.constant 0 : i32
        %dma_wait3A_414 = tpu.memref_slice %arg9[%add3A_377, %dma_wait3A_413] : memref<32x64xi32, #tpu.memory_space<vmem>> -> memref<1x64xi32, #tpu.memory_space<vmem>>
        %dma_wait3A_415 = tpu.memref_squeeze %dma_wait3A_414 : memref<1x64xi32, #tpu.memory_space<vmem>> -> memref<64xi32, #tpu.memory_space<vmem>>
        %dma_wait3A_416 = arith.constant 0 : i32
        %dma_wait3A_417 = arith.constant 0 : i32
        %dma_wait3A_418 = tpu.memref_slice %arg15[%dma_wait3A_416, %dma_wait3A_417] : memref<10112x128xf32, #tpu.memory_space<vmem_shared>> -> memref<10112x128xf32, #tpu.memory_space<vmem_shared>>
        tpu.wait_indirect_dma semaphore(%run_scoped3A_406 : memref<!tpu.dma_semaphore, #tpu.memory_space<semaphore_mem>>) src(%arg14 : memref<64x128xf32, #tpu.memory_space<vmem>>) dst(%dma_wait3A_418 : memref<10112x128xf32, #tpu.memory_space<vmem_shared>>)
        tpu.yield
      }) : () -> ()
    }
    %scan3A_204 = arith.constant 16 : i32
    %dma_wait3A_205 = arith.constant 3 : i32
    %dma_wait3A_206 = arith.constant 0 : i32
    %dma_wait3A_207 = arith.constant 0 : i32
    %dma_wait3A_208 = tpu.memref_slice %arg3[%add3A, %dma_wait3A_205, %dma_wait3A_206, %dma_wait3A_207] : memref<32x5x32x64xi32, #tpu.memory_space<hbm>> -> memref<1x1x32x64xi32, #tpu.memory_space<hbm>>
    %dma_wait3A_209 = tpu.memref_squeeze %dma_wait3A_208 : memref<1x1x32x64xi32, #tpu.memory_space<hbm>> -> memref<32x64xi32, #tpu.memory_space<hbm>>
    %dma_wait3A_210 = arith.constant 0 : i32
    %dma_wait3A_211 = arith.constant 0 : i32
    %dma_wait3A_212 = tpu.memref_slice %arg3[%add3A, %dma_wait3A_205, %dma_wait3A_210, %dma_wait3A_211] : memref<32x5x32x64xi32, #tpu.memory_space<hbm>> -> memref<1x1x32x64xi32, #tpu.memory_space<hbm>>
    %dma_wait3A_213 = tpu.memref_squeeze %dma_wait3A_212 : memref<1x1x32x64xi32, #tpu.memory_space<hbm>> -> memref<32x64xi32, #tpu.memory_space<hbm>>
    tpu.wait_dma2 semaphore(%arg18 : memref<!tpu.dma_semaphore, #tpu.memory_space<semaphore_mem>>) src(%dma_wait3A_213 : memref<32x64xi32, #tpu.memory_space<hbm>>) dst(%arg8 : memref<32x64xi32, #tpu.memory_space<vmem>>)
    %dma_wait3A_214 = arith.constant 3 : i32
    %dma_wait3A_215 = arith.constant 0 : i32
    %dma_wait3A_216 = arith.constant 0 : i32
    %dma_wait3A_217 = tpu.memref_slice %arg4[%add3A, %dma_wait3A_214, %dma_wait3A_215, %dma_wait3A_216] : memref<32x5x32x64xi32, #tpu.memory_space<hbm>> -> memref<1x1x32x64xi32, #tpu.memory_space<hbm>>
    %dma_wait3A_218 = tpu.memref_squeeze %dma_wait3A_217 : memref<1x1x32x64xi32, #tpu.memory_space<hbm>> -> memref<32x64xi32, #tpu.memory_space<hbm>>
    %dma_wait3A_219 = arith.constant 0 : i32
    %dma_wait3A_220 = arith.constant 0 : i32
    %dma_wait3A_221 = tpu.memref_slice %arg4[%add3A, %dma_wait3A_214, %dma_wait3A_219, %dma_wait3A_220] : memref<32x5x32x64xi32, #tpu.memory_space<hbm>> -> memref<1x1x32x64xi32, #tpu.memory_space<hbm>>
    %dma_wait3A_222 = tpu.memref_squeeze %dma_wait3A_221 : memref<1x1x32x64xi32, #tpu.memory_space<hbm>> -> memref<32x64xi32, #tpu.memory_space<hbm>>
    tpu.wait_dma2 semaphore(%arg18 : memref<!tpu.dma_semaphore, #tpu.memory_space<semaphore_mem>>) src(%dma_wait3A_222 : memref<32x64xi32, #tpu.memory_space<hbm>>) dst(%arg10 : memref<32x64xi32, #tpu.memory_space<vmem>>)
    %dma_start3A_223 = arith.constant 0 : i32
    %dma_start3A_224 = arith.constant 0 : i32
    %dma_start3A_225 = tpu.memref_slice %arg8[%dma_start3A_223, %dma_start3A_224] : memref<32x64xi32, #tpu.memory_space<vmem>> -> memref<1x64xi32, #tpu.memory_space<vmem>>
    %dma_start3A_226 = tpu.memref_squeeze %dma_start3A_225 : memref<1x64xi32, #tpu.memory_space<vmem>> -> memref<64xi32, #tpu.memory_space<vmem>>
    %dma_start3A_227 = arith.constant 0 : i32
    %dma_start3A_228 = arith.constant 0 : i32
    %dma_start3A_229 = tpu.memref_slice %arg2[%dma_start3A_227, %dma_start3A_228] : memref<10000x128xf32, #tpu.memory_space<hbm>> -> memref<10000x128xf32, #tpu.memory_space<hbm>>
    tpu.enqueue_indirect_dma source(%dma_start3A_229 : memref<10000x128xf32, #tpu.memory_space<hbm>>) target(%arg13 : memref<64x128xf32, #tpu.memory_space<vmem>>) offsets(%dma_start3A_226 : memref<64xi32, #tpu.memory_space<vmem>>) semaphore(%arg16 : memref<!tpu.dma_semaphore, #tpu.memory_space<semaphore_mem>>)
    %dma_start3A_230 = arith.constant 3 : i32
    %dma_start3A_231 = arith.constant 0 : i32
    %dma_start3A_232 = arith.constant 0 : i32
    %dma_start3A_233 = arith.constant 0 : i32
    %dma_start3A_234 = tpu.memref_slice %arg5[%add3A, %dma_start3A_230, %dma_start3A_231, %dma_start3A_232, %dma_start3A_233] : memref<32x5x32x64x16xf32, #tpu.memory_space<hbm>> -> memref<1x1x1x64x16xf32, #tpu.memory_space<hbm>>
    %dma_start3A_235 = tpu.memref_squeeze %dma_start3A_234 : memref<1x1x1x64x16xf32, #tpu.memory_space<hbm>> -> memref<64x16xf32, #tpu.memory_space<hbm>>
    %dma_start3A_236 = arith.constant 0 : i32
    %dma_start3A_237 = arith.constant 0 : i32
    %dma_start3A_238 = tpu.memref_slice %arg5[%add3A, %dma_start3A_230, %dma_start3A_231, %dma_start3A_236, %dma_start3A_237] : memref<32x5x32x64x16xf32, #tpu.memory_space<hbm>> -> memref<1x1x1x64x16xf32, #tpu.memory_space<hbm>>
    %dma_start3A_239 = tpu.memref_squeeze %dma_start3A_238 : memref<1x1x1x64x16xf32, #tpu.memory_space<hbm>> -> memref<64x16xf32, #tpu.memory_space<hbm>>
    tpu.enqueue_dma source(%dma_start3A_239 : memref<64x16xf32, #tpu.memory_space<hbm>>) target(%arg11 : memref<64x16xf32, #tpu.memory_space<vmem>>) target_semaphore(%arg17 : memref<!tpu.dma_semaphore, #tpu.memory_space<semaphore_mem>>)
    %dma_start3A_240 = arith.constant 4 : i32
    %dma_start3A_241 = arith.constant 0 : i32
    %dma_start3A_242 = arith.constant 0 : i32
    %dma_start3A_243 = tpu.memref_slice %arg3[%add3A, %dma_start3A_240, %dma_start3A_241, %dma_start3A_242] : memref<32x5x32x64xi32, #tpu.memory_space<hbm>> -> memref<1x1x32x64xi32, #tpu.memory_space<hbm>>
    %dma_start3A_244 = tpu.memref_squeeze %dma_start3A_243 : memref<1x1x32x64xi32, #tpu.memory_space<hbm>> -> memref<32x64xi32, #tpu.memory_space<hbm>>
    %dma_start3A_245 = arith.constant 0 : i32
    %dma_start3A_246 = arith.constant 0 : i32
    %dma_start3A_247 = tpu.memref_slice %arg3[%add3A, %dma_start3A_240, %dma_start3A_245, %dma_start3A_246] : memref<32x5x32x64xi32, #tpu.memory_space<hbm>> -> memref<1x1x32x64xi32, #tpu.memory_space<hbm>>
    %dma_start3A_248 = tpu.memref_squeeze %dma_start3A_247 : memref<1x1x32x64xi32, #tpu.memory_space<hbm>> -> memref<32x64xi32, #tpu.memory_space<hbm>>
    tpu.enqueue_dma source(%dma_start3A_248 : memref<32x64xi32, #tpu.memory_space<hbm>>) target(%arg7 : memref<32x64xi32, #tpu.memory_space<vmem>>) target_semaphore(%arg18 : memref<!tpu.dma_semaphore, #tpu.memory_space<semaphore_mem>>)
    %dma_start3A_249 = arith.constant 4 : i32
    %dma_start3A_250 = arith.constant 0 : i32
    %dma_start3A_251 = arith.constant 0 : i32
    %dma_start3A_252 = tpu.memref_slice %arg4[%add3A, %dma_start3A_249, %dma_start3A_250, %dma_start3A_251] : memref<32x5x32x64xi32, #tpu.memory_space<hbm>> -> memref<1x1x32x64xi32, #tpu.memory_space<hbm>>
    %dma_start3A_253 = tpu.memref_squeeze %dma_start3A_252 : memref<1x1x32x64xi32, #tpu.memory_space<hbm>> -> memref<32x64xi32, #tpu.memory_space<hbm>>
    %dma_start3A_254 = arith.constant 0 : i32
    %dma_start3A_255 = arith.constant 0 : i32
    %dma_start3A_256 = tpu.memref_slice %arg4[%add3A, %dma_start3A_249, %dma_start3A_254, %dma_start3A_255] : memref<32x5x32x64xi32, #tpu.memory_space<hbm>> -> memref<1x1x32x64xi32, #tpu.memory_space<hbm>>
    %dma_start3A_257 = tpu.memref_squeeze %dma_start3A_256 : memref<1x1x32x64xi32, #tpu.memory_space<hbm>> -> memref<32x64xi32, #tpu.memory_space<hbm>>
    tpu.enqueue_dma source(%dma_start3A_257 : memref<32x64xi32, #tpu.memory_space<hbm>>) target(%arg9 : memref<32x64xi32, #tpu.memory_space<vmem>>) target_semaphore(%arg18 : memref<!tpu.dma_semaphore, #tpu.memory_space<semaphore_mem>>)
    %scan3A_258 = arith.constant 0 : i32
    %scan3A_259 = arith.constant 0 : i32
    %scan3A_260 = arith.constant 16 : i32
    %scan3A_261 = arith.addi %scan3A_259, %scan3A_260 : i32
    %scan3A_262 = arith.constant 1 : i32
    scf.for %scan3A_346 = %scan3A_259 to %scan3A_261 step %scan3A_262  : i32 {
      %mul3A_347 = arith.constant 2 : i32
      %mul3A_348 = arith.muli %scan3A_346, %mul3A_347 : i32
      %add3A_349 = arith.constant 0 : i32
      %add3A_350 = arith.addi %mul3A_348, %add3A_349 : i32
      %dma_wait3A_351 = arith.constant 0 : i32
      %dma_wait3A_352 = tpu.memref_slice %arg8[%add3A_350, %dma_wait3A_351] : memref<32x64xi32, #tpu.memory_space<vmem>> -> memref<1x64xi32, #tpu.memory_space<vmem>>
      %dma_wait3A_353 = tpu.memref_squeeze %dma_wait3A_352 : memref<1x64xi32, #tpu.memory_space<vmem>> -> memref<64xi32, #tpu.memory_space<vmem>>
      %dma_wait3A_354 = arith.constant 0 : i32
      %dma_wait3A_355 = arith.constant 0 : i32
      %dma_wait3A_356 = tpu.memref_slice %arg2[%dma_wait3A_354, %dma_wait3A_355] : memref<10000x128xf32, #tpu.memory_space<hbm>> -> memref<10000x128xf32, #tpu.memory_space<hbm>>
      tpu.wait_indirect_dma semaphore(%arg16 : memref<!tpu.dma_semaphore, #tpu.memory_space<semaphore_mem>>) src(%dma_wait3A_356 : memref<10000x128xf32, #tpu.memory_space<hbm>>) dst(%arg13 : memref<64x128xf32, #tpu.memory_space<vmem>>)
      %dma_wait3A_357 = arith.constant 3 : i32
      %dma_wait3A_358 = arith.constant 0 : i32
      %dma_wait3A_359 = arith.constant 0 : i32
      %dma_wait3A_360 = tpu.memref_slice %arg5[%add3A, %dma_wait3A_357, %add3A_350, %dma_wait3A_358, %dma_wait3A_359] : memref<32x5x32x64x16xf32, #tpu.memory_space<hbm>> -> memref<1x1x1x64x16xf32, #tpu.memory_space<hbm>>
      %dma_wait3A_361 = tpu.memref_squeeze %dma_wait3A_360 : memref<1x1x1x64x16xf32, #tpu.memory_space<hbm>> -> memref<64x16xf32, #tpu.memory_space<hbm>>
      %dma_wait3A_362 = arith.constant 0 : i32
      %dma_wait3A_363 = arith.constant 0 : i32
      %dma_wait3A_364 = tpu.memref_slice %arg5[%add3A, %dma_wait3A_357, %add3A_350, %dma_wait3A_362, %dma_wait3A_363] : memref<32x5x32x64x16xf32, #tpu.memory_space<hbm>> -> memref<1x1x1x64x16xf32, #tpu.memory_space<hbm>>
      %dma_wait3A_365 = tpu.memref_squeeze %dma_wait3A_364 : memref<1x1x1x64x16xf32, #tpu.memory_space<hbm>> -> memref<64x16xf32, #tpu.memory_space<hbm>>
      tpu.wait_dma2 semaphore(%arg17 : memref<!tpu.dma_semaphore, #tpu.memory_space<semaphore_mem>>) src(%dma_wait3A_365 : memref<64x16xf32, #tpu.memory_space<hbm>>) dst(%arg11 : memref<64x16xf32, #tpu.memory_space<vmem>>)
      %add3A_366 = arith.constant 1 : i32
      %add3A_367 = arith.addi %add3A_350, %add3A_366 : i32
      %lt3A = arith.constant 32 : i32
      %lt3A_368 = arith.cmpi slt, %add3A_367, %lt3A : i32
      %convert_element_type3A = arith.extui %lt3A_368 : i1 to i32
      %cond3A = arith.constant 0 : i32
      %cond3A_369 = arith.cmpi ne, %convert_element_type3A, %cond3A : i32
      scf.if %cond3A_369 {
        %add3A_406 = arith.constant 1 : i32
        %add3A_407 = arith.addi %add3A_350, %add3A_406 : i32
        %dma_start3A_408 = arith.constant 0 : i32
        %dma_start3A_409 = tpu.memref_slice %arg8[%add3A_407, %dma_start3A_408] : memref<32x64xi32, #tpu.memory_space<vmem>> -> memref<1x64xi32, #tpu.memory_space<vmem>>
        %dma_start3A_410 = tpu.memref_squeeze %dma_start3A_409 : memref<1x64xi32, #tpu.memory_space<vmem>> -> memref<64xi32, #tpu.memory_space<vmem>>
        %dma_start3A_411 = arith.constant 0 : i32
        %dma_start3A_412 = arith.constant 0 : i32
        %dma_start3A_413 = tpu.memref_slice %arg2[%dma_start3A_411, %dma_start3A_412] : memref<10000x128xf32, #tpu.memory_space<hbm>> -> memref<10000x128xf32, #tpu.memory_space<hbm>>
        tpu.enqueue_indirect_dma source(%dma_start3A_413 : memref<10000x128xf32, #tpu.memory_space<hbm>>) target(%arg14 : memref<64x128xf32, #tpu.memory_space<vmem>>) offsets(%dma_start3A_410 : memref<64xi32, #tpu.memory_space<vmem>>) semaphore(%arg16 : memref<!tpu.dma_semaphore, #tpu.memory_space<semaphore_mem>>)
        %add3A_414 = arith.constant 1 : i32
        %add3A_415 = arith.addi %add3A_350, %add3A_414 : i32
        %dma_start3A_416 = arith.constant 3 : i32
        %dma_start3A_417 = arith.constant 0 : i32
        %dma_start3A_418 = arith.constant 0 : i32
        %dma_start3A_419 = tpu.memref_slice %arg5[%add3A, %dma_start3A_416, %add3A_415, %dma_start3A_417, %dma_start3A_418] : memref<32x5x32x64x16xf32, #tpu.memory_space<hbm>> -> memref<1x1x1x64x16xf32, #tpu.memory_space<hbm>>
        %dma_start3A_420 = tpu.memref_squeeze %dma_start3A_419 : memref<1x1x1x64x16xf32, #tpu.memory_space<hbm>> -> memref<64x16xf32, #tpu.memory_space<hbm>>
        %dma_start3A_421 = arith.constant 0 : i32
        %dma_start3A_422 = arith.constant 0 : i32
        %dma_start3A_423 = tpu.memref_slice %arg5[%add3A, %dma_start3A_416, %add3A_415, %dma_start3A_421, %dma_start3A_422] : memref<32x5x32x64x16xf32, #tpu.memory_space<hbm>> -> memref<1x1x1x64x16xf32, #tpu.memory_space<hbm>>
        %dma_start3A_424 = tpu.memref_squeeze %dma_start3A_423 : memref<1x1x1x64x16xf32, #tpu.memory_space<hbm>> -> memref<64x16xf32, #tpu.memory_space<hbm>>
        tpu.enqueue_dma source(%dma_start3A_424 : memref<64x16xf32, #tpu.memory_space<hbm>>) target(%arg12 : memref<64x16xf32, #tpu.memory_space<vmem>>) target_semaphore(%arg17 : memref<!tpu.dma_semaphore, #tpu.memory_space<semaphore_mem>>)
      } else {
      }
      %scan3A_370 = arith.constant 0 : i32
      %scan3A_371 = arith.constant 0 : i32
      %scan3A_372 = arith.constant 64 : i32
      %scan3A_373 = arith.addi %scan3A_371, %scan3A_372 : i32
      %scan3A_374 = arith.constant 1 : i32
      scf.for %scan3A_406 = %scan3A_371 to %scan3A_373 step %scan3A_374  : i32 {
        %get3A = arith.index_cast %scan3A_406 : i32 to index
        %get3A_407 = arith.constant 0 : index
        %get3A_408 = tpu.vector_load %arg11[%get3A, %get3A_407] {strides = array<i32>} : memref<64x16xf32, #tpu.memory_space<vmem>>, vector<1x16xf32>,
        %get3A_409 = vector.shape_cast %get3A_408 : vector<1x16xf32> to vector<16xf32>
        %get3A_410 = arith.index_cast %scan3A_406 : i32 to index
        %get3A_411 = arith.constant 0 : index
        %get3A_412 = tpu.vector_load %arg13[%get3A_410, %get3A_411] {strides = array<i32>} : memref<64x128xf32, #tpu.memory_space<vmem>>, vector<1x16xf32>,
        %get3A_413 = vector.shape_cast %get3A_412 : vector<1x16xf32> to vector<16xf32>
        %mul3A_414 = arith.mulf %get3A_413, %get3A_409 : vector<16xf32>
        %swap3A = arith.index_cast %scan3A_406 : i32 to index
        %swap3A_415 = arith.constant 0 : index
        %swap3A_416 = tpu.vector_load %arg13[%swap3A, %swap3A_415] {strides = array<i32>} : memref<64x128xf32, #tpu.memory_space<vmem>>, vector<1x16xf32>,
        %swap3A_417 = vector.shape_cast %swap3A_416 : vector<1x16xf32> to vector<16xf32>
        %swap3A_418 = vector.shape_cast %mul3A_414 : vector<16xf32> to vector<1x16xf32>
        tpu.vector_store %arg13[%swap3A, %swap3A_415], %swap3A_418 {strides = array<i32>} : memref<64x128xf32, #tpu.memory_space<vmem>>, vector<1x16xf32>,
        %get3A_419 = arith.index_cast %scan3A_406 : i32 to index
        %get3A_420 = arith.constant 16 : index
        %get3A_421 = tpu.vector_load %arg13[%get3A_419, %get3A_420] {strides = array<i32>} : memref<64x128xf32, #tpu.memory_space<vmem>>, vector<1x16xf32>,
        %get3A_422 = vector.shape_cast %get3A_421 : vector<1x16xf32> to vector<16xf32>
        %mul3A_423 = arith.mulf %get3A_422, %get3A_409 : vector<16xf32>
        %swap3A_424 = arith.index_cast %scan3A_406 : i32 to index
        %swap3A_425 = arith.constant 16 : index
        %swap3A_426 = tpu.vector_load %arg13[%swap3A_424, %swap3A_425] {strides = array<i32>} : memref<64x128xf32, #tpu.memory_space<vmem>>, vector<1x16xf32>,
        %swap3A_427 = vector.shape_cast %swap3A_426 : vector<1x16xf32> to vector<16xf32>
        %swap3A_428 = vector.shape_cast %mul3A_423 : vector<16xf32> to vector<1x16xf32>
        tpu.vector_store %arg13[%swap3A_424, %swap3A_425], %swap3A_428 {strides = array<i32>} : memref<64x128xf32, #tpu.memory_space<vmem>>, vector<1x16xf32>,
        %get3A_429 = arith.index_cast %scan3A_406 : i32 to index
        %get3A_430 = arith.constant 32 : index
        %get3A_431 = tpu.vector_load %arg13[%get3A_429, %get3A_430] {strides = array<i32>} : memref<64x128xf32, #tpu.memory_space<vmem>>, vector<1x16xf32>,
        %get3A_432 = vector.shape_cast %get3A_431 : vector<1x16xf32> to vector<16xf32>
        %mul3A_433 = arith.mulf %get3A_432, %get3A_409 : vector<16xf32>
        %swap3A_434 = arith.index_cast %scan3A_406 : i32 to index
        %swap3A_435 = arith.constant 32 : index
        %swap3A_436 = tpu.vector_load %arg13[%swap3A_434, %swap3A_435] {strides = array<i32>} : memref<64x128xf32, #tpu.memory_space<vmem>>, vector<1x16xf32>,
        %swap3A_437 = vector.shape_cast %swap3A_436 : vector<1x16xf32> to vector<16xf32>
        %swap3A_438 = vector.shape_cast %mul3A_433 : vector<16xf32> to vector<1x16xf32>
        tpu.vector_store %arg13[%swap3A_434, %swap3A_435], %swap3A_438 {strides = array<i32>} : memref<64x128xf32, #tpu.memory_space<vmem>>, vector<1x16xf32>,
        %get3A_439 = arith.index_cast %scan3A_406 : i32 to index
        %get3A_440 = arith.constant 48 : index
        %get3A_441 = tpu.vector_load %arg13[%get3A_439, %get3A_440] {strides = array<i32>} : memref<64x128xf32, #tpu.memory_space<vmem>>, vector<1x16xf32>,
        %get3A_442 = vector.shape_cast %get3A_441 : vector<1x16xf32> to vector<16xf32>
        %mul3A_443 = arith.mulf %get3A_442, %get3A_409 : vector<16xf32>
        %swap3A_444 = arith.index_cast %scan3A_406 : i32 to index
        %swap3A_445 = arith.constant 48 : index
        %swap3A_446 = tpu.vector_load %arg13[%swap3A_444, %swap3A_445] {strides = array<i32>} : memref<64x128xf32, #tpu.memory_space<vmem>>, vector<1x16xf32>,
        %swap3A_447 = vector.shape_cast %swap3A_446 : vector<1x16xf32> to vector<16xf32>
        %swap3A_448 = vector.shape_cast %mul3A_443 : vector<16xf32> to vector<1x16xf32>
        tpu.vector_store %arg13[%swap3A_444, %swap3A_445], %swap3A_448 {strides = array<i32>} : memref<64x128xf32, #tpu.memory_space<vmem>>, vector<1x16xf32>,
        %get3A_449 = arith.index_cast %scan3A_406 : i32 to index
        %get3A_450 = arith.constant 64 : index
        %get3A_451 = tpu.vector_load %arg13[%get3A_449, %get3A_450] {strides = array<i32>} : memref<64x128xf32, #tpu.memory_space<vmem>>, vector<1x16xf32>,
        %get3A_452 = vector.shape_cast %get3A_451 : vector<1x16xf32> to vector<16xf32>
        %mul3A_453 = arith.mulf %get3A_452, %get3A_409 : vector<16xf32>
        %swap3A_454 = arith.index_cast %scan3A_406 : i32 to index
        %swap3A_455 = arith.constant 64 : index
        %swap3A_456 = tpu.vector_load %arg13[%swap3A_454, %swap3A_455] {strides = array<i32>} : memref<64x128xf32, #tpu.memory_space<vmem>>, vector<1x16xf32>,
        %swap3A_457 = vector.shape_cast %swap3A_456 : vector<1x16xf32> to vector<16xf32>
        %swap3A_458 = vector.shape_cast %mul3A_453 : vector<16xf32> to vector<1x16xf32>
        tpu.vector_store %arg13[%swap3A_454, %swap3A_455], %swap3A_458 {strides = array<i32>} : memref<64x128xf32, #tpu.memory_space<vmem>>, vector<1x16xf32>,
        %get3A_459 = arith.index_cast %scan3A_406 : i32 to index
        %get3A_460 = arith.constant 80 : index
        %get3A_461 = tpu.vector_load %arg13[%get3A_459, %get3A_460] {strides = array<i32>} : memref<64x128xf32, #tpu.memory_space<vmem>>, vector<1x16xf32>,
        %get3A_462 = vector.shape_cast %get3A_461 : vector<1x16xf32> to vector<16xf32>
        %mul3A_463 = arith.mulf %get3A_462, %get3A_409 : vector<16xf32>
        %swap3A_464 = arith.index_cast %scan3A_406 : i32 to index
        %swap3A_465 = arith.constant 80 : index
        %swap3A_466 = tpu.vector_load %arg13[%swap3A_464, %swap3A_465] {strides = array<i32>} : memref<64x128xf32, #tpu.memory_space<vmem>>, vector<1x16xf32>,
        %swap3A_467 = vector.shape_cast %swap3A_466 : vector<1x16xf32> to vector<16xf32>
        %swap3A_468 = vector.shape_cast %mul3A_463 : vector<16xf32> to vector<1x16xf32>
        tpu.vector_store %arg13[%swap3A_464, %swap3A_465], %swap3A_468 {strides = array<i32>} : memref<64x128xf32, #tpu.memory_space<vmem>>, vector<1x16xf32>,
        %get3A_469 = arith.index_cast %scan3A_406 : i32 to index
        %get3A_470 = arith.constant 96 : index
        %get3A_471 = tpu.vector_load %arg13[%get3A_469, %get3A_470] {strides = array<i32>} : memref<64x128xf32, #tpu.memory_space<vmem>>, vector<1x16xf32>,
        %get3A_472 = vector.shape_cast %get3A_471 : vector<1x16xf32> to vector<16xf32>
        %mul3A_473 = arith.mulf %get3A_472, %get3A_409 : vector<16xf32>
        %swap3A_474 = arith.index_cast %scan3A_406 : i32 to index
        %swap3A_475 = arith.constant 96 : index
        %swap3A_476 = tpu.vector_load %arg13[%swap3A_474, %swap3A_475] {strides = array<i32>} : memref<64x128xf32, #tpu.memory_space<vmem>>, vector<1x16xf32>,
        %swap3A_477 = vector.shape_cast %swap3A_476 : vector<1x16xf32> to vector<16xf32>
        %swap3A_478 = vector.shape_cast %mul3A_473 : vector<16xf32> to vector<1x16xf32>
        tpu.vector_store %arg13[%swap3A_474, %swap3A_475], %swap3A_478 {strides = array<i32>} : memref<64x128xf32, #tpu.memory_space<vmem>>, vector<1x16xf32>,
        %get3A_479 = arith.index_cast %scan3A_406 : i32 to index
        %get3A_480 = arith.constant 112 : index
        %get3A_481 = tpu.vector_load %arg13[%get3A_479, %get3A_480] {strides = array<i32>} : memref<64x128xf32, #tpu.memory_space<vmem>>, vector<1x16xf32>,
        %get3A_482 = vector.shape_cast %get3A_481 : vector<1x16xf32> to vector<16xf32>
        %mul3A_483 = arith.mulf %get3A_482, %get3A_409 : vector<16xf32>
        %swap3A_484 = arith.index_cast %scan3A_406 : i32 to index
        %swap3A_485 = arith.constant 112 : index
        %swap3A_486 = tpu.vector_load %arg13[%swap3A_484, %swap3A_485] {strides = array<i32>} : memref<64x128xf32, #tpu.memory_space<vmem>>, vector<1x16xf32>,
        %swap3A_487 = vector.shape_cast %swap3A_486 : vector<1x16xf32> to vector<16xf32>
        %swap3A_488 = vector.shape_cast %mul3A_483 : vector<16xf32> to vector<1x16xf32>
        tpu.vector_store %arg13[%swap3A_484, %swap3A_485], %swap3A_488 {strides = array<i32>} : memref<64x128xf32, #tpu.memory_space<vmem>>, vector<1x16xf32>,
      }
      %scan3A_375 = arith.constant 64 : i32
      "tpu.region"() ({
        %run_scoped3A_406 = tpu.sem_alloc : memref<!tpu.dma_semaphore, #tpu.memory_space<semaphore_mem>>
        %dma_start3A_407 = arith.constant 0 : i32
        %dma_start3A_408 = tpu.memref_slice %arg10[%add3A_350, %dma_start3A_407] : memref<32x64xi32, #tpu.memory_space<vmem>> -> memref<1x64xi32, #tpu.memory_space<vmem>>
        %dma_start3A_409 = tpu.memref_squeeze %dma_start3A_408 : memref<1x64xi32, #tpu.memory_space<vmem>> -> memref<64xi32, #tpu.memory_space<vmem>>
        %dma_start3A_410 = arith.constant 0 : i32
        %dma_start3A_411 = arith.constant 0 : i32
        %dma_start3A_412 = tpu.memref_slice %arg15[%dma_start3A_410, %dma_start3A_411] : memref<10112x128xf32, #tpu.memory_space<vmem_shared>> -> memref<10112x128xf32, #tpu.memory_space<vmem_shared>>
        tpu.enqueue_indirect_dma source(%arg13 : memref<64x128xf32, #tpu.memory_space<vmem>>) target(%dma_start3A_412 : memref<10112x128xf32, #tpu.memory_space<vmem_shared>>) offsets(%dma_start3A_409 : memref<64xi32, #tpu.memory_space<vmem>>) semaphore(%run_scoped3A_406 : memref<!tpu.dma_semaphore, #tpu.memory_space<semaphore_mem>>) {add = true}
        %dma_wait3A_413 = arith.constant 0 : i32
        %dma_wait3A_414 = tpu.memref_slice %arg10[%add3A_350, %dma_wait3A_413] : memref<32x64xi32, #tpu.memory_space<vmem>> -> memref<1x64xi32, #tpu.memory_space<vmem>>
        %dma_wait3A_415 = tpu.memref_squeeze %dma_wait3A_414 : memref<1x64xi32, #tpu.memory_space<vmem>> -> memref<64xi32, #tpu.memory_space<vmem>>
        %dma_wait3A_416 = arith.constant 0 : i32
        %dma_wait3A_417 = arith.constant 0 : i32
        %dma_wait3A_418 = tpu.memref_slice %arg15[%dma_wait3A_416, %dma_wait3A_417] : memref<10112x128xf32, #tpu.memory_space<vmem_shared>> -> memref<10112x128xf32, #tpu.memory_space<vmem_shared>>
        tpu.wait_indirect_dma semaphore(%run_scoped3A_406 : memref<!tpu.dma_semaphore, #tpu.memory_space<semaphore_mem>>) src(%arg13 : memref<64x128xf32, #tpu.memory_space<vmem>>) dst(%dma_wait3A_418 : memref<10112x128xf32, #tpu.memory_space<vmem_shared>>)
        tpu.yield
      }) : () -> ()
      %add3A_376 = arith.constant 1 : i32
      %add3A_377 = arith.addi %mul3A_348, %add3A_376 : i32
      %dma_wait3A_378 = arith.constant 0 : i32
      %dma_wait3A_379 = tpu.memref_slice %arg8[%add3A_377, %dma_wait3A_378] : memref<32x64xi32, #tpu.memory_space<vmem>> -> memref<1x64xi32, #tpu.memory_space<vmem>>
      %dma_wait3A_380 = tpu.memref_squeeze %dma_wait3A_379 : memref<1x64xi32, #tpu.memory_space<vmem>> -> memref<64xi32, #tpu.memory_space<vmem>>
      %dma_wait3A_381 = arith.constant 0 : i32
      %dma_wait3A_382 = arith.constant 0 : i32
      %dma_wait3A_383 = tpu.memref_slice %arg2[%dma_wait3A_381, %dma_wait3A_382] : memref<10000x128xf32, #tpu.memory_space<hbm>> -> memref<10000x128xf32, #tpu.memory_space<hbm>>
      tpu.wait_indirect_dma semaphore(%arg16 : memref<!tpu.dma_semaphore, #tpu.memory_space<semaphore_mem>>) src(%dma_wait3A_383 : memref<10000x128xf32, #tpu.memory_space<hbm>>) dst(%arg14 : memref<64x128xf32, #tpu.memory_space<vmem>>)
      %dma_wait3A_384 = arith.constant 3 : i32
      %dma_wait3A_385 = arith.constant 0 : i32
      %dma_wait3A_386 = arith.constant 0 : i32
      %dma_wait3A_387 = tpu.memref_slice %arg5[%add3A, %dma_wait3A_384, %add3A_377, %dma_wait3A_385, %dma_wait3A_386] : memref<32x5x32x64x16xf32, #tpu.memory_space<hbm>> -> memref<1x1x1x64x16xf32, #tpu.memory_space<hbm>>
      %dma_wait3A_388 = tpu.memref_squeeze %dma_wait3A_387 : memref<1x1x1x64x16xf32, #tpu.memory_space<hbm>> -> memref<64x16xf32, #tpu.memory_space<hbm>>
      %dma_wait3A_389 = arith.constant 0 : i32
      %dma_wait3A_390 = arith.constant 0 : i32
      %dma_wait3A_391 = tpu.memref_slice %arg5[%add3A, %dma_wait3A_384, %add3A_377, %dma_wait3A_389, %dma_wait3A_390] : memref<32x5x32x64x16xf32, #tpu.memory_space<hbm>> -> memref<1x1x1x64x16xf32, #tpu.memory_space<hbm>>
      %dma_wait3A_392 = tpu.memref_squeeze %dma_wait3A_391 : memref<1x1x1x64x16xf32, #tpu.memory_space<hbm>> -> memref<64x16xf32, #tpu.memory_space<hbm>>
      tpu.wait_dma2 semaphore(%arg17 : memref<!tpu.dma_semaphore, #tpu.memory_space<semaphore_mem>>) src(%dma_wait3A_392 : memref<64x16xf32, #tpu.memory_space<hbm>>) dst(%arg12 : memref<64x16xf32, #tpu.memory_space<vmem>>)
      %add3A_393 = arith.constant 1 : i32
      %add3A_394 = arith.addi %add3A_377, %add3A_393 : i32
      %lt3A_395 = arith.constant 32 : i32
      %lt3A_396 = arith.cmpi slt, %add3A_394, %lt3A_395 : i32
      %convert_element_type3A_397 = arith.extui %lt3A_396 : i1 to i32
      %cond3A_398 = arith.constant 0 : i32
      %cond3A_399 = arith.cmpi ne, %convert_element_type3A_397, %cond3A_398 : i32
      scf.if %cond3A_399 {
        %add3A_406 = arith.constant 1 : i32
        %add3A_407 = arith.addi %add3A_377, %add3A_406 : i32
        %dma_start3A_408 = arith.constant 0 : i32
        %dma_start3A_409 = tpu.memref_slice %arg8[%add3A_407, %dma_start3A_408] : memref<32x64xi32, #tpu.memory_space<vmem>> -> memref<1x64xi32, #tpu.memory_space<vmem>>
        %dma_start3A_410 = tpu.memref_squeeze %dma_start3A_409 : memref<1x64xi32, #tpu.memory_space<vmem>> -> memref<64xi32, #tpu.memory_space<vmem>>
        %dma_start3A_411 = arith.constant 0 : i32
        %dma_start3A_412 = arith.constant 0 : i32
        %dma_start3A_413 = tpu.memref_slice %arg2[%dma_start3A_411, %dma_start3A_412] : memref<10000x128xf32, #tpu.memory_space<hbm>> -> memref<10000x128xf32, #tpu.memory_space<hbm>>
        tpu.enqueue_indirect_dma source(%dma_start3A_413 : memref<10000x128xf32, #tpu.memory_space<hbm>>) target(%arg13 : memref<64x128xf32, #tpu.memory_space<vmem>>) offsets(%dma_start3A_410 : memref<64xi32, #tpu.memory_space<vmem>>) semaphore(%arg16 : memref<!tpu.dma_semaphore, #tpu.memory_space<semaphore_mem>>)
        %add3A_414 = arith.constant 1 : i32
        %add3A_415 = arith.addi %add3A_377, %add3A_414 : i32
        %dma_start3A_416 = arith.constant 3 : i32
        %dma_start3A_417 = arith.constant 0 : i32
        %dma_start3A_418 = arith.constant 0 : i32
        %dma_start3A_419 = tpu.memref_slice %arg5[%add3A, %dma_start3A_416, %add3A_415, %dma_start3A_417, %dma_start3A_418] : memref<32x5x32x64x16xf32, #tpu.memory_space<hbm>> -> memref<1x1x1x64x16xf32, #tpu.memory_space<hbm>>
        %dma_start3A_420 = tpu.memref_squeeze %dma_start3A_419 : memref<1x1x1x64x16xf32, #tpu.memory_space<hbm>> -> memref<64x16xf32, #tpu.memory_space<hbm>>
        %dma_start3A_421 = arith.constant 0 : i32
        %dma_start3A_422 = arith.constant 0 : i32
        %dma_start3A_423 = tpu.memref_slice %arg5[%add3A, %dma_start3A_416, %add3A_415, %dma_start3A_421, %dma_start3A_422] : memref<32x5x32x64x16xf32, #tpu.memory_space<hbm>> -> memref<1x1x1x64x16xf32, #tpu.memory_space<hbm>>
        %dma_start3A_424 = tpu.memref_squeeze %dma_start3A_423 : memref<1x1x1x64x16xf32, #tpu.memory_space<hbm>> -> memref<64x16xf32, #tpu.memory_space<hbm>>
        tpu.enqueue_dma source(%dma_start3A_424 : memref<64x16xf32, #tpu.memory_space<hbm>>) target(%arg11 : memref<64x16xf32, #tpu.memory_space<vmem>>) target_semaphore(%arg17 : memref<!tpu.dma_semaphore, #tpu.memory_space<semaphore_mem>>)
      } else {
      }
      %scan3A_400 = arith.constant 0 : i32
      %scan3A_401 = arith.constant 0 : i32
      %scan3A_402 = arith.constant 64 : i32
      %scan3A_403 = arith.addi %scan3A_401, %scan3A_402 : i32
      %scan3A_404 = arith.constant 1 : i32
      scf.for %scan3A_406 = %scan3A_401 to %scan3A_403 step %scan3A_404  : i32 {
        %get3A = arith.index_cast %scan3A_406 : i32 to index
        %get3A_407 = arith.constant 0 : index
        %get3A_408 = tpu.vector_load %arg12[%get3A, %get3A_407] {strides = array<i32>} : memref<64x16xf32, #tpu.memory_space<vmem>>, vector<1x16xf32>,
        %get3A_409 = vector.shape_cast %get3A_408 : vector<1x16xf32> to vector<16xf32>
        %get3A_410 = arith.index_cast %scan3A_406 : i32 to index
        %get3A_411 = arith.constant 0 : index
        %get3A_412 = tpu.vector_load %arg14[%get3A_410, %get3A_411] {strides = array<i32>} : memref<64x128xf32, #tpu.memory_space<vmem>>, vector<1x16xf32>,
        %get3A_413 = vector.shape_cast %get3A_412 : vector<1x16xf32> to vector<16xf32>
        %mul3A_414 = arith.mulf %get3A_413, %get3A_409 : vector<16xf32>
        %swap3A = arith.index_cast %scan3A_406 : i32 to index
        %swap3A_415 = arith.constant 0 : index
        %swap3A_416 = tpu.vector_load %arg14[%swap3A, %swap3A_415] {strides = array<i32>} : memref<64x128xf32, #tpu.memory_space<vmem>>, vector<1x16xf32>,
        %swap3A_417 = vector.shape_cast %swap3A_416 : vector<1x16xf32> to vector<16xf32>
        %swap3A_418 = vector.shape_cast %mul3A_414 : vector<16xf32> to vector<1x16xf32>
        tpu.vector_store %arg14[%swap3A, %swap3A_415], %swap3A_418 {strides = array<i32>} : memref<64x128xf32, #tpu.memory_space<vmem>>, vector<1x16xf32>,
        %get3A_419 = arith.index_cast %scan3A_406 : i32 to index
        %get3A_420 = arith.constant 16 : index
        %get3A_421 = tpu.vector_load %arg14[%get3A_419, %get3A_420] {strides = array<i32>} : memref<64x128xf32, #tpu.memory_space<vmem>>, vector<1x16xf32>,
        %get3A_422 = vector.shape_cast %get3A_421 : vector<1x16xf32> to vector<16xf32>
        %mul3A_423 = arith.mulf %get3A_422, %get3A_409 : vector<16xf32>
        %swap3A_424 = arith.index_cast %scan3A_406 : i32 to index
        %swap3A_425 = arith.constant 16 : index
        %swap3A_426 = tpu.vector_load %arg14[%swap3A_424, %swap3A_425] {strides = array<i32>} : memref<64x128xf32, #tpu.memory_space<vmem>>, vector<1x16xf32>,
        %swap3A_427 = vector.shape_cast %swap3A_426 : vector<1x16xf32> to vector<16xf32>
        %swap3A_428 = vector.shape_cast %mul3A_423 : vector<16xf32> to vector<1x16xf32>
        tpu.vector_store %arg14[%swap3A_424, %swap3A_425], %swap3A_428 {strides = array<i32>} : memref<64x128xf32, #tpu.memory_space<vmem>>, vector<1x16xf32>,
        %get3A_429 = arith.index_cast %scan3A_406 : i32 to index
        %get3A_430 = arith.constant 32 : index
        %get3A_431 = tpu.vector_load %arg14[%get3A_429, %get3A_430] {strides = array<i32>} : memref<64x128xf32, #tpu.memory_space<vmem>>, vector<1x16xf32>,
        %get3A_432 = vector.shape_cast %get3A_431 : vector<1x16xf32> to vector<16xf32>
        %mul3A_433 = arith.mulf %get3A_432, %get3A_409 : vector<16xf32>
        %swap3A_434 = arith.index_cast %scan3A_406 : i32 to index
        %swap3A_435 = arith.constant 32 : index
        %swap3A_436 = tpu.vector_load %arg14[%swap3A_434, %swap3A_435] {strides = array<i32>} : memref<64x128xf32, #tpu.memory_space<vmem>>, vector<1x16xf32>,
        %swap3A_437 = vector.shape_cast %swap3A_436 : vector<1x16xf32> to vector<16xf32>
        %swap3A_438 = vector.shape_cast %mul3A_433 : vector<16xf32> to vector<1x16xf32>
        tpu.vector_store %arg14[%swap3A_434, %swap3A_435], %swap3A_438 {strides = array<i32>} : memref<64x128xf32, #tpu.memory_space<vmem>>, vector<1x16xf32>,
        %get3A_439 = arith.index_cast %scan3A_406 : i32 to index
        %get3A_440 = arith.constant 48 : index
        %get3A_441 = tpu.vector_load %arg14[%get3A_439, %get3A_440] {strides = array<i32>} : memref<64x128xf32, #tpu.memory_space<vmem>>, vector<1x16xf32>,
        %get3A_442 = vector.shape_cast %get3A_441 : vector<1x16xf32> to vector<16xf32>
        %mul3A_443 = arith.mulf %get3A_442, %get3A_409 : vector<16xf32>
        %swap3A_444 = arith.index_cast %scan3A_406 : i32 to index
        %swap3A_445 = arith.constant 48 : index
        %swap3A_446 = tpu.vector_load %arg14[%swap3A_444, %swap3A_445] {strides = array<i32>} : memref<64x128xf32, #tpu.memory_space<vmem>>, vector<1x16xf32>,
        %swap3A_447 = vector.shape_cast %swap3A_446 : vector<1x16xf32> to vector<16xf32>
        %swap3A_448 = vector.shape_cast %mul3A_443 : vector<16xf32> to vector<1x16xf32>
        tpu.vector_store %arg14[%swap3A_444, %swap3A_445], %swap3A_448 {strides = array<i32>} : memref<64x128xf32, #tpu.memory_space<vmem>>, vector<1x16xf32>,
        %get3A_449 = arith.index_cast %scan3A_406 : i32 to index
        %get3A_450 = arith.constant 64 : index
        %get3A_451 = tpu.vector_load %arg14[%get3A_449, %get3A_450] {strides = array<i32>} : memref<64x128xf32, #tpu.memory_space<vmem>>, vector<1x16xf32>,
        %get3A_452 = vector.shape_cast %get3A_451 : vector<1x16xf32> to vector<16xf32>
        %mul3A_453 = arith.mulf %get3A_452, %get3A_409 : vector<16xf32>
        %swap3A_454 = arith.index_cast %scan3A_406 : i32 to index
        %swap3A_455 = arith.constant 64 : index
        %swap3A_456 = tpu.vector_load %arg14[%swap3A_454, %swap3A_455] {strides = array<i32>} : memref<64x128xf32, #tpu.memory_space<vmem>>, vector<1x16xf32>,
        %swap3A_457 = vector.shape_cast %swap3A_456 : vector<1x16xf32> to vector<16xf32>
        %swap3A_458 = vector.shape_cast %mul3A_453 : vector<16xf32> to vector<1x16xf32>
        tpu.vector_store %arg14[%swap3A_454, %swap3A_455], %swap3A_458 {strides = array<i32>} : memref<64x128xf32, #tpu.memory_space<vmem>>, vector<1x16xf32>,
        %get3A_459 = arith.index_cast %scan3A_406 : i32 to index
        %get3A_460 = arith.constant 80 : index
        %get3A_461 = tpu.vector_load %arg14[%get3A_459, %get3A_460] {strides = array<i32>} : memref<64x128xf32, #tpu.memory_space<vmem>>, vector<1x16xf32>,
        %get3A_462 = vector.shape_cast %get3A_461 : vector<1x16xf32> to vector<16xf32>
        %mul3A_463 = arith.mulf %get3A_462, %get3A_409 : vector<16xf32>
        %swap3A_464 = arith.index_cast %scan3A_406 : i32 to index
        %swap3A_465 = arith.constant 80 : index
        %swap3A_466 = tpu.vector_load %arg14[%swap3A_464, %swap3A_465] {strides = array<i32>} : memref<64x128xf32, #tpu.memory_space<vmem>>, vector<1x16xf32>,
        %swap3A_467 = vector.shape_cast %swap3A_466 : vector<1x16xf32> to vector<16xf32>
        %swap3A_468 = vector.shape_cast %mul3A_463 : vector<16xf32> to vector<1x16xf32>
        tpu.vector_store %arg14[%swap3A_464, %swap3A_465], %swap3A_468 {strides = array<i32>} : memref<64x128xf32, #tpu.memory_space<vmem>>, vector<1x16xf32>,
        %get3A_469 = arith.index_cast %scan3A_406 : i32 to index
        %get3A_470 = arith.constant 96 : index
        %get3A_471 = tpu.vector_load %arg14[%get3A_469, %get3A_470] {strides = array<i32>} : memref<64x128xf32, #tpu.memory_space<vmem>>, vector<1x16xf32>,
        %get3A_472 = vector.shape_cast %get3A_471 : vector<1x16xf32> to vector<16xf32>
        %mul3A_473 = arith.mulf %get3A_472, %get3A_409 : vector<16xf32>
        %swap3A_474 = arith.index_cast %scan3A_406 : i32 to index
        %swap3A_475 = arith.constant 96 : index
        %swap3A_476 = tpu.vector_load %arg14[%swap3A_474, %swap3A_475] {strides = array<i32>} : memref<64x128xf32, #tpu.memory_space<vmem>>, vector<1x16xf32>,
        %swap3A_477 = vector.shape_cast %swap3A_476 : vector<1x16xf32> to vector<16xf32>
        %swap3A_478 = vector.shape_cast %mul3A_473 : vector<16xf32> to vector<1x16xf32>
        tpu.vector_store %arg14[%swap3A_474, %swap3A_475], %swap3A_478 {strides = array<i32>} : memref<64x128xf32, #tpu.memory_space<vmem>>, vector<1x16xf32>,
        %get3A_479 = arith.index_cast %scan3A_406 : i32 to index
        %get3A_480 = arith.constant 112 : index
        %get3A_481 = tpu.vector_load %arg14[%get3A_479, %get3A_480] {strides = array<i32>} : memref<64x128xf32, #tpu.memory_space<vmem>>, vector<1x16xf32>,
        %get3A_482 = vector.shape_cast %get3A_481 : vector<1x16xf32> to vector<16xf32>
        %mul3A_483 = arith.mulf %get3A_482, %get3A_409 : vector<16xf32>
        %swap3A_484 = arith.index_cast %scan3A_406 : i32 to index
        %swap3A_485 = arith.constant 112 : index
        %swap3A_486 = tpu.vector_load %arg14[%swap3A_484, %swap3A_485] {strides = array<i32>} : memref<64x128xf32, #tpu.memory_space<vmem>>, vector<1x16xf32>,
        %swap3A_487 = vector.shape_cast %swap3A_486 : vector<1x16xf32> to vector<16xf32>
        %swap3A_488 = vector.shape_cast %mul3A_483 : vector<16xf32> to vector<1x16xf32>
        tpu.vector_store %arg14[%swap3A_484, %swap3A_485], %swap3A_488 {strides = array<i32>} : memref<64x128xf32, #tpu.memory_space<vmem>>, vector<1x16xf32>,
      }
      %scan3A_405 = arith.constant 64 : i32
      "tpu.region"() ({
        %run_scoped3A_406 = tpu.sem_alloc : memref<!tpu.dma_semaphore, #tpu.memory_space<semaphore_mem>>
        %dma_start3A_407 = arith.constant 0 : i32
        %dma_start3A_408 = tpu.memref_slice %arg10[%add3A_377, %dma_start3A_407] : memref<32x64xi32, #tpu.memory_space<vmem>> -> memref<1x64xi32, #tpu.memory_space<vmem>>
        %dma_start3A_409 = tpu.memref_squeeze %dma_start3A_408 : memref<1x64xi32, #tpu.memory_space<vmem>> -> memref<64xi32, #tpu.memory_space<vmem>>
        %dma_start3A_410 = arith.constant 0 : i32
        %dma_start3A_411 = arith.constant 0 : i32
        %dma_start3A_412 = tpu.memref_slice %arg15[%dma_start3A_410, %dma_start3A_411] : memref<10112x128xf32, #tpu.memory_space<vmem_shared>> -> memref<10112x128xf32, #tpu.memory_space<vmem_shared>>
        tpu.enqueue_indirect_dma source(%arg14 : memref<64x128xf32, #tpu.memory_space<vmem>>) target(%dma_start3A_412 : memref<10112x128xf32, #tpu.memory_space<vmem_shared>>) offsets(%dma_start3A_409 : memref<64xi32, #tpu.memory_space<vmem>>) semaphore(%run_scoped3A_406 : memref<!tpu.dma_semaphore, #tpu.memory_space<semaphore_mem>>) {add = true}
        %dma_wait3A_413 = arith.constant 0 : i32
        %dma_wait3A_414 = tpu.memref_slice %arg10[%add3A_377, %dma_wait3A_413] : memref<32x64xi32, #tpu.memory_space<vmem>> -> memref<1x64xi32, #tpu.memory_space<vmem>>
        %dma_wait3A_415 = tpu.memref_squeeze %dma_wait3A_414 : memref<1x64xi32, #tpu.memory_space<vmem>> -> memref<64xi32, #tpu.memory_space<vmem>>
        %dma_wait3A_416 = arith.constant 0 : i32
        %dma_wait3A_417 = arith.constant 0 : i32
        %dma_wait3A_418 = tpu.memref_slice %arg15[%dma_wait3A_416, %dma_wait3A_417] : memref<10112x128xf32, #tpu.memory_space<vmem_shared>> -> memref<10112x128xf32, #tpu.memory_space<vmem_shared>>
        tpu.wait_indirect_dma semaphore(%run_scoped3A_406 : memref<!tpu.dma_semaphore, #tpu.memory_space<semaphore_mem>>) src(%arg14 : memref<64x128xf32, #tpu.memory_space<vmem>>) dst(%dma_wait3A_418 : memref<10112x128xf32, #tpu.memory_space<vmem_shared>>)
        tpu.yield
      }) : () -> ()
    }
    %scan3A_263 = arith.constant 16 : i32
    %dma_wait3A_264 = arith.constant 4 : i32
    %dma_wait3A_265 = arith.constant 0 : i32
    %dma_wait3A_266 = arith.constant 0 : i32
    %dma_wait3A_267 = tpu.memref_slice %arg3[%add3A, %dma_wait3A_264, %dma_wait3A_265, %dma_wait3A_266] : memref<32x5x32x64xi32, #tpu.memory_space<hbm>> -> memref<1x1x32x64xi32, #tpu.memory_space<hbm>>
    %dma_wait3A_268 = tpu.memref_squeeze %dma_wait3A_267 : memref<1x1x32x64xi32, #tpu.memory_space<hbm>> -> memref<32x64xi32, #tpu.memory_space<hbm>>
    %dma_wait3A_269 = arith.constant 0 : i32
    %dma_wait3A_270 = arith.constant 0 : i32
    %dma_wait3A_271 = tpu.memref_slice %arg3[%add3A, %dma_wait3A_264, %dma_wait3A_269, %dma_wait3A_270] : memref<32x5x32x64xi32, #tpu.memory_space<hbm>> -> memref<1x1x32x64xi32, #tpu.memory_space<hbm>>
    %dma_wait3A_272 = tpu.memref_squeeze %dma_wait3A_271 : memref<1x1x32x64xi32, #tpu.memory_space<hbm>> -> memref<32x64xi32, #tpu.memory_space<hbm>>
    tpu.wait_dma2 semaphore(%arg18 : memref<!tpu.dma_semaphore, #tpu.memory_space<semaphore_mem>>) src(%dma_wait3A_272 : memref<32x64xi32, #tpu.memory_space<hbm>>) dst(%arg7 : memref<32x64xi32, #tpu.memory_space<vmem>>)
    %dma_wait3A_273 = arith.constant 4 : i32
    %dma_wait3A_274 = arith.constant 0 : i32
    %dma_wait3A_275 = arith.constant 0 : i32
    %dma_wait3A_276 = tpu.memref_slice %arg4[%add3A, %dma_wait3A_273, %dma_wait3A_274, %dma_wait3A_275] : memref<32x5x32x64xi32, #tpu.memory_space<hbm>> -> memref<1x1x32x64xi32, #tpu.memory_space<hbm>>
    %dma_wait3A_277 = tpu.memref_squeeze %dma_wait3A_276 : memref<1x1x32x64xi32, #tpu.memory_space<hbm>> -> memref<32x64xi32, #tpu.memory_space<hbm>>
    %dma_wait3A_278 = arith.constant 0 : i32
    %dma_wait3A_279 = arith.constant 0 : i32
    %dma_wait3A_280 = tpu.memref_slice %arg4[%add3A, %dma_wait3A_273, %dma_wait3A_278, %dma_wait3A_279] : memref<32x5x32x64xi32, #tpu.memory_space<hbm>> -> memref<1x1x32x64xi32, #tpu.memory_space<hbm>>
    %dma_wait3A_281 = tpu.memref_squeeze %dma_wait3A_280 : memref<1x1x32x64xi32, #tpu.memory_space<hbm>> -> memref<32x64xi32, #tpu.memory_space<hbm>>
    tpu.wait_dma2 semaphore(%arg18 : memref<!tpu.dma_semaphore, #tpu.memory_space<semaphore_mem>>) src(%dma_wait3A_281 : memref<32x64xi32, #tpu.memory_space<hbm>>) dst(%arg9 : memref<32x64xi32, #tpu.memory_space<vmem>>)
    %dma_start3A_282 = arith.constant 0 : i32
    %dma_start3A_283 = arith.constant 0 : i32
    %dma_start3A_284 = tpu.memref_slice %arg7[%dma_start3A_282, %dma_start3A_283] : memref<32x64xi32, #tpu.memory_space<vmem>> -> memref<1x64xi32, #tpu.memory_space<vmem>>
    %dma_start3A_285 = tpu.memref_squeeze %dma_start3A_284 : memref<1x64xi32, #tpu.memory_space<vmem>> -> memref<64xi32, #tpu.memory_space<vmem>>
    %dma_start3A_286 = arith.constant 0 : i32
    %dma_start3A_287 = arith.constant 0 : i32
    %dma_start3A_288 = tpu.memref_slice %arg2[%dma_start3A_286, %dma_start3A_287] : memref<10000x128xf32, #tpu.memory_space<hbm>> -> memref<10000x128xf32, #tpu.memory_space<hbm>>
    tpu.enqueue_indirect_dma source(%dma_start3A_288 : memref<10000x128xf32, #tpu.memory_space<hbm>>) target(%arg13 : memref<64x128xf32, #tpu.memory_space<vmem>>) offsets(%dma_start3A_285 : memref<64xi32, #tpu.memory_space<vmem>>) semaphore(%arg16 : memref<!tpu.dma_semaphore, #tpu.memory_space<semaphore_mem>>)
    %dma_start3A_289 = arith.constant 4 : i32
    %dma_start3A_290 = arith.constant 0 : i32
    %dma_start3A_291 = arith.constant 0 : i32
    %dma_start3A_292 = arith.constant 0 : i32
    %dma_start3A_293 = tpu.memref_slice %arg5[%add3A, %dma_start3A_289, %dma_start3A_290, %dma_start3A_291, %dma_start3A_292] : memref<32x5x32x64x16xf32, #tpu.memory_space<hbm>> -> memref<1x1x1x64x16xf32, #tpu.memory_space<hbm>>
    %dma_start3A_294 = tpu.memref_squeeze %dma_start3A_293 : memref<1x1x1x64x16xf32, #tpu.memory_space<hbm>> -> memref<64x16xf32, #tpu.memory_space<hbm>>
    %dma_start3A_295 = arith.constant 0 : i32
    %dma_start3A_296 = arith.constant 0 : i32
    %dma_start3A_297 = tpu.memref_slice %arg5[%add3A, %dma_start3A_289, %dma_start3A_290, %dma_start3A_295, %dma_start3A_296] : memref<32x5x32x64x16xf32, #tpu.memory_space<hbm>> -> memref<1x1x1x64x16xf32, #tpu.memory_space<hbm>>
    %dma_start3A_298 = tpu.memref_squeeze %dma_start3A_297 : memref<1x1x1x64x16xf32, #tpu.memory_space<hbm>> -> memref<64x16xf32, #tpu.memory_space<hbm>>
    tpu.enqueue_dma source(%dma_start3A_298 : memref<64x16xf32, #tpu.memory_space<hbm>>) target(%arg11 : memref<64x16xf32, #tpu.memory_space<vmem>>) target_semaphore(%arg17 : memref<!tpu.dma_semaphore, #tpu.memory_space<semaphore_mem>>)
    %scan3A_299 = arith.constant 0 : i32
    %scan3A_300 = arith.constant 0 : i32
    %scan3A_301 = arith.constant 16 : i32
    %scan3A_302 = arith.addi %scan3A_300, %scan3A_301 : i32
    %scan3A_303 = arith.constant 1 : i32
    scf.for %scan3A_346 = %scan3A_300 to %scan3A_302 step %scan3A_303  : i32 {
      %mul3A_347 = arith.constant 2 : i32
      %mul3A_348 = arith.muli %scan3A_346, %mul3A_347 : i32
      %add3A_349 = arith.constant 0 : i32
      %add3A_350 = arith.addi %mul3A_348, %add3A_349 : i32
      %dma_wait3A_351 = arith.constant 0 : i32
      %dma_wait3A_352 = tpu.memref_slice %arg7[%add3A_350, %dma_wait3A_351] : memref<32x64xi32, #tpu.memory_space<vmem>> -> memref<1x64xi32, #tpu.memory_space<vmem>>
      %dma_wait3A_353 = tpu.memref_squeeze %dma_wait3A_352 : memref<1x64xi32, #tpu.memory_space<vmem>> -> memref<64xi32, #tpu.memory_space<vmem>>
      %dma_wait3A_354 = arith.constant 0 : i32
      %dma_wait3A_355 = arith.constant 0 : i32
      %dma_wait3A_356 = tpu.memref_slice %arg2[%dma_wait3A_354, %dma_wait3A_355] : memref<10000x128xf32, #tpu.memory_space<hbm>> -> memref<10000x128xf32, #tpu.memory_space<hbm>>
      tpu.wait_indirect_dma semaphore(%arg16 : memref<!tpu.dma_semaphore, #tpu.memory_space<semaphore_mem>>) src(%dma_wait3A_356 : memref<10000x128xf32, #tpu.memory_space<hbm>>) dst(%arg13 : memref<64x128xf32, #tpu.memory_space<vmem>>)
      %dma_wait3A_357 = arith.constant 4 : i32
      %dma_wait3A_358 = arith.constant 0 : i32
      %dma_wait3A_359 = arith.constant 0 : i32
      %dma_wait3A_360 = tpu.memref_slice %arg5[%add3A, %dma_wait3A_357, %add3A_350, %dma_wait3A_358, %dma_wait3A_359] : memref<32x5x32x64x16xf32, #tpu.memory_space<hbm>> -> memref<1x1x1x64x16xf32, #tpu.memory_space<hbm>>
      %dma_wait3A_361 = tpu.memref_squeeze %dma_wait3A_360 : memref<1x1x1x64x16xf32, #tpu.memory_space<hbm>> -> memref<64x16xf32, #tpu.memory_space<hbm>>
      %dma_wait3A_362 = arith.constant 0 : i32
      %dma_wait3A_363 = arith.constant 0 : i32
      %dma_wait3A_364 = tpu.memref_slice %arg5[%add3A, %dma_wait3A_357, %add3A_350, %dma_wait3A_362, %dma_wait3A_363] : memref<32x5x32x64x16xf32, #tpu.memory_space<hbm>> -> memref<1x1x1x64x16xf32, #tpu.memory_space<hbm>>
      %dma_wait3A_365 = tpu.memref_squeeze %dma_wait3A_364 : memref<1x1x1x64x16xf32, #tpu.memory_space<hbm>> -> memref<64x16xf32, #tpu.memory_space<hbm>>
      tpu.wait_dma2 semaphore(%arg17 : memref<!tpu.dma_semaphore, #tpu.memory_space<semaphore_mem>>) src(%dma_wait3A_365 : memref<64x16xf32, #tpu.memory_space<hbm>>) dst(%arg11 : memref<64x16xf32, #tpu.memory_space<vmem>>)
      %add3A_366 = arith.constant 1 : i32
      %add3A_367 = arith.addi %add3A_350, %add3A_366 : i32
      %lt3A = arith.constant 32 : i32
      %lt3A_368 = arith.cmpi slt, %add3A_367, %lt3A : i32
      %convert_element_type3A = arith.extui %lt3A_368 : i1 to i32
      %cond3A = arith.constant 0 : i32
      %cond3A_369 = arith.cmpi ne, %convert_element_type3A, %cond3A : i32
      scf.if %cond3A_369 {
        %add3A_406 = arith.constant 1 : i32
        %add3A_407 = arith.addi %add3A_350, %add3A_406 : i32
        %dma_start3A_408 = arith.constant 0 : i32
        %dma_start3A_409 = tpu.memref_slice %arg7[%add3A_407, %dma_start3A_408] : memref<32x64xi32, #tpu.memory_space<vmem>> -> memref<1x64xi32, #tpu.memory_space<vmem>>
        %dma_start3A_410 = tpu.memref_squeeze %dma_start3A_409 : memref<1x64xi32, #tpu.memory_space<vmem>> -> memref<64xi32, #tpu.memory_space<vmem>>
        %dma_start3A_411 = arith.constant 0 : i32
        %dma_start3A_412 = arith.constant 0 : i32
        %dma_start3A_413 = tpu.memref_slice %arg2[%dma_start3A_411, %dma_start3A_412] : memref<10000x128xf32, #tpu.memory_space<hbm>> -> memref<10000x128xf32, #tpu.memory_space<hbm>>
        tpu.enqueue_indirect_dma source(%dma_start3A_413 : memref<10000x128xf32, #tpu.memory_space<hbm>>) target(%arg14 : memref<64x128xf32, #tpu.memory_space<vmem>>) offsets(%dma_start3A_410 : memref<64xi32, #tpu.memory_space<vmem>>) semaphore(%arg16 : memref<!tpu.dma_semaphore, #tpu.memory_space<semaphore_mem>>)
        %add3A_414 = arith.constant 1 : i32
        %add3A_415 = arith.addi %add3A_350, %add3A_414 : i32
        %dma_start3A_416 = arith.constant 4 : i32
        %dma_start3A_417 = arith.constant 0 : i32
        %dma_start3A_418 = arith.constant 0 : i32
        %dma_start3A_419 = tpu.memref_slice %arg5[%add3A, %dma_start3A_416, %add3A_415, %dma_start3A_417, %dma_start3A_418] : memref<32x5x32x64x16xf32, #tpu.memory_space<hbm>> -> memref<1x1x1x64x16xf32, #tpu.memory_space<hbm>>
        %dma_start3A_420 = tpu.memref_squeeze %dma_start3A_419 : memref<1x1x1x64x16xf32, #tpu.memory_space<hbm>> -> memref<64x16xf32, #tpu.memory_space<hbm>>
        %dma_start3A_421 = arith.constant 0 : i32
        %dma_start3A_422 = arith.constant 0 : i32
        %dma_start3A_423 = tpu.memref_slice %arg5[%add3A, %dma_start3A_416, %add3A_415, %dma_start3A_421, %dma_start3A_422] : memref<32x5x32x64x16xf32, #tpu.memory_space<hbm>> -> memref<1x1x1x64x16xf32, #tpu.memory_space<hbm>>
        %dma_start3A_424 = tpu.memref_squeeze %dma_start3A_423 : memref<1x1x1x64x16xf32, #tpu.memory_space<hbm>> -> memref<64x16xf32, #tpu.memory_space<hbm>>
        tpu.enqueue_dma source(%dma_start3A_424 : memref<64x16xf32, #tpu.memory_space<hbm>>) target(%arg12 : memref<64x16xf32, #tpu.memory_space<vmem>>) target_semaphore(%arg17 : memref<!tpu.dma_semaphore, #tpu.memory_space<semaphore_mem>>)
      } else {
      }
      %scan3A_370 = arith.constant 0 : i32
      %scan3A_371 = arith.constant 0 : i32
      %scan3A_372 = arith.constant 64 : i32
      %scan3A_373 = arith.addi %scan3A_371, %scan3A_372 : i32
      %scan3A_374 = arith.constant 1 : i32
      scf.for %scan3A_406 = %scan3A_371 to %scan3A_373 step %scan3A_374  : i32 {
        %get3A = arith.index_cast %scan3A_406 : i32 to index
        %get3A_407 = arith.constant 0 : index
        %get3A_408 = tpu.vector_load %arg11[%get3A, %get3A_407] {strides = array<i32>} : memref<64x16xf32, #tpu.memory_space<vmem>>, vector<1x16xf32>,
        %get3A_409 = vector.shape_cast %get3A_408 : vector<1x16xf32> to vector<16xf32>
        %get3A_410 = arith.index_cast %scan3A_406 : i32 to index
        %get3A_411 = arith.constant 0 : index
        %get3A_412 = tpu.vector_load %arg13[%get3A_410, %get3A_411] {strides = array<i32>} : memref<64x128xf32, #tpu.memory_space<vmem>>, vector<1x16xf32>,
        %get3A_413 = vector.shape_cast %get3A_412 : vector<1x16xf32> to vector<16xf32>
        %mul3A_414 = arith.mulf %get3A_413, %get3A_409 : vector<16xf32>
        %swap3A = arith.index_cast %scan3A_406 : i32 to index
        %swap3A_415 = arith.constant 0 : index
        %swap3A_416 = tpu.vector_load %arg13[%swap3A, %swap3A_415] {strides = array<i32>} : memref<64x128xf32, #tpu.memory_space<vmem>>, vector<1x16xf32>,
        %swap3A_417 = vector.shape_cast %swap3A_416 : vector<1x16xf32> to vector<16xf32>
        %swap3A_418 = vector.shape_cast %mul3A_414 : vector<16xf32> to vector<1x16xf32>
        tpu.vector_store %arg13[%swap3A, %swap3A_415], %swap3A_418 {strides = array<i32>} : memref<64x128xf32, #tpu.memory_space<vmem>>, vector<1x16xf32>,
        %get3A_419 = arith.index_cast %scan3A_406 : i32 to index
        %get3A_420 = arith.constant 16 : index
        %get3A_421 = tpu.vector_load %arg13[%get3A_419, %get3A_420] {strides = array<i32>} : memref<64x128xf32, #tpu.memory_space<vmem>>, vector<1x16xf32>,
        %get3A_422 = vector.shape_cast %get3A_421 : vector<1x16xf32> to vector<16xf32>
        %mul3A_423 = arith.mulf %get3A_422, %get3A_409 : vector<16xf32>
        %swap3A_424 = arith.index_cast %scan3A_406 : i32 to index
        %swap3A_425 = arith.constant 16 : index
        %swap3A_426 = tpu.vector_load %arg13[%swap3A_424, %swap3A_425] {strides = array<i32>} : memref<64x128xf32, #tpu.memory_space<vmem>>, vector<1x16xf32>,
        %swap3A_427 = vector.shape_cast %swap3A_426 : vector<1x16xf32> to vector<16xf32>
        %swap3A_428 = vector.shape_cast %mul3A_423 : vector<16xf32> to vector<1x16xf32>
        tpu.vector_store %arg13[%swap3A_424, %swap3A_425], %swap3A_428 {strides = array<i32>} : memref<64x128xf32, #tpu.memory_space<vmem>>, vector<1x16xf32>,
        %get3A_429 = arith.index_cast %scan3A_406 : i32 to index
        %get3A_430 = arith.constant 32 : index
        %get3A_431 = tpu.vector_load %arg13[%get3A_429, %get3A_430] {strides = array<i32>} : memref<64x128xf32, #tpu.memory_space<vmem>>, vector<1x16xf32>,
        %get3A_432 = vector.shape_cast %get3A_431 : vector<1x16xf32> to vector<16xf32>
        %mul3A_433 = arith.mulf %get3A_432, %get3A_409 : vector<16xf32>
        %swap3A_434 = arith.index_cast %scan3A_406 : i32 to index
        %swap3A_435 = arith.constant 32 : index
        %swap3A_436 = tpu.vector_load %arg13[%swap3A_434, %swap3A_435] {strides = array<i32>} : memref<64x128xf32, #tpu.memory_space<vmem>>, vector<1x16xf32>,
        %swap3A_437 = vector.shape_cast %swap3A_436 : vector<1x16xf32> to vector<16xf32>
        %swap3A_438 = vector.shape_cast %mul3A_433 : vector<16xf32> to vector<1x16xf32>
        tpu.vector_store %arg13[%swap3A_434, %swap3A_435], %swap3A_438 {strides = array<i32>} : memref<64x128xf32, #tpu.memory_space<vmem>>, vector<1x16xf32>,
        %get3A_439 = arith.index_cast %scan3A_406 : i32 to index
        %get3A_440 = arith.constant 48 : index
        %get3A_441 = tpu.vector_load %arg13[%get3A_439, %get3A_440] {strides = array<i32>} : memref<64x128xf32, #tpu.memory_space<vmem>>, vector<1x16xf32>,
        %get3A_442 = vector.shape_cast %get3A_441 : vector<1x16xf32> to vector<16xf32>
        %mul3A_443 = arith.mulf %get3A_442, %get3A_409 : vector<16xf32>
        %swap3A_444 = arith.index_cast %scan3A_406 : i32 to index
        %swap3A_445 = arith.constant 48 : index
        %swap3A_446 = tpu.vector_load %arg13[%swap3A_444, %swap3A_445] {strides = array<i32>} : memref<64x128xf32, #tpu.memory_space<vmem>>, vector<1x16xf32>,
        %swap3A_447 = vector.shape_cast %swap3A_446 : vector<1x16xf32> to vector<16xf32>
        %swap3A_448 = vector.shape_cast %mul3A_443 : vector<16xf32> to vector<1x16xf32>
        tpu.vector_store %arg13[%swap3A_444, %swap3A_445], %swap3A_448 {strides = array<i32>} : memref<64x128xf32, #tpu.memory_space<vmem>>, vector<1x16xf32>,
        %get3A_449 = arith.index_cast %scan3A_406 : i32 to index
        %get3A_450 = arith.constant 64 : index
        %get3A_451 = tpu.vector_load %arg13[%get3A_449, %get3A_450] {strides = array<i32>} : memref<64x128xf32, #tpu.memory_space<vmem>>, vector<1x16xf32>,
        %get3A_452 = vector.shape_cast %get3A_451 : vector<1x16xf32> to vector<16xf32>
        %mul3A_453 = arith.mulf %get3A_452, %get3A_409 : vector<16xf32>
        %swap3A_454 = arith.index_cast %scan3A_406 : i32 to index
        %swap3A_455 = arith.constant 64 : index
        %swap3A_456 = tpu.vector_load %arg13[%swap3A_454, %swap3A_455] {strides = array<i32>} : memref<64x128xf32, #tpu.memory_space<vmem>>, vector<1x16xf32>,
        %swap3A_457 = vector.shape_cast %swap3A_456 : vector<1x16xf32> to vector<16xf32>
        %swap3A_458 = vector.shape_cast %mul3A_453 : vector<16xf32> to vector<1x16xf32>
        tpu.vector_store %arg13[%swap3A_454, %swap3A_455], %swap3A_458 {strides = array<i32>} : memref<64x128xf32, #tpu.memory_space<vmem>>, vector<1x16xf32>,
        %get3A_459 = arith.index_cast %scan3A_406 : i32 to index
        %get3A_460 = arith.constant 80 : index
        %get3A_461 = tpu.vector_load %arg13[%get3A_459, %get3A_460] {strides = array<i32>} : memref<64x128xf32, #tpu.memory_space<vmem>>, vector<1x16xf32>,
        %get3A_462 = vector.shape_cast %get3A_461 : vector<1x16xf32> to vector<16xf32>
        %mul3A_463 = arith.mulf %get3A_462, %get3A_409 : vector<16xf32>
        %swap3A_464 = arith.index_cast %scan3A_406 : i32 to index
        %swap3A_465 = arith.constant 80 : index
        %swap3A_466 = tpu.vector_load %arg13[%swap3A_464, %swap3A_465] {strides = array<i32>} : memref<64x128xf32, #tpu.memory_space<vmem>>, vector<1x16xf32>,
        %swap3A_467 = vector.shape_cast %swap3A_466 : vector<1x16xf32> to vector<16xf32>
        %swap3A_468 = vector.shape_cast %mul3A_463 : vector<16xf32> to vector<1x16xf32>
        tpu.vector_store %arg13[%swap3A_464, %swap3A_465], %swap3A_468 {strides = array<i32>} : memref<64x128xf32, #tpu.memory_space<vmem>>, vector<1x16xf32>,
        %get3A_469 = arith.index_cast %scan3A_406 : i32 to index
        %get3A_470 = arith.constant 96 : index
        %get3A_471 = tpu.vector_load %arg13[%get3A_469, %get3A_470] {strides = array<i32>} : memref<64x128xf32, #tpu.memory_space<vmem>>, vector<1x16xf32>,
        %get3A_472 = vector.shape_cast %get3A_471 : vector<1x16xf32> to vector<16xf32>
        %mul3A_473 = arith.mulf %get3A_472, %get3A_409 : vector<16xf32>
        %swap3A_474 = arith.index_cast %scan3A_406 : i32 to index
        %swap3A_475 = arith.constant 96 : index
        %swap3A_476 = tpu.vector_load %arg13[%swap3A_474, %swap3A_475] {strides = array<i32>} : memref<64x128xf32, #tpu.memory_space<vmem>>, vector<1x16xf32>,
        %swap3A_477 = vector.shape_cast %swap3A_476 : vector<1x16xf32> to vector<16xf32>
        %swap3A_478 = vector.shape_cast %mul3A_473 : vector<16xf32> to vector<1x16xf32>
        tpu.vector_store %arg13[%swap3A_474, %swap3A_475], %swap3A_478 {strides = array<i32>} : memref<64x128xf32, #tpu.memory_space<vmem>>, vector<1x16xf32>,
        %get3A_479 = arith.index_cast %scan3A_406 : i32 to index
        %get3A_480 = arith.constant 112 : index
        %get3A_481 = tpu.vector_load %arg13[%get3A_479, %get3A_480] {strides = array<i32>} : memref<64x128xf32, #tpu.memory_space<vmem>>, vector<1x16xf32>,
        %get3A_482 = vector.shape_cast %get3A_481 : vector<1x16xf32> to vector<16xf32>
        %mul3A_483 = arith.mulf %get3A_482, %get3A_409 : vector<16xf32>
        %swap3A_484 = arith.index_cast %scan3A_406 : i32 to index
        %swap3A_485 = arith.constant 112 : index
        %swap3A_486 = tpu.vector_load %arg13[%swap3A_484, %swap3A_485] {strides = array<i32>} : memref<64x128xf32, #tpu.memory_space<vmem>>, vector<1x16xf32>,
        %swap3A_487 = vector.shape_cast %swap3A_486 : vector<1x16xf32> to vector<16xf32>
        %swap3A_488 = vector.shape_cast %mul3A_483 : vector<16xf32> to vector<1x16xf32>
        tpu.vector_store %arg13[%swap3A_484, %swap3A_485], %swap3A_488 {strides = array<i32>} : memref<64x128xf32, #tpu.memory_space<vmem>>, vector<1x16xf32>,
      }
      %scan3A_375 = arith.constant 64 : i32
      "tpu.region"() ({
        %run_scoped3A_406 = tpu.sem_alloc : memref<!tpu.dma_semaphore, #tpu.memory_space<semaphore_mem>>
        %dma_start3A_407 = arith.constant 0 : i32
        %dma_start3A_408 = tpu.memref_slice %arg9[%add3A_350, %dma_start3A_407] : memref<32x64xi32, #tpu.memory_space<vmem>> -> memref<1x64xi32, #tpu.memory_space<vmem>>
        %dma_start3A_409 = tpu.memref_squeeze %dma_start3A_408 : memref<1x64xi32, #tpu.memory_space<vmem>> -> memref<64xi32, #tpu.memory_space<vmem>>
        %dma_start3A_410 = arith.constant 0 : i32
        %dma_start3A_411 = arith.constant 0 : i32
        %dma_start3A_412 = tpu.memref_slice %arg15[%dma_start3A_410, %dma_start3A_411] : memref<10112x128xf32, #tpu.memory_space<vmem_shared>> -> memref<10112x128xf32, #tpu.memory_space<vmem_shared>>
        tpu.enqueue_indirect_dma source(%arg13 : memref<64x128xf32, #tpu.memory_space<vmem>>) target(%dma_start3A_412 : memref<10112x128xf32, #tpu.memory_space<vmem_shared>>) offsets(%dma_start3A_409 : memref<64xi32, #tpu.memory_space<vmem>>) semaphore(%run_scoped3A_406 : memref<!tpu.dma_semaphore, #tpu.memory_space<semaphore_mem>>) {add = true}
        %dma_wait3A_413 = arith.constant 0 : i32
        %dma_wait3A_414 = tpu.memref_slice %arg9[%add3A_350, %dma_wait3A_413] : memref<32x64xi32, #tpu.memory_space<vmem>> -> memref<1x64xi32, #tpu.memory_space<vmem>>
        %dma_wait3A_415 = tpu.memref_squeeze %dma_wait3A_414 : memref<1x64xi32, #tpu.memory_space<vmem>> -> memref<64xi32, #tpu.memory_space<vmem>>
        %dma_wait3A_416 = arith.constant 0 : i32
        %dma_wait3A_417 = arith.constant 0 : i32
        %dma_wait3A_418 = tpu.memref_slice %arg15[%dma_wait3A_416, %dma_wait3A_417] : memref<10112x128xf32, #tpu.memory_space<vmem_shared>> -> memref<10112x128xf32, #tpu.memory_space<vmem_shared>>
        tpu.wait_indirect_dma semaphore(%run_scoped3A_406 : memref<!tpu.dma_semaphore, #tpu.memory_space<semaphore_mem>>) src(%arg13 : memref<64x128xf32, #tpu.memory_space<vmem>>) dst(%dma_wait3A_418 : memref<10112x128xf32, #tpu.memory_space<vmem_shared>>)
        tpu.yield
      }) : () -> ()
      %add3A_376 = arith.constant 1 : i32
      %add3A_377 = arith.addi %mul3A_348, %add3A_376 : i32
      %dma_wait3A_378 = arith.constant 0 : i32
      %dma_wait3A_379 = tpu.memref_slice %arg7[%add3A_377, %dma_wait3A_378] : memref<32x64xi32, #tpu.memory_space<vmem>> -> memref<1x64xi32, #tpu.memory_space<vmem>>
      %dma_wait3A_380 = tpu.memref_squeeze %dma_wait3A_379 : memref<1x64xi32, #tpu.memory_space<vmem>> -> memref<64xi32, #tpu.memory_space<vmem>>
      %dma_wait3A_381 = arith.constant 0 : i32
      %dma_wait3A_382 = arith.constant 0 : i32
      %dma_wait3A_383 = tpu.memref_slice %arg2[%dma_wait3A_381, %dma_wait3A_382] : memref<10000x128xf32, #tpu.memory_space<hbm>> -> memref<10000x128xf32, #tpu.memory_space<hbm>>
      tpu.wait_indirect_dma semaphore(%arg16 : memref<!tpu.dma_semaphore, #tpu.memory_space<semaphore_mem>>) src(%dma_wait3A_383 : memref<10000x128xf32, #tpu.memory_space<hbm>>) dst(%arg14 : memref<64x128xf32, #tpu.memory_space<vmem>>)
      %dma_wait3A_384 = arith.constant 4 : i32
      %dma_wait3A_385 = arith.constant 0 : i32
      %dma_wait3A_386 = arith.constant 0 : i32
      %dma_wait3A_387 = tpu.memref_slice %arg5[%add3A, %dma_wait3A_384, %add3A_377, %dma_wait3A_385, %dma_wait3A_386] : memref<32x5x32x64x16xf32, #tpu.memory_space<hbm>> -> memref<1x1x1x64x16xf32, #tpu.memory_space<hbm>>
      %dma_wait3A_388 = tpu.memref_squeeze %dma_wait3A_387 : memref<1x1x1x64x16xf32, #tpu.memory_space<hbm>> -> memref<64x16xf32, #tpu.memory_space<hbm>>
      %dma_wait3A_389 = arith.constant 0 : i32
      %dma_wait3A_390 = arith.constant 0 : i32
      %dma_wait3A_391 = tpu.memref_slice %arg5[%add3A, %dma_wait3A_384, %add3A_377, %dma_wait3A_389, %dma_wait3A_390] : memref<32x5x32x64x16xf32, #tpu.memory_space<hbm>> -> memref<1x1x1x64x16xf32, #tpu.memory_space<hbm>>
      %dma_wait3A_392 = tpu.memref_squeeze %dma_wait3A_391 : memref<1x1x1x64x16xf32, #tpu.memory_space<hbm>> -> memref<64x16xf32, #tpu.memory_space<hbm>>
      tpu.wait_dma2 semaphore(%arg17 : memref<!tpu.dma_semaphore, #tpu.memory_space<semaphore_mem>>) src(%dma_wait3A_392 : memref<64x16xf32, #tpu.memory_space<hbm>>) dst(%arg12 : memref<64x16xf32, #tpu.memory_space<vmem>>)
      %add3A_393 = arith.constant 1 : i32
      %add3A_394 = arith.addi %add3A_377, %add3A_393 : i32
      %lt3A_395 = arith.constant 32 : i32
      %lt3A_396 = arith.cmpi slt, %add3A_394, %lt3A_395 : i32
      %convert_element_type3A_397 = arith.extui %lt3A_396 : i1 to i32
      %cond3A_398 = arith.constant 0 : i32
      %cond3A_399 = arith.cmpi ne, %convert_element_type3A_397, %cond3A_398 : i32
      scf.if %cond3A_399 {
        %add3A_406 = arith.constant 1 : i32
        %add3A_407 = arith.addi %add3A_377, %add3A_406 : i32
        %dma_start3A_408 = arith.constant 0 : i32
        %dma_start3A_409 = tpu.memref_slice %arg7[%add3A_407, %dma_start3A_408] : memref<32x64xi32, #tpu.memory_space<vmem>> -> memref<1x64xi32, #tpu.memory_space<vmem>>
        %dma_start3A_410 = tpu.memref_squeeze %dma_start3A_409 : memref<1x64xi32, #tpu.memory_space<vmem>> -> memref<64xi32, #tpu.memory_space<vmem>>
        %dma_start3A_411 = arith.constant 0 : i32
        %dma_start3A_412 = arith.constant 0 : i32
        %dma_start3A_413 = tpu.memref_slice %arg2[%dma_start3A_411, %dma_start3A_412] : memref<10000x128xf32, #tpu.memory_space<hbm>> -> memref<10000x128xf32, #tpu.memory_space<hbm>>
        tpu.enqueue_indirect_dma source(%dma_start3A_413 : memref<10000x128xf32, #tpu.memory_space<hbm>>) target(%arg13 : memref<64x128xf32, #tpu.memory_space<vmem>>) offsets(%dma_start3A_410 : memref<64xi32, #tpu.memory_space<vmem>>) semaphore(%arg16 : memref<!tpu.dma_semaphore, #tpu.memory_space<semaphore_mem>>)
        %add3A_414 = arith.constant 1 : i32
        %add3A_415 = arith.addi %add3A_377, %add3A_414 : i32
        %dma_start3A_416 = arith.constant 4 : i32
        %dma_start3A_417 = arith.constant 0 : i32
        %dma_start3A_418 = arith.constant 0 : i32
        %dma_start3A_419 = tpu.memref_slice %arg5[%add3A, %dma_start3A_416, %add3A_415, %dma_start3A_417, %dma_start3A_418] : memref<32x5x32x64x16xf32, #tpu.memory_space<hbm>> -> memref<1x1x1x64x16xf32, #tpu.memory_space<hbm>>
        %dma_start3A_420 = tpu.memref_squeeze %dma_start3A_419 : memref<1x1x1x64x16xf32, #tpu.memory_space<hbm>> -> memref<64x16xf32, #tpu.memory_space<hbm>>
        %dma_start3A_421 = arith.constant 0 : i32
        %dma_start3A_422 = arith.constant 0 : i32
        %dma_start3A_423 = tpu.memref_slice %arg5[%add3A, %dma_start3A_416, %add3A_415, %dma_start3A_421, %dma_start3A_422] : memref<32x5x32x64x16xf32, #tpu.memory_space<hbm>> -> memref<1x1x1x64x16xf32, #tpu.memory_space<hbm>>
        %dma_start3A_424 = tpu.memref_squeeze %dma_start3A_423 : memref<1x1x1x64x16xf32, #tpu.memory_space<hbm>> -> memref<64x16xf32, #tpu.memory_space<hbm>>
        tpu.enqueue_dma source(%dma_start3A_424 : memref<64x16xf32, #tpu.memory_space<hbm>>) target(%arg11 : memref<64x16xf32, #tpu.memory_space<vmem>>) target_semaphore(%arg17 : memref<!tpu.dma_semaphore, #tpu.memory_space<semaphore_mem>>)
      } else {
      }
      %scan3A_400 = arith.constant 0 : i32
      %scan3A_401 = arith.constant 0 : i32
      %scan3A_402 = arith.constant 64 : i32
      %scan3A_403 = arith.addi %scan3A_401, %scan3A_402 : i32
      %scan3A_404 = arith.constant 1 : i32
      scf.for %scan3A_406 = %scan3A_401 to %scan3A_403 step %scan3A_404  : i32 {
        %get3A = arith.index_cast %scan3A_406 : i32 to index
        %get3A_407 = arith.constant 0 : index
        %get3A_408 = tpu.vector_load %arg12[%get3A, %get3A_407] {strides = array<i32>} : memref<64x16xf32, #tpu.memory_space<vmem>>, vector<1x16xf32>,
        %get3A_409 = vector.shape_cast %get3A_408 : vector<1x16xf32> to vector<16xf32>
        %get3A_410 = arith.index_cast %scan3A_406 : i32 to index
        %get3A_411 = arith.constant 0 : index
        %get3A_412 = tpu.vector_load %arg14[%get3A_410, %get3A_411] {strides = array<i32>} : memref<64x128xf32, #tpu.memory_space<vmem>>, vector<1x16xf32>,
        %get3A_413 = vector.shape_cast %get3A_412 : vector<1x16xf32> to vector<16xf32>
        %mul3A_414 = arith.mulf %get3A_413, %get3A_409 : vector<16xf32>
        %swap3A = arith.index_cast %scan3A_406 : i32 to index
        %swap3A_415 = arith.constant 0 : index
        %swap3A_416 = tpu.vector_load %arg14[%swap3A, %swap3A_415] {strides = array<i32>} : memref<64x128xf32, #tpu.memory_space<vmem>>, vector<1x16xf32>,
        %swap3A_417 = vector.shape_cast %swap3A_416 : vector<1x16xf32> to vector<16xf32>
        %swap3A_418 = vector.shape_cast %mul3A_414 : vector<16xf32> to vector<1x16xf32>
        tpu.vector_store %arg14[%swap3A, %swap3A_415], %swap3A_418 {strides = array<i32>} : memref<64x128xf32, #tpu.memory_space<vmem>>, vector<1x16xf32>,
        %get3A_419 = arith.index_cast %scan3A_406 : i32 to index
        %get3A_420 = arith.constant 16 : index
        %get3A_421 = tpu.vector_load %arg14[%get3A_419, %get3A_420] {strides = array<i32>} : memref<64x128xf32, #tpu.memory_space<vmem>>, vector<1x16xf32>,
        %get3A_422 = vector.shape_cast %get3A_421 : vector<1x16xf32> to vector<16xf32>
        %mul3A_423 = arith.mulf %get3A_422, %get3A_409 : vector<16xf32>
        %swap3A_424 = arith.index_cast %scan3A_406 : i32 to index
        %swap3A_425 = arith.constant 16 : index
        %swap3A_426 = tpu.vector_load %arg14[%swap3A_424, %swap3A_425] {strides = array<i32>} : memref<64x128xf32, #tpu.memory_space<vmem>>, vector<1x16xf32>,
        %swap3A_427 = vector.shape_cast %swap3A_426 : vector<1x16xf32> to vector<16xf32>
        %swap3A_428 = vector.shape_cast %mul3A_423 : vector<16xf32> to vector<1x16xf32>
        tpu.vector_store %arg14[%swap3A_424, %swap3A_425], %swap3A_428 {strides = array<i32>} : memref<64x128xf32, #tpu.memory_space<vmem>>, vector<1x16xf32>,
        %get3A_429 = arith.index_cast %scan3A_406 : i32 to index
        %get3A_430 = arith.constant 32 : index
        %get3A_431 = tpu.vector_load %arg14[%get3A_429, %get3A_430] {strides = array<i32>} : memref<64x128xf32, #tpu.memory_space<vmem>>, vector<1x16xf32>,
        %get3A_432 = vector.shape_cast %get3A_431 : vector<1x16xf32> to vector<16xf32>
        %mul3A_433 = arith.mulf %get3A_432, %get3A_409 : vector<16xf32>
        %swap3A_434 = arith.index_cast %scan3A_406 : i32 to index
        %swap3A_435 = arith.constant 32 : index
        %swap3A_436 = tpu.vector_load %arg14[%swap3A_434, %swap3A_435] {strides = array<i32>} : memref<64x128xf32, #tpu.memory_space<vmem>>, vector<1x16xf32>,
        %swap3A_437 = vector.shape_cast %swap3A_436 : vector<1x16xf32> to vector<16xf32>
        %swap3A_438 = vector.shape_cast %mul3A_433 : vector<16xf32> to vector<1x16xf32>
        tpu.vector_store %arg14[%swap3A_434, %swap3A_435], %swap3A_438 {strides = array<i32>} : memref<64x128xf32, #tpu.memory_space<vmem>>, vector<1x16xf32>,
        %get3A_439 = arith.index_cast %scan3A_406 : i32 to index
        %get3A_440 = arith.constant 48 : index
        %get3A_441 = tpu.vector_load %arg14[%get3A_439, %get3A_440] {strides = array<i32>} : memref<64x128xf32, #tpu.memory_space<vmem>>, vector<1x16xf32>,
        %get3A_442 = vector.shape_cast %get3A_441 : vector<1x16xf32> to vector<16xf32>
        %mul3A_443 = arith.mulf %get3A_442, %get3A_409 : vector<16xf32>
        %swap3A_444 = arith.index_cast %scan3A_406 : i32 to index
        %swap3A_445 = arith.constant 48 : index
        %swap3A_446 = tpu.vector_load %arg14[%swap3A_444, %swap3A_445] {strides = array<i32>} : memref<64x128xf32, #tpu.memory_space<vmem>>, vector<1x16xf32>,
        %swap3A_447 = vector.shape_cast %swap3A_446 : vector<1x16xf32> to vector<16xf32>
        %swap3A_448 = vector.shape_cast %mul3A_443 : vector<16xf32> to vector<1x16xf32>
        tpu.vector_store %arg14[%swap3A_444, %swap3A_445], %swap3A_448 {strides = array<i32>} : memref<64x128xf32, #tpu.memory_space<vmem>>, vector<1x16xf32>,
        %get3A_449 = arith.index_cast %scan3A_406 : i32 to index
        %get3A_450 = arith.constant 64 : index
        %get3A_451 = tpu.vector_load %arg14[%get3A_449, %get3A_450] {strides = array<i32>} : memref<64x128xf32, #tpu.memory_space<vmem>>, vector<1x16xf32>,
        %get3A_452 = vector.shape_cast %get3A_451 : vector<1x16xf32> to vector<16xf32>
        %mul3A_453 = arith.mulf %get3A_452, %get3A_409 : vector<16xf32>
        %swap3A_454 = arith.index_cast %scan3A_406 : i32 to index
        %swap3A_455 = arith.constant 64 : index
        %swap3A_456 = tpu.vector_load %arg14[%swap3A_454, %swap3A_455] {strides = array<i32>} : memref<64x128xf32, #tpu.memory_space<vmem>>, vector<1x16xf32>,
        %swap3A_457 = vector.shape_cast %swap3A_456 : vector<1x16xf32> to vector<16xf32>
        %swap3A_458 = vector.shape_cast %mul3A_453 : vector<16xf32> to vector<1x16xf32>
        tpu.vector_store %arg14[%swap3A_454, %swap3A_455], %swap3A_458 {strides = array<i32>} : memref<64x128xf32, #tpu.memory_space<vmem>>, vector<1x16xf32>,
        %get3A_459 = arith.index_cast %scan3A_406 : i32 to index
        %get3A_460 = arith.constant 80 : index
        %get3A_461 = tpu.vector_load %arg14[%get3A_459, %get3A_460] {strides = array<i32>} : memref<64x128xf32, #tpu.memory_space<vmem>>, vector<1x16xf32>,
        %get3A_462 = vector.shape_cast %get3A_461 : vector<1x16xf32> to vector<16xf32>
        %mul3A_463 = arith.mulf %get3A_462, %get3A_409 : vector<16xf32>
        %swap3A_464 = arith.index_cast %scan3A_406 : i32 to index
        %swap3A_465 = arith.constant 80 : index
        %swap3A_466 = tpu.vector_load %arg14[%swap3A_464, %swap3A_465] {strides = array<i32>} : memref<64x128xf32, #tpu.memory_space<vmem>>, vector<1x16xf32>,
        %swap3A_467 = vector.shape_cast %swap3A_466 : vector<1x16xf32> to vector<16xf32>
        %swap3A_468 = vector.shape_cast %mul3A_463 : vector<16xf32> to vector<1x16xf32>
        tpu.vector_store %arg14[%swap3A_464, %swap3A_465], %swap3A_468 {strides = array<i32>} : memref<64x128xf32, #tpu.memory_space<vmem>>, vector<1x16xf32>,
        %get3A_469 = arith.index_cast %scan3A_406 : i32 to index
        %get3A_470 = arith.constant 96 : index
        %get3A_471 = tpu.vector_load %arg14[%get3A_469, %get3A_470] {strides = array<i32>} : memref<64x128xf32, #tpu.memory_space<vmem>>, vector<1x16xf32>,
        %get3A_472 = vector.shape_cast %get3A_471 : vector<1x16xf32> to vector<16xf32>
        %mul3A_473 = arith.mulf %get3A_472, %get3A_409 : vector<16xf32>
        %swap3A_474 = arith.index_cast %scan3A_406 : i32 to index
        %swap3A_475 = arith.constant 96 : index
        %swap3A_476 = tpu.vector_load %arg14[%swap3A_474, %swap3A_475] {strides = array<i32>} : memref<64x128xf32, #tpu.memory_space<vmem>>, vector<1x16xf32>,
        %swap3A_477 = vector.shape_cast %swap3A_476 : vector<1x16xf32> to vector<16xf32>
        %swap3A_478 = vector.shape_cast %mul3A_473 : vector<16xf32> to vector<1x16xf32>
        tpu.vector_store %arg14[%swap3A_474, %swap3A_475], %swap3A_478 {strides = array<i32>} : memref<64x128xf32, #tpu.memory_space<vmem>>, vector<1x16xf32>,
        %get3A_479 = arith.index_cast %scan3A_406 : i32 to index
        %get3A_480 = arith.constant 112 : index
        %get3A_481 = tpu.vector_load %arg14[%get3A_479, %get3A_480] {strides = array<i32>} : memref<64x128xf32, #tpu.memory_space<vmem>>, vector<1x16xf32>,
        %get3A_482 = vector.shape_cast %get3A_481 : vector<1x16xf32> to vector<16xf32>
        %mul3A_483 = arith.mulf %get3A_482, %get3A_409 : vector<16xf32>
        %swap3A_484 = arith.index_cast %scan3A_406 : i32 to index
        %swap3A_485 = arith.constant 112 : index
        %swap3A_486 = tpu.vector_load %arg14[%swap3A_484, %swap3A_485] {strides = array<i32>} : memref<64x128xf32, #tpu.memory_space<vmem>>, vector<1x16xf32>,
        %swap3A_487 = vector.shape_cast %swap3A_486 : vector<1x16xf32> to vector<16xf32>
        %swap3A_488 = vector.shape_cast %mul3A_483 : vector<16xf32> to vector<1x16xf32>
        tpu.vector_store %arg14[%swap3A_484, %swap3A_485], %swap3A_488 {strides = array<i32>} : memref<64x128xf32, #tpu.memory_space<vmem>>, vector<1x16xf32>,
      }
      %scan3A_405 = arith.constant 64 : i32
      "tpu.region"() ({
        %run_scoped3A_406 = tpu.sem_alloc : memref<!tpu.dma_semaphore, #tpu.memory_space<semaphore_mem>>
        %dma_start3A_407 = arith.constant 0 : i32
        %dma_start3A_408 = tpu.memref_slice %arg9[%add3A_377, %dma_start3A_407] : memref<32x64xi32, #tpu.memory_space<vmem>> -> memref<1x64xi32, #tpu.memory_space<vmem>>
        %dma_start3A_409 = tpu.memref_squeeze %dma_start3A_408 : memref<1x64xi32, #tpu.memory_space<vmem>> -> memref<64xi32, #tpu.memory_space<vmem>>
        %dma_start3A_410 = arith.constant 0 : i32
        %dma_start3A_411 = arith.constant 0 : i32
        %dma_start3A_412 = tpu.memref_slice %arg15[%dma_start3A_410, %dma_start3A_411] : memref<10112x128xf32, #tpu.memory_space<vmem_shared>> -> memref<10112x128xf32, #tpu.memory_space<vmem_shared>>
        tpu.enqueue_indirect_dma source(%arg14 : memref<64x128xf32, #tpu.memory_space<vmem>>) target(%dma_start3A_412 : memref<10112x128xf32, #tpu.memory_space<vmem_shared>>) offsets(%dma_start3A_409 : memref<64xi32, #tpu.memory_space<vmem>>) semaphore(%run_scoped3A_406 : memref<!tpu.dma_semaphore, #tpu.memory_space<semaphore_mem>>) {add = true}
        %dma_wait3A_413 = arith.constant 0 : i32
        %dma_wait3A_414 = tpu.memref_slice %arg9[%add3A_377, %dma_wait3A_413] : memref<32x64xi32, #tpu.memory_space<vmem>> -> memref<1x64xi32, #tpu.memory_space<vmem>>
        %dma_wait3A_415 = tpu.memref_squeeze %dma_wait3A_414 : memref<1x64xi32, #tpu.memory_space<vmem>> -> memref<64xi32, #tpu.memory_space<vmem>>
        %dma_wait3A_416 = arith.constant 0 : i32
        %dma_wait3A_417 = arith.constant 0 : i32
        %dma_wait3A_418 = tpu.memref_slice %arg15[%dma_wait3A_416, %dma_wait3A_417] : memref<10112x128xf32, #tpu.memory_space<vmem_shared>> -> memref<10112x128xf32, #tpu.memory_space<vmem_shared>>
        tpu.wait_indirect_dma semaphore(%run_scoped3A_406 : memref<!tpu.dma_semaphore, #tpu.memory_space<semaphore_mem>>) src(%arg14 : memref<64x128xf32, #tpu.memory_space<vmem>>) dst(%dma_wait3A_418 : memref<10112x128xf32, #tpu.memory_space<vmem_shared>>)
        tpu.yield
      }) : () -> ()
    }
    %scan3A_304 = arith.constant 16 : i32
    %barrier3A_305 = arith.constant 0 : index
    tpu.barrier barrier_id(%barrier3A_305)
    %mul3A_306 = arith.constant 632 : i32
    %mul3A_307 = arith.muli %arg1, %mul3A_306 : i32
    %add3A_308 = arith.constant 0 : i32
    %add3A_309 = arith.addi %mul3A_307, %add3A_308 : i32
    "tpu.region"() ({
      %run_scoped3A_346 = tpu.sem_alloc : memref<!tpu.dma_semaphore, #tpu.memory_space<semaphore_mem>>
      %dma_start3A_347 = arith.constant 0 : i32
      %dma_start3A_348 = arith.constant 0 : i32
      %dma_start3A_349 = tpu.memref_slice %arg13[%dma_start3A_347, %dma_start3A_348] : memref<64x128xf32, #tpu.memory_space<vmem>> -> memref<64x128xf32, #tpu.memory_space<vmem>>
      %dma_start3A_350 = arith.constant 0 : i32
      %dma_start3A_351 = tpu.memref_slice %arg15[%add3A_309, %dma_start3A_350] : memref<10112x128xf32, #tpu.memory_space<vmem_shared>> -> memref<64x128xf32, #tpu.memory_space<vmem_shared>>
      %dma_start3A_352 = arith.constant 0 : i32
      %dma_start3A_353 = arith.constant 0 : i32
      %dma_start3A_354 = tpu.memref_slice %arg13[%dma_start3A_352, %dma_start3A_353] : memref<64x128xf32, #tpu.memory_space<vmem>> -> memref<64x128xf32, #tpu.memory_space<vmem>>
      %dma_start3A_355 = arith.constant 0 : i32
      %dma_start3A_356 = tpu.memref_slice %arg15[%add3A_309, %dma_start3A_355] : memref<10112x128xf32, #tpu.memory_space<vmem_shared>> -> memref<64x128xf32, #tpu.memory_space<vmem_shared>>
      tpu.enqueue_dma source(%dma_start3A_356 : memref<64x128xf32, #tpu.memory_space<vmem_shared>>) target(%dma_start3A_354 : memref<64x128xf32, #tpu.memory_space<vmem>>) target_semaphore(%run_scoped3A_346 : memref<!tpu.dma_semaphore, #tpu.memory_space<semaphore_mem>>)
      %dma_wait3A_357 = arith.constant 0 : i32
      %dma_wait3A_358 = arith.constant 0 : i32
      %dma_wait3A_359 = tpu.memref_slice %arg13[%dma_wait3A_357, %dma_wait3A_358] : memref<64x128xf32, #tpu.memory_space<vmem>> -> memref<64x128xf32, #tpu.memory_space<vmem>>
      %dma_wait3A_360 = arith.constant 0 : i32
      %dma_wait3A_361 = tpu.memref_slice %arg15[%add3A_309, %dma_wait3A_360] : memref<10112x128xf32, #tpu.memory_space<vmem_shared>> -> memref<64x128xf32, #tpu.memory_space<vmem_shared>>
      %dma_wait3A_362 = arith.constant 0 : i32
      %dma_wait3A_363 = arith.constant 0 : i32
      %dma_wait3A_364 = tpu.memref_slice %arg13[%dma_wait3A_362, %dma_wait3A_363] : memref<64x128xf32, #tpu.memory_space<vmem>> -> memref<64x128xf32, #tpu.memory_space<vmem>>
      %dma_wait3A_365 = arith.constant 0 : i32
      %dma_wait3A_366 = tpu.memref_slice %arg15[%add3A_309, %dma_wait3A_365] : memref<10112x128xf32, #tpu.memory_space<vmem_shared>> -> memref<64x128xf32, #tpu.memory_space<vmem_shared>>
      tpu.wait_dma2 semaphore(%run_scoped3A_346 : memref<!tpu.dma_semaphore, #tpu.memory_space<semaphore_mem>>) src(%dma_wait3A_366 : memref<64x128xf32, #tpu.memory_space<vmem_shared>>) dst(%dma_wait3A_364 : memref<64x128xf32, #tpu.memory_space<vmem>>)
      tpu.yield
    }) : () -> ()
    "tpu.region"() ({
      %run_scoped3A_346 = tpu.sem_alloc : memref<!tpu.dma_semaphore, #tpu.memory_space<semaphore_mem>>
      %dma_start3A_347 = arith.constant 0 : i32
      %dma_start3A_348 = arith.constant 0 : i32
      %dma_start3A_349 = tpu.memref_slice %arg13[%dma_start3A_347, %dma_start3A_348] : memref<64x128xf32, #tpu.memory_space<vmem>> -> memref<64x128xf32, #tpu.memory_space<vmem>>
      %dma_start3A_350 = arith.constant 0 : i32
      %dma_start3A_351 = tpu.memref_slice %arg6[%arg0, %add3A_309, %dma_start3A_350] : memref<2x10112x128xf32, #tpu.memory_space<hbm>> -> memref<1x64x128xf32, #tpu.memory_space<hbm>>
      %dma_start3A_352 = tpu.memref_squeeze %dma_start3A_351 : memref<1x64x128xf32, #tpu.memory_space<hbm>> -> memref<64x128xf32, #tpu.memory_space<hbm>>
      %dma_start3A_353 = arith.constant 0 : i32
      %dma_start3A_354 = tpu.memref_slice %arg6[%arg0, %add3A_309, %dma_start3A_353] : memref<2x10112x128xf32, #tpu.memory_space<hbm>> -> memref<1x64x128xf32, #tpu.memory_space<hbm>>
      %dma_start3A_355 = tpu.memref_squeeze %dma_start3A_354 : memref<1x64x128xf32, #tpu.memory_space<hbm>> -> memref<64x128xf32, #tpu.memory_space<hbm>>
      %dma_start3A_356 = arith.constant 0 : i32
      %dma_start3A_357 = arith.constant 0 : i32
      %dma_start3A_358 = tpu.memref_slice %arg13[%dma_start3A_356, %dma_start3A_357] : memref<64x128xf32, #tpu.memory_space<vmem>> -> memref<64x128xf32, #tpu.memory_space<vmem>>
      tpu.enqueue_dma source(%dma_start3A_358 : memref<64x128xf32, #tpu.memory_space<vmem>>) target(%dma_start3A_355 : memref<64x128xf32, #tpu.memory_space<hbm>>) target_semaphore(%run_scoped3A_346 : memref<!tpu.dma_semaphore, #tpu.memory_space<semaphore_mem>>)
      %dma_wait3A_359 = arith.constant 0 : i32
      %dma_wait3A_360 = arith.constant 0 : i32
      %dma_wait3A_361 = tpu.memref_slice %arg13[%dma_wait3A_359, %dma_wait3A_360] : memref<64x128xf32, #tpu.memory_space<vmem>> -> memref<64x128xf32, #tpu.memory_space<vmem>>
      %dma_wait3A_362 = arith.constant 0 : i32
      %dma_wait3A_363 = tpu.memref_slice %arg6[%arg0, %add3A_309, %dma_wait3A_362] : memref<2x10112x128xf32, #tpu.memory_space<hbm>> -> memref<1x64x128xf32, #tpu.memory_space<hbm>>
      %dma_wait3A_364 = tpu.memref_squeeze %dma_wait3A_363 : memref<1x64x128xf32, #tpu.memory_space<hbm>> -> memref<64x128xf32, #tpu.memory_space<hbm>>
      %dma_wait3A_365 = arith.constant 0 : i32
      %dma_wait3A_366 = tpu.memref_slice %arg6[%arg0, %add3A_309, %dma_wait3A_365] : memref<2x10112x128xf32, #tpu.memory_space<hbm>> -> memref<1x64x128xf32, #tpu.memory_space<hbm>>
      %dma_wait3A_367 = tpu.memref_squeeze %dma_wait3A_366 : memref<1x64x128xf32, #tpu.memory_space<hbm>> -> memref<64x128xf32, #tpu.memory_space<hbm>>
      %dma_wait3A_368 = arith.constant 0 : i32
      %dma_wait3A_369 = arith.constant 0 : i32
      %dma_wait3A_370 = tpu.memref_slice %arg13[%dma_wait3A_368, %dma_wait3A_369] : memref<64x128xf32, #tpu.memory_space<vmem>> -> memref<64x128xf32, #tpu.memory_space<vmem>>
      tpu.wait_dma2 semaphore(%run_scoped3A_346 : memref<!tpu.dma_semaphore, #tpu.memory_space<semaphore_mem>>) src(%dma_wait3A_370 : memref<64x128xf32, #tpu.memory_space<vmem>>) dst(%dma_wait3A_367 : memref<64x128xf32, #tpu.memory_space<hbm>>)
      tpu.yield
    }) : () -> ()
    %mul3A_310 = arith.constant 632 : i32
    %mul3A_311 = arith.muli %arg1, %mul3A_310 : i32
    %add3A_312 = arith.constant 64 : i32
    %add3A_313 = arith.addi %mul3A_311, %add3A_312 : i32
    "tpu.region"() ({
      %run_scoped3A_346 = tpu.sem_alloc : memref<!tpu.dma_semaphore, #tpu.memory_space<semaphore_mem>>
      %dma_start3A_347 = arith.constant 0 : i32
      %dma_start3A_348 = arith.constant 0 : i32
      %dma_start3A_349 = tpu.memref_slice %arg13[%dma_start3A_347, %dma_start3A_348] : memref<64x128xf32, #tpu.memory_space<vmem>> -> memref<64x128xf32, #tpu.memory_space<vmem>>
      %dma_start3A_350 = arith.constant 0 : i32
      %dma_start3A_351 = tpu.memref_slice %arg15[%add3A_313, %dma_start3A_350] : memref<10112x128xf32, #tpu.memory_space<vmem_shared>> -> memref<64x128xf32, #tpu.memory_space<vmem_shared>>
      %dma_start3A_352 = arith.constant 0 : i32
      %dma_start3A_353 = arith.constant 0 : i32
      %dma_start3A_354 = tpu.memref_slice %arg13[%dma_start3A_352, %dma_start3A_353] : memref<64x128xf32, #tpu.memory_space<vmem>> -> memref<64x128xf32, #tpu.memory_space<vmem>>
      %dma_start3A_355 = arith.constant 0 : i32
      %dma_start3A_356 = tpu.memref_slice %arg15[%add3A_313, %dma_start3A_355] : memref<10112x128xf32, #tpu.memory_space<vmem_shared>> -> memref<64x128xf32, #tpu.memory_space<vmem_shared>>
      tpu.enqueue_dma source(%dma_start3A_356 : memref<64x128xf32, #tpu.memory_space<vmem_shared>>) target(%dma_start3A_354 : memref<64x128xf32, #tpu.memory_space<vmem>>) target_semaphore(%run_scoped3A_346 : memref<!tpu.dma_semaphore, #tpu.memory_space<semaphore_mem>>)
      %dma_wait3A_357 = arith.constant 0 : i32
      %dma_wait3A_358 = arith.constant 0 : i32
      %dma_wait3A_359 = tpu.memref_slice %arg13[%dma_wait3A_357, %dma_wait3A_358] : memref<64x128xf32, #tpu.memory_space<vmem>> -> memref<64x128xf32, #tpu.memory_space<vmem>>
      %dma_wait3A_360 = arith.constant 0 : i32
      %dma_wait3A_361 = tpu.memref_slice %arg15[%add3A_313, %dma_wait3A_360] : memref<10112x128xf32, #tpu.memory_space<vmem_shared>> -> memref<64x128xf32, #tpu.memory_space<vmem_shared>>
      %dma_wait3A_362 = arith.constant 0 : i32
      %dma_wait3A_363 = arith.constant 0 : i32
      %dma_wait3A_364 = tpu.memref_slice %arg13[%dma_wait3A_362, %dma_wait3A_363] : memref<64x128xf32, #tpu.memory_space<vmem>> -> memref<64x128xf32, #tpu.memory_space<vmem>>
      %dma_wait3A_365 = arith.constant 0 : i32
      %dma_wait3A_366 = tpu.memref_slice %arg15[%add3A_313, %dma_wait3A_365] : memref<10112x128xf32, #tpu.memory_space<vmem_shared>> -> memref<64x128xf32, #tpu.memory_space<vmem_shared>>
      tpu.wait_dma2 semaphore(%run_scoped3A_346 : memref<!tpu.dma_semaphore, #tpu.memory_space<semaphore_mem>>) src(%dma_wait3A_366 : memref<64x128xf32, #tpu.memory_space<vmem_shared>>) dst(%dma_wait3A_364 : memref<64x128xf32, #tpu.memory_space<vmem>>)
      tpu.yield
    }) : () -> ()
    "tpu.region"() ({
      %run_scoped3A_346 = tpu.sem_alloc : memref<!tpu.dma_semaphore, #tpu.memory_space<semaphore_mem>>
      %dma_start3A_347 = arith.constant 0 : i32
      %dma_start3A_348 = arith.constant 0 : i32
      %dma_start3A_349 = tpu.memref_slice %arg13[%dma_start3A_347, %dma_start3A_348] : memref<64x128xf32, #tpu.memory_space<vmem>> -> memref<64x128xf32, #tpu.memory_space<vmem>>
      %dma_start3A_350 = arith.constant 0 : i32
      %dma_start3A_351 = tpu.memref_slice %arg6[%arg0, %add3A_313, %dma_start3A_350] : memref<2x10112x128xf32, #tpu.memory_space<hbm>> -> memref<1x64x128xf32, #tpu.memory_space<hbm>>
      %dma_start3A_352 = tpu.memref_squeeze %dma_start3A_351 : memref<1x64x128xf32, #tpu.memory_space<hbm>> -> memref<64x128xf32, #tpu.memory_space<hbm>>
      %dma_start3A_353 = arith.constant 0 : i32
      %dma_start3A_354 = tpu.memref_slice %arg6[%arg0, %add3A_313, %dma_start3A_353] : memref<2x10112x128xf32, #tpu.memory_space<hbm>> -> memref<1x64x128xf32, #tpu.memory_space<hbm>>
      %dma_start3A_355 = tpu.memref_squeeze %dma_start3A_354 : memref<1x64x128xf32, #tpu.memory_space<hbm>> -> memref<64x128xf32, #tpu.memory_space<hbm>>
      %dma_start3A_356 = arith.constant 0 : i32
      %dma_start3A_357 = arith.constant 0 : i32
      %dma_start3A_358 = tpu.memref_slice %arg13[%dma_start3A_356, %dma_start3A_357] : memref<64x128xf32, #tpu.memory_space<vmem>> -> memref<64x128xf32, #tpu.memory_space<vmem>>
      tpu.enqueue_dma source(%dma_start3A_358 : memref<64x128xf32, #tpu.memory_space<vmem>>) target(%dma_start3A_355 : memref<64x128xf32, #tpu.memory_space<hbm>>) target_semaphore(%run_scoped3A_346 : memref<!tpu.dma_semaphore, #tpu.memory_space<semaphore_mem>>)
      %dma_wait3A_359 = arith.constant 0 : i32
      %dma_wait3A_360 = arith.constant 0 : i32
      %dma_wait3A_361 = tpu.memref_slice %arg13[%dma_wait3A_359, %dma_wait3A_360] : memref<64x128xf32, #tpu.memory_space<vmem>> -> memref<64x128xf32, #tpu.memory_space<vmem>>
      %dma_wait3A_362 = arith.constant 0 : i32
      %dma_wait3A_363 = tpu.memref_slice %arg6[%arg0, %add3A_313, %dma_wait3A_362] : memref<2x10112x128xf32, #tpu.memory_space<hbm>> -> memref<1x64x128xf32, #tpu.memory_space<hbm>>
      %dma_wait3A_364 = tpu.memref_squeeze %dma_wait3A_363 : memref<1x64x128xf32, #tpu.memory_space<hbm>> -> memref<64x128xf32, #tpu.memory_space<hbm>>
      %dma_wait3A_365 = arith.constant 0 : i32
      %dma_wait3A_366 = tpu.memref_slice %arg6[%arg0, %add3A_313, %dma_wait3A_365] : memref<2x10112x128xf32, #tpu.memory_space<hbm>> -> memref<1x64x128xf32, #tpu.memory_space<hbm>>
      %dma_wait3A_367 = tpu.memref_squeeze %dma_wait3A_366 : memref<1x64x128xf32, #tpu.memory_space<hbm>> -> memref<64x128xf32, #tpu.memory_space<hbm>>
      %dma_wait3A_368 = arith.constant 0 : i32
      %dma_wait3A_369 = arith.constant 0 : i32
      %dma_wait3A_370 = tpu.memref_slice %arg13[%dma_wait3A_368, %dma_wait3A_369] : memref<64x128xf32, #tpu.memory_space<vmem>> -> memref<64x128xf32, #tpu.memory_space<vmem>>
      tpu.wait_dma2 semaphore(%run_scoped3A_346 : memref<!tpu.dma_semaphore, #tpu.memory_space<semaphore_mem>>) src(%dma_wait3A_370 : memref<64x128xf32, #tpu.memory_space<vmem>>) dst(%dma_wait3A_367 : memref<64x128xf32, #tpu.memory_space<hbm>>)
      tpu.yield
    }) : () -> ()
    %mul3A_314 = arith.constant 632 : i32
    %mul3A_315 = arith.muli %arg1, %mul3A_314 : i32
    %add3A_316 = arith.constant 128 : i32
    %add3A_317 = arith.addi %mul3A_315, %add3A_316 : i32
    "tpu.region"() ({
      %run_scoped3A_346 = tpu.sem_alloc : memref<!tpu.dma_semaphore, #tpu.memory_space<semaphore_mem>>
      %dma_start3A_347 = arith.constant 0 : i32
      %dma_start3A_348 = arith.constant 0 : i32
      %dma_start3A_349 = tpu.memref_slice %arg13[%dma_start3A_347, %dma_start3A_348] : memref<64x128xf32, #tpu.memory_space<vmem>> -> memref<64x128xf32, #tpu.memory_space<vmem>>
      %dma_start3A_350 = arith.constant 0 : i32
      %dma_start3A_351 = tpu.memref_slice %arg15[%add3A_317, %dma_start3A_350] : memref<10112x128xf32, #tpu.memory_space<vmem_shared>> -> memref<64x128xf32, #tpu.memory_space<vmem_shared>>
      %dma_start3A_352 = arith.constant 0 : i32
      %dma_start3A_353 = arith.constant 0 : i32
      %dma_start3A_354 = tpu.memref_slice %arg13[%dma_start3A_352, %dma_start3A_353] : memref<64x128xf32, #tpu.memory_space<vmem>> -> memref<64x128xf32, #tpu.memory_space<vmem>>
      %dma_start3A_355 = arith.constant 0 : i32
      %dma_start3A_356 = tpu.memref_slice %arg15[%add3A_317, %dma_start3A_355] : memref<10112x128xf32, #tpu.memory_space<vmem_shared>> -> memref<64x128xf32, #tpu.memory_space<vmem_shared>>
      tpu.enqueue_dma source(%dma_start3A_356 : memref<64x128xf32, #tpu.memory_space<vmem_shared>>) target(%dma_start3A_354 : memref<64x128xf32, #tpu.memory_space<vmem>>) target_semaphore(%run_scoped3A_346 : memref<!tpu.dma_semaphore, #tpu.memory_space<semaphore_mem>>)
      %dma_wait3A_357 = arith.constant 0 : i32
      %dma_wait3A_358 = arith.constant 0 : i32
      %dma_wait3A_359 = tpu.memref_slice %arg13[%dma_wait3A_357, %dma_wait3A_358] : memref<64x128xf32, #tpu.memory_space<vmem>> -> memref<64x128xf32, #tpu.memory_space<vmem>>
      %dma_wait3A_360 = arith.constant 0 : i32
      %dma_wait3A_361 = tpu.memref_slice %arg15[%add3A_317, %dma_wait3A_360] : memref<10112x128xf32, #tpu.memory_space<vmem_shared>> -> memref<64x128xf32, #tpu.memory_space<vmem_shared>>
      %dma_wait3A_362 = arith.constant 0 : i32
      %dma_wait3A_363 = arith.constant 0 : i32
      %dma_wait3A_364 = tpu.memref_slice %arg13[%dma_wait3A_362, %dma_wait3A_363] : memref<64x128xf32, #tpu.memory_space<vmem>> -> memref<64x128xf32, #tpu.memory_space<vmem>>
      %dma_wait3A_365 = arith.constant 0 : i32
      %dma_wait3A_366 = tpu.memref_slice %arg15[%add3A_317, %dma_wait3A_365] : memref<10112x128xf32, #tpu.memory_space<vmem_shared>> -> memref<64x128xf32, #tpu.memory_space<vmem_shared>>
      tpu.wait_dma2 semaphore(%run_scoped3A_346 : memref<!tpu.dma_semaphore, #tpu.memory_space<semaphore_mem>>) src(%dma_wait3A_366 : memref<64x128xf32, #tpu.memory_space<vmem_shared>>) dst(%dma_wait3A_364 : memref<64x128xf32, #tpu.memory_space<vmem>>)
      tpu.yield
    }) : () -> ()
    "tpu.region"() ({
      %run_scoped3A_346 = tpu.sem_alloc : memref<!tpu.dma_semaphore, #tpu.memory_space<semaphore_mem>>
      %dma_start3A_347 = arith.constant 0 : i32
      %dma_start3A_348 = arith.constant 0 : i32
      %dma_start3A_349 = tpu.memref_slice %arg13[%dma_start3A_347, %dma_start3A_348] : memref<64x128xf32, #tpu.memory_space<vmem>> -> memref<64x128xf32, #tpu.memory_space<vmem>>
      %dma_start3A_350 = arith.constant 0 : i32
      %dma_start3A_351 = tpu.memref_slice %arg6[%arg0, %add3A_317, %dma_start3A_350] : memref<2x10112x128xf32, #tpu.memory_space<hbm>> -> memref<1x64x128xf32, #tpu.memory_space<hbm>>
      %dma_start3A_352 = tpu.memref_squeeze %dma_start3A_351 : memref<1x64x128xf32, #tpu.memory_space<hbm>> -> memref<64x128xf32, #tpu.memory_space<hbm>>
      %dma_start3A_353 = arith.constant 0 : i32
      %dma_start3A_354 = tpu.memref_slice %arg6[%arg0, %add3A_317, %dma_start3A_353] : memref<2x10112x128xf32, #tpu.memory_space<hbm>> -> memref<1x64x128xf32, #tpu.memory_space<hbm>>
      %dma_start3A_355 = tpu.memref_squeeze %dma_start3A_354 : memref<1x64x128xf32, #tpu.memory_space<hbm>> -> memref<64x128xf32, #tpu.memory_space<hbm>>
      %dma_start3A_356 = arith.constant 0 : i32
      %dma_start3A_357 = arith.constant 0 : i32
      %dma_start3A_358 = tpu.memref_slice %arg13[%dma_start3A_356, %dma_start3A_357] : memref<64x128xf32, #tpu.memory_space<vmem>> -> memref<64x128xf32, #tpu.memory_space<vmem>>
      tpu.enqueue_dma source(%dma_start3A_358 : memref<64x128xf32, #tpu.memory_space<vmem>>) target(%dma_start3A_355 : memref<64x128xf32, #tpu.memory_space<hbm>>) target_semaphore(%run_scoped3A_346 : memref<!tpu.dma_semaphore, #tpu.memory_space<semaphore_mem>>)
      %dma_wait3A_359 = arith.constant 0 : i32
      %dma_wait3A_360 = arith.constant 0 : i32
      %dma_wait3A_361 = tpu.memref_slice %arg13[%dma_wait3A_359, %dma_wait3A_360] : memref<64x128xf32, #tpu.memory_space<vmem>> -> memref<64x128xf32, #tpu.memory_space<vmem>>
      %dma_wait3A_362 = arith.constant 0 : i32
      %dma_wait3A_363 = tpu.memref_slice %arg6[%arg0, %add3A_317, %dma_wait3A_362] : memref<2x10112x128xf32, #tpu.memory_space<hbm>> -> memref<1x64x128xf32, #tpu.memory_space<hbm>>
      %dma_wait3A_364 = tpu.memref_squeeze %dma_wait3A_363 : memref<1x64x128xf32, #tpu.memory_space<hbm>> -> memref<64x128xf32, #tpu.memory_space<hbm>>
      %dma_wait3A_365 = arith.constant 0 : i32
      %dma_wait3A_366 = tpu.memref_slice %arg6[%arg0, %add3A_317, %dma_wait3A_365] : memref<2x10112x128xf32, #tpu.memory_space<hbm>> -> memref<1x64x128xf32, #tpu.memory_space<hbm>>
      %dma_wait3A_367 = tpu.memref_squeeze %dma_wait3A_366 : memref<1x64x128xf32, #tpu.memory_space<hbm>> -> memref<64x128xf32, #tpu.memory_space<hbm>>
      %dma_wait3A_368 = arith.constant 0 : i32
      %dma_wait3A_369 = arith.constant 0 : i32
      %dma_wait3A_370 = tpu.memref_slice %arg13[%dma_wait3A_368, %dma_wait3A_369] : memref<64x128xf32, #tpu.memory_space<vmem>> -> memref<64x128xf32, #tpu.memory_space<vmem>>
      tpu.wait_dma2 semaphore(%run_scoped3A_346 : memref<!tpu.dma_semaphore, #tpu.memory_space<semaphore_mem>>) src(%dma_wait3A_370 : memref<64x128xf32, #tpu.memory_space<vmem>>) dst(%dma_wait3A_367 : memref<64x128xf32, #tpu.memory_space<hbm>>)
      tpu.yield
    }) : () -> ()
    %mul3A_318 = arith.constant 632 : i32
    %mul3A_319 = arith.muli %arg1, %mul3A_318 : i32
    %add3A_320 = arith.constant 192 : i32
    %add3A_321 = arith.addi %mul3A_319, %add3A_320 : i32
    "tpu.region"() ({
      %run_scoped3A_346 = tpu.sem_alloc : memref<!tpu.dma_semaphore, #tpu.memory_space<semaphore_mem>>
      %dma_start3A_347 = arith.constant 0 : i32
      %dma_start3A_348 = arith.constant 0 : i32
      %dma_start3A_349 = tpu.memref_slice %arg13[%dma_start3A_347, %dma_start3A_348] : memref<64x128xf32, #tpu.memory_space<vmem>> -> memref<64x128xf32, #tpu.memory_space<vmem>>
      %dma_start3A_350 = arith.constant 0 : i32
      %dma_start3A_351 = tpu.memref_slice %arg15[%add3A_321, %dma_start3A_350] : memref<10112x128xf32, #tpu.memory_space<vmem_shared>> -> memref<64x128xf32, #tpu.memory_space<vmem_shared>>
      %dma_start3A_352 = arith.constant 0 : i32
      %dma_start3A_353 = arith.constant 0 : i32
      %dma_start3A_354 = tpu.memref_slice %arg13[%dma_start3A_352, %dma_start3A_353] : memref<64x128xf32, #tpu.memory_space<vmem>> -> memref<64x128xf32, #tpu.memory_space<vmem>>
      %dma_start3A_355 = arith.constant 0 : i32
      %dma_start3A_356 = tpu.memref_slice %arg15[%add3A_321, %dma_start3A_355] : memref<10112x128xf32, #tpu.memory_space<vmem_shared>> -> memref<64x128xf32, #tpu.memory_space<vmem_shared>>
      tpu.enqueue_dma source(%dma_start3A_356 : memref<64x128xf32, #tpu.memory_space<vmem_shared>>) target(%dma_start3A_354 : memref<64x128xf32, #tpu.memory_space<vmem>>) target_semaphore(%run_scoped3A_346 : memref<!tpu.dma_semaphore, #tpu.memory_space<semaphore_mem>>)
      %dma_wait3A_357 = arith.constant 0 : i32
      %dma_wait3A_358 = arith.constant 0 : i32
      %dma_wait3A_359 = tpu.memref_slice %arg13[%dma_wait3A_357, %dma_wait3A_358] : memref<64x128xf32, #tpu.memory_space<vmem>> -> memref<64x128xf32, #tpu.memory_space<vmem>>
      %dma_wait3A_360 = arith.constant 0 : i32
      %dma_wait3A_361 = tpu.memref_slice %arg15[%add3A_321, %dma_wait3A_360] : memref<10112x128xf32, #tpu.memory_space<vmem_shared>> -> memref<64x128xf32, #tpu.memory_space<vmem_shared>>
      %dma_wait3A_362 = arith.constant 0 : i32
      %dma_wait3A_363 = arith.constant 0 : i32
      %dma_wait3A_364 = tpu.memref_slice %arg13[%dma_wait3A_362, %dma_wait3A_363] : memref<64x128xf32, #tpu.memory_space<vmem>> -> memref<64x128xf32, #tpu.memory_space<vmem>>
      %dma_wait3A_365 = arith.constant 0 : i32
      %dma_wait3A_366 = tpu.memref_slice %arg15[%add3A_321, %dma_wait3A_365] : memref<10112x128xf32, #tpu.memory_space<vmem_shared>> -> memref<64x128xf32, #tpu.memory_space<vmem_shared>>
      tpu.wait_dma2 semaphore(%run_scoped3A_346 : memref<!tpu.dma_semaphore, #tpu.memory_space<semaphore_mem>>) src(%dma_wait3A_366 : memref<64x128xf32, #tpu.memory_space<vmem_shared>>) dst(%dma_wait3A_364 : memref<64x128xf32, #tpu.memory_space<vmem>>)
      tpu.yield
    }) : () -> ()
    "tpu.region"() ({
      %run_scoped3A_346 = tpu.sem_alloc : memref<!tpu.dma_semaphore, #tpu.memory_space<semaphore_mem>>
      %dma_start3A_347 = arith.constant 0 : i32
      %dma_start3A_348 = arith.constant 0 : i32
      %dma_start3A_349 = tpu.memref_slice %arg13[%dma_start3A_347, %dma_start3A_348] : memref<64x128xf32, #tpu.memory_space<vmem>> -> memref<64x128xf32, #tpu.memory_space<vmem>>
      %dma_start3A_350 = arith.constant 0 : i32
      %dma_start3A_351 = tpu.memref_slice %arg6[%arg0, %add3A_321, %dma_start3A_350] : memref<2x10112x128xf32, #tpu.memory_space<hbm>> -> memref<1x64x128xf32, #tpu.memory_space<hbm>>
      %dma_start3A_352 = tpu.memref_squeeze %dma_start3A_351 : memref<1x64x128xf32, #tpu.memory_space<hbm>> -> memref<64x128xf32, #tpu.memory_space<hbm>>
      %dma_start3A_353 = arith.constant 0 : i32
      %dma_start3A_354 = tpu.memref_slice %arg6[%arg0, %add3A_321, %dma_start3A_353] : memref<2x10112x128xf32, #tpu.memory_space<hbm>> -> memref<1x64x128xf32, #tpu.memory_space<hbm>>
      %dma_start3A_355 = tpu.memref_squeeze %dma_start3A_354 : memref<1x64x128xf32, #tpu.memory_space<hbm>> -> memref<64x128xf32, #tpu.memory_space<hbm>>
      %dma_start3A_356 = arith.constant 0 : i32
      %dma_start3A_357 = arith.constant 0 : i32
      %dma_start3A_358 = tpu.memref_slice %arg13[%dma_start3A_356, %dma_start3A_357] : memref<64x128xf32, #tpu.memory_space<vmem>> -> memref<64x128xf32, #tpu.memory_space<vmem>>
      tpu.enqueue_dma source(%dma_start3A_358 : memref<64x128xf32, #tpu.memory_space<vmem>>) target(%dma_start3A_355 : memref<64x128xf32, #tpu.memory_space<hbm>>) target_semaphore(%run_scoped3A_346 : memref<!tpu.dma_semaphore, #tpu.memory_space<semaphore_mem>>)
      %dma_wait3A_359 = arith.constant 0 : i32
      %dma_wait3A_360 = arith.constant 0 : i32
      %dma_wait3A_361 = tpu.memref_slice %arg13[%dma_wait3A_359, %dma_wait3A_360] : memref<64x128xf32, #tpu.memory_space<vmem>> -> memref<64x128xf32, #tpu.memory_space<vmem>>
      %dma_wait3A_362 = arith.constant 0 : i32
      %dma_wait3A_363 = tpu.memref_slice %arg6[%arg0, %add3A_321, %dma_wait3A_362] : memref<2x10112x128xf32, #tpu.memory_space<hbm>> -> memref<1x64x128xf32, #tpu.memory_space<hbm>>
      %dma_wait3A_364 = tpu.memref_squeeze %dma_wait3A_363 : memref<1x64x128xf32, #tpu.memory_space<hbm>> -> memref<64x128xf32, #tpu.memory_space<hbm>>
      %dma_wait3A_365 = arith.constant 0 : i32
      %dma_wait3A_366 = tpu.memref_slice %arg6[%arg0, %add3A_321, %dma_wait3A_365] : memref<2x10112x128xf32, #tpu.memory_space<hbm>> -> memref<1x64x128xf32, #tpu.memory_space<hbm>>
      %dma_wait3A_367 = tpu.memref_squeeze %dma_wait3A_366 : memref<1x64x128xf32, #tpu.memory_space<hbm>> -> memref<64x128xf32, #tpu.memory_space<hbm>>
      %dma_wait3A_368 = arith.constant 0 : i32
      %dma_wait3A_369 = arith.constant 0 : i32
      %dma_wait3A_370 = tpu.memref_slice %arg13[%dma_wait3A_368, %dma_wait3A_369] : memref<64x128xf32, #tpu.memory_space<vmem>> -> memref<64x128xf32, #tpu.memory_space<vmem>>
      tpu.wait_dma2 semaphore(%run_scoped3A_346 : memref<!tpu.dma_semaphore, #tpu.memory_space<semaphore_mem>>) src(%dma_wait3A_370 : memref<64x128xf32, #tpu.memory_space<vmem>>) dst(%dma_wait3A_367 : memref<64x128xf32, #tpu.memory_space<hbm>>)
      tpu.yield
    }) : () -> ()
    %mul3A_322 = arith.constant 632 : i32
    %mul3A_323 = arith.muli %arg1, %mul3A_322 : i32
    %add3A_324 = arith.constant 256 : i32
    %add3A_325 = arith.addi %mul3A_323, %add3A_324 : i32
    "tpu.region"() ({
      %run_scoped3A_346 = tpu.sem_alloc : memref<!tpu.dma_semaphore, #tpu.memory_space<semaphore_mem>>
      %dma_start3A_347 = arith.constant 0 : i32
      %dma_start3A_348 = arith.constant 0 : i32
      %dma_start3A_349 = tpu.memref_slice %arg13[%dma_start3A_347, %dma_start3A_348] : memref<64x128xf32, #tpu.memory_space<vmem>> -> memref<64x128xf32, #tpu.memory_space<vmem>>
      %dma_start3A_350 = arith.constant 0 : i32
      %dma_start3A_351 = tpu.memref_slice %arg15[%add3A_325, %dma_start3A_350] : memref<10112x128xf32, #tpu.memory_space<vmem_shared>> -> memref<64x128xf32, #tpu.memory_space<vmem_shared>>
      %dma_start3A_352 = arith.constant 0 : i32
      %dma_start3A_353 = arith.constant 0 : i32
      %dma_start3A_354 = tpu.memref_slice %arg13[%dma_start3A_352, %dma_start3A_353] : memref<64x128xf32, #tpu.memory_space<vmem>> -> memref<64x128xf32, #tpu.memory_space<vmem>>
      %dma_start3A_355 = arith.constant 0 : i32
      %dma_start3A_356 = tpu.memref_slice %arg15[%add3A_325, %dma_start3A_355] : memref<10112x128xf32, #tpu.memory_space<vmem_shared>> -> memref<64x128xf32, #tpu.memory_space<vmem_shared>>
      tpu.enqueue_dma source(%dma_start3A_356 : memref<64x128xf32, #tpu.memory_space<vmem_shared>>) target(%dma_start3A_354 : memref<64x128xf32, #tpu.memory_space<vmem>>) target_semaphore(%run_scoped3A_346 : memref<!tpu.dma_semaphore, #tpu.memory_space<semaphore_mem>>)
      %dma_wait3A_357 = arith.constant 0 : i32
      %dma_wait3A_358 = arith.constant 0 : i32
      %dma_wait3A_359 = tpu.memref_slice %arg13[%dma_wait3A_357, %dma_wait3A_358] : memref<64x128xf32, #tpu.memory_space<vmem>> -> memref<64x128xf32, #tpu.memory_space<vmem>>
      %dma_wait3A_360 = arith.constant 0 : i32
      %dma_wait3A_361 = tpu.memref_slice %arg15[%add3A_325, %dma_wait3A_360] : memref<10112x128xf32, #tpu.memory_space<vmem_shared>> -> memref<64x128xf32, #tpu.memory_space<vmem_shared>>
      %dma_wait3A_362 = arith.constant 0 : i32
      %dma_wait3A_363 = arith.constant 0 : i32
      %dma_wait3A_364 = tpu.memref_slice %arg13[%dma_wait3A_362, %dma_wait3A_363] : memref<64x128xf32, #tpu.memory_space<vmem>> -> memref<64x128xf32, #tpu.memory_space<vmem>>
      %dma_wait3A_365 = arith.constant 0 : i32
      %dma_wait3A_366 = tpu.memref_slice %arg15[%add3A_325, %dma_wait3A_365] : memref<10112x128xf32, #tpu.memory_space<vmem_shared>> -> memref<64x128xf32, #tpu.memory_space<vmem_shared>>
      tpu.wait_dma2 semaphore(%run_scoped3A_346 : memref<!tpu.dma_semaphore, #tpu.memory_space<semaphore_mem>>) src(%dma_wait3A_366 : memref<64x128xf32, #tpu.memory_space<vmem_shared>>) dst(%dma_wait3A_364 : memref<64x128xf32, #tpu.memory_space<vmem>>)
      tpu.yield
    }) : () -> ()
    "tpu.region"() ({
      %run_scoped3A_346 = tpu.sem_alloc : memref<!tpu.dma_semaphore, #tpu.memory_space<semaphore_mem>>
      %dma_start3A_347 = arith.constant 0 : i32
      %dma_start3A_348 = arith.constant 0 : i32
      %dma_start3A_349 = tpu.memref_slice %arg13[%dma_start3A_347, %dma_start3A_348] : memref<64x128xf32, #tpu.memory_space<vmem>> -> memref<64x128xf32, #tpu.memory_space<vmem>>
      %dma_start3A_350 = arith.constant 0 : i32
      %dma_start3A_351 = tpu.memref_slice %arg6[%arg0, %add3A_325, %dma_start3A_350] : memref<2x10112x128xf32, #tpu.memory_space<hbm>> -> memref<1x64x128xf32, #tpu.memory_space<hbm>>
      %dma_start3A_352 = tpu.memref_squeeze %dma_start3A_351 : memref<1x64x128xf32, #tpu.memory_space<hbm>> -> memref<64x128xf32, #tpu.memory_space<hbm>>
      %dma_start3A_353 = arith.constant 0 : i32
      %dma_start3A_354 = tpu.memref_slice %arg6[%arg0, %add3A_325, %dma_start3A_353] : memref<2x10112x128xf32, #tpu.memory_space<hbm>> -> memref<1x64x128xf32, #tpu.memory_space<hbm>>
      %dma_start3A_355 = tpu.memref_squeeze %dma_start3A_354 : memref<1x64x128xf32, #tpu.memory_space<hbm>> -> memref<64x128xf32, #tpu.memory_space<hbm>>
      %dma_start3A_356 = arith.constant 0 : i32
      %dma_start3A_357 = arith.constant 0 : i32
      %dma_start3A_358 = tpu.memref_slice %arg13[%dma_start3A_356, %dma_start3A_357] : memref<64x128xf32, #tpu.memory_space<vmem>> -> memref<64x128xf32, #tpu.memory_space<vmem>>
      tpu.enqueue_dma source(%dma_start3A_358 : memref<64x128xf32, #tpu.memory_space<vmem>>) target(%dma_start3A_355 : memref<64x128xf32, #tpu.memory_space<hbm>>) target_semaphore(%run_scoped3A_346 : memref<!tpu.dma_semaphore, #tpu.memory_space<semaphore_mem>>)
      %dma_wait3A_359 = arith.constant 0 : i32
      %dma_wait3A_360 = arith.constant 0 : i32
      %dma_wait3A_361 = tpu.memref_slice %arg13[%dma_wait3A_359, %dma_wait3A_360] : memref<64x128xf32, #tpu.memory_space<vmem>> -> memref<64x128xf32, #tpu.memory_space<vmem>>
      %dma_wait3A_362 = arith.constant 0 : i32
      %dma_wait3A_363 = tpu.memref_slice %arg6[%arg0, %add3A_325, %dma_wait3A_362] : memref<2x10112x128xf32, #tpu.memory_space<hbm>> -> memref<1x64x128xf32, #tpu.memory_space<hbm>>
      %dma_wait3A_364 = tpu.memref_squeeze %dma_wait3A_363 : memref<1x64x128xf32, #tpu.memory_space<hbm>> -> memref<64x128xf32, #tpu.memory_space<hbm>>
      %dma_wait3A_365 = arith.constant 0 : i32
      %dma_wait3A_366 = tpu.memref_slice %arg6[%arg0, %add3A_325, %dma_wait3A_365] : memref<2x10112x128xf32, #tpu.memory_space<hbm>> -> memref<1x64x128xf32, #tpu.memory_space<hbm>>
      %dma_wait3A_367 = tpu.memref_squeeze %dma_wait3A_366 : memref<1x64x128xf32, #tpu.memory_space<hbm>> -> memref<64x128xf32, #tpu.memory_space<hbm>>
      %dma_wait3A_368 = arith.constant 0 : i32
      %dma_wait3A_369 = arith.constant 0 : i32
      %dma_wait3A_370 = tpu.memref_slice %arg13[%dma_wait3A_368, %dma_wait3A_369] : memref<64x128xf32, #tpu.memory_space<vmem>> -> memref<64x128xf32, #tpu.memory_space<vmem>>
      tpu.wait_dma2 semaphore(%run_scoped3A_346 : memref<!tpu.dma_semaphore, #tpu.memory_space<semaphore_mem>>) src(%dma_wait3A_370 : memref<64x128xf32, #tpu.memory_space<vmem>>) dst(%dma_wait3A_367 : memref<64x128xf32, #tpu.memory_space<hbm>>)
      tpu.yield
    }) : () -> ()
    %mul3A_326 = arith.constant 632 : i32
    %mul3A_327 = arith.muli %arg1, %mul3A_326 : i32
    %add3A_328 = arith.constant 320 : i32
    %add3A_329 = arith.addi %mul3A_327, %add3A_328 : i32
    "tpu.region"() ({
      %run_scoped3A_346 = tpu.sem_alloc : memref<!tpu.dma_semaphore, #tpu.memory_space<semaphore_mem>>
      %dma_start3A_347 = arith.constant 0 : i32
      %dma_start3A_348 = arith.constant 0 : i32
      %dma_start3A_349 = tpu.memref_slice %arg13[%dma_start3A_347, %dma_start3A_348] : memref<64x128xf32, #tpu.memory_space<vmem>> -> memref<64x128xf32, #tpu.memory_space<vmem>>
      %dma_start3A_350 = arith.constant 0 : i32
      %dma_start3A_351 = tpu.memref_slice %arg15[%add3A_329, %dma_start3A_350] : memref<10112x128xf32, #tpu.memory_space<vmem_shared>> -> memref<64x128xf32, #tpu.memory_space<vmem_shared>>
      %dma_start3A_352 = arith.constant 0 : i32
      %dma_start3A_353 = arith.constant 0 : i32
      %dma_start3A_354 = tpu.memref_slice %arg13[%dma_start3A_352, %dma_start3A_353] : memref<64x128xf32, #tpu.memory_space<vmem>> -> memref<64x128xf32, #tpu.memory_space<vmem>>
      %dma_start3A_355 = arith.constant 0 : i32
      %dma_start3A_356 = tpu.memref_slice %arg15[%add3A_329, %dma_start3A_355] : memref<10112x128xf32, #tpu.memory_space<vmem_shared>> -> memref<64x128xf32, #tpu.memory_space<vmem_shared>>
      tpu.enqueue_dma source(%dma_start3A_356 : memref<64x128xf32, #tpu.memory_space<vmem_shared>>) target(%dma_start3A_354 : memref<64x128xf32, #tpu.memory_space<vmem>>) target_semaphore(%run_scoped3A_346 : memref<!tpu.dma_semaphore, #tpu.memory_space<semaphore_mem>>)
      %dma_wait3A_357 = arith.constant 0 : i32
      %dma_wait3A_358 = arith.constant 0 : i32
      %dma_wait3A_359 = tpu.memref_slice %arg13[%dma_wait3A_357, %dma_wait3A_358] : memref<64x128xf32, #tpu.memory_space<vmem>> -> memref<64x128xf32, #tpu.memory_space<vmem>>
      %dma_wait3A_360 = arith.constant 0 : i32
      %dma_wait3A_361 = tpu.memref_slice %arg15[%add3A_329, %dma_wait3A_360] : memref<10112x128xf32, #tpu.memory_space<vmem_shared>> -> memref<64x128xf32, #tpu.memory_space<vmem_shared>>
      %dma_wait3A_362 = arith.constant 0 : i32
      %dma_wait3A_363 = arith.constant 0 : i32
      %dma_wait3A_364 = tpu.memref_slice %arg13[%dma_wait3A_362, %dma_wait3A_363] : memref<64x128xf32, #tpu.memory_space<vmem>> -> memref<64x128xf32, #tpu.memory_space<vmem>>
      %dma_wait3A_365 = arith.constant 0 : i32
      %dma_wait3A_366 = tpu.memref_slice %arg15[%add3A_329, %dma_wait3A_365] : memref<10112x128xf32, #tpu.memory_space<vmem_shared>> -> memref<64x128xf32, #tpu.memory_space<vmem_shared>>
      tpu.wait_dma2 semaphore(%run_scoped3A_346 : memref<!tpu.dma_semaphore, #tpu.memory_space<semaphore_mem>>) src(%dma_wait3A_366 : memref<64x128xf32, #tpu.memory_space<vmem_shared>>) dst(%dma_wait3A_364 : memref<64x128xf32, #tpu.memory_space<vmem>>)
      tpu.yield
    }) : () -> ()
    "tpu.region"() ({
      %run_scoped3A_346 = tpu.sem_alloc : memref<!tpu.dma_semaphore, #tpu.memory_space<semaphore_mem>>
      %dma_start3A_347 = arith.constant 0 : i32
      %dma_start3A_348 = arith.constant 0 : i32
      %dma_start3A_349 = tpu.memref_slice %arg13[%dma_start3A_347, %dma_start3A_348] : memref<64x128xf32, #tpu.memory_space<vmem>> -> memref<64x128xf32, #tpu.memory_space<vmem>>
      %dma_start3A_350 = arith.constant 0 : i32
      %dma_start3A_351 = tpu.memref_slice %arg6[%arg0, %add3A_329, %dma_start3A_350] : memref<2x10112x128xf32, #tpu.memory_space<hbm>> -> memref<1x64x128xf32, #tpu.memory_space<hbm>>
      %dma_start3A_352 = tpu.memref_squeeze %dma_start3A_351 : memref<1x64x128xf32, #tpu.memory_space<hbm>> -> memref<64x128xf32, #tpu.memory_space<hbm>>
      %dma_start3A_353 = arith.constant 0 : i32
      %dma_start3A_354 = tpu.memref_slice %arg6[%arg0, %add3A_329, %dma_start3A_353] : memref<2x10112x128xf32, #tpu.memory_space<hbm>> -> memref<1x64x128xf32, #tpu.memory_space<hbm>>
      %dma_start3A_355 = tpu.memref_squeeze %dma_start3A_354 : memref<1x64x128xf32, #tpu.memory_space<hbm>> -> memref<64x128xf32, #tpu.memory_space<hbm>>
      %dma_start3A_356 = arith.constant 0 : i32
      %dma_start3A_357 = arith.constant 0 : i32
      %dma_start3A_358 = tpu.memref_slice %arg13[%dma_start3A_356, %dma_start3A_357] : memref<64x128xf32, #tpu.memory_space<vmem>> -> memref<64x128xf32, #tpu.memory_space<vmem>>
      tpu.enqueue_dma source(%dma_start3A_358 : memref<64x128xf32, #tpu.memory_space<vmem>>) target(%dma_start3A_355 : memref<64x128xf32, #tpu.memory_space<hbm>>) target_semaphore(%run_scoped3A_346 : memref<!tpu.dma_semaphore, #tpu.memory_space<semaphore_mem>>)
      %dma_wait3A_359 = arith.constant 0 : i32
      %dma_wait3A_360 = arith.constant 0 : i32
      %dma_wait3A_361 = tpu.memref_slice %arg13[%dma_wait3A_359, %dma_wait3A_360] : memref<64x128xf32, #tpu.memory_space<vmem>> -> memref<64x128xf32, #tpu.memory_space<vmem>>
      %dma_wait3A_362 = arith.constant 0 : i32
      %dma_wait3A_363 = tpu.memref_slice %arg6[%arg0, %add3A_329, %dma_wait3A_362] : memref<2x10112x128xf32, #tpu.memory_space<hbm>> -> memref<1x64x128xf32, #tpu.memory_space<hbm>>
      %dma_wait3A_364 = tpu.memref_squeeze %dma_wait3A_363 : memref<1x64x128xf32, #tpu.memory_space<hbm>> -> memref<64x128xf32, #tpu.memory_space<hbm>>
      %dma_wait3A_365 = arith.constant 0 : i32
      %dma_wait3A_366 = tpu.memref_slice %arg6[%arg0, %add3A_329, %dma_wait3A_365] : memref<2x10112x128xf32, #tpu.memory_space<hbm>> -> memref<1x64x128xf32, #tpu.memory_space<hbm>>
      %dma_wait3A_367 = tpu.memref_squeeze %dma_wait3A_366 : memref<1x64x128xf32, #tpu.memory_space<hbm>> -> memref<64x128xf32, #tpu.memory_space<hbm>>
      %dma_wait3A_368 = arith.constant 0 : i32
      %dma_wait3A_369 = arith.constant 0 : i32
      %dma_wait3A_370 = tpu.memref_slice %arg13[%dma_wait3A_368, %dma_wait3A_369] : memref<64x128xf32, #tpu.memory_space<vmem>> -> memref<64x128xf32, #tpu.memory_space<vmem>>
      tpu.wait_dma2 semaphore(%run_scoped3A_346 : memref<!tpu.dma_semaphore, #tpu.memory_space<semaphore_mem>>) src(%dma_wait3A_370 : memref<64x128xf32, #tpu.memory_space<vmem>>) dst(%dma_wait3A_367 : memref<64x128xf32, #tpu.memory_space<hbm>>)
      tpu.yield
    }) : () -> ()
    %mul3A_330 = arith.constant 632 : i32
    %mul3A_331 = arith.muli %arg1, %mul3A_330 : i32
    %add3A_332 = arith.constant 384 : i32
    %add3A_333 = arith.addi %mul3A_331, %add3A_332 : i32
    "tpu.region"() ({
      %run_scoped3A_346 = tpu.sem_alloc : memref<!tpu.dma_semaphore, #tpu.memory_space<semaphore_mem>>
      %dma_start3A_347 = arith.constant 0 : i32
      %dma_start3A_348 = arith.constant 0 : i32
      %dma_start3A_349 = tpu.memref_slice %arg13[%dma_start3A_347, %dma_start3A_348] : memref<64x128xf32, #tpu.memory_space<vmem>> -> memref<64x128xf32, #tpu.memory_space<vmem>>
      %dma_start3A_350 = arith.constant 0 : i32
      %dma_start3A_351 = tpu.memref_slice %arg15[%add3A_333, %dma_start3A_350] : memref<10112x128xf32, #tpu.memory_space<vmem_shared>> -> memref<64x128xf32, #tpu.memory_space<vmem_shared>>
      %dma_start3A_352 = arith.constant 0 : i32
      %dma_start3A_353 = arith.constant 0 : i32
      %dma_start3A_354 = tpu.memref_slice %arg13[%dma_start3A_352, %dma_start3A_353] : memref<64x128xf32, #tpu.memory_space<vmem>> -> memref<64x128xf32, #tpu.memory_space<vmem>>
      %dma_start3A_355 = arith.constant 0 : i32
      %dma_start3A_356 = tpu.memref_slice %arg15[%add3A_333, %dma_start3A_355] : memref<10112x128xf32, #tpu.memory_space<vmem_shared>> -> memref<64x128xf32, #tpu.memory_space<vmem_shared>>
      tpu.enqueue_dma source(%dma_start3A_356 : memref<64x128xf32, #tpu.memory_space<vmem_shared>>) target(%dma_start3A_354 : memref<64x128xf32, #tpu.memory_space<vmem>>) target_semaphore(%run_scoped3A_346 : memref<!tpu.dma_semaphore, #tpu.memory_space<semaphore_mem>>)
      %dma_wait3A_357 = arith.constant 0 : i32
      %dma_wait3A_358 = arith.constant 0 : i32
      %dma_wait3A_359 = tpu.memref_slice %arg13[%dma_wait3A_357, %dma_wait3A_358] : memref<64x128xf32, #tpu.memory_space<vmem>> -> memref<64x128xf32, #tpu.memory_space<vmem>>
      %dma_wait3A_360 = arith.constant 0 : i32
      %dma_wait3A_361 = tpu.memref_slice %arg15[%add3A_333, %dma_wait3A_360] : memref<10112x128xf32, #tpu.memory_space<vmem_shared>> -> memref<64x128xf32, #tpu.memory_space<vmem_shared>>
      %dma_wait3A_362 = arith.constant 0 : i32
      %dma_wait3A_363 = arith.constant 0 : i32
      %dma_wait3A_364 = tpu.memref_slice %arg13[%dma_wait3A_362, %dma_wait3A_363] : memref<64x128xf32, #tpu.memory_space<vmem>> -> memref<64x128xf32, #tpu.memory_space<vmem>>
      %dma_wait3A_365 = arith.constant 0 : i32
      %dma_wait3A_366 = tpu.memref_slice %arg15[%add3A_333, %dma_wait3A_365] : memref<10112x128xf32, #tpu.memory_space<vmem_shared>> -> memref<64x128xf32, #tpu.memory_space<vmem_shared>>
      tpu.wait_dma2 semaphore(%run_scoped3A_346 : memref<!tpu.dma_semaphore, #tpu.memory_space<semaphore_mem>>) src(%dma_wait3A_366 : memref<64x128xf32, #tpu.memory_space<vmem_shared>>) dst(%dma_wait3A_364 : memref<64x128xf32, #tpu.memory_space<vmem>>)
      tpu.yield
    }) : () -> ()
    "tpu.region"() ({
      %run_scoped3A_346 = tpu.sem_alloc : memref<!tpu.dma_semaphore, #tpu.memory_space<semaphore_mem>>
      %dma_start3A_347 = arith.constant 0 : i32
      %dma_start3A_348 = arith.constant 0 : i32
      %dma_start3A_349 = tpu.memref_slice %arg13[%dma_start3A_347, %dma_start3A_348] : memref<64x128xf32, #tpu.memory_space<vmem>> -> memref<64x128xf32, #tpu.memory_space<vmem>>
      %dma_start3A_350 = arith.constant 0 : i32
      %dma_start3A_351 = tpu.memref_slice %arg6[%arg0, %add3A_333, %dma_start3A_350] : memref<2x10112x128xf32, #tpu.memory_space<hbm>> -> memref<1x64x128xf32, #tpu.memory_space<hbm>>
      %dma_start3A_352 = tpu.memref_squeeze %dma_start3A_351 : memref<1x64x128xf32, #tpu.memory_space<hbm>> -> memref<64x128xf32, #tpu.memory_space<hbm>>
      %dma_start3A_353 = arith.constant 0 : i32
      %dma_start3A_354 = tpu.memref_slice %arg6[%arg0, %add3A_333, %dma_start3A_353] : memref<2x10112x128xf32, #tpu.memory_space<hbm>> -> memref<1x64x128xf32, #tpu.memory_space<hbm>>
      %dma_start3A_355 = tpu.memref_squeeze %dma_start3A_354 : memref<1x64x128xf32, #tpu.memory_space<hbm>> -> memref<64x128xf32, #tpu.memory_space<hbm>>
      %dma_start3A_356 = arith.constant 0 : i32
      %dma_start3A_357 = arith.constant 0 : i32
      %dma_start3A_358 = tpu.memref_slice %arg13[%dma_start3A_356, %dma_start3A_357] : memref<64x128xf32, #tpu.memory_space<vmem>> -> memref<64x128xf32, #tpu.memory_space<vmem>>
      tpu.enqueue_dma source(%dma_start3A_358 : memref<64x128xf32, #tpu.memory_space<vmem>>) target(%dma_start3A_355 : memref<64x128xf32, #tpu.memory_space<hbm>>) target_semaphore(%run_scoped3A_346 : memref<!tpu.dma_semaphore, #tpu.memory_space<semaphore_mem>>)
      %dma_wait3A_359 = arith.constant 0 : i32
      %dma_wait3A_360 = arith.constant 0 : i32
      %dma_wait3A_361 = tpu.memref_slice %arg13[%dma_wait3A_359, %dma_wait3A_360] : memref<64x128xf32, #tpu.memory_space<vmem>> -> memref<64x128xf32, #tpu.memory_space<vmem>>
      %dma_wait3A_362 = arith.constant 0 : i32
      %dma_wait3A_363 = tpu.memref_slice %arg6[%arg0, %add3A_333, %dma_wait3A_362] : memref<2x10112x128xf32, #tpu.memory_space<hbm>> -> memref<1x64x128xf32, #tpu.memory_space<hbm>>
      %dma_wait3A_364 = tpu.memref_squeeze %dma_wait3A_363 : memref<1x64x128xf32, #tpu.memory_space<hbm>> -> memref<64x128xf32, #tpu.memory_space<hbm>>
      %dma_wait3A_365 = arith.constant 0 : i32
      %dma_wait3A_366 = tpu.memref_slice %arg6[%arg0, %add3A_333, %dma_wait3A_365] : memref<2x10112x128xf32, #tpu.memory_space<hbm>> -> memref<1x64x128xf32, #tpu.memory_space<hbm>>
      %dma_wait3A_367 = tpu.memref_squeeze %dma_wait3A_366 : memref<1x64x128xf32, #tpu.memory_space<hbm>> -> memref<64x128xf32, #tpu.memory_space<hbm>>
      %dma_wait3A_368 = arith.constant 0 : i32
      %dma_wait3A_369 = arith.constant 0 : i32
      %dma_wait3A_370 = tpu.memref_slice %arg13[%dma_wait3A_368, %dma_wait3A_369] : memref<64x128xf32, #tpu.memory_space<vmem>> -> memref<64x128xf32, #tpu.memory_space<vmem>>
      tpu.wait_dma2 semaphore(%run_scoped3A_346 : memref<!tpu.dma_semaphore, #tpu.memory_space<semaphore_mem>>) src(%dma_wait3A_370 : memref<64x128xf32, #tpu.memory_space<vmem>>) dst(%dma_wait3A_367 : memref<64x128xf32, #tpu.memory_space<hbm>>)
      tpu.yield
    }) : () -> ()
    %mul3A_334 = arith.constant 632 : i32
    %mul3A_335 = arith.muli %arg1, %mul3A_334 : i32
    %add3A_336 = arith.constant 448 : i32
    %add3A_337 = arith.addi %mul3A_335, %add3A_336 : i32
    "tpu.region"() ({
      %run_scoped3A_346 = tpu.sem_alloc : memref<!tpu.dma_semaphore, #tpu.memory_space<semaphore_mem>>
      %dma_start3A_347 = arith.constant 0 : i32
      %dma_start3A_348 = arith.constant 0 : i32
      %dma_start3A_349 = tpu.memref_slice %arg13[%dma_start3A_347, %dma_start3A_348] : memref<64x128xf32, #tpu.memory_space<vmem>> -> memref<64x128xf32, #tpu.memory_space<vmem>>
      %dma_start3A_350 = arith.constant 0 : i32
      %dma_start3A_351 = tpu.memref_slice %arg15[%add3A_337, %dma_start3A_350] : memref<10112x128xf32, #tpu.memory_space<vmem_shared>> -> memref<64x128xf32, #tpu.memory_space<vmem_shared>>
      %dma_start3A_352 = arith.constant 0 : i32
      %dma_start3A_353 = arith.constant 0 : i32
      %dma_start3A_354 = tpu.memref_slice %arg13[%dma_start3A_352, %dma_start3A_353] : memref<64x128xf32, #tpu.memory_space<vmem>> -> memref<64x128xf32, #tpu.memory_space<vmem>>
      %dma_start3A_355 = arith.constant 0 : i32
      %dma_start3A_356 = tpu.memref_slice %arg15[%add3A_337, %dma_start3A_355] : memref<10112x128xf32, #tpu.memory_space<vmem_shared>> -> memref<64x128xf32, #tpu.memory_space<vmem_shared>>
      tpu.enqueue_dma source(%dma_start3A_356 : memref<64x128xf32, #tpu.memory_space<vmem_shared>>) target(%dma_start3A_354 : memref<64x128xf32, #tpu.memory_space<vmem>>) target_semaphore(%run_scoped3A_346 : memref<!tpu.dma_semaphore, #tpu.memory_space<semaphore_mem>>)
      %dma_wait3A_357 = arith.constant 0 : i32
      %dma_wait3A_358 = arith.constant 0 : i32
      %dma_wait3A_359 = tpu.memref_slice %arg13[%dma_wait3A_357, %dma_wait3A_358] : memref<64x128xf32, #tpu.memory_space<vmem>> -> memref<64x128xf32, #tpu.memory_space<vmem>>
      %dma_wait3A_360 = arith.constant 0 : i32
      %dma_wait3A_361 = tpu.memref_slice %arg15[%add3A_337, %dma_wait3A_360] : memref<10112x128xf32, #tpu.memory_space<vmem_shared>> -> memref<64x128xf32, #tpu.memory_space<vmem_shared>>
      %dma_wait3A_362 = arith.constant 0 : i32
      %dma_wait3A_363 = arith.constant 0 : i32
      %dma_wait3A_364 = tpu.memref_slice %arg13[%dma_wait3A_362, %dma_wait3A_363] : memref<64x128xf32, #tpu.memory_space<vmem>> -> memref<64x128xf32, #tpu.memory_space<vmem>>
      %dma_wait3A_365 = arith.constant 0 : i32
      %dma_wait3A_366 = tpu.memref_slice %arg15[%add3A_337, %dma_wait3A_365] : memref<10112x128xf32, #tpu.memory_space<vmem_shared>> -> memref<64x128xf32, #tpu.memory_space<vmem_shared>>
      tpu.wait_dma2 semaphore(%run_scoped3A_346 : memref<!tpu.dma_semaphore, #tpu.memory_space<semaphore_mem>>) src(%dma_wait3A_366 : memref<64x128xf32, #tpu.memory_space<vmem_shared>>) dst(%dma_wait3A_364 : memref<64x128xf32, #tpu.memory_space<vmem>>)
      tpu.yield
    }) : () -> ()
    "tpu.region"() ({
      %run_scoped3A_346 = tpu.sem_alloc : memref<!tpu.dma_semaphore, #tpu.memory_space<semaphore_mem>>
      %dma_start3A_347 = arith.constant 0 : i32
      %dma_start3A_348 = arith.constant 0 : i32
      %dma_start3A_349 = tpu.memref_slice %arg13[%dma_start3A_347, %dma_start3A_348] : memref<64x128xf32, #tpu.memory_space<vmem>> -> memref<64x128xf32, #tpu.memory_space<vmem>>
      %dma_start3A_350 = arith.constant 0 : i32
      %dma_start3A_351 = tpu.memref_slice %arg6[%arg0, %add3A_337, %dma_start3A_350] : memref<2x10112x128xf32, #tpu.memory_space<hbm>> -> memref<1x64x128xf32, #tpu.memory_space<hbm>>
      %dma_start3A_352 = tpu.memref_squeeze %dma_start3A_351 : memref<1x64x128xf32, #tpu.memory_space<hbm>> -> memref<64x128xf32, #tpu.memory_space<hbm>>
      %dma_start3A_353 = arith.constant 0 : i32
      %dma_start3A_354 = tpu.memref_slice %arg6[%arg0, %add3A_337, %dma_start3A_353] : memref<2x10112x128xf32, #tpu.memory_space<hbm>> -> memref<1x64x128xf32, #tpu.memory_space<hbm>>
      %dma_start3A_355 = tpu.memref_squeeze %dma_start3A_354 : memref<1x64x128xf32, #tpu.memory_space<hbm>> -> memref<64x128xf32, #tpu.memory_space<hbm>>
      %dma_start3A_356 = arith.constant 0 : i32
      %dma_start3A_357 = arith.constant 0 : i32
      %dma_start3A_358 = tpu.memref_slice %arg13[%dma_start3A_356, %dma_start3A_357] : memref<64x128xf32, #tpu.memory_space<vmem>> -> memref<64x128xf32, #tpu.memory_space<vmem>>
      tpu.enqueue_dma source(%dma_start3A_358 : memref<64x128xf32, #tpu.memory_space<vmem>>) target(%dma_start3A_355 : memref<64x128xf32, #tpu.memory_space<hbm>>) target_semaphore(%run_scoped3A_346 : memref<!tpu.dma_semaphore, #tpu.memory_space<semaphore_mem>>)
      %dma_wait3A_359 = arith.constant 0 : i32
      %dma_wait3A_360 = arith.constant 0 : i32
      %dma_wait3A_361 = tpu.memref_slice %arg13[%dma_wait3A_359, %dma_wait3A_360] : memref<64x128xf32, #tpu.memory_space<vmem>> -> memref<64x128xf32, #tpu.memory_space<vmem>>
      %dma_wait3A_362 = arith.constant 0 : i32
      %dma_wait3A_363 = tpu.memref_slice %arg6[%arg0, %add3A_337, %dma_wait3A_362] : memref<2x10112x128xf32, #tpu.memory_space<hbm>> -> memref<1x64x128xf32, #tpu.memory_space<hbm>>
      %dma_wait3A_364 = tpu.memref_squeeze %dma_wait3A_363 : memref<1x64x128xf32, #tpu.memory_space<hbm>> -> memref<64x128xf32, #tpu.memory_space<hbm>>
      %dma_wait3A_365 = arith.constant 0 : i32
      %dma_wait3A_366 = tpu.memref_slice %arg6[%arg0, %add3A_337, %dma_wait3A_365] : memref<2x10112x128xf32, #tpu.memory_space<hbm>> -> memref<1x64x128xf32, #tpu.memory_space<hbm>>
      %dma_wait3A_367 = tpu.memref_squeeze %dma_wait3A_366 : memref<1x64x128xf32, #tpu.memory_space<hbm>> -> memref<64x128xf32, #tpu.memory_space<hbm>>
      %dma_wait3A_368 = arith.constant 0 : i32
      %dma_wait3A_369 = arith.constant 0 : i32
      %dma_wait3A_370 = tpu.memref_slice %arg13[%dma_wait3A_368, %dma_wait3A_369] : memref<64x128xf32, #tpu.memory_space<vmem>> -> memref<64x128xf32, #tpu.memory_space<vmem>>
      tpu.wait_dma2 semaphore(%run_scoped3A_346 : memref<!tpu.dma_semaphore, #tpu.memory_space<semaphore_mem>>) src(%dma_wait3A_370 : memref<64x128xf32, #tpu.memory_space<vmem>>) dst(%dma_wait3A_367 : memref<64x128xf32, #tpu.memory_space<hbm>>)
      tpu.yield
    }) : () -> ()
    %mul3A_338 = arith.constant 632 : i32
    %mul3A_339 = arith.muli %arg1, %mul3A_338 : i32
    %add3A_340 = arith.constant 512 : i32
    %add3A_341 = arith.addi %mul3A_339, %add3A_340 : i32
    "tpu.region"() ({
      %run_scoped3A_346 = tpu.sem_alloc : memref<!tpu.dma_semaphore, #tpu.memory_space<semaphore_mem>>
      %dma_start3A_347 = arith.constant 0 : i32
      %dma_start3A_348 = arith.constant 0 : i32
      %dma_start3A_349 = tpu.memref_slice %arg13[%dma_start3A_347, %dma_start3A_348] : memref<64x128xf32, #tpu.memory_space<vmem>> -> memref<64x128xf32, #tpu.memory_space<vmem>>
      %dma_start3A_350 = arith.constant 0 : i32
      %dma_start3A_351 = tpu.memref_slice %arg15[%add3A_341, %dma_start3A_350] : memref<10112x128xf32, #tpu.memory_space<vmem_shared>> -> memref<64x128xf32, #tpu.memory_space<vmem_shared>>
      %dma_start3A_352 = arith.constant 0 : i32
      %dma_start3A_353 = arith.constant 0 : i32
      %dma_start3A_354 = tpu.memref_slice %arg13[%dma_start3A_352, %dma_start3A_353] : memref<64x128xf32, #tpu.memory_space<vmem>> -> memref<64x128xf32, #tpu.memory_space<vmem>>
      %dma_start3A_355 = arith.constant 0 : i32
      %dma_start3A_356 = tpu.memref_slice %arg15[%add3A_341, %dma_start3A_355] : memref<10112x128xf32, #tpu.memory_space<vmem_shared>> -> memref<64x128xf32, #tpu.memory_space<vmem_shared>>
      tpu.enqueue_dma source(%dma_start3A_356 : memref<64x128xf32, #tpu.memory_space<vmem_shared>>) target(%dma_start3A_354 : memref<64x128xf32, #tpu.memory_space<vmem>>) target_semaphore(%run_scoped3A_346 : memref<!tpu.dma_semaphore, #tpu.memory_space<semaphore_mem>>)
      %dma_wait3A_357 = arith.constant 0 : i32
      %dma_wait3A_358 = arith.constant 0 : i32
      %dma_wait3A_359 = tpu.memref_slice %arg13[%dma_wait3A_357, %dma_wait3A_358] : memref<64x128xf32, #tpu.memory_space<vmem>> -> memref<64x128xf32, #tpu.memory_space<vmem>>
      %dma_wait3A_360 = arith.constant 0 : i32
      %dma_wait3A_361 = tpu.memref_slice %arg15[%add3A_341, %dma_wait3A_360] : memref<10112x128xf32, #tpu.memory_space<vmem_shared>> -> memref<64x128xf32, #tpu.memory_space<vmem_shared>>
      %dma_wait3A_362 = arith.constant 0 : i32
      %dma_wait3A_363 = arith.constant 0 : i32
      %dma_wait3A_364 = tpu.memref_slice %arg13[%dma_wait3A_362, %dma_wait3A_363] : memref<64x128xf32, #tpu.memory_space<vmem>> -> memref<64x128xf32, #tpu.memory_space<vmem>>
      %dma_wait3A_365 = arith.constant 0 : i32
      %dma_wait3A_366 = tpu.memref_slice %arg15[%add3A_341, %dma_wait3A_365] : memref<10112x128xf32, #tpu.memory_space<vmem_shared>> -> memref<64x128xf32, #tpu.memory_space<vmem_shared>>
      tpu.wait_dma2 semaphore(%run_scoped3A_346 : memref<!tpu.dma_semaphore, #tpu.memory_space<semaphore_mem>>) src(%dma_wait3A_366 : memref<64x128xf32, #tpu.memory_space<vmem_shared>>) dst(%dma_wait3A_364 : memref<64x128xf32, #tpu.memory_space<vmem>>)
      tpu.yield
    }) : () -> ()
    "tpu.region"() ({
      %run_scoped3A_346 = tpu.sem_alloc : memref<!tpu.dma_semaphore, #tpu.memory_space<semaphore_mem>>
      %dma_start3A_347 = arith.constant 0 : i32
      %dma_start3A_348 = arith.constant 0 : i32
      %dma_start3A_349 = tpu.memref_slice %arg13[%dma_start3A_347, %dma_start3A_348] : memref<64x128xf32, #tpu.memory_space<vmem>> -> memref<64x128xf32, #tpu.memory_space<vmem>>
      %dma_start3A_350 = arith.constant 0 : i32
      %dma_start3A_351 = tpu.memref_slice %arg6[%arg0, %add3A_341, %dma_start3A_350] : memref<2x10112x128xf32, #tpu.memory_space<hbm>> -> memref<1x64x128xf32, #tpu.memory_space<hbm>>
      %dma_start3A_352 = tpu.memref_squeeze %dma_start3A_351 : memref<1x64x128xf32, #tpu.memory_space<hbm>> -> memref<64x128xf32, #tpu.memory_space<hbm>>
      %dma_start3A_353 = arith.constant 0 : i32
      %dma_start3A_354 = tpu.memref_slice %arg6[%arg0, %add3A_341, %dma_start3A_353] : memref<2x10112x128xf32, #tpu.memory_space<hbm>> -> memref<1x64x128xf32, #tpu.memory_space<hbm>>
      %dma_start3A_355 = tpu.memref_squeeze %dma_start3A_354 : memref<1x64x128xf32, #tpu.memory_space<hbm>> -> memref<64x128xf32, #tpu.memory_space<hbm>>
      %dma_start3A_356 = arith.constant 0 : i32
      %dma_start3A_357 = arith.constant 0 : i32
      %dma_start3A_358 = tpu.memref_slice %arg13[%dma_start3A_356, %dma_start3A_357] : memref<64x128xf32, #tpu.memory_space<vmem>> -> memref<64x128xf32, #tpu.memory_space<vmem>>
      tpu.enqueue_dma source(%dma_start3A_358 : memref<64x128xf32, #tpu.memory_space<vmem>>) target(%dma_start3A_355 : memref<64x128xf32, #tpu.memory_space<hbm>>) target_semaphore(%run_scoped3A_346 : memref<!tpu.dma_semaphore, #tpu.memory_space<semaphore_mem>>)
      %dma_wait3A_359 = arith.constant 0 : i32
      %dma_wait3A_360 = arith.constant 0 : i32
      %dma_wait3A_361 = tpu.memref_slice %arg13[%dma_wait3A_359, %dma_wait3A_360] : memref<64x128xf32, #tpu.memory_space<vmem>> -> memref<64x128xf32, #tpu.memory_space<vmem>>
      %dma_wait3A_362 = arith.constant 0 : i32
      %dma_wait3A_363 = tpu.memref_slice %arg6[%arg0, %add3A_341, %dma_wait3A_362] : memref<2x10112x128xf32, #tpu.memory_space<hbm>> -> memref<1x64x128xf32, #tpu.memory_space<hbm>>
      %dma_wait3A_364 = tpu.memref_squeeze %dma_wait3A_363 : memref<1x64x128xf32, #tpu.memory_space<hbm>> -> memref<64x128xf32, #tpu.memory_space<hbm>>
      %dma_wait3A_365 = arith.constant 0 : i32
      %dma_wait3A_366 = tpu.memref_slice %arg6[%arg0, %add3A_341, %dma_wait3A_365] : memref<2x10112x128xf32, #tpu.memory_space<hbm>> -> memref<1x64x128xf32, #tpu.memory_space<hbm>>
      %dma_wait3A_367 = tpu.memref_squeeze %dma_wait3A_366 : memref<1x64x128xf32, #tpu.memory_space<hbm>> -> memref<64x128xf32, #tpu.memory_space<hbm>>
      %dma_wait3A_368 = arith.constant 0 : i32
      %dma_wait3A_369 = arith.constant 0 : i32
      %dma_wait3A_370 = tpu.memref_slice %arg13[%dma_wait3A_368, %dma_wait3A_369] : memref<64x128xf32, #tpu.memory_space<vmem>> -> memref<64x128xf32, #tpu.memory_space<vmem>>
      tpu.wait_dma2 semaphore(%run_scoped3A_346 : memref<!tpu.dma_semaphore, #tpu.memory_space<semaphore_mem>>) src(%dma_wait3A_370 : memref<64x128xf32, #tpu.memory_space<vmem>>) dst(%dma_wait3A_367 : memref<64x128xf32, #tpu.memory_space<hbm>>)
      tpu.yield
    }) : () -> ()
    %mul3A_342 = arith.constant 632 : i32
    %mul3A_343 = arith.muli %arg1, %mul3A_342 : i32
    %add3A_344 = arith.constant 576 : i32
    %add3A_345 = arith.addi %mul3A_343, %add3A_344 : i32
    "tpu.region"() ({
      %run_scoped3A_346 = tpu.sem_alloc : memref<!tpu.dma_semaphore, #tpu.memory_space<semaphore_mem>>
      %dma_start3A_347 = arith.constant 0 : i32
      %dma_start3A_348 = arith.constant 0 : i32
      %dma_start3A_349 = tpu.memref_slice %arg13[%dma_start3A_347, %dma_start3A_348] : memref<64x128xf32, #tpu.memory_space<vmem>> -> memref<56x128xf32, #tpu.memory_space<vmem>>
      %dma_start3A_350 = arith.constant 0 : i32
      %dma_start3A_351 = tpu.memref_slice %arg15[%add3A_345, %dma_start3A_350] : memref<10112x128xf32, #tpu.memory_space<vmem_shared>> -> memref<56x128xf32, #tpu.memory_space<vmem_shared>>
      %dma_start3A_352 = arith.constant 0 : i32
      %dma_start3A_353 = arith.constant 0 : i32
      %dma_start3A_354 = tpu.memref_slice %arg13[%dma_start3A_352, %dma_start3A_353] : memref<64x128xf32, #tpu.memory_space<vmem>> -> memref<56x128xf32, #tpu.memory_space<vmem>>
      %dma_start3A_355 = arith.constant 0 : i32
      %dma_start3A_356 = tpu.memref_slice %arg15[%add3A_345, %dma_start3A_355] : memref<10112x128xf32, #tpu.memory_space<vmem_shared>> -> memref<56x128xf32, #tpu.memory_space<vmem_shared>>
      tpu.enqueue_dma source(%dma_start3A_356 : memref<56x128xf32, #tpu.memory_space<vmem_shared>>) target(%dma_start3A_354 : memref<56x128xf32, #tpu.memory_space<vmem>>) target_semaphore(%run_scoped3A_346 : memref<!tpu.dma_semaphore, #tpu.memory_space<semaphore_mem>>)
      %dma_wait3A_357 = arith.constant 0 : i32
      %dma_wait3A_358 = arith.constant 0 : i32
      %dma_wait3A_359 = tpu.memref_slice %arg13[%dma_wait3A_357, %dma_wait3A_358] : memref<64x128xf32, #tpu.memory_space<vmem>> -> memref<56x128xf32, #tpu.memory_space<vmem>>
      %dma_wait3A_360 = arith.constant 0 : i32
      %dma_wait3A_361 = tpu.memref_slice %arg15[%add3A_345, %dma_wait3A_360] : memref<10112x128xf32, #tpu.memory_space<vmem_shared>> -> memref<56x128xf32, #tpu.memory_space<vmem_shared>>
      %dma_wait3A_362 = arith.constant 0 : i32
      %dma_wait3A_363 = arith.constant 0 : i32
      %dma_wait3A_364 = tpu.memref_slice %arg13[%dma_wait3A_362, %dma_wait3A_363] : memref<64x128xf32, #tpu.memory_space<vmem>> -> memref<56x128xf32, #tpu.memory_space<vmem>>
      %dma_wait3A_365 = arith.constant 0 : i32
      %dma_wait3A_366 = tpu.memref_slice %arg15[%add3A_345, %dma_wait3A_365] : memref<10112x128xf32, #tpu.memory_space<vmem_shared>> -> memref<56x128xf32, #tpu.memory_space<vmem_shared>>
      tpu.wait_dma2 semaphore(%run_scoped3A_346 : memref<!tpu.dma_semaphore, #tpu.memory_space<semaphore_mem>>) src(%dma_wait3A_366 : memref<56x128xf32, #tpu.memory_space<vmem_shared>>) dst(%dma_wait3A_364 : memref<56x128xf32, #tpu.memory_space<vmem>>)
      tpu.yield
    }) : () -> ()
    "tpu.region"() ({
      %run_scoped3A_346 = tpu.sem_alloc : memref<!tpu.dma_semaphore, #tpu.memory_space<semaphore_mem>>
      %dma_start3A_347 = arith.constant 0 : i32
      %dma_start3A_348 = arith.constant 0 : i32
      %dma_start3A_349 = tpu.memref_slice %arg13[%dma_start3A_347, %dma_start3A_348] : memref<64x128xf32, #tpu.memory_space<vmem>> -> memref<56x128xf32, #tpu.memory_space<vmem>>
      %dma_start3A_350 = arith.constant 0 : i32
      %dma_start3A_351 = tpu.memref_slice %arg6[%arg0, %add3A_345, %dma_start3A_350] : memref<2x10112x128xf32, #tpu.memory_space<hbm>> -> memref<1x56x128xf32, #tpu.memory_space<hbm>>
      %dma_start3A_352 = tpu.memref_squeeze %dma_start3A_351 : memref<1x56x128xf32, #tpu.memory_space<hbm>> -> memref<56x128xf32, #tpu.memory_space<hbm>>
      %dma_start3A_353 = arith.constant 0 : i32
      %dma_start3A_354 = tpu.memref_slice %arg6[%arg0, %add3A_345, %dma_start3A_353] : memref<2x10112x128xf32, #tpu.memory_space<hbm>> -> memref<1x56x128xf32, #tpu.memory_space<hbm>>
      %dma_start3A_355 = tpu.memref_squeeze %dma_start3A_354 : memref<1x56x128xf32, #tpu.memory_space<hbm>> -> memref<56x128xf32, #tpu.memory_space<hbm>>
      %dma_start3A_356 = arith.constant 0 : i32
      %dma_start3A_357 = arith.constant 0 : i32
      %dma_start3A_358 = tpu.memref_slice %arg13[%dma_start3A_356, %dma_start3A_357] : memref<64x128xf32, #tpu.memory_space<vmem>> -> memref<56x128xf32, #tpu.memory_space<vmem>>
      tpu.enqueue_dma source(%dma_start3A_358 : memref<56x128xf32, #tpu.memory_space<vmem>>) target(%dma_start3A_355 : memref<56x128xf32, #tpu.memory_space<hbm>>) target_semaphore(%run_scoped3A_346 : memref<!tpu.dma_semaphore, #tpu.memory_space<semaphore_mem>>)
      %dma_wait3A_359 = arith.constant 0 : i32
      %dma_wait3A_360 = arith.constant 0 : i32
      %dma_wait3A_361 = tpu.memref_slice %arg13[%dma_wait3A_359, %dma_wait3A_360] : memref<64x128xf32, #tpu.memory_space<vmem>> -> memref<56x128xf32, #tpu.memory_space<vmem>>
      %dma_wait3A_362 = arith.constant 0 : i32
      %dma_wait3A_363 = tpu.memref_slice %arg6[%arg0, %add3A_345, %dma_wait3A_362] : memref<2x10112x128xf32, #tpu.memory_space<hbm>> -> memref<1x56x128xf32, #tpu.memory_space<hbm>>
      %dma_wait3A_364 = tpu.memref_squeeze %dma_wait3A_363 : memref<1x56x128xf32, #tpu.memory_space<hbm>> -> memref<56x128xf32, #tpu.memory_space<hbm>>
      %dma_wait3A_365 = arith.constant 0 : i32
      %dma_wait3A_366 = tpu.memref_slice %arg6[%arg0, %add3A_345, %dma_wait3A_365] : memref<2x10112x128xf32, #tpu.memory_space<hbm>> -> memref<1x56x128xf32, #tpu.memory_space<hbm>>
      %dma_wait3A_367 = tpu.memref_squeeze %dma_wait3A_366 : memref<1x56x128xf32, #tpu.memory_space<hbm>> -> memref<56x128xf32, #tpu.memory_space<hbm>>
      %dma_wait3A_368 = arith.constant 0 : i32
      %dma_wait3A_369 = arith.constant 0 : i32
      %dma_wait3A_370 = tpu.memref_slice %arg13[%dma_wait3A_368, %dma_wait3A_369] : memref<64x128xf32, #tpu.memory_space<vmem>> -> memref<56x128xf32, #tpu.memory_space<vmem>>
      tpu.wait_dma2 semaphore(%run_scoped3A_346 : memref<!tpu.dma_semaphore, #tpu.memory_space<semaphore_mem>>) src(%dma_wait3A_370 : memref<56x128xf32, #tpu.memory_space<vmem>>) dst(%dma_wait3A_367 : memref<56x128xf32, #tpu.memory_space<hbm>>)
      tpu.yield
    }) : () -> ()
    return
  }
}

</mosaic_0001>

<sc_bundles>
// kernel: _sc_round.3.cloned.1.call-start
scs
__scs_entry_jumppad:
0x0: {  	(pc) =	sbr.rel $0x88, $3  }
0x1: {  	(tag) =	ssettag $0x0;
	lr =	simm.s32 $0x1  }
0x2: {  	[smem:$0x3F9D] =	sst lr;
	_ =	strace $0xD0000000  }
0x3: {  	_ = 	snop  }
0x4: {  	_ = 	snop  }
0x5: {  	_ = 	snop  }
0x6: {  	_ = 	snop  }
0x7: {  	_ = 	snop  }
__scs_overlays_trampoline_lowered:
0x8: {  	[smem:$0x3FAC] =	sst s0  }
0x9: {  	[smem:$0x3FAD] =	sst s1  }
0xa: {  	[smem:$0x3FAE] =	sst s2  }
0xb: {  	[smem:$0x3FAF] =	sst s3  }
0xc: {  	[smem:$0x3FB0] =	sst s4  }
0xd: {  	[smem:$0x3FB1] =	sst s5  }
0xe: {  	[smem:$0x3FB2] =	sst s6  }
0xf: {  	[smem:$0x3FB3] =	sst s7  }
0x10: {  	[smem:$0x3FB4] =	sst s8  }
0x11: {  	[smem:$0x3FB5] =	sst s9;
	s0 =	simm.s32 @!p0 $0x0  }
0x12: {  	s1 =	sld [smem:$0x3F9B];
	s0 =	simm.s32 @p0 $0x1  }
0x13: {  	[smem:$0x3FB6] =	sst s0;
	s0 =	simm.s32 @!p1 $0x0  }
0x14: {  	s2 =	sld [smem:$0x3F9A];
	s0 =	simm.s32 @p1 $0x1  }
0x15: {  	[smem:$0x3FB7] =	sst s0;
	s0 =	simm.s32 @!p2 $0x0  }
0x16: {  	s3 =	sld [smem:$0x3FDB];
	s0 =	simm.s32 @p2 $0x1  }
0x17: {  	s4 =	simm.s32 $0x1BF5;
	[smem:$0x3FB9] =	sst s0  }
0x18: {  	s0 =	sld [smem:$0x3F9C];
	_ =	swait.ge [sflag:s4], $0x0  }
0x19: {  	s7 =	sld [smem:$0x3F9D]  }
0x1a: {  	s8 =	sadd.s32 $0xFFFFE003, lr  }
0x1b: {  	s9 =	sadd.s32 $0xFFFFFEF7, lr;
	s5 =	simm.s32 $0xFFFFFFFF;
	p2 =	slt.u32 s8, $0xFFFFF086  }
0x1c: {  	p1 =	slt.u32 s9, $0xF7A;
	s5 =	simm.s32 @!p2 $0x0  }
0x1d: {  	s5 =	simm.s32 @p1 $0x1;
	p0 =	seq.s32 s7, s2  }
0x1e: {  	s7 =	smul.u32 @!p0 $0xF7A, s2;
	p2 =	seq.s32 @!p0 s5, $0x0  }
0x1f: {  	s9 =	smul.u32 $0xF7A, s1;
	s8 =	simm.s32 @!p0 $0x1BF5;
	p2 =	por !p2, p0  }
0x20: {  	[sflag:s8] =	ssyncset.s32 @!p0 $0xFFFFF086;
	s6 =	sadd.s32 @!p0 s3, s7;
	s7 =	simm.s32 @!p0 $0x108  }
0x21: {  	s3 =	sadd.s32 s3, s9;
	s6 =	sadd.s32 @!p0 $0x88, s6;
	s7 =	simm.s32 @p2 $0x1082  }
0x22: {  	[simem:s7], [sflag:s8] =	dma.local @!p0 [hbm:s6], $0xF7A  }
0x23: {  	s9 =	sor.u32 $0xD0000000, s2;
	s6 =	simm.s32 $0x108;
	_ =	swait.ge @!p0 [sflag:s8], $0x0  }
0x24: {  	s3 =	sadd.s32 $0x88, s3;
	s6 =	simm.s32 @!p1 $0x1082;
	[sflag:s4] =	ssyncset.s32 $0xFFFFF086  }
0x25: {  	[simem:s6], [sflag:s4] =	dma.local [hbm:s3], $0xF7A  }
0x26: {  	[smem:$0x3F9D] =	sst s1;
	(tag) =	ssettag s2;
	_ =	strace s9  }
0x27: {  	s1 =	sld [smem:$0x3FAD]  }
0x28: {  	s2 =	sld [smem:$0x3FAE]  }
0x29: {  	s4 =	sld [smem:$0x3FB0]  }
0x2a: {  	p0 =	seq.s32 s5, $0x0;
	s5 =	sld [smem:$0x3FB1]  }
0x2b: {  	s6 =	sld [smem:$0x3FB2]  }
0x2c: {  	s7 =	sld [smem:$0x3FB3]  }
0x2d: {  	s3 =	simm.s32 $0x108;
	s8 =	sld [smem:$0x3FB4]  }
0x2e: {  	s3 =	simm.s32 @!p0 $0x1082;
	s9 =	sld [smem:$0x3FB5]  }
0x2f: {  	lr =	sadd.s32 s0, s3;
	s0 =	sld [smem:$0x3FAC]  }
0x30: {  	s3 =	sld [smem:$0x3FAF]  }
0x31: {  	[smem:$0x3FB8] =	sst s10  }
0x32: {  	s10 =	sld [smem:$0x3FB6];
	_ =	sdelay $0x3  }
0x33: {  	p0 =	seq.s32 s10, $0x1;
	s10 =	sld [smem:$0x3FB8];
	_ =	sdelay $0x3  }
0x34: {  	[smem:$0x3FB8] =	sst s10  }
0x35: {  	s10 =	sld [smem:$0x3FB7];
	_ =	sdelay $0x3  }
0x36: {  	p1 =	seq.s32 s10, $0x1;
	s10 =	sld [smem:$0x3FB8];
	_ =	sdelay $0x3  }
0x37: {  	[smem:$0x3FB8] =	sst s10  }
0x38: {  	s10 =	sld [smem:$0x3FB9]  }
0x39: {  	_ = 	snop;
	(pc) =	sbr.ind lr, $3  }
0x3a: {  	_ = 	snop  }
0x3b: {  	_ = 	snop  }
0x3c: {  	p2 =	seq.s32 s10, $0x1;
	s10 =	sld [smem:$0x3FB8]  }
0x3d: {  	_ =	shalt  }
0x3e: {  	_ =	shalt  }
0x3f: {  	_ =	shalt  }
0x40: {  	_ =	shalt  }
0x41: {  	_ =	shalt  }
0x42: {  	_ =	shalt  }
0x43: {  	_ =	shalt  }
0x44: {  	_ =	shalt  }
0x45: {  	_ =	shalt  }
0x46: {  	_ =	shalt  }
0x47: {  	_ =	shalt  }
0x48: {  	_ =	shalt  }
0x49: {  	_ =	shalt  }
0x4a: {  	_ =	shalt  }
0x4b: {  	_ =	shalt  }
0x4c: {  	_ =	shalt  }
0x4d: {  	_ =	shalt  }
0x4e: {  	_ =	shalt  }
0x4f: {  	_ =	shalt  }
0x50: {  	_ =	shalt  }
0x51: {  	_ =	shalt  }
0x52: {  	_ =	shalt  }
0x53: {  	_ =	shalt  }
0x54: {  	_ =	shalt  }
0x55: {  	_ =	shalt  }
0x56: {  	_ =	shalt  }
0x57: {  	_ =	shalt  }
0x58: {  	_ =	shalt  }
0x59: {  	_ =	shalt  }
0x5a: {  	_ =	shalt  }
0x5b: {  	_ =	shalt  }
0x5c: {  	_ =	shalt  }
0x5d: {  	_ =	shalt  }
0x5e: {  	_ =	shalt  }
0x5f: {  	_ =	shalt  }
0x60: {  	_ =	shalt  }
0x61: {  	_ =	shalt  }
0x62: {  	_ =	shalt  }
0x63: {  	_ =	shalt  }
0x64: {  	_ =	shalt  }
0x65: {  	_ =	shalt  }
0x66: {  	_ =	shalt  }
0x67: {  	_ =	shalt  }
0x68: {  	_ =	shalt  }
0x69: {  	_ =	shalt  }
0x6a: {  	_ =	shalt  }
0x6b: {  	_ =	shalt  }
0x6c: {  	_ =	shalt  }
0x6d: {  	_ =	shalt  }
0x6e: {  	_ =	shalt  }
0x6f: {  	_ =	shalt  }
0x70: {  	_ =	shalt  }
0x71: {  	_ =	shalt  }
0x72: {  	_ =	shalt  }
0x73: {  	_ =	shalt  }
0x74: {  	_ =	shalt  }
0x75: {  	_ =	shalt  }
0x76: {  	_ =	shalt  }
0x77: {  	_ =	shalt  }
0x78: {  	_ =	shalt  }
0x79: {  	_ =	shalt  }
0x7a: {  	_ =	shalt  }
0x7b: {  	_ =	shalt  }
0x7c: {  	_ =	shalt  }
0x7d: {  	_ =	shalt  }
0x7e: {  	_ =	shalt  }
0x7f: {  	_ =	shalt  }
0x80: {  	_ =	shalt  }
0x81: {  	_ =	shalt  }
0x82: {  	_ =	shalt  }
0x83: {  	_ =	shalt  }
0x84: {  	_ =	shalt  }
0x85: {  	_ =	shalt  }
0x86: {  	_ =	shalt  }
0x87: {  	_ =	shalt  }
.Lfunc_end0:
.L_simem_size_0:
called_computation_lowered:
.L_overlay_start_0:
0x88: {  	s2 =	sld [smem:$0x3FD9]  }
0x89: {  	s3 =	sld [smem:$0x3FFE];
	_ =	sdelay $0x1  }
0x8a: {  	s1 =	srdreg.scid  }
0x8b: {  	s0 =	sand.u32 $0x1, s1  }
0x8c: {  	s17 =	sshll.u32 s0, $0xA;
	s2 =	sadd.s32 s3, s2  }
0x8d: {  	s2 =	sadd.s32 s2, s17  }
0x8e: {  	[smem:$0x3FC4] =	sst s2  }
0x8f: {  	_ = 	snop  }
0x90: {  	s2 =	sld [smem:$0x3FC9]  }
0x91: {  	s18 =	sld [smem:$0x3FC8]  }
0x92: {  	s4 =	sld [smem:$0x3FC7]  }
0x93: {  	s5 =	sld [smem:$0x3FD0];
	(tm) =	ssettm $0x1  }
0x94: {  	s6 =	sld [smem:$0x3FFB];
	_ =	sdelay $0x3  }
0x95: {  	_ =	strace s6  }
0x96: {  	s6 =	sld [smem:$0x3FFC];
	_ =	sdelay $0x3  }
0x97: {  	_ =	strace s6  }
0x98: {  	s6 =	sld [smem:$0x3FFD];
	_ =	sdelay $0x3  }
0x99: {  	_ =	strace s6  }
0x9a: {  	_ =	strace $0x8FFFFFFF  }
0x9b: {  	s19 =	sld [smem:$0x3FDB];
	_ =	sdelay $0x1  }
0x9c: {  	s7 =	simm.s32 $_scs_section_size  }
0x9d: {  	s8 =	simm.s32 $_size__tile_overlayer_lowered;
	s9 =	simm.s32 $_tile_overlayer_lowered  }
0x9e: {  	s22 =	simm.s32 $0x1BFF;
	s21 =	sshll.u32 s9, $0x1;
	s6 =	sadd.s32 s7, s19  }
0x9f: {  	s10 =	simm.s32 $0x0;
	s20 =	sshll.u32 s8, $0x1;
	s8 =	sadd.s32 s21, s6  }
0xa0: {  	[timem:s10], [sflag:s22] =	dma.local [hbm:s8], s20  }
0xa1: {  	_ =	swait.ge [sflag:s22], s20  }
0xa2: {  	s7 =	ssub.s32 $0x0, s20;
	[sflag:s22] =	ssyncset.done $0x0  }
0xa3: {  	[sflag:s22] =	ssyncadd.s32 s7;
	_ =	sdelay $0x1  }
0xa4: {  	s23 =	simm.s32 $0x1B8B  }
0xa5: {  	_ =	swait.ge [sflag:s23], $0x1  }
0xa6: {  	[sflag:s23] =	ssyncset.done $0x0  }
0xa7: {  	s25 =	simm.s32 $0x1B8E;
	s24 =	sld [smem:$0x3FFE];
	[sflag:s23] =	ssyncadd.s32 $0xFFFFFFFF  }
0xa8: {  	s26 =	simm.s32 $execute0_lowered;
	[smem:$0x3FD2] =	sst s25  }
0xa9: {  	s8 =	sshll.u32 s26, $0x1;
	_ =	strace $0x80000046;
	[dreg:$0x1] =	wrdreg $0xFFFFFFFF  }
0xaa: {  	s28 =	simm.s32 $_size_execute0_lowered;
	s6 =	sadd.s32 s6, s8;
	[dreg:$0x0] =	wrdreg $0x0  }
0xab: {  	s8 =	sshll.u32 s28, $0x1;
	[dreg:$0x2] =	wrdreg s6  }
0xac: {  	[dreg:$0x3] =	wrdreg s8  }
0xad: {  	[dreg:$0x4] =	wrdreg $0xC0  }
0xae: {  	_ =	task [dreg:s10], $0x5FFFF  }
0xaf: {  	[dreg:$0x1] =	wrdreg $0xFFFFFFFF  }
0xb0: {  	[dreg:$0x0] =	wrdreg $0x60  }
0xb1: {  	[dreg:$0x2] =	wrdreg s2  }
0xb2: {  	[dreg:$0x3] =	wrdreg s18  }
0xb3: {  	[dreg:$0x4] =	wrdreg s4  }
0xb4: {  	[dreg:$0x5] =	wrdreg s24  }
0xb5: {  	[dreg:$0x6] =	wrdreg s5  }
0xb6: {  	[dreg:$0x7] =	wrdreg $0xC0000  }
0xb7: {  	[dreg:$0x8] =	wrdreg $0x9  }
0xb8: {  	_ =	task.clear_ibuf [dreg:s10], $0x9FFFF;
	_ =	strace $0x90000046  }
0xb9: {  	s29 =	simm.s32 $0x9;
	_ =	strace $0x80000048  }
0xba: {  	_ =	swait.ge [sflag:s29], $0x1  }
0xbb: {  	[sflag:s29] =	ssyncadd.s32 $0xFFFFFFFF  }
0xbc: {  	_ =	strace $0x90000048  }
0xbd: {  	_ =	sfence  }
0xbe: {  	s30 =	sld [smem:$0x0];
	_ =	sdelay $0x2  }
0xbf: {  	s31 =	sshll.u32 s1, $0xD;
	s1 =	sshrl.u32 s1, $0x2  }
0xc0: {  	s3 =	sand.u32 $0x4000, s31;
	s1 =	sadd.s32 s1, s30  }
0xc1: {  	s0 =	sor.u32 s3, s0;
	s1 =	sshll.u32 s1, $0x11  }
0xc2: {  	s0 =	sor.u32 s1, s0  }
0xc3: {  	s0 =	sadd.s32 $0x8F2B, s0  }
0xc4: {  	[sflag:s0] =	ssyncadd.remote.s32 $0x1  }
0xc5: {  	_ =	sfence.sel $0xFFFF  }
0xc6: {  	[dreg:$0x0] =	wrdreg $0xFFFFFFFF;
	(pc) =	sbr.abs _section_cstart, $3  }
0xc7: {  	[dreg:$0x1] =	wrdreg $0xFFFFFFFF  }
0xc8: {  	_ =	task.clear_ibuf [dreg:s10], $0x2FFFF;
	_ =	strace $0x9FFFFFFF  }
0xc9: {  	(tm) =	ssettm $0x7FFFFFFF  }
tec
execute0_lowered:
.L_overlay_start_1:
0x0: {  	(tag) =	ssettag $0x1  }
0x1: {  	s0 =	srdreg.scid  }
0x2: {  	s13 =	rddreg [dreg:$0x1];
	s19 =	stileid.u32  }
0x3: {  	s14 =	rddreg [dreg:$0x2];
	s1 =	simm.s32 $0x0;
	s12 =	sand.u32 $0x1, s0  }
0x4: {  	[smem:$0x7FF] =	sst s1;
	s16 =	smul.u32 $0x13C00, s19;
	s0 =	sshll.u32 s12, $0x4  }
0x5: {  	s2 =	ssub.s32 $0x2, s12;
	s12 =	smul.u32 $0x13C000, s12;
	s0 =	sor.u32 s19, s0  }
0x6: {  	s4 =	sshrl.u32 s2, $0x1;
	s5 =	sadd.s32 $0x8000, s16;
	s6 =	sadd.s32 $0xA000, s16  }
0x7: {  	s8 =	sadd.s32 $0xC000, s16;
	s10 =	sadd.s32 $0xE000, s16;
	s3 =	smul.u32 $0x5000, s0  }
0x8: {  	s7 =	sadd.s32 $0x10000, s16;
	s11 =	sadd.s32 $0x12000, s16;
	s9 =	ssub.s32 s2, s4  }
0x9: {  	s4 =	smul.u32 $0x140000, s0;
	s0 =	sadd.s32 $0x2000, s16;
	s15 =	sshrl.u32 s3, $0x3  }
0xa: {  	s2 =	sadd.s32 $0x4000, s16;
	s20 =	sadd.s32 s12, s0;
	s21 =	sadd.s32 s13, s15  }
0xb: {  	s22 =	sadd.s32 s14, s15;
	s17 =	sadd.s32 $0x200, s15;
	[dreg:$0x7] =	wrdreg s21  }
0xc: {  	s3 =	sadd.s32 $0x6000, s16;
	[dreg:$0x8] =	wrdreg s22;
	s18 =	sadd.s32 s13, s17  }
0xd: {  	s23 =	sadd.s32 $0x400, s15;
	s17 =	sadd.s32 s14, s17;
	[dreg:$0x9] =	wrdreg s18  }
0xe: {  	s26 =	sadd.s32 $0x600, s15;
	s24 =	sadd.s32 s13, s23;
	[dreg:$0xa] =	wrdreg s17  }
0xf: {  	s15 =	sadd.s32 $0x800, s15;
	s25 =	sadd.s32 s14, s23;
	[dreg:$0xb] =	wrdreg s24  }
0x10: {  	s28 =	sadd.s32 s13, s26;
	s13 =	sadd.s32 s13, s15;
	[dreg:$0xc] =	wrdreg s25  }
0x11: {  	s22 =	sadd.s32 s12, s2;
	s23 =	sadd.s32 s12, s3;
	[dreg:$0xd] =	wrdreg s28  }
0x12: {  	s17 =	sadd.s32 s14, s26;
	[dreg:$0xf] =	wrdreg s13;
	s18 =	sadd.s32 s16, s12  }
0x13: {  	s24 =	sadd.s32 s12, s5;
	s25 =	sshrl.u32 s23, $0x3;
	s23 =	rddreg [dreg:$0x3]  }
0x14: {  	s16 =	sadd.s32 s12, s8;
	[dreg:$0xe] =	wrdreg s17;
	s17 =	sadd.s32 s14, s15  }
0x15: {  	s13 =	sshrl.u32 s18, $0x3;
	s14 =	sshrl.u32 s20, $0x3;
	s15 =	rddreg [dreg:$0x4]  }
0x16: {  	s26 =	sshrl.u32 s24, $0x3;
	[dreg:$0x10] =	wrdreg s17;
	s13 =	sadd.s32 s15, s13  }
0x17: {  	s21 =	sadd.s32 s15, s14;
	s28 =	sadd.s32 s15, s26;
	[dreg:$0x11] =	wrdreg s13  }
0x18: {  	s17 =	sadd.s32 s12, s10;
	[dreg:$0x12] =	wrdreg s21;
	s13 =	sshrl.u32 s22, $0x3  }
0x19: {  	[dreg:$0x15] =	wrdreg s28;
	s20 =	sshrl.u32 s17, $0x3;
	s13 =	sadd.s32 s15, s13  }
0x1a: {  	s18 =	sshrl.u32 s16, $0x3;
	s21 =	sadd.s32 s15, s20;
	[dreg:$0x13] =	wrdreg s13  }
0x1b: {  	s24 =	smul.u32 $0x4F000, s19;
	s14 =	sadd.s32 s12, s6;
	[dreg:$0x18] =	wrdreg s21  }
0x1c: {  	s22 =	sadd.s32 s12, s7;
	s12 =	sadd.s32 s12, s11;
	s21 =	rddreg [dreg:$0x0]  }
0x1d: {  	s12 =	sshrl.u32 s12, $0x3;
	s13 =	sadd.s32 s15, s25;
	s25 =	rddreg [dreg:$0x5]  }
0x1e: {  	s26 =	sadd.s32 $0x400, s23;
	s12 =	sadd.s32 s15, s12;
	[dreg:$0x14] =	wrdreg s13  }
0x1f: {  	s28 =	sshrl.u32 s4, $0x3;
	s13 =	sshrl.u32 s14, $0x3;
	[dreg:$0x1a] =	wrdreg s12  }
0x20: {  	s12 =	sshrl.u32 s24, $0x2;
	s29 =	sadd.s32 s0, s25;
	s2 =	sadd.s32 s2, s25  }
0x21: {  	s30 =	sadd.s32 s3, s25;
	s31 =	sadd.s32 s5, s25;
	s13 =	sadd.s32 s15, s13  }
0x22: {  	s14 =	sadd.s32 s8, s25;
	[dreg:$0x16] =	wrdreg s13;
	s13 =	sadd.s32 s15, s18  }
0x23: {  	s16 =	sadd.s32 s7, s25;
	[dreg:$0x17] =	wrdreg s13;
	s13 =	sshrl.u32 s22, $0x3  }
0x24: {  	s17 =	sadd.s32 s11, s25;
	s11 =	sadd.s32 $0xC0000, s4;
	s13 =	sadd.s32 s15, s13  }
0x25: {  	s23 =	sadd.s32 s12, s25;
	[dreg:$0x19] =	wrdreg s13;
	s13 =	sadd.s32 s26, s28  }
0x26: {  	s20 =	sshrl.u32 s11, $0x3;
	_ =	strace $0x80000047;
	[dreg:$0x1b] =	wrdreg s13  }
0x27: {  	s12 =	sadd.s32 $0x100000, s4;
	s15 =	sadd.s32 s10, s25;
	[dreg:$0x1d] =	wrdreg s14  }
0x28: {  	s24 =	sshrl.u32 s12, $0x3;
	s22 =	sadd.s32 s26, s20;
	[dreg:$0x1e] =	wrdreg s15  }
0x29: {  	s20 =	simm.s32 $0x8000;
	s10 =	sadd.s32 $0x80000, s4;
	[dreg:$0x1f] =	wrdreg s16  }
0x2a: {  	s19 =	sshrl.u32 s10, $0x3;
	s28 =	smax.u32 s9, $0x1;
	[smem:$0x7F8] =	sst s17  }
0x2b: {  	s9 =	simm.s32 $0x1;
	s13 =	sadd.s32 s6, s25;
	[smem:$0x7FB] =	sst s22  }
0x2c: {  	s6 =	sadd.s32 $0x40000, s4;
	[smem:$0x7FD] =	sst s28;
	s17 =	simm.s32 $0x4  }
0x2d: {  	s22 =	simm.s32 $0x4000;
	s14 =	simm.s32 $0x6000;
	s18 =	sshrl.u32 s6, $0x3  }
0x2e: {  	s15 =	simm.s32 $0x3;
	[dreg:$0x1c] =	wrdreg s13;
	s0 =	sadd.s32 s26, s18  }
0x2f: {  	s16 =	simm.s32 $0x0;
	[smem:$0x7F9] =	sst s0;
	s0 =	sadd.s32 s26, s19  }
0x30: {  	s13 =	simm.s32 $0x2;
	[smem:$0x7FA] =	sst s0;
	s0 =	sadd.s32 s26, s24  }
0x31: {  	v0 =	vimm.f32 $0.0e+00;
	s19 =	simm.s32 $0x40;
	s24 =	simm.s32 $0xA000;
	[smem:$0x7FC] =	sst s0  }
.LBB2_1:
0x32: {  	s0 =	rddreg [dreg:$0x7]  }
0x33: {  	[tilespmem:s1], [sflag:$0x4] =	stream.linear.gather [hbm4b:s0+s1], $0x1000, $0x38;
	[tilespmem:$0x1FC00] =	vst v63  }
0x34: {  	_ =	swait.ge [sflag:s17], $0x1000  }
0x35: {  	[sflag:s17] =	ssyncset.done $0x0  }
0x36: {  	s3 =	simm.s32 $0x2000;
	s28 =	rddreg [dreg:$0x8];
	[sflag:s17] =	ssyncadd.s32 $0xFFFFF000  }
0x37: {  	[tilespmem:s3], [sflag:$0x4] =	stream.linear.gather [hbm4b:s28+s1], $0x1000, $0x38;
	[tilespmem:$0x1FC00] =	vst v63  }
0x38: {  	_ =	swait.ge [sflag:s17], $0x1000  }
0x39: {  	[sflag:s17] =	ssyncset.done $0x0  }
0x3a: {  	s18 =	simm.s32 $0x200;
	s0 =	simm.s32 $0x0;
	[sflag:s17] =	ssyncadd.s32 $0xFFFFF000  }
.LBB2_2:
0x3b: {  	p0 =	sne.s32 s18, $0x7E00;
	[tilespmem:s0+$0xA070] =	vst v0  }
0x3c: {  	[tilespmem:s0+$0xA000] =	vst v0  }
0x3d: {  	[tilespmem:s0+$0xA010] =	vst v0  }
.Ltmp0:
0x3e: {  	[tilespmem:s0+$0xA020] =	vst v0;
	(pc) =	sbr.rel @p0 .LBB2_2-.Ltmp0, $4  }
0x3f: {  	[tilespmem:s0+$0xA030] =	vst v0  }
0x40: {  	[tilespmem:s0+$0xA040] =	vst v0  }
0x41: {  	[tilespmem:s0+$0xA050] =	vst v0  }
0x42: {  	[tilespmem:s0+$0xA060] =	vst v0;
	s0 =	sshra.s32 s18, $0x2;
	s18 =	sadd.s32 $0x200, s18  }
0x43: {  	[tilespmem:s0+$0xA070] =	vst v0  }
0x44: {  	[tilespmem:s0+$0xA000] =	vst v0  }
0x45: {  	[tilespmem:s0+$0xA010] =	vst v0  }
0x46: {  	[tilespmem:s0+$0xA020] =	vst v0  }
0x47: {  	[tilespmem:s0+$0xA030] =	vst v0  }
0x48: {  	[tilespmem:s0+$0xA040] =	vst v0  }
0x49: {  	[tilespmem:s0+$0xA050] =	vst v0  }
0x4a: {  	[tilespmem:s0+$0xA060] =	vst v0;
	s18 =	simm.s32 $0x0  }
0x4b: {  	[tilespmem:s20], [sflag:$0x1] =	stream.indirect.gather [hbm4b:s21+s19], $0x80, s18, s19, $0xb8;
	[tilespmem:$0x1FC00] =	vst v63  }
0x4c: {  	s8 =	rddreg [dreg:$0x1b]  }
0x4d: {  	[tilespmem:s22], [sflag:$0x2] =	stream.linear.gather [hbm4b:s8+s18], $0x2000, $0x38;
	[tilespmem:$0x1FC00] =	vst v63  }
0x4e: {  	_ = 	snop  }
0x4f: {  	[spmem:s23] =	stream.linear.scatter [tilespmem:s24], [sflag:$0x4], $0x2000, $0x38;
	[tilespmem:$0x1FC00] =	vst v63  }
0x50: {  	_ =	swait.ge [sflag:s17], $0x2000  }
0x51: {  	[sflag:s17] =	ssyncset.done $0x0  }
0x52: {  	[sflag:s17] =	ssyncadd.s32 $0xFFFFE000  }
0x53: {  	[spmem:s29] =	stream.linear.scatter [tilespmem:s24], [sflag:$0x4], $0x2000, $0x38;
	[tilespmem:$0x1FC00] =	vst v63  }
0x54: {  	_ =	swait.ge [sflag:s17], $0x2000  }
0x55: {  	[sflag:s17] =	ssyncset.done $0x0  }
0x56: {  	[sflag:s17] =	ssyncadd.s32 $0xFFFFE000  }
0x57: {  	[spmem:s2] =	stream.linear.scatter [tilespmem:s24], [sflag:$0x4], $0x2000, $0x38;
	[tilespmem:$0x1FC00] =	vst v63  }
0x58: {  	_ =	swait.ge [sflag:s17], $0x2000  }
0x59: {  	[sflag:s17] =	ssyncset.done $0x0  }
0x5a: {  	[sflag:s17] =	ssyncadd.s32 $0xFFFFE000  }
0x5b: {  	[spmem:s30] =	stream.linear.scatter [tilespmem:s24], [sflag:$0x4], $0x2000, $0x38;
	[tilespmem:$0x1FC00] =	vst v63  }
0x5c: {  	_ =	swait.ge [sflag:s17], $0x2000  }
0x5d: {  	[sflag:s17] =	ssyncset.done $0x0  }
0x5e: {  	[sflag:s17] =	ssyncadd.s32 $0xFFFFE000  }
0x5f: {  	[spmem:s31] =	stream.linear.scatter [tilespmem:s24], [sflag:$0x4], $0x2000, $0x38;
	[tilespmem:$0x1FC00] =	vst v63  }
0x60: {  	_ =	swait.ge [sflag:s17], $0x2000  }
0x61: {  	[sflag:s17] =	ssyncset.done $0x0  }
0x62: {  	s28 =	smov.u32 s31;
	s31 =	rddreg [dreg:$0x1c];
	[sflag:s17] =	ssyncadd.s32 $0xFFFFE000  }
0x63: {  	[spmem:s31] =	stream.linear.scatter [tilespmem:s24], [sflag:$0x4], $0x2000, $0x38;
	[tilespmem:$0x1FC00] =	vst v63  }
0x64: {  	_ =	swait.ge [sflag:s17], $0x2000  }
0x65: {  	[sflag:s17] =	ssyncset.done $0x0  }
0x66: {  	s7 =	smov.u32 s2;
	s2 =	rddreg [dreg:$0x1d];
	[sflag:s17] =	ssyncadd.s32 $0xFFFFE000  }
0x67: {  	[spmem:s2] =	stream.linear.scatter [tilespmem:s24], [sflag:$0x4], $0x2000, $0x38;
	[tilespmem:$0x1FC00] =	vst v63  }
0x68: {  	_ =	swait.ge [sflag:s17], $0x2000  }
0x69: {  	[sflag:s17] =	ssyncset.done $0x0  }
0x6a: {  	s3 =	smov.u32 s23;
	s23 =	rddreg [dreg:$0x1e];
	[sflag:s17] =	ssyncadd.s32 $0xFFFFE000  }
0x6b: {  	[spmem:s23] =	stream.linear.scatter [tilespmem:s24], [sflag:$0x4], $0x2000, $0x38;
	[tilespmem:$0x1FC00] =	vst v63  }
0x6c: {  	_ =	swait.ge [sflag:s17], $0x2000  }
0x6d: {  	[sflag:s17] =	ssyncset.done $0x0  }
0x6e: {  	s8 =	smov.u32 s30;
	s30 =	rddreg [dreg:$0x1f];
	[sflag:s17] =	ssyncadd.s32 $0xFFFFE000  }
0x6f: {  	[spmem:s30] =	stream.linear.scatter [tilespmem:s24], [sflag:$0x4], $0x2000, $0x38;
	[tilespmem:$0x1FC00] =	vst v63  }
0x70: {  	_ =	swait.ge [sflag:s17], $0x2000  }
0x71: {  	s31 =	sld [smem:$0x7F8]  }
0x72: {  	[sflag:s17] =	ssyncset.done $0x0  }
0x73: {  	[sflag:s17] =	ssyncadd.s32 $0xFFFFE000  }
0x74: {  	[spmem:s31] =	stream.linear.scatter [tilespmem:s24], [sflag:$0x4], $0x1C00, $0x38;
	[tilespmem:$0x1FC00] =	vst v63  }
0x75: {  	_ =	swait.ge [sflag:s17], $0x1C00  }
0x76: {  	[sflag:s17] =	ssyncset.done $0x0  }
0x77: {  	[sflag:s17] =	ssyncadd.s32 $0xFFFFE400  }
0x78: {  	[bflag:$0x0] =	sbarrier.arrive $0xFFFF  }
0x79: {  	s5 =	smov.u32 s29;
	s23 =	simm.s32 $0x1000;
	s2 =	rddreg [dreg:$0x9]  }
0x7a: {  	[tilespmem:s23], [sflag:$0x3] =	stream.linear.gather [hbm4b:s2+s18], $0x1000, $0x38;
	[tilespmem:$0x1FC00] =	vst v63  }
0x7b: {  	s29 =	simm.s32 $0x0;
	s31 =	simm.s32 $0x3000;
	s30 =	rddreg [dreg:$0xa]  }
0x7c: {  	[tilespmem:s31], [sflag:$0x3] =	stream.linear.gather [hbm4b:s30+s18], $0x1000, $0x38;
	[tilespmem:$0x1FC00] =	vst v63  }
.LBB2_4:
0x7d: {  	_ =	swait.ge [sflag:s9], $0x2000  }
0x7e: {  	[sflag:s9] =	ssyncset.done $0x0  }
0x7f: {  	s0 =	sshllo.u32 s29, $0x1;
	[sflag:s9] =	ssyncadd.s32 $0xFFFFE000  }
0x80: {  	s23 =	sshll.u32 s0, $0x9;
	s0 =	sshll.u32 s0, $0xD;
	_ =	swait.ge [sflag:s13], $0x2000  }
0x81: {  	s0 =	sadd.s32 s4, s0;
	[sflag:s13] =	ssyncset.done $0x0  }
0x82: {  	s30 =	sshrl.u32 s23, $0x2;
	s0 =	sshrl.u32 s0, $0x3;
	[sflag:s13] =	ssyncadd.s32 $0xFFFFE000  }
0x83: {  	[tilespmem:s24], [sflag:$0x1] =	stream.indirect.gather [hbm4b:s21+s19], $0x80, s30, s19, $0xb8;
	[tilespmem:$0x1FC00] =	vst v63  }
0x84: {  	s23 =	simm.s32 $0x0;
	s0 =	sadd.s32 s26, s0  }
0x85: {  	[tilespmem:s14], [sflag:$0x2] =	stream.linear.gather [hbm4b:s0+s18], $0x2000, $0x38;
	[tilespmem:$0x1FC00] =	vst v63  }
0x86: {  	v1 =	vld [tilespmem:s23+$0x4000]  }
0x87: {  	v5 =	vld [tilespmem:s23+$0x8000]  }
0x88: {  	v7 =	vld [tilespmem:s23+$0x8010]  }
0x89: {  	v6 =	vld [tilespmem:s23+$0x8020]  }
0x8a: {  	v4 =	vld [tilespmem:s23+$0x8030]  }
0x8b: {  	v2 =	vld [tilespmem:s23+$0x8040]  }
0x8c: {  	v3 =	vld [tilespmem:s23+$0x8050];
	v8 =	vmul.f32 v5, v1  }
0x8d: {  	s31 =	sshll.u32 s29, $0x1;
	s0 =	simm.s32 $0x200;
	v7 =	vmul.f32 v7, v1;
	v5 =	vld [tilespmem:s23+$0x8060]  }
.LBB2_5:
0x8e: {  	s2 =	sshra.s32 s0, $0x2;
	p0 =	sne.s32 s0, $0x7E00;
	[tilespmem:s23+$0x8000] =	vst v8;
	v6 =	vmul.f32 v6, v1;
	v8 =	vld [tilespmem:s23+$0x8070]  }
0x8f: {  	v9 =	vld [tilespmem:s2+$0x4000];
	[tilespmem:s23+$0x8010] =	vst v7;
	v4 =	vmul.f32 v4, v1  }
0x90: {  	v7 =	vld [tilespmem:s2+$0x8000];
	[tilespmem:s23+$0x8020] =	vst v6;
	v2 =	vmul.f32 v2, v1  }
0x91: {  	v10 =	vld [tilespmem:s2+$0x8010];
	[tilespmem:s23+$0x8030] =	vst v4;
	v3 =	vmul.f32 v3, v1  }
.Ltmp1:
0x92: {  	v6 =	vld [tilespmem:s2+$0x8020];
	[tilespmem:s23+$0x8040] =	vst v2;
	v5 =	vmul.f32 v5, v1;
	(pc) =	sbr.rel @p0 .LBB2_5-.Ltmp1, $4  }
0x93: {  	v4 =	vld [tilespmem:s2+$0x8030];
	[tilespmem:s23+$0x8050] =	vst v3;
	v11 =	vmul.f32 v8, v1  }
0x94: {  	v2 =	vld [tilespmem:s2+$0x8040];
	[tilespmem:s23+$0x8060] =	vst v5;
	v1 =	vmov v9  }
0x95: {  	v8 =	vmul.f32 v7, v1;
	v3 =	vld [tilespmem:s2+$0x8050];
	[tilespmem:s23+$0x8070] =	vst v11;
	s23 =	smov.u32 s2  }
0x96: {  	s0 =	sadd.s32 $0x200, s0;
	v7 =	vmul.f32 v10, v1;
	v5 =	vld [tilespmem:s23+$0x8060]  }
0x97: {  	[tilespmem:s23+$0x8000] =	vst v8;
	v6 =	vmul.f32 v6, v1;
	v8 =	vld [tilespmem:s23+$0x8070]  }
0x98: {  	[tilespmem:s23+$0x8010] =	vst v7;
	v4 =	vmul.f32 v4, v1  }
0x99: {  	[tilespmem:s23+$0x8020] =	vst v6;
	v2 =	vmul.f32 v2, v1  }
0x9a: {  	[tilespmem:s23+$0x8030] =	vst v4;
	v3 =	vmul.f32 v3, v1  }
0x9b: {  	[tilespmem:s23+$0x8040] =	vst v2;
	v2 =	vmul.f32 v5, v1  }
0x9c: {  	s0 =	sshll.u32 s29, $0x8;
	[tilespmem:s23+$0x8050] =	vst v3;
	v1 =	vmul.f32 v8, v1  }
0x9d: {  	s0 =	sand.u32 $0x3FFFFF00, s0;
	[tilespmem:s23+$0x8060] =	vst v2  }
0x9e: {  	s0 =	sadd.s32 $0x2000, s0;
	[tilespmem:s23+$0x8070] =	vst v1  }
0x9f: {  	[spmem:s25] =	stream.indirect.scatter.add.f32 [tilespmem:s20], [sflag:$0x4], $0x80, s0, s19, $0xb8;
	[tilespmem:$0x1FC00] =	vst v63  }
0xa0: {  	_ =	swait.ge [sflag:s17], $0x2000  }
0xa1: {  	[sflag:s17] =	ssyncset.done $0x0  }
0xa2: {  	[sflag:s17] =	ssyncadd.s32 $0xFFFFE000  }
0xa3: {  	_ =	swait.ge [sflag:s9], $0x2000  }
0xa4: {  	p0 =	seq.s32 s29, $0xF;
	[sflag:s9] =	ssyncset.done $0x0  }
0xa5: {  	s23 =	simm.s32 @!p0 $0x40;
	s0 =	sadd.s32 @!p0 $0x2, s31;
	[sflag:s9] =	ssyncadd.s32 $0xFFFFE000  }
0xa6: {  	s2 =	sshll.u32 @!p0 s0, $0x7;
	s0 =	sshll.u32 @!p0 s0, $0xD;
	_ =	swait.ge [sflag:s13], $0x2000  }
0xa7: {  	s31 =	simm.s32 @!p0 $0x8000;
	s0 =	sadd.s32 @!p0 s4, s0;
	[sflag:s13] =	ssyncset.done $0x0  }
0xa8: {  	s2 =	sand.u32 @!p0 $0x3FFFFF80, s2;
	s0 =	sshrl.u32 @!p0 s0, $0x3;
	[sflag:s13] =	ssyncadd.s32 $0xFFFFE000  }
0xa9: {  	[tilespmem:s31], [sflag:$0x1] =	stream.indirect.gather @!p0 [hbm4b:s21+s23], $0x80, s2, s23, $0xb8;
	[tilespmem:$0x1FC00] =	vst v63  }
0xaa: {  	s0 =	sadd.s32 @!p0 s26, s0;
	s2 =	simm.s32 @!p0 $0x0;
	s23 =	simm.s32 @!p0 $0x4000  }
0xab: {  	[tilespmem:s23], [sflag:$0x2] =	stream.linear.gather @!p0 [hbm4b:s0+s2], $0x2000, $0x38;
	[tilespmem:$0x1FC00] =	vst v63  }
0xac: {  	s23 =	simm.s32 $0x0  }
0xad: {  	v1 =	vld [tilespmem:s23+$0x6000]  }
0xae: {  	v5 =	vld [tilespmem:s23+$0xA000]  }
0xaf: {  	v7 =	vld [tilespmem:s23+$0xA010]  }
0xb0: {  	v6 =	vld [tilespmem:s23+$0xA020]  }
0xb1: {  	v4 =	vld [tilespmem:s23+$0xA030]  }
0xb2: {  	v2 =	vld [tilespmem:s23+$0xA040]  }
0xb3: {  	v3 =	vld [tilespmem:s23+$0xA050];
	v8 =	vmul.f32 v5, v1  }
0xb4: {  	s0 =	simm.s32 $0x200;
	v7 =	vmul.f32 v7, v1;
	v5 =	vld [tilespmem:s23+$0xA060]  }
.LBB2_7:
0xb5: {  	s2 =	sshra.s32 s0, $0x2;
	p0 =	sne.s32 s0, $0x7E00;
	[tilespmem:s23+$0xA000] =	vst v8;
	v6 =	vmul.f32 v6, v1;
	v8 =	vld [tilespmem:s23+$0xA070]  }
0xb6: {  	v9 =	vld [tilespmem:s2+$0x6000];
	[tilespmem:s23+$0xA010] =	vst v7;
	v4 =	vmul.f32 v4, v1  }
0xb7: {  	v7 =	vld [tilespmem:s2+$0xA000];
	[tilespmem:s23+$0xA020] =	vst v6;
	v2 =	vmul.f32 v2, v1  }
0xb8: {  	v10 =	vld [tilespmem:s2+$0xA010];
	[tilespmem:s23+$0xA030] =	vst v4;
	v3 =	vmul.f32 v3, v1  }
.Ltmp2:
0xb9: {  	v6 =	vld [tilespmem:s2+$0xA020];
	[tilespmem:s23+$0xA040] =	vst v2;
	v5 =	vmul.f32 v5, v1;
	(pc) =	sbr.rel @p0 .LBB2_7-.Ltmp2, $4  }
0xba: {  	v4 =	vld [tilespmem:s2+$0xA030];
	[tilespmem:s23+$0xA050] =	vst v3;
	v11 =	vmul.f32 v8, v1  }
0xbb: {  	v2 =	vld [tilespmem:s2+$0xA040];
	[tilespmem:s23+$0xA060] =	vst v5;
	v1 =	vmov v9  }
0xbc: {  	v8 =	vmul.f32 v7, v1;
	v3 =	vld [tilespmem:s2+$0xA050];
	[tilespmem:s23+$0xA070] =	vst v11;
	s23 =	smov.u32 s2  }
0xbd: {  	s0 =	sadd.s32 $0x200, s0;
	v7 =	vmul.f32 v10, v1;
	v5 =	vld [tilespmem:s23+$0xA060]  }
0xbe: {  	[tilespmem:s23+$0xA000] =	vst v8;
	v6 =	vmul.f32 v6, v1;
	v63 =	vld [tilespmem:s23+$0xA070]  }
0xbf: {  	[tilespmem:s23+$0xA010] =	vst v7;
	v4 =	vmul.f32 v4, v1  }
0xc0: {  	[tilespmem:s23+$0xA020] =	vst v6;
	v2 =	vmul.f32 v2, v1  }
0xc1: {  	[tilespmem:s23+$0xA030] =	vst v4;
	v3 =	vmul.f32 v3, v1  }
0xc2: {  	[tilespmem:s23+$0xA040] =	vst v2;
	v2 =	vmul.f32 v5, v1  }
0xc3: {  	s29 =	sadd.s32 $0x1, s29;
	[tilespmem:s23+$0xA050] =	vst v3;
	v1 =	vmul.f32 v63, v1  }
0xc4: {  	p0 =	sne.s32 s29, $0x10;
	[tilespmem:s23+$0xA060] =	vst v2  }
.Ltmp3:
0xc5: {  	s0 =	sadd.s32 $0x2000, s30;
	[tilespmem:s23+$0xA070] =	vst v1;
	(pc) =	sbr.rel @p0 .LBB2_4-.Ltmp3, $4  }
0xc6: {  	[spmem:s25] =	stream.indirect.scatter.add.f32 [tilespmem:s24], [sflag:$0x4], $0x80, s0, s19, $0xb8;
	[tilespmem:$0x1FC00] =	vst v63  }
0xc7: {  	_ =	swait.ge [sflag:s17], $0x2000  }
0xc8: {  	[sflag:s17] =	ssyncset.done $0x0  }
0xc9: {  	[sflag:s17] =	ssyncadd.s32 $0xFFFFE000  }
0xca: {  	_ =	swait.ge [sflag:s15], $0x1000  }
0xcb: {  	[sflag:s15] =	ssyncset.done $0x0  }
0xcc: {  	[sflag:s15] =	ssyncadd.s32 $0xFFFFF000  }
0xcd: {  	_ =	swait.ge [sflag:s15], $0x1000  }
0xce: {  	[sflag:s15] =	ssyncset.done $0x0  }
0xcf: {  	s0 =	simm.s32 $0x1000;
	s23 =	sld [smem:$0x7F9];
	[sflag:s15] =	ssyncadd.s32 $0xFFFFF000  }
0xd0: {  	[tilespmem:s20], [sflag:$0x1] =	stream.indirect.gather [hbm4b:s21+s19], $0x80, s0, s19, $0xb8;
	[tilespmem:$0x1FC00] =	vst v63  }
0xd1: {  	s18 =	simm.s32 $0x0  }
0xd2: {  	[tilespmem:s22], [sflag:$0x2] =	stream.linear.gather [hbm4b:s23+s18], $0x2000, $0x38;
	[tilespmem:$0x1FC00] =	vst v63  }
0xd3: {  	s30 =	rddreg [dreg:$0xb]  }
0xd4: {  	[tilespmem:s18], [sflag:$0x3] =	stream.linear.gather [hbm4b:s30+s18], $0x1000, $0x38;
	[tilespmem:$0x1FC00] =	vst v63  }
0xd5: {  	s2 =	simm.s32 $0x2000;
	s29 =	simm.s32 $0x0;
	s31 =	rddreg [dreg:$0xc]  }
0xd6: {  	[tilespmem:s2], [sflag:$0x3] =	stream.linear.gather [hbm4b:s31+s18], $0x1000, $0x38;
	[tilespmem:$0x1FC00] =	vst v63  }
.LBB2_10:
0xd7: {  	_ =	swait.ge [sflag:s9], $0x2000  }
0xd8: {  	[sflag:s9] =	ssyncset.done $0x0  }
0xd9: {  	s0 =	sshllo.u32 s29, $0x1;
	[sflag:s9] =	ssyncadd.s32 $0xFFFFE000  }
0xda: {  	s2 =	sshll.u32 s0, $0x9;
	s0 =	sshll.u32 s0, $0xD;
	_ =	swait.ge [sflag:s13], $0x2000  }
0xdb: {  	s30 =	sshrl.u32 s2, $0x2;
	s0 =	sadd.s32 s0, s6;
	[sflag:s13] =	ssyncset.done $0x0  }
0xdc: {  	s2 =	sadd.s32 $0x1000, s30;
	s0 =	sshrl.u32 s0, $0x3;
	[sflag:s13] =	ssyncadd.s32 $0xFFFFE000  }
0xdd: {  	[tilespmem:s24], [sflag:$0x1] =	stream.indirect.gather [hbm4b:s21+s19], $0x80, s2, s19, $0xb8;
	[tilespmem:$0x1FC00] =	vst v63  }
0xde: {  	s23 =	simm.s32 $0x0;
	s0 =	sadd.s32 s26, s0  }
0xdf: {  	[tilespmem:s14], [sflag:$0x2] =	stream.linear.gather [hbm4b:s0+s18], $0x2000, $0x38;
	[tilespmem:$0x1FC00] =	vst v63  }
0xe0: {  	v1 =	vld [tilespmem:s23+$0x4000]  }
0xe1: {  	v5 =	vld [tilespmem:s23+$0x8000]  }
0xe2: {  	v7 =	vld [tilespmem:s23+$0x8010]  }
0xe3: {  	v6 =	vld [tilespmem:s23+$0x8020]  }
0xe4: {  	v4 =	vld [tilespmem:s23+$0x8030]  }
0xe5: {  	v2 =	vld [tilespmem:s23+$0x8040]  }
0xe6: {  	v3 =	vld [tilespmem:s23+$0x8050];
	v8 =	vmul.f32 v5, v1  }
0xe7: {  	s31 =	sshll.u32 s29, $0x1;
	s0 =	simm.s32 $0x200;
	v7 =	vmul.f32 v7, v1;
	v5 =	vld [tilespmem:s23+$0x8060]  }
.LBB2_11:
0xe8: {  	s2 =	sshra.s32 s0, $0x2;
	p0 =	sne.s32 s0, $0x7E00;
	[tilespmem:s23+$0x8000] =	vst v8;
	v6 =	vmul.f32 v6, v1;
	v8 =	vld [tilespmem:s23+$0x8070]  }
0xe9: {  	v9 =	vld [tilespmem:s2+$0x4000];
	[tilespmem:s23+$0x8010] =	vst v7;
	v4 =	vmul.f32 v4, v1  }
0xea: {  	v7 =	vld [tilespmem:s2+$0x8000];
	[tilespmem:s23+$0x8020] =	vst v6;
	v2 =	vmul.f32 v2, v1  }
0xeb: {  	v10 =	vld [tilespmem:s2+$0x8010];
	[tilespmem:s23+$0x8030] =	vst v4;
	v3 =	vmul.f32 v3, v1  }
.Ltmp4:
0xec: {  	v6 =	vld [tilespmem:s2+$0x8020];
	[tilespmem:s23+$0x8040] =	vst v2;
	v5 =	vmul.f32 v5, v1;
	(pc) =	sbr.rel @p0 .LBB2_11-.Ltmp4, $4  }
0xed: {  	v4 =	vld [tilespmem:s2+$0x8030];
	[tilespmem:s23+$0x8050] =	vst v3;
	v11 =	vmul.f32 v8, v1  }
0xee: {  	v2 =	vld [tilespmem:s2+$0x8040];
	[tilespmem:s23+$0x8060] =	vst v5;
	v1 =	vmov v9  }
0xef: {  	v8 =	vmul.f32 v7, v1;
	v3 =	vld [tilespmem:s2+$0x8050];
	[tilespmem:s23+$0x8070] =	vst v11;
	s23 =	smov.u32 s2  }
0xf0: {  	s0 =	sadd.s32 $0x200, s0;
	v7 =	vmul.f32 v10, v1;
	v5 =	vld [tilespmem:s23+$0x8060]  }
0xf1: {  	[tilespmem:s23+$0x8000] =	vst v8;
	v6 =	vmul.f32 v6, v1;
	v8 =	vld [tilespmem:s23+$0x8070]  }
0xf2: {  	[tilespmem:s23+$0x8010] =	vst v7;
	v4 =	vmul.f32 v4, v1  }
0xf3: {  	[tilespmem:s23+$0x8020] =	vst v6;
	v2 =	vmul.f32 v2, v1  }
0xf4: {  	[tilespmem:s23+$0x8030] =	vst v4;
	v3 =	vmul.f32 v3, v1  }
0xf5: {  	[tilespmem:s23+$0x8040] =	vst v2;
	v2 =	vmul.f32 v5, v1  }
0xf6: {  	s0 =	sshll.u32 s29, $0x8;
	[tilespmem:s23+$0x8050] =	vst v3;
	v1 =	vmul.f32 v8, v1  }
0xf7: {  	s0 =	sand.u32 $0x3FFFFF00, s0;
	[tilespmem:s23+$0x8060] =	vst v2  }
0xf8: {  	s0 =	sadd.s32 $0x3000, s0;
	[tilespmem:s23+$0x8070] =	vst v1  }
0xf9: {  	[spmem:s25] =	stream.indirect.scatter.add.f32 [tilespmem:s20], [sflag:$0x4], $0x80, s0, s19, $0xb8;
	[tilespmem:$0x1FC00] =	vst v63  }
0xfa: {  	_ =	swait.ge [sflag:s17], $0x2000  }
0xfb: {  	[sflag:s17] =	ssyncset.done $0x0  }
0xfc: {  	[sflag:s17] =	ssyncadd.s32 $0xFFFFE000  }
0xfd: {  	p0 =	seq.s32 s29, $0xF;
	_ =	swait.ge [sflag:s9], $0x2000  }
0xfe: {  	s23 =	simm.s32 @!p0 $0x40;
	[sflag:s9] =	ssyncset.done $0x0  }
0xff: {  	s0 =	sadd.s32 @!p0 $0x2, s31;
	s31 =	simm.s32 @!p0 $0x8000;
	[sflag:s9] =	ssyncadd.s32 $0xFFFFE000  }
0x100: {  	s2 =	sshll.u32 @!p0 s0, $0x7;
	s0 =	sshll.u32 @!p0 s0, $0xD;
	_ =	swait.ge [sflag:s13], $0x2000  }
0x101: {  	s2 =	sand.u32 @!p0 $0x3FFFFF80, s2;
	s0 =	sadd.s32 @!p0 s0, s6;
	[sflag:s13] =	ssyncset.done $0x0  }
0x102: {  	s2 =	sadd.s32 @!p0 $0x1000, s2;
	s0 =	sshrl.u32 @!p0 s0, $0x3;
	[sflag:s13] =	ssyncadd.s32 $0xFFFFE000  }
0x103: {  	[tilespmem:s31], [sflag:$0x1] =	stream.indirect.gather @!p0 [hbm4b:s21+s23], $0x80, s2, s23, $0xb8;
	[tilespmem:$0x1FC00] =	vst v63  }
0x104: {  	s0 =	sadd.s32 @!p0 s26, s0;
	s2 =	simm.s32 @!p0 $0x0;
	s23 =	simm.s32 @!p0 $0x4000  }
0x105: {  	[tilespmem:s23], [sflag:$0x2] =	stream.linear.gather @!p0 [hbm4b:s0+s2], $0x2000, $0x38;
	[tilespmem:$0x1FC00] =	vst v63  }
0x106: {  	s23 =	simm.s32 $0x0  }
0x107: {  	v1 =	vld [tilespmem:s23+$0x6000]  }
0x108: {  	v5 =	vld [tilespmem:s23+$0xA000]  }
0x109: {  	v7 =	vld [tilespmem:s23+$0xA010]  }
0x10a: {  	v6 =	vld [tilespmem:s23+$0xA020]  }
0x10b: {  	v4 =	vld [tilespmem:s23+$0xA030]  }
0x10c: {  	v2 =	vld [tilespmem:s23+$0xA040]  }
0x10d: {  	v3 =	vld [tilespmem:s23+$0xA050];
	v8 =	vmul.f32 v5, v1  }
0x10e: {  	s0 =	simm.s32 $0x200;
	v7 =	vmul.f32 v7, v1;
	v5 =	vld [tilespmem:s23+$0xA060]  }
.LBB2_13:
0x10f: {  	s2 =	sshra.s32 s0, $0x2;
	p0 =	sne.s32 s0, $0x7E00;
	[tilespmem:s23+$0xA000] =	vst v8;
	v6 =	vmul.f32 v6, v1;
	v8 =	vld [tilespmem:s23+$0xA070]  }
0x110: {  	v9 =	vld [tilespmem:s2+$0x6000];
	[tilespmem:s23+$0xA010] =	vst v7;
	v4 =	vmul.f32 v4, v1  }
0x111: {  	v7 =	vld [tilespmem:s2+$0xA000];
	[tilespmem:s23+$0xA020] =	vst v6;
	v2 =	vmul.f32 v2, v1  }
0x112: {  	v10 =	vld [tilespmem:s2+$0xA010];
	[tilespmem:s23+$0xA030] =	vst v4;
	v3 =	vmul.f32 v3, v1  }
.Ltmp5:
0x113: {  	v6 =	vld [tilespmem:s2+$0xA020];
	[tilespmem:s23+$0xA040] =	vst v2;
	v5 =	vmul.f32 v5, v1;
	(pc) =	sbr.rel @p0 .LBB2_13-.Ltmp5, $4  }
0x114: {  	v4 =	vld [tilespmem:s2+$0xA030];
	[tilespmem:s23+$0xA050] =	vst v3;
	v11 =	vmul.f32 v8, v1  }
0x115: {  	v2 =	vld [tilespmem:s2+$0xA040];
	[tilespmem:s23+$0xA060] =	vst v5;
	v1 =	vmov v9  }
0x116: {  	v8 =	vmul.f32 v7, v1;
	v3 =	vld [tilespmem:s2+$0xA050];
	[tilespmem:s23+$0xA070] =	vst v11;
	s23 =	smov.u32 s2  }
0x117: {  	s0 =	sadd.s32 $0x200, s0;
	v7 =	vmul.f32 v10, v1;
	v5 =	vld [tilespmem:s23+$0xA060]  }
0x118: {  	[tilespmem:s23+$0xA000] =	vst v8;
	v6 =	vmul.f32 v6, v1;
	v63 =	vld [tilespmem:s23+$0xA070]  }
0x119: {  	[tilespmem:s23+$0xA010] =	vst v7;
	v4 =	vmul.f32 v4, v1  }
0x11a: {  	[tilespmem:s23+$0xA020] =	vst v6;
	v2 =	vmul.f32 v2, v1  }
0x11b: {  	[tilespmem:s23+$0xA030] =	vst v4;
	v3 =	vmul.f32 v3, v1  }
0x11c: {  	[tilespmem:s23+$0xA040] =	vst v2;
	v2 =	vmul.f32 v5, v1  }
0x11d: {  	s29 =	sadd.s32 $0x1, s29;
	[tilespmem:s23+$0xA050] =	vst v3;
	v1 =	vmul.f32 v63, v1  }
0x11e: {  	p0 =	sne.s32 s29, $0x10;
	[tilespmem:s23+$0xA060] =	vst v2  }
.Ltmp6:
0x11f: {  	s0 =	sadd.s32 $0x3000, s30;
	[tilespmem:s23+$0xA070] =	vst v1;
	(pc) =	sbr.rel @p0 .LBB2_10-.Ltmp6, $4  }
0x120: {  	[spmem:s25] =	stream.indirect.scatter.add.f32 [tilespmem:s24], [sflag:$0x4], $0x80, s0, s19, $0xb8;
	[tilespmem:$0x1FC00] =	vst v63  }
0x121: {  	_ =	swait.ge [sflag:s17], $0x2000  }
0x122: {  	[sflag:s17] =	ssyncset.done $0x0  }
0x123: {  	[sflag:s17] =	ssyncadd.s32 $0xFFFFE000  }
0x124: {  	_ =	swait.ge [sflag:s15], $0x1000  }
0x125: {  	[sflag:s15] =	ssyncset.done $0x0  }
0x126: {  	[sflag:s15] =	ssyncadd.s32 $0xFFFFF000  }
0x127: {  	_ =	swait.ge [sflag:s15], $0x1000  }
0x128: {  	[sflag:s15] =	ssyncset.done $0x0  }
0x129: {  	s18 =	simm.s32 $0x0;
	s0 =	sld [smem:$0x7FA];
	[sflag:s15] =	ssyncadd.s32 $0xFFFFF000  }
0x12a: {  	[tilespmem:s20], [sflag:$0x1] =	stream.indirect.gather [hbm4b:s21+s19], $0x80, s18, s19, $0xb8;
	[tilespmem:$0x1FC00] =	vst v63  }
0x12b: {  	_ = 	snop  }
0x12c: {  	[tilespmem:s22], [sflag:$0x2] =	stream.linear.gather [hbm4b:s0+s18], $0x2000, $0x38;
	[tilespmem:$0x1FC00] =	vst v63  }
0x12d: {  	s2 =	simm.s32 $0x1000;
	s23 =	rddreg [dreg:$0xd]  }
0x12e: {  	[tilespmem:s2], [sflag:$0x3] =	stream.linear.gather [hbm4b:s23+s18], $0x1000, $0x38;
	[tilespmem:$0x1FC00] =	vst v63  }
0x12f: {  	s31 =	simm.s32 $0x3000;
	s29 =	simm.s32 $0x0;
	s30 =	rddreg [dreg:$0xe]  }
0x130: {  	[tilespmem:s31], [sflag:$0x3] =	stream.linear.gather [hbm4b:s30+s18], $0x1000, $0x38;
	[tilespmem:$0x1FC00] =	vst v63  }
.LBB2_16:
0x131: {  	_ =	swait.ge [sflag:s9], $0x2000  }
0x132: {  	[sflag:s9] =	ssyncset.done $0x0  }
0x133: {  	s0 =	sshllo.u32 s29, $0x1;
	[sflag:s9] =	ssyncadd.s32 $0xFFFFE000  }
0x134: {  	s2 =	sshll.u32 s0, $0x9;
	s0 =	sshll.u32 s0, $0xD;
	_ =	swait.ge [sflag:s13], $0x2000  }
0x135: {  	s0 =	sadd.s32 s0, s10;
	[sflag:s13] =	ssyncset.done $0x0  }
0x136: {  	s30 =	sshrl.u32 s2, $0x2;
	s0 =	sshrl.u32 s0, $0x3;
	[sflag:s13] =	ssyncadd.s32 $0xFFFFE000  }
0x137: {  	[tilespmem:s24], [sflag:$0x1] =	stream.indirect.gather [hbm4b:s21+s19], $0x80, s30, s19, $0xb8;
	[tilespmem:$0x1FC00] =	vst v63  }
0x138: {  	s23 =	simm.s32 $0x0;
	s0 =	sadd.s32 s26, s0  }
0x139: {  	[tilespmem:s14], [sflag:$0x2] =	stream.linear.gather [hbm4b:s0+s18], $0x2000, $0x38;
	[tilespmem:$0x1FC00] =	vst v63  }
0x13a: {  	v1 =	vld [tilespmem:s23+$0x4000]  }
0x13b: {  	v5 =	vld [tilespmem:s23+$0x8000]  }
0x13c: {  	v7 =	vld [tilespmem:s23+$0x8010]  }
0x13d: {  	v6 =	vld [tilespmem:s23+$0x8020]  }
0x13e: {  	v4 =	vld [tilespmem:s23+$0x8030]  }
0x13f: {  	v2 =	vld [tilespmem:s23+$0x8040]  }
0x140: {  	v3 =	vld [tilespmem:s23+$0x8050];
	v8 =	vmul.f32 v5, v1  }
0x141: {  	s31 =	sshll.u32 s29, $0x1;
	s0 =	simm.s32 $0x200;
	v7 =	vmul.f32 v7, v1;
	v5 =	vld [tilespmem:s23+$0x8060]  }
.LBB2_17:
0x142: {  	s2 =	sshra.s32 s0, $0x2;
	p0 =	sne.s32 s0, $0x7E00;
	[tilespmem:s23+$0x8000] =	vst v8;
	v6 =	vmul.f32 v6, v1;
	v8 =	vld [tilespmem:s23+$0x8070]  }
0x143: {  	v9 =	vld [tilespmem:s2+$0x4000];
	[tilespmem:s23+$0x8010] =	vst v7;
	v4 =	vmul.f32 v4, v1  }
0x144: {  	v7 =	vld [tilespmem:s2+$0x8000];
	[tilespmem:s23+$0x8020] =	vst v6;
	v2 =	vmul.f32 v2, v1  }
0x145: {  	v10 =	vld [tilespmem:s2+$0x8010];
	[tilespmem:s23+$0x8030] =	vst v4;
	v3 =	vmul.f32 v3, v1  }
.Ltmp7:
0x146: {  	v6 =	vld [tilespmem:s2+$0x8020];
	[tilespmem:s23+$0x8040] =	vst v2;
	v5 =	vmul.f32 v5, v1;
	(pc) =	sbr.rel @p0 .LBB2_17-.Ltmp7, $4  }
0x147: {  	v4 =	vld [tilespmem:s2+$0x8030];
	[tilespmem:s23+$0x8050] =	vst v3;
	v11 =	vmul.f32 v8, v1  }
0x148: {  	v2 =	vld [tilespmem:s2+$0x8040];
	[tilespmem:s23+$0x8060] =	vst v5;
	v1 =	vmov v9  }
0x149: {  	v8 =	vmul.f32 v7, v1;
	v3 =	vld [tilespmem:s2+$0x8050];
	[tilespmem:s23+$0x8070] =	vst v11;
	s23 =	smov.u32 s2  }
0x14a: {  	s0 =	sadd.s32 $0x200, s0;
	v7 =	vmul.f32 v10, v1;
	v5 =	vld [tilespmem:s23+$0x8060]  }
0x14b: {  	[tilespmem:s23+$0x8000] =	vst v8;
	v6 =	vmul.f32 v6, v1;
	v8 =	vld [tilespmem:s23+$0x8070]  }
0x14c: {  	[tilespmem:s23+$0x8010] =	vst v7;
	v4 =	vmul.f32 v4, v1  }
0x14d: {  	[tilespmem:s23+$0x8020] =	vst v6;
	v2 =	vmul.f32 v2, v1  }
0x14e: {  	[tilespmem:s23+$0x8030] =	vst v4;
	v3 =	vmul.f32 v3, v1  }
0x14f: {  	[tilespmem:s23+$0x8040] =	vst v2;
	v2 =	vmul.f32 v5, v1  }
0x150: {  	s0 =	sshll.u32 s29, $0x8;
	[tilespmem:s23+$0x8050] =	vst v3;
	v1 =	vmul.f32 v8, v1  }
0x151: {  	s0 =	sand.u32 $0x3FFFFF00, s0;
	[tilespmem:s23+$0x8060] =	vst v2  }
0x152: {  	s0 =	sadd.s32 $0x2000, s0;
	[tilespmem:s23+$0x8070] =	vst v1  }
0x153: {  	[spmem:s25] =	stream.indirect.scatter.add.f32 [tilespmem:s20], [sflag:$0x4], $0x80, s0, s19, $0xb8;
	[tilespmem:$0x1FC00] =	vst v63  }
0x154: {  	_ =	swait.ge [sflag:s17], $0x2000  }
0x155: {  	[sflag:s17] =	ssyncset.done $0x0  }
0x156: {  	[sflag:s17] =	ssyncadd.s32 $0xFFFFE000  }
0x157: {  	_ =	swait.ge [sflag:s9], $0x2000  }
0x158: {  	p0 =	seq.s32 s29, $0xF;
	[sflag:s9] =	ssyncset.done $0x0  }
0x159: {  	s23 =	simm.s32 @!p0 $0x40;
	s0 =	sadd.s32 @!p0 $0x2, s31;
	[sflag:s9] =	ssyncadd.s32 $0xFFFFE000  }
0x15a: {  	s2 =	sshll.u32 @!p0 s0, $0x7;
	s0 =	sshll.u32 @!p0 s0, $0xD;
	_ =	swait.ge [sflag:s13], $0x2000  }
0x15b: {  	s31 =	simm.s32 @!p0 $0x8000;
	s0 =	sadd.s32 @!p0 s0, s10;
	[sflag:s13] =	ssyncset.done $0x0  }
0x15c: {  	s2 =	sand.u32 @!p0 $0x3FFFFF80, s2;
	s0 =	sshrl.u32 @!p0 s0, $0x3;
	[sflag:s13] =	ssyncadd.s32 $0xFFFFE000  }
0x15d: {  	[tilespmem:s31], [sflag:$0x1] =	stream.indirect.gather @!p0 [hbm4b:s21+s23], $0x80, s2, s23, $0xb8;
	[tilespmem:$0x1FC00] =	vst v63  }
0x15e: {  	s0 =	sadd.s32 @!p0 s26, s0;
	s2 =	simm.s32 @!p0 $0x0;
	s23 =	simm.s32 @!p0 $0x4000  }
0x15f: {  	[tilespmem:s23], [sflag:$0x2] =	stream.linear.gather @!p0 [hbm4b:s0+s2], $0x2000, $0x38;
	[tilespmem:$0x1FC00] =	vst v63  }
0x160: {  	s23 =	simm.s32 $0x0  }
0x161: {  	v1 =	vld [tilespmem:s23+$0x6000]  }
0x162: {  	v5 =	vld [tilespmem:s23+$0xA000]  }
0x163: {  	v7 =	vld [tilespmem:s23+$0xA010]  }
0x164: {  	v6 =	vld [tilespmem:s23+$0xA020]  }
0x165: {  	v4 =	vld [tilespmem:s23+$0xA030]  }
0x166: {  	v2 =	vld [tilespmem:s23+$0xA040]  }
0x167: {  	v3 =	vld [tilespmem:s23+$0xA050];
	v8 =	vmul.f32 v5, v1  }
0x168: {  	s0 =	simm.s32 $0x200;
	v7 =	vmul.f32 v7, v1;
	v5 =	vld [tilespmem:s23+$0xA060]  }
.LBB2_19:
0x169: {  	s2 =	sshra.s32 s0, $0x2;
	p0 =	sne.s32 s0, $0x7E00;
	[tilespmem:s23+$0xA000] =	vst v8;
	v6 =	vmul.f32 v6, v1;
	v8 =	vld [tilespmem:s23+$0xA070]  }
0x16a: {  	v9 =	vld [tilespmem:s2+$0x6000];
	[tilespmem:s23+$0xA010] =	vst v7;
	v4 =	vmul.f32 v4, v1  }
0x16b: {  	v7 =	vld [tilespmem:s2+$0xA000];
	[tilespmem:s23+$0xA020] =	vst v6;
	v2 =	vmul.f32 v2, v1  }
0x16c: {  	v10 =	vld [tilespmem:s2+$0xA010];
	[tilespmem:s23+$0xA030] =	vst v4;
	v3 =	vmul.f32 v3, v1  }
.Ltmp8:
0x16d: {  	v6 =	vld [tilespmem:s2+$0xA020];
	[tilespmem:s23+$0xA040] =	vst v2;
	v5 =	vmul.f32 v5, v1;
	(pc) =	sbr.rel @p0 .LBB2_19-.Ltmp8, $4  }
0x16e: {  	v4 =	vld [tilespmem:s2+$0xA030];
	[tilespmem:s23+$0xA050] =	vst v3;
	v11 =	vmul.f32 v8, v1  }
0x16f: {  	v2 =	vld [tilespmem:s2+$0xA040];
	[tilespmem:s23+$0xA060] =	vst v5;
	v1 =	vmov v9  }
0x170: {  	v8 =	vmul.f32 v7, v1;
	v3 =	vld [tilespmem:s2+$0xA050];
	[tilespmem:s23+$0xA070] =	vst v11;
	s23 =	smov.u32 s2  }
0x171: {  	s0 =	sadd.s32 $0x200, s0;
	v7 =	vmul.f32 v10, v1;
	v5 =	vld [tilespmem:s23+$0xA060]  }
0x172: {  	[tilespmem:s23+$0xA000] =	vst v8;
	v6 =	vmul.f32 v6, v1;
	v63 =	vld [tilespmem:s23+$0xA070]  }
0x173: {  	[tilespmem:s23+$0xA010] =	vst v7;
	v4 =	vmul.f32 v4, v1  }
0x174: {  	[tilespmem:s23+$0xA020] =	vst v6;
	v2 =	vmul.f32 v2, v1  }
0x175: {  	[tilespmem:s23+$0xA030] =	vst v4;
	v3 =	vmul.f32 v3, v1  }
0x176: {  	[tilespmem:s23+$0xA040] =	vst v2;
	v2 =	vmul.f32 v5, v1  }
0x177: {  	s29 =	sadd.s32 $0x1, s29;
	[tilespmem:s23+$0xA050] =	vst v3;
	v1 =	vmul.f32 v63, v1  }
0x178: {  	p0 =	sne.s32 s29, $0x10;
	[tilespmem:s23+$0xA060] =	vst v2  }
.Ltmp9:
0x179: {  	s0 =	sadd.s32 $0x2000, s30;
	[tilespmem:s23+$0xA070] =	vst v1;
	(pc) =	sbr.rel @p0 .LBB2_16-.Ltmp9, $4  }
0x17a: {  	[spmem:s25] =	stream.indirect.scatter.add.f32 [tilespmem:s24], [sflag:$0x4], $0x80, s0, s19, $0xb8;
	[tilespmem:$0x1FC00] =	vst v63  }
0x17b: {  	_ =	swait.ge [sflag:s17], $0x2000  }
0x17c: {  	[sflag:s17] =	ssyncset.done $0x0  }
0x17d: {  	[sflag:s17] =	ssyncadd.s32 $0xFFFFE000  }
0x17e: {  	_ =	swait.ge [sflag:s15], $0x1000  }
0x17f: {  	[sflag:s15] =	ssyncset.done $0x0  }
0x180: {  	[sflag:s15] =	ssyncadd.s32 $0xFFFFF000  }
0x181: {  	_ =	swait.ge [sflag:s15], $0x1000  }
0x182: {  	[sflag:s15] =	ssyncset.done $0x0  }
0x183: {  	s0 =	simm.s32 $0x1000;
	s23 =	sld [smem:$0x7FB];
	[sflag:s15] =	ssyncadd.s32 $0xFFFFF000  }
0x184: {  	[tilespmem:s20], [sflag:$0x1] =	stream.indirect.gather [hbm4b:s21+s19], $0x80, s0, s19, $0xb8;
	[tilespmem:$0x1FC00] =	vst v63  }
0x185: {  	s18 =	simm.s32 $0x0  }
0x186: {  	[tilespmem:s22], [sflag:$0x2] =	stream.linear.gather [hbm4b:s23+s18], $0x2000, $0x38;
	[tilespmem:$0x1FC00] =	vst v63  }
0x187: {  	s30 =	rddreg [dreg:$0xf]  }
0x188: {  	[tilespmem:s18], [sflag:$0x3] =	stream.linear.gather [hbm4b:s30+s18], $0x1000, $0x38;
	[tilespmem:$0x1FC00] =	vst v63  }
0x189: {  	s2 =	simm.s32 $0x2000;
	s29 =	simm.s32 $0x0;
	s31 =	rddreg [dreg:$0x10]  }
0x18a: {  	[tilespmem:s2], [sflag:$0x3] =	stream.linear.gather [hbm4b:s31+s18], $0x1000, $0x38;
	[tilespmem:$0x1FC00] =	vst v63  }
.LBB2_22:
0x18b: {  	_ =	swait.ge [sflag:s9], $0x2000  }
0x18c: {  	[sflag:s9] =	ssyncset.done $0x0  }
0x18d: {  	s0 =	sshllo.u32 s29, $0x1;
	[sflag:s9] =	ssyncadd.s32 $0xFFFFE000  }
0x18e: {  	s2 =	sshll.u32 s0, $0x9;
	s0 =	sshll.u32 s0, $0xD;
	_ =	swait.ge [sflag:s13], $0x2000  }
0x18f: {  	s30 =	sshrl.u32 s2, $0x2;
	s0 =	sadd.s32 s0, s11;
	[sflag:s13] =	ssyncset.done $0x0  }
0x190: {  	s2 =	sadd.s32 $0x1000, s30;
	s0 =	sshrl.u32 s0, $0x3;
	[sflag:s13] =	ssyncadd.s32 $0xFFFFE000  }
0x191: {  	[tilespmem:s24], [sflag:$0x1] =	stream.indirect.gather [hbm4b:s21+s19], $0x80, s2, s19, $0xb8;
	[tilespmem:$0x1FC00] =	vst v63  }
0x192: {  	s23 =	simm.s32 $0x0;
	s0 =	sadd.s32 s26, s0  }
0x193: {  	[tilespmem:s14], [sflag:$0x2] =	stream.linear.gather [hbm4b:s0+s18], $0x2000, $0x38;
	[tilespmem:$0x1FC00] =	vst v63  }
0x194: {  	v1 =	vld [tilespmem:s23+$0x4000]  }
0x195: {  	v5 =	vld [tilespmem:s23+$0x8000]  }
0x196: {  	v7 =	vld [tilespmem:s23+$0x8010]  }
0x197: {  	v6 =	vld [tilespmem:s23+$0x8020]  }
0x198: {  	v4 =	vld [tilespmem:s23+$0x8030]  }
0x199: {  	v2 =	vld [tilespmem:s23+$0x8040]  }
0x19a: {  	v3 =	vld [tilespmem:s23+$0x8050];
	v8 =	vmul.f32 v5, v1  }
0x19b: {  	s31 =	sshll.u32 s29, $0x1;
	s0 =	simm.s32 $0x200;
	v7 =	vmul.f32 v7, v1;
	v5 =	vld [tilespmem:s23+$0x8060]  }
.LBB2_23:
0x19c: {  	s2 =	sshra.s32 s0, $0x2;
	p0 =	sne.s32 s0, $0x7E00;
	[tilespmem:s23+$0x8000] =	vst v8;
	v6 =	vmul.f32 v6, v1;
	v8 =	vld [tilespmem:s23+$0x8070]  }
0x19d: {  	v9 =	vld [tilespmem:s2+$0x4000];
	[tilespmem:s23+$0x8010] =	vst v7;
	v4 =	vmul.f32 v4, v1  }
0x19e: {  	v7 =	vld [tilespmem:s2+$0x8000];
	[tilespmem:s23+$0x8020] =	vst v6;
	v2 =	vmul.f32 v2, v1  }
0x19f: {  	v10 =	vld [tilespmem:s2+$0x8010];
	[tilespmem:s23+$0x8030] =	vst v4;
	v3 =	vmul.f32 v3, v1  }
.Ltmp10:
0x1a0: {  	v6 =	vld [tilespmem:s2+$0x8020];
	[tilespmem:s23+$0x8040] =	vst v2;
	v5 =	vmul.f32 v5, v1;
	(pc) =	sbr.rel @p0 .LBB2_23-.Ltmp10, $4  }
0x1a1: {  	v4 =	vld [tilespmem:s2+$0x8030];
	[tilespmem:s23+$0x8050] =	vst v3;
	v11 =	vmul.f32 v8, v1  }
0x1a2: {  	v2 =	vld [tilespmem:s2+$0x8040];
	[tilespmem:s23+$0x8060] =	vst v5;
	v1 =	vmov v9  }
0x1a3: {  	v8 =	vmul.f32 v7, v1;
	v3 =	vld [tilespmem:s2+$0x8050];
	[tilespmem:s23+$0x8070] =	vst v11;
	s23 =	smov.u32 s2  }
0x1a4: {  	s0 =	sadd.s32 $0x200, s0;
	v7 =	vmul.f32 v10, v1;
	v5 =	vld [tilespmem:s23+$0x8060]  }
0x1a5: {  	[tilespmem:s23+$0x8000] =	vst v8;
	v6 =	vmul.f32 v6, v1;
	v8 =	vld [tilespmem:s23+$0x8070]  }
0x1a6: {  	[tilespmem:s23+$0x8010] =	vst v7;
	v4 =	vmul.f32 v4, v1  }
0x1a7: {  	[tilespmem:s23+$0x8020] =	vst v6;
	v2 =	vmul.f32 v2, v1  }
0x1a8: {  	[tilespmem:s23+$0x8030] =	vst v4;
	v3 =	vmul.f32 v3, v1  }
0x1a9: {  	[tilespmem:s23+$0x8040] =	vst v2;
	v2 =	vmul.f32 v5, v1  }
0x1aa: {  	s0 =	sshll.u32 s29, $0x8;
	[tilespmem:s23+$0x8050] =	vst v3;
	v1 =	vmul.f32 v8, v1  }
0x1ab: {  	s0 =	sand.u32 $0x3FFFFF00, s0;
	[tilespmem:s23+$0x8060] =	vst v2  }
0x1ac: {  	s0 =	sadd.s32 $0x3000, s0;
	[tilespmem:s23+$0x8070] =	vst v1  }
0x1ad: {  	[spmem:s25] =	stream.indirect.scatter.add.f32 [tilespmem:s20], [sflag:$0x4], $0x80, s0, s19, $0xb8;
	[tilespmem:$0x1FC00] =	vst v63  }
0x1ae: {  	_ =	swait.ge [sflag:s17], $0x2000  }
0x1af: {  	[sflag:s17] =	ssyncset.done $0x0  }
0x1b0: {  	[sflag:s17] =	ssyncadd.s32 $0xFFFFE000  }
0x1b1: {  	p0 =	seq.s32 s29, $0xF;
	_ =	swait.ge [sflag:s9], $0x2000  }
0x1b2: {  	s23 =	simm.s32 @!p0 $0x40;
	[sflag:s9] =	ssyncset.done $0x0  }
0x1b3: {  	s0 =	sadd.s32 @!p0 $0x2, s31;
	s31 =	simm.s32 @!p0 $0x8000;
	[sflag:s9] =	ssyncadd.s32 $0xFFFFE000  }
0x1b4: {  	s2 =	sshll.u32 @!p0 s0, $0x7;
	s0 =	sshll.u32 @!p0 s0, $0xD;
	_ =	swait.ge [sflag:s13], $0x2000  }
0x1b5: {  	s2 =	sand.u32 @!p0 $0x3FFFFF80, s2;
	s0 =	sadd.s32 @!p0 s0, s11;
	[sflag:s13] =	ssyncset.done $0x0  }
0x1b6: {  	s2 =	sadd.s32 @!p0 $0x1000, s2;
	s0 =	sshrl.u32 @!p0 s0, $0x3;
	[sflag:s13] =	ssyncadd.s32 $0xFFFFE000  }
0x1b7: {  	[tilespmem:s31], [sflag:$0x1] =	stream.indirect.gather @!p0 [hbm4b:s21+s23], $0x80, s2, s23, $0xb8;
	[tilespmem:$0x1FC00] =	vst v63  }
0x1b8: {  	s0 =	sadd.s32 @!p0 s26, s0;
	s2 =	simm.s32 @!p0 $0x0;
	s23 =	simm.s32 @!p0 $0x4000  }
0x1b9: {  	[tilespmem:s23], [sflag:$0x2] =	stream.linear.gather @!p0 [hbm4b:s0+s2], $0x2000, $0x38;
	[tilespmem:$0x1FC00] =	vst v63  }
0x1ba: {  	s23 =	simm.s32 $0x0  }
0x1bb: {  	v1 =	vld [tilespmem:s23+$0x6000]  }
0x1bc: {  	v5 =	vld [tilespmem:s23+$0xA000]  }
0x1bd: {  	v7 =	vld [tilespmem:s23+$0xA010]  }
0x1be: {  	v6 =	vld [tilespmem:s23+$0xA020]  }
0x1bf: {  	v4 =	vld [tilespmem:s23+$0xA030]  }
0x1c0: {  	v2 =	vld [tilespmem:s23+$0xA040]  }
0x1c1: {  	v3 =	vld [tilespmem:s23+$0xA050];
	v8 =	vmul.f32 v5, v1  }
0x1c2: {  	s0 =	simm.s32 $0x200;
	v7 =	vmul.f32 v7, v1;
	v5 =	vld [tilespmem:s23+$0xA060]  }
.LBB2_25:
0x1c3: {  	s2 =	sshra.s32 s0, $0x2;
	p0 =	sne.s32 s0, $0x7E00;
	[tilespmem:s23+$0xA000] =	vst v8;
	v6 =	vmul.f32 v6, v1;
	v8 =	vld [tilespmem:s23+$0xA070]  }
0x1c4: {  	v9 =	vld [tilespmem:s2+$0x6000];
	[tilespmem:s23+$0xA010] =	vst v7;
	v4 =	vmul.f32 v4, v1  }
0x1c5: {  	v7 =	vld [tilespmem:s2+$0xA000];
	[tilespmem:s23+$0xA020] =	vst v6;
	v2 =	vmul.f32 v2, v1  }
0x1c6: {  	v10 =	vld [tilespmem:s2+$0xA010];
	[tilespmem:s23+$0xA030] =	vst v4;
	v3 =	vmul.f32 v3, v1  }
.Ltmp11:
0x1c7: {  	v6 =	vld [tilespmem:s2+$0xA020];
	[tilespmem:s23+$0xA040] =	vst v2;
	v5 =	vmul.f32 v5, v1;
	(pc) =	sbr.rel @p0 .LBB2_25-.Ltmp11, $4  }
0x1c8: {  	v4 =	vld [tilespmem:s2+$0xA030];
	[tilespmem:s23+$0xA050] =	vst v3;
	v11 =	vmul.f32 v8, v1  }
0x1c9: {  	v2 =	vld [tilespmem:s2+$0xA040];
	[tilespmem:s23+$0xA060] =	vst v5;
	v1 =	vmov v9  }
0x1ca: {  	v8 =	vmul.f32 v7, v1;
	v3 =	vld [tilespmem:s2+$0xA050];
	[tilespmem:s23+$0xA070] =	vst v11;
	s23 =	smov.u32 s2  }
0x1cb: {  	s0 =	sadd.s32 $0x200, s0;
	v7 =	vmul.f32 v10, v1;
	v5 =	vld [tilespmem:s23+$0xA060]  }
0x1cc: {  	[tilespmem:s23+$0xA000] =	vst v8;
	v6 =	vmul.f32 v6, v1;
	v63 =	vld [tilespmem:s23+$0xA070]  }
0x1cd: {  	[tilespmem:s23+$0xA010] =	vst v7;
	v4 =	vmul.f32 v4, v1  }
0x1ce: {  	[tilespmem:s23+$0xA020] =	vst v6;
	v2 =	vmul.f32 v2, v1  }
0x1cf: {  	[tilespmem:s23+$0xA030] =	vst v4;
	v3 =	vmul.f32 v3, v1  }
0x1d0: {  	[tilespmem:s23+$0xA040] =	vst v2;
	v2 =	vmul.f32 v5, v1  }
0x1d1: {  	s29 =	sadd.s32 $0x1, s29;
	[tilespmem:s23+$0xA050] =	vst v3;
	v1 =	vmul.f32 v63, v1  }
0x1d2: {  	p0 =	sne.s32 s29, $0x10;
	[tilespmem:s23+$0xA060] =	vst v2  }
.Ltmp12:
0x1d3: {  	s0 =	sadd.s32 $0x3000, s30;
	[tilespmem:s23+$0xA070] =	vst v1;
	(pc) =	sbr.rel @p0 .LBB2_22-.Ltmp12, $4  }
0x1d4: {  	[spmem:s25] =	stream.indirect.scatter.add.f32 [tilespmem:s24], [sflag:$0x4], $0x80, s0, s19, $0xb8;
	[tilespmem:$0x1FC00] =	vst v63  }
0x1d5: {  	_ =	swait.ge [sflag:s17], $0x2000  }
0x1d6: {  	[sflag:s17] =	ssyncset.done $0x0  }
0x1d7: {  	[sflag:s17] =	ssyncadd.s32 $0xFFFFE000  }
0x1d8: {  	_ =	swait.ge [sflag:s15], $0x1000  }
0x1d9: {  	[sflag:s15] =	ssyncset.done $0x0  }
0x1da: {  	[sflag:s15] =	ssyncadd.s32 $0xFFFFF000  }
0x1db: {  	_ =	swait.ge [sflag:s15], $0x1000  }
0x1dc: {  	[sflag:s15] =	ssyncset.done $0x0  }
0x1dd: {  	s18 =	simm.s32 $0x0;
	s0 =	sld [smem:$0x7FC];
	[sflag:s15] =	ssyncadd.s32 $0xFFFFF000  }
0x1de: {  	[tilespmem:s20], [sflag:$0x1] =	stream.indirect.gather [hbm4b:s21+s19], $0x80, s18, s19, $0xb8;
	[tilespmem:$0x1FC00] =	vst v63  }
0x1df: {  	s29 =	simm.s32 $0x0  }
0x1e0: {  	[tilespmem:s22], [sflag:$0x2] =	stream.linear.gather [hbm4b:s0+s18], $0x2000, $0x38;
	[tilespmem:$0x1FC00] =	vst v63  }
.LBB2_28:
0x1e1: {  	_ =	swait.ge [sflag:s9], $0x2000  }
0x1e2: {  	[sflag:s9] =	ssyncset.done $0x0  }
0x1e3: {  	s0 =	sshllo.u32 s29, $0x1;
	[sflag:s9] =	ssyncadd.s32 $0xFFFFE000  }
0x1e4: {  	s2 =	sshll.u32 s0, $0x9;
	s0 =	sshll.u32 s0, $0xD;
	_ =	swait.ge [sflag:s13], $0x2000  }
0x1e5: {  	s0 =	sadd.s32 s0, s12;
	[sflag:s13] =	ssyncset.done $0x0  }
0x1e6: {  	s30 =	sshrl.u32 s2, $0x2;
	s0 =	sshrl.u32 s0, $0x3;
	[sflag:s13] =	ssyncadd.s32 $0xFFFFE000  }
0x1e7: {  	[tilespmem:s24], [sflag:$0x1] =	stream.indirect.gather [hbm4b:s21+s19], $0x80, s30, s19, $0xb8;
	[tilespmem:$0x1FC00] =	vst v63  }
0x1e8: {  	s23 =	simm.s32 $0x0;
	s0 =	sadd.s32 s26, s0  }
0x1e9: {  	[tilespmem:s14], [sflag:$0x2] =	stream.linear.gather [hbm4b:s0+s18], $0x2000, $0x38;
	[tilespmem:$0x1FC00] =	vst v63  }
0x1ea: {  	v1 =	vld [tilespmem:s23+$0x4000]  }
0x1eb: {  	v5 =	vld [tilespmem:s23+$0x8000]  }
0x1ec: {  	v7 =	vld [tilespmem:s23+$0x8010]  }
0x1ed: {  	v6 =	vld [tilespmem:s23+$0x8020]  }
0x1ee: {  	v4 =	vld [tilespmem:s23+$0x8030]  }
0x1ef: {  	v2 =	vld [tilespmem:s23+$0x8040]  }
0x1f0: {  	v3 =	vld [tilespmem:s23+$0x8050];
	v8 =	vmul.f32 v5, v1  }
0x1f1: {  	s31 =	sshll.u32 s29, $0x1;
	s0 =	simm.s32 $0x200;
	v7 =	vmul.f32 v7, v1;
	v5 =	vld [tilespmem:s23+$0x8060]  }
.LBB2_29:
0x1f2: {  	s2 =	sshra.s32 s0, $0x2;
	p0 =	sne.s32 s0, $0x7E00;
	[tilespmem:s23+$0x8000] =	vst v8;
	v6 =	vmul.f32 v6, v1;
	v8 =	vld [tilespmem:s23+$0x8070]  }
0x1f3: {  	v9 =	vld [tilespmem:s2+$0x4000];
	[tilespmem:s23+$0x8010] =	vst v7;
	v4 =	vmul.f32 v4, v1  }
0x1f4: {  	v7 =	vld [tilespmem:s2+$0x8000];
	[tilespmem:s23+$0x8020] =	vst v6;
	v2 =	vmul.f32 v2, v1  }
0x1f5: {  	v10 =	vld [tilespmem:s2+$0x8010];
	[tilespmem:s23+$0x8030] =	vst v4;
	v3 =	vmul.f32 v3, v1  }
.Ltmp13:
0x1f6: {  	v6 =	vld [tilespmem:s2+$0x8020];
	[tilespmem:s23+$0x8040] =	vst v2;
	v5 =	vmul.f32 v5, v1;
	(pc) =	sbr.rel @p0 .LBB2_29-.Ltmp13, $4  }
0x1f7: {  	v4 =	vld [tilespmem:s2+$0x8030];
	[tilespmem:s23+$0x8050] =	vst v3;
	v11 =	vmul.f32 v8, v1  }
0x1f8: {  	v2 =	vld [tilespmem:s2+$0x8040];
	[tilespmem:s23+$0x8060] =	vst v5;
	v1 =	vmov v9  }
0x1f9: {  	v8 =	vmul.f32 v7, v1;
	v3 =	vld [tilespmem:s2+$0x8050];
	[tilespmem:s23+$0x8070] =	vst v11;
	s23 =	smov.u32 s2  }
0x1fa: {  	s0 =	sadd.s32 $0x200, s0;
	v7 =	vmul.f32 v10, v1;
	v5 =	vld [tilespmem:s23+$0x8060]  }
0x1fb: {  	[tilespmem:s23+$0x8000] =	vst v8;
	v6 =	vmul.f32 v6, v1;
	v8 =	vld [tilespmem:s23+$0x8070]  }
0x1fc: {  	[tilespmem:s23+$0x8010] =	vst v7;
	v4 =	vmul.f32 v4, v1  }
0x1fd: {  	[tilespmem:s23+$0x8020] =	vst v6;
	v2 =	vmul.f32 v2, v1  }
0x1fe: {  	[tilespmem:s23+$0x8030] =	vst v4;
	v3 =	vmul.f32 v3, v1  }
0x1ff: {  	[tilespmem:s23+$0x8040] =	vst v2;
	v2 =	vmul.f32 v5, v1  }
0x200: {  	s0 =	sshll.u32 s29, $0x8;
	[tilespmem:s23+$0x8050] =	vst v3;
	v1 =	vmul.f32 v8, v1  }
0x201: {  	s0 =	sand.u32 $0x3FFFFF00, s0;
	[tilespmem:s23+$0x8060] =	vst v2  }
0x202: {  	s0 =	sadd.s32 $0x2000, s0;
	[tilespmem:s23+$0x8070] =	vst v1  }
0x203: {  	[spmem:s25] =	stream.indirect.scatter.add.f32 [tilespmem:s20], [sflag:$0x4], $0x80, s0, s19, $0xb8;
	[tilespmem:$0x1FC00] =	vst v63  }
0x204: {  	_ =	swait.ge [sflag:s17], $0x2000  }
0x205: {  	[sflag:s17] =	ssyncset.done $0x0  }
0x206: {  	[sflag:s17] =	ssyncadd.s32 $0xFFFFE000  }
0x207: {  	_ =	swait.ge [sflag:s9], $0x2000  }
0x208: {  	p0 =	seq.s32 s29, $0xF;
	[sflag:s9] =	ssyncset.done $0x0  }
0x209: {  	s23 =	simm.s32 @!p0 $0x40;
	s0 =	sadd.s32 @!p0 $0x2, s31;
	[sflag:s9] =	ssyncadd.s32 $0xFFFFE000  }
0x20a: {  	s2 =	sshll.u32 @!p0 s0, $0x7;
	s0 =	sshll.u32 @!p0 s0, $0xD;
	_ =	swait.ge [sflag:s13], $0x2000  }
0x20b: {  	s31 =	simm.s32 @!p0 $0x8000;
	s0 =	sadd.s32 @!p0 s0, s12;
	[sflag:s13] =	ssyncset.done $0x0  }
0x20c: {  	s2 =	sand.u32 @!p0 $0x3FFFFF80, s2;
	s0 =	sshrl.u32 @!p0 s0, $0x3;
	[sflag:s13] =	ssyncadd.s32 $0xFFFFE000  }
0x20d: {  	[tilespmem:s31], [sflag:$0x1] =	stream.indirect.gather @!p0 [hbm4b:s21+s23], $0x80, s2, s23, $0xb8;
	[tilespmem:$0x1FC00] =	vst v63  }
0x20e: {  	s0 =	sadd.s32 @!p0 s26, s0;
	s2 =	simm.s32 @!p0 $0x0;
	s23 =	simm.s32 @!p0 $0x4000  }
0x20f: {  	[tilespmem:s23], [sflag:$0x2] =	stream.linear.gather @!p0 [hbm4b:s0+s2], $0x2000, $0x38;
	[tilespmem:$0x1FC00] =	vst v63  }
0x210: {  	s23 =	simm.s32 $0x0  }
0x211: {  	v1 =	vld [tilespmem:s23+$0x6000]  }
0x212: {  	v5 =	vld [tilespmem:s23+$0xA000]  }
0x213: {  	v7 =	vld [tilespmem:s23+$0xA010]  }
0x214: {  	v6 =	vld [tilespmem:s23+$0xA020]  }
0x215: {  	v4 =	vld [tilespmem:s23+$0xA030]  }
0x216: {  	v2 =	vld [tilespmem:s23+$0xA040]  }
0x217: {  	v3 =	vld [tilespmem:s23+$0xA050];
	v8 =	vmul.f32 v5, v1  }
0x218: {  	s0 =	simm.s32 $0x200;
	v7 =	vmul.f32 v7, v1;
	v5 =	vld [tilespmem:s23+$0xA060]  }
.LBB2_31:
0x219: {  	s2 =	sshra.s32 s0, $0x2;
	p0 =	sne.s32 s0, $0x7E00;
	[tilespmem:s23+$0xA000] =	vst v8;
	v6 =	vmul.f32 v6, v1;
	v8 =	vld [tilespmem:s23+$0xA070]  }
0x21a: {  	v9 =	vld [tilespmem:s2+$0x6000];
	[tilespmem:s23+$0xA010] =	vst v7;
	v4 =	vmul.f32 v4, v1  }
0x21b: {  	v7 =	vld [tilespmem:s2+$0xA000];
	[tilespmem:s23+$0xA020] =	vst v6;
	v2 =	vmul.f32 v2, v1  }
0x21c: {  	v10 =	vld [tilespmem:s2+$0xA010];
	[tilespmem:s23+$0xA030] =	vst v4;
	v3 =	vmul.f32 v3, v1  }
.Ltmp14:
0x21d: {  	v6 =	vld [tilespmem:s2+$0xA020];
	[tilespmem:s23+$0xA040] =	vst v2;
	v5 =	vmul.f32 v5, v1;
	(pc) =	sbr.rel @p0 .LBB2_31-.Ltmp14, $4  }
0x21e: {  	v4 =	vld [tilespmem:s2+$0xA030];
	[tilespmem:s23+$0xA050] =	vst v3;
	v11 =	vmul.f32 v8, v1  }
0x21f: {  	v2 =	vld [tilespmem:s2+$0xA040];
	[tilespmem:s23+$0xA060] =	vst v5;
	v1 =	vmov v9  }
0x220: {  	v8 =	vmul.f32 v7, v1;
	v3 =	vld [tilespmem:s2+$0xA050];
	[tilespmem:s23+$0xA070] =	vst v11;
	s23 =	smov.u32 s2  }
0x221: {  	s0 =	sadd.s32 $0x200, s0;
	v7 =	vmul.f32 v10, v1;
	v5 =	vld [tilespmem:s23+$0xA060]  }
0x222: {  	[tilespmem:s23+$0xA000] =	vst v8;
	v6 =	vmul.f32 v6, v1;
	v63 =	vld [tilespmem:s23+$0xA070]  }
0x223: {  	[tilespmem:s23+$0xA010] =	vst v7;
	v4 =	vmul.f32 v4, v1  }
0x224: {  	[tilespmem:s23+$0xA020] =	vst v6;
	v2 =	vmul.f32 v2, v1  }
0x225: {  	[tilespmem:s23+$0xA030] =	vst v4;
	v3 =	vmul.f32 v3, v1  }
0x226: {  	[tilespmem:s23+$0xA040] =	vst v2;
	v2 =	vmul.f32 v5, v1  }
0x227: {  	s29 =	sadd.s32 $0x1, s29;
	[tilespmem:s23+$0xA050] =	vst v3;
	v1 =	vmul.f32 v63, v1  }
0x228: {  	p0 =	sne.s32 s29, $0x10;
	[tilespmem:s23+$0xA060] =	vst v2  }
.Ltmp15:
0x229: {  	s0 =	sadd.s32 $0x2000, s30;
	[tilespmem:s23+$0xA070] =	vst v1;
	(pc) =	sbr.rel @p0 .LBB2_28-.Ltmp15, $4  }
0x22a: {  	[spmem:s25] =	stream.indirect.scatter.add.f32 [tilespmem:s24], [sflag:$0x4], $0x80, s0, s19, $0xb8;
	[tilespmem:$0x1FC00] =	vst v63  }
0x22b: {  	_ =	swait.ge [sflag:s17], $0x2000  }
0x22c: {  	[sflag:s17] =	ssyncset.done $0x0  }
0x22d: {  	[sflag:s17] =	ssyncadd.s32 $0xFFFFE000  }
0x22e: {  	[bflag:$0x0] =	sbarrier.arrive $0xFFFF  }
0x22f: {  	[tilespmem:s20], [sflag:$0x4] =	stream.linear.gather [spmem:s3], $0x2000, $0x38;
	[tilespmem:$0x1FC00] =	vst v63  }
0x230: {  	_ =	swait.ge [sflag:s17], $0x2000  }
0x231: {  	[sflag:s17] =	ssyncset.done $0x0  }
0x232: {  	s0 =	rddreg [dreg:$0x11];
	[sflag:s17] =	ssyncadd.s32 $0xFFFFE000  }
0x233: {  	[hbm4b:s0+s1] =	stream.linear.scatter [tilespmem:s20], [sflag:$0x4], $0x2000, $0x38;
	[tilespmem:$0x1FC00] =	vst v63  }
0x234: {  	_ =	swait.ge [sflag:s17], $0x2000  }
0x235: {  	[sflag:s17] =	ssyncset.done $0x0  }
0x236: {  	[sflag:s17] =	ssyncadd.s32 $0xFFFFE000  }
0x237: {  	[tilespmem:s20], [sflag:$0x4] =	stream.linear.gather [spmem:s5], $0x2000, $0x38;
	[tilespmem:$0x1FC00] =	vst v63  }
0x238: {  	_ =	swait.ge [sflag:s17], $0x2000  }
0x239: {  	[sflag:s17] =	ssyncset.done $0x0  }
0x23a: {  	s29 =	smov.u32 s5;
	s5 =	rddreg [dreg:$0x12];
	[sflag:s17] =	ssyncadd.s32 $0xFFFFE000  }
0x23b: {  	[hbm4b:s5+s1] =	stream.linear.scatter [tilespmem:s20], [sflag:$0x4], $0x2000, $0x38;
	[tilespmem:$0x1FC00] =	vst v63  }
0x23c: {  	_ =	swait.ge [sflag:s17], $0x2000  }
0x23d: {  	[sflag:s17] =	ssyncset.done $0x0  }
0x23e: {  	[sflag:s17] =	ssyncadd.s32 $0xFFFFE000  }
0x23f: {  	[tilespmem:s20], [sflag:$0x4] =	stream.linear.gather [spmem:s7], $0x2000, $0x38;
	[tilespmem:$0x1FC00] =	vst v63  }
0x240: {  	_ =	swait.ge [sflag:s17], $0x2000  }
0x241: {  	[sflag:s17] =	ssyncset.done $0x0  }
0x242: {  	s2 =	smov.u32 s7;
	s7 =	rddreg [dreg:$0x13];
	[sflag:s17] =	ssyncadd.s32 $0xFFFFE000  }
0x243: {  	[hbm4b:s7+s1] =	stream.linear.scatter [tilespmem:s20], [sflag:$0x4], $0x2000, $0x38;
	[tilespmem:$0x1FC00] =	vst v63  }
0x244: {  	_ =	swait.ge [sflag:s17], $0x2000  }
0x245: {  	[sflag:s17] =	ssyncset.done $0x0  }
0x246: {  	[sflag:s17] =	ssyncadd.s32 $0xFFFFE000  }
0x247: {  	[tilespmem:s20], [sflag:$0x4] =	stream.linear.gather [spmem:s8], $0x2000, $0x38;
	[tilespmem:$0x1FC00] =	vst v63  }
0x248: {  	_ =	swait.ge [sflag:s17], $0x2000  }
0x249: {  	[sflag:s17] =	ssyncset.done $0x0  }
0x24a: {  	s18 =	rddreg [dreg:$0x14];
	[sflag:s17] =	ssyncadd.s32 $0xFFFFE000  }
0x24b: {  	[hbm4b:s18+s1] =	stream.linear.scatter [tilespmem:s20], [sflag:$0x4], $0x2000, $0x38;
	[tilespmem:$0x1FC00] =	vst v63  }
0x24c: {  	_ =	swait.ge [sflag:s17], $0x2000  }
0x24d: {  	[sflag:s17] =	ssyncset.done $0x0  }
0x24e: {  	[sflag:s17] =	ssyncadd.s32 $0xFFFFE000  }
0x24f: {  	[tilespmem:s20], [sflag:$0x4] =	stream.linear.gather [spmem:s28], $0x2000, $0x38;
	[tilespmem:$0x1FC00] =	vst v63  }
0x250: {  	_ =	swait.ge [sflag:s17], $0x2000  }
0x251: {  	[sflag:s17] =	ssyncset.done $0x0  }
0x252: {  	s23 =	smov.u32 s3;
	s3 =	rddreg [dreg:$0x15];
	[sflag:s17] =	ssyncadd.s32 $0xFFFFE000  }
0x253: {  	[hbm4b:s3+s1] =	stream.linear.scatter [tilespmem:s20], [sflag:$0x4], $0x2000, $0x38;
	[tilespmem:$0x1FC00] =	vst v63  }
0x254: {  	_ =	swait.ge [sflag:s17], $0x2000  }
0x255: {  	[sflag:s17] =	ssyncset.done $0x0  }
0x256: {  	s5 =	rddreg [dreg:$0x1c];
	[sflag:s17] =	ssyncadd.s32 $0xFFFFE000  }
0x257: {  	[tilespmem:s20], [sflag:$0x4] =	stream.linear.gather [spmem:s5], $0x2000, $0x38;
	[tilespmem:$0x1FC00] =	vst v63  }
0x258: {  	_ =	swait.ge [sflag:s17], $0x2000  }
0x259: {  	[sflag:s17] =	ssyncset.done $0x0  }
0x25a: {  	s7 =	rddreg [dreg:$0x16];
	[sflag:s17] =	ssyncadd.s32 $0xFFFFE000  }
0x25b: {  	[hbm4b:s7+s1] =	stream.linear.scatter [tilespmem:s20], [sflag:$0x4], $0x2000, $0x38;
	[tilespmem:$0x1FC00] =	vst v63  }
0x25c: {  	_ =	swait.ge [sflag:s17], $0x2000  }
0x25d: {  	[sflag:s17] =	ssyncset.done $0x0  }
0x25e: {  	s30 =	smov.u32 s8;
	s8 =	rddreg [dreg:$0x1d];
	[sflag:s17] =	ssyncadd.s32 $0xFFFFE000  }
0x25f: {  	[tilespmem:s20], [sflag:$0x4] =	stream.linear.gather [spmem:s8], $0x2000, $0x38;
	[tilespmem:$0x1FC00] =	vst v63  }
0x260: {  	_ =	swait.ge [sflag:s17], $0x2000  }
0x261: {  	[sflag:s17] =	ssyncset.done $0x0  }
0x262: {  	s18 =	rddreg [dreg:$0x17];
	[sflag:s17] =	ssyncadd.s32 $0xFFFFE000  }
0x263: {  	[hbm4b:s18+s1] =	stream.linear.scatter [tilespmem:s20], [sflag:$0x4], $0x2000, $0x38;
	[tilespmem:$0x1FC00] =	vst v63  }
0x264: {  	_ =	swait.ge [sflag:s17], $0x2000  }
0x265: {  	[sflag:s17] =	ssyncset.done $0x0  }
0x266: {  	s31 =	smov.u32 s28;
	s28 =	rddreg [dreg:$0x1e];
	[sflag:s17] =	ssyncadd.s32 $0xFFFFE000  }
0x267: {  	[tilespmem:s20], [sflag:$0x4] =	stream.linear.gather [spmem:s28], $0x2000, $0x38;
	[tilespmem:$0x1FC00] =	vst v63  }
0x268: {  	_ =	swait.ge [sflag:s17], $0x2000  }
0x269: {  	[sflag:s17] =	ssyncset.done $0x0  }
0x26a: {  	s3 =	rddreg [dreg:$0x18];
	[sflag:s17] =	ssyncadd.s32 $0xFFFFE000  }
0x26b: {  	[hbm4b:s3+s1] =	stream.linear.scatter [tilespmem:s20], [sflag:$0x4], $0x2000, $0x38;
	[tilespmem:$0x1FC00] =	vst v63  }
0x26c: {  	_ =	swait.ge [sflag:s17], $0x2000  }
0x26d: {  	[sflag:s17] =	ssyncset.done $0x0  }
0x26e: {  	s5 =	rddreg [dreg:$0x1f];
	[sflag:s17] =	ssyncadd.s32 $0xFFFFE000  }
0x26f: {  	[tilespmem:s20], [sflag:$0x4] =	stream.linear.gather [spmem:s5], $0x2000, $0x38;
	[tilespmem:$0x1FC00] =	vst v63  }
0x270: {  	_ =	swait.ge [sflag:s17], $0x2000  }
0x271: {  	[sflag:s17] =	ssyncset.done $0x0  }
0x272: {  	s7 =	rddreg [dreg:$0x19];
	[sflag:s17] =	ssyncadd.s32 $0xFFFFE000  }
0x273: {  	[hbm4b:s7+s1] =	stream.linear.scatter [tilespmem:s20], [sflag:$0x4], $0x2000, $0x38;
	[tilespmem:$0x1FC00] =	vst v63  }
0x274: {  	_ =	swait.ge [sflag:s17], $0x2000  }
0x275: {  	s8 =	sld [smem:$0x7F8]  }
0x276: {  	[sflag:s17] =	ssyncset.done $0x0  }
0x277: {  	[sflag:s17] =	ssyncadd.s32 $0xFFFFE000  }
0x278: {  	[tilespmem:s20], [sflag:$0x4] =	stream.linear.gather [spmem:s8], $0x1C00, $0x38;
	[tilespmem:$0x1FC00] =	vst v63  }
0x279: {  	_ =	swait.ge [sflag:s17], $0x1C00  }
0x27a: {  	[sflag:s17] =	ssyncset.done $0x0  }
0x27b: {  	s18 =	rddreg [dreg:$0x1a];
	[sflag:s17] =	ssyncadd.s32 $0xFFFFE400  }
0x27c: {  	[hbm4b:s18+s1] =	stream.linear.scatter [tilespmem:s20], [sflag:$0x4], $0x1C00, $0x38;
	[tilespmem:$0x1FC00] =	vst v63  }
0x27d: {  	_ =	swait.ge [sflag:s17], $0x1C00  }
0x27e: {  	s28 =	sld [smem:$0x7FD];
	_ =	sdelay $0x1  }
0x27f: {  	s16 =	sadd.s32 $0x1, s16  }
0x280: {  	p0 =	sne.s32 s16, s28  }
.Ltmp16:
0x281: {  	_ = 	snop;
	(pc) =	sbr.rel @p0 .LBB2_1-.Ltmp16, $3  }
0x282: {  	_ =	sdelay $0x1  }
0x283: {  	[sflag:s17] =	ssyncset.done $0x0  }
0x284: {  	[sflag:s17] =	ssyncadd.s32 $0xFFFFE400  }
0x285: {  	_ =	sfence.sel $0x180000  }
0x286: {  	[bflag:$0x0] =	sbarrier.arrive $0xFFFF  }
0x287: {  	_ =	strace $0x90000047  }
0x288: {  	s0 =	stileid.u32;
	[bflag:$0x2] =	sbarrier.arrive $0xFFFF  }
0x289: {  	p0 =	sne.s32 s0, $0x0;
	s0 =	rddreg [dreg:$0x6]  }
0x28a: {  	s0 =	sadd.s32 @!p0 $0x100000, s0  }
0x28b: {  	[sflag:s0] =	ssyncadd.tile.s32 @!p0 $0x1;
	_ =	shalt  }
.Lfunc_end2:
_tile_overlayer_lowered:
.L_overlay_start_2:
0x28c: {  	(tag) =	ssettag $0x2  }
0x28d: {  	s0 =	rddreg [dreg:$0x0];
	s2 =	stileid.u32  }
0x28e: {  	s1 =	rddreg [dreg:$0x1];
	p0 =	sne.s32 s2, $0x0  }
0x28f: {  	s3 =	rddreg [dreg:$0x2];
	[bflag:$0x3] =	sbarrier.arrive $0xFFFF;
	s2 =	simm.s32 @!p0 $0x1C04  }
0x290: {  	[timem:s3], [sflag:s2] =	dma.local @!p0 [hbm:s0], s1  }
0x291: {  	s0 =	simm.s32 @!p0 $0x4  }
0x292: {  	_ =	swait.ge @!p0 [sflag:s0], s1  }
0x293: {  	s1 =	ssub.s32 @!p0 $0x0, s1;
	[sflag:s0] =	ssyncset.done @!p0 $0x0  }
0x294: {  	[sflag:s0] =	ssyncadd.s32 @!p0 s1  }
0x295: {  	[bflag:$0x3] =	sbarrier.arrive $0xFFFF  }
0x296: {  	_ =	shalt  }

</sc_bundles>
